<compile_context>
chip_gen: v7x
topology: tpu7x:2x2x1
jax: 0.10.2.dev20260603
libtpu: 0.0.44.dev20260713+nightly
codegen_flags: <defaults>
</compile_context>

<pallas_src>
import jax
import jax.numpy as jnp
from jax import lax
from jax.experimental import pallas as pl
from jax.experimental.pallas import tpu as pltpu
from jax.experimental.pallas import tpu_sc as plsc

_B = 4
_A = 20000
_R, _C = 8, 2560
_K = 750
_KEEP = 30
_NCLS = 30
_IOU = 0.75
_SLOTS = 64
_D = 256

_GB = _B * _SLOTS
_NW = 32
_BPW = _GB // _NW


def _red_max(x):
    return jnp.max(x, axis=(1, 2))


def _red_min(x):
    return jnp.min(x, axis=(1, 2))


def _red_sum_bool(x):
    return jnp.sum(x.astype(jnp.int32), axis=(1, 2))


def _compute(scr_ref, gidx_ref, box_ref, score_ref):
    x1 = scr_ref[0]
    y1 = scr_ref[1]
    x2 = scr_ref[2]
    y2 = scr_ref[3]

    s = scr_ref[4]
    c = jnp.zeros_like(s)
    for j in range(1, _NCLS):
        v = scr_ref[4 + j]
        c = jnp.where(v > s, jnp.float32(j), c)
        s = jnp.maximum(s, v)

    ridx = lax.broadcasted_iota(jnp.int32, (_B, _R, _C), 1)
    cidx = lax.broadcasted_iota(jnp.int32, (_B, _R, _C), 2)
    idx = ridx * _C + cidx
    in_bounds = idx < _A

    bits = jnp.where(in_bounds, lax.bitcast_convert_type(s, jnp.int32), -1)

    kk = jnp.int32(_K)

    def val_probe(lohi, nprobe):
        lo, hi = lohi
        step = (hi - lo) >> 3 if nprobe == 7 else (hi - lo) >> 1
        ms = [lo + step * (j + 1) for j in range(nprobe)]
        ges = [_red_sum_bool(bits > m[:, None, None]) >= kk for m in ms]
        for j in range(nprobe):
            lo = jnp.where(ges[j], ms[j], lo)
        for j in reversed(range(nprobe)):
            hi = jnp.where(ges[j], hi, ms[j])
        return lo, hi

    lohi = (jnp.full((_B,), -1, jnp.int32), jnp.full((_B,), 0x7F800000, jnp.int32))
    lohi = lax.fori_loop(0, 10, lambda _, lh: val_probe(lh, 7), lohi)
    lohi = lax.fori_loop(0, 4, lambda _, lh: val_probe(lh, 1), lohi)
    t = lohi[1]
    t3 = t[:, None, None]

    need = kk - _red_sum_bool(bits > t3)
    eq = bits == t3

    def idx_probe(lohi, nprobe):
        lo, hi = lohi
        step = (hi - lo) >> 3 if nprobe == 7 else (hi - lo) >> 1
        ms = [lo + step * (j + 1) for j in range(nprobe)]
        ges = [_red_sum_bool(eq & (idx < m[:, None, None])) >= need for m in ms]
        for j in range(nprobe):
            hi = jnp.where(ges[j], jnp.minimum(hi, ms[j]), hi)
        for j in reversed(range(nprobe)):
            lo = jnp.where(ges[j], lo, jnp.maximum(lo, ms[j]))
        return lo, hi

    lohi = (jnp.zeros((_B,), jnp.int32), jnp.full((_B,), _A, jnp.int32))
    lohi = lax.fori_loop(0, 4, lambda _, lh: idx_probe(lh, 7), lohi)
    lohi = lax.fori_loop(0, 4, lambda _, lh: idx_probe(lh, 1), lohi)
    cut = lohi[1]

    avail = (bits > t3) | (eq & (idx < cut[:, None, None]))

    neg = jnp.float32(-jnp.inf)
    bigi = jnp.int32(2**30)

    m4 = jnp.maximum(jnp.maximum(x1, y1), jnp.maximum(x2, y2))
    max_coord = _red_max(jnp.where(avail, m4, neg))
    shift = max_coord + 1.0
    off = c * shift[:, None, None]
    ox1 = x1 + off
    oy1 = y1 + off
    ox2 = x2 + off
    oy2 = y2 + off
    area = (x2 - x1) * (y2 - y1)

    def extract(vec, mask_p):
        return jnp.sum(jnp.where(mask_p, vec, 0.0), axis=(1, 2))

    sa = jnp.where(avail, s, neg)

    top_m = _red_max(sa)
    top_p = _red_min(jnp.where(sa == top_m[:, None, None], idx, bigi))

    slot = lax.broadcasted_iota(jnp.int32, (_B, _SLOTS), 1)
    gidx_acc = jnp.zeros((_B, _SLOTS), jnp.int32)
    sc_acc = jnp.zeros((_B, _SLOTS), jnp.float32)
    bx = [jnp.zeros((_B, _SLOTS), jnp.float32) for _ in range(4)]

    for i in range(_KEEP):
        m = _red_max(sa)
        valid = m > neg
        p0 = _red_min(jnp.where(sa == m[:, None, None], idx, bigi))
        p = jnp.where(valid, p0, top_p)
        mask_p = idx == p[:, None, None]
        px1 = extract(x1, mask_p)
        py1 = extract(y1, mask_p)
        px2 = extract(x2, mask_p)
        py2 = extract(y2, mask_p)
        pc = extract(c, mask_p)
        ps = jnp.where(valid, m, top_m)
        po = pc * shift
        ix1 = jnp.maximum((px1 + po)[:, None, None], ox1)
        iy1 = jnp.maximum((py1 + po)[:, None, None], oy1)
        ix2 = jnp.minimum((px2 + po)[:, None, None], ox2)
        iy2 = jnp.minimum((py2 + po)[:, None, None], oy2)
        inter = jnp.maximum(ix2 - ix1, 0.0) * jnp.maximum(iy2 - iy1, 0.0)
        area_r = (px2 - px1) * (py2 - py1)
        iou = inter / ((area_r[:, None, None] + area - inter) + 1e-9)
        sup = ((iou > _IOU) | mask_p) & valid[:, None, None]
        sa = jnp.where(sup, neg, sa)
        hit = slot == i
        gidx_acc = jnp.where(hit, p[:, None], gidx_acc)
        sc_acc = jnp.where(hit, ps[:, None], sc_acc)
        bx[0] = jnp.where(hit, px1[:, None], bx[0])
        bx[1] = jnp.where(hit, py1[:, None], bx[1])
        bx[2] = jnp.where(hit, px2[:, None], bx[2])
        bx[3] = jnp.where(hit, py2[:, None], bx[3])

    gidx_ref[...] = gidx_acc
    score_ref[...] = sc_acc
    for j in range(4):
        box_ref[:, j, :] = bx[j]


def _select_body(raw_ref, gidx_ref, box_ref, score_ref, scr_ref):
    r = pl.program_id(0)
    scr_ref[:, :, r, :] = raw_ref[...]

    @pl.when(r == _R - 1)
    def _():
        _compute(scr_ref, gidx_ref, box_ref, score_ref)


def _gather_body(vid_hbm, reg_hbm, idx_hbm, out_v, out_r,
                 idx_v, rows_v, rows_r, sem_v, sem_r):
    wid = lax.axis_index("s") * 2 + lax.axis_index("c")
    base = wid * _BPW
    b = base // _SLOTS
    pltpu.sync_copy(idx_hbm.at[pl.ds(base, _BPW)], idx_v)
    cp_v = pltpu.async_copy(vid_hbm.at[b].at[idx_v], rows_v, sem_v)
    cp_r = pltpu.async_copy(reg_hbm.at[b].at[idx_v], rows_r, sem_r)
    cp_v.wait()
    cp_r.wait()
    pltpu.sync_copy(rows_v, out_v.at[pl.ds(base, _BPW)])
    pltpu.sync_copy(rows_r, out_r.at[pl.ds(base, _BPW)])


def _sc_gather(vid_feats, reg_feats, gidx):
    mesh = plsc.VectorSubcoreMesh(core_axis_name="c", subcore_axis_name="s")
    k = pl.kernel(
        _gather_body,
        mesh=mesh,
        out_type=[
            jax.ShapeDtypeStruct((_GB, _D), jnp.float32),
            jax.ShapeDtypeStruct((_GB, _D), jnp.float32),
        ],
        scratch_types=[
            pltpu.VMEM((_BPW,), jnp.int32),
            pltpu.VMEM((_BPW, _D), jnp.float32),
            pltpu.VMEM((_BPW, _D), jnp.float32),
            pltpu.SemaphoreType.DMA,
            pltpu.SemaphoreType.DMA,
        ],
    )
    return k(vid_feats, reg_feats, gidx)


def kernel(raw_preds, vid_features, reg_features):
    raw_t = jnp.transpose(raw_preds, (1, 0, 2))
    gidx_out, box_out, score_out = pl.pallas_call(
        _select_body,
        grid=(_R,),
        in_specs=[pl.BlockSpec((4 + _NCLS, _B, _C), lambda r: (0, 0, r))],
        out_specs=[
            pl.BlockSpec((_B, _SLOTS), lambda r: (0, 0)),
            pl.BlockSpec((_B, 4, _SLOTS), lambda r: (0, 0, 0)),
            pl.BlockSpec((_B, _SLOTS), lambda r: (0, 0)),
        ],
        out_shape=[
            jax.ShapeDtypeStruct((_B, _SLOTS), jnp.int32),
            jax.ShapeDtypeStruct((_B, 4, _SLOTS), jnp.float32),
            jax.ShapeDtypeStruct((_B, _SLOTS), jnp.float32),
        ],
        scratch_shapes=[pltpu.VMEM((4 + _NCLS, _B, _R, _C), jnp.float32)],
    )(raw_t)

    boxes = jnp.transpose(box_out[:, :, :_KEEP], (0, 2, 1)).reshape(1, _B * _KEEP, 4)
    scores = score_out[:, :_KEEP].reshape(1, _B * _KEEP)

    vrows, rrows = _sc_gather(vid_features, reg_features, gidx_out.reshape(_GB))
    concat_cls = vrows.reshape(_B, _SLOTS, _D)[:, :_KEEP].reshape(1, _B * _KEEP, _D)
    concat_reg = rrows.reshape(_B, _SLOTS, _D)[:, :_KEEP].reshape(1, _B * _KEEP, _D)
    return concat_cls, concat_reg, boxes, scores

# --- scband reference (transcript-rebuilt; emitter-appended) ---
"""Pipeline reference for scband-feature-selection-module-54606214202020 (READ-ONLY COPY).

The authoritative reference and input builder live on the scoring server;
editing this copy changes nothing except your own understanding.
"""

import jax, jax.numpy as jnp
import numpy as np

TOPK_PRE = 750
TOPK_POST = 30
IOU_THRESH = 0.75  # torch module defaults to training=True -> nms_thresh_train


def _nms(boxes, scores, iou_thresh, max_out):
    # Greedy NMS over boxes [N,4] (x1,y1,x2,y2), returns max_out kept indices
    n = boxes.shape[0]
    order = jnp.argsort(-scores)
    sb = boxes[order]
    suppressed = jnp.zeros((n,), dtype=bool)
    keep = []
    for _ in range(max_out):
        avail = jnp.logical_not(suppressed)
        idx = jnp.argmax(avail)
        valid = avail[idx]
        keep.append(jnp.where(valid, order[idx], order[0]))
        ref = sb[idx]
        x1 = jnp.maximum(ref[0], sb[:, 0])
        y1 = jnp.maximum(ref[1], sb[:, 1])
        x2 = jnp.minimum(ref[2], sb[:, 2])
        y2 = jnp.minimum(ref[3], sb[:, 3])
        inter = jnp.maximum(x2 - x1, 0.0) * jnp.maximum(y2 - y1, 0.0)
        area_r = (ref[2] - ref[0]) * (ref[3] - ref[1])
        area_a = (sb[:, 2] - sb[:, 0]) * (sb[:, 3] - sb[:, 1])
        iou = inter / (area_r + area_a - inter + 1e-9)
        suppressed = jnp.where(valid, jnp.logical_or(suppressed, iou > iou_thresh), suppressed)
        suppressed = suppressed.at[idx].set(True)
    return jnp.stack(keep)


def setup_inputs(seed: int = 0) -> dict:
    key = jax.random.key(seed)
    k1, k2, k3 = jax.random.split(key, 3)
    raw_preds = jax.random.uniform(k1, (4, 34, 20000), dtype=jnp.float32)
    vid_features = jax.random.uniform(k2, (4, 20000, 256), dtype=jnp.float32)
    reg_features = jax.random.uniform(k3, (4, 20000, 256), dtype=jnp.float32)
    return {"raw_preds": raw_preds, "vid_features": vid_features, "reg_features": reg_features}


def reference(raw_preds, vid_features, reg_features):
    predictions = jnp.transpose(raw_preds, (0, 2, 1))  # [B, A, 4+C]
    boxes = predictions[:, :, :4]
    scores = predictions[:, :, 4:]
    max_scores = jnp.max(scores, axis=2)
    cls_ids = jnp.argmax(scores, axis=2)
    B = raw_preds.shape[0]
    cls_list, reg_list, box_list, score_list = [], [], [], []
    for b in range(B):
        topk_values, topk_indices = jax.lax.top_k(max_scores[b], TOPK_PRE)
        b_boxes = boxes[b][topk_indices]
        b_cls = cls_ids[b][topk_indices]
        # torchvision batched_nms: offset boxes by class id * (max_coordinate + 1)
        max_coord = jnp.max(b_boxes)
        offsets = b_cls.astype(b_boxes.dtype) * (max_coord + 1.0)
        nms_keep = _nms(b_boxes + offsets[:, None], topk_values, IOU_THRESH, TOPK_POST)
        final = topk_indices[nms_keep]
        cls_list.append(vid_features[b][final])
        reg_list.append(reg_features[b][final])
        box_list.append(boxes[b][final])
        score_list.append(max_scores[b][final])
    concat_cls = jnp.concatenate(cls_list, axis=0)[None]
    concat_reg = jnp.concatenate(reg_list, axis=0)[None]
    concat_boxes = jnp.concatenate(box_list, axis=0)[None]
    concat_scores = jnp.concatenate(score_list, axis=0)[None]
    return (concat_cls, concat_reg, concat_boxes, concat_scores)

if __name__ == "__main__":
    import jax
    _d = setup_inputs()
    print(jax.jit(kernel)(*tuple(_d.values())))

</pallas_src>

<mosaic_0001>
#map = affine_map<(d0, d1) -> (0, 0, 0)>
#map1 = affine_map<(d0, d1) -> (0)>
#map2 = affine_map<(d0, d1) -> (0, 0)>
module attributes {stable_mosaic.version = 14 : i64} {
  func.func @_gather_body(%arg0: i32, %arg1: i32, %arg2: memref<4x20000x256xf32, #tpu.memory_space<hbm>>, %arg3: memref<4x20000x256xf32, #tpu.memory_space<hbm>>, %arg4: memref<256xi32, #tpu.memory_space<hbm>>, %arg5: memref<256x256xf32, #tpu.memory_space<hbm>>, %arg6: memref<256x256xf32, #tpu.memory_space<hbm>>, %arg7: memref<8xi32, #tpu.memory_space<vmem>>, %arg8: memref<8x256xf32, #tpu.memory_space<vmem>>, %arg9: memref<8x256xf32, #tpu.memory_space<vmem>>, %arg10: memref<!tpu.dma_semaphore, #tpu.memory_space<semaphore_mem>>, %arg11: memref<!tpu.dma_semaphore, #tpu.memory_space<semaphore_mem>>) attributes {dimension_semantics = [#tpu.dimension_semantics<core_parallel>, #tpu.dimension_semantics<subcore_parallel>], iteration_bounds = array<i64: 2, 16>, scalar_prefetch = 0 : i64, scratch_operands = 5 : i64, tpu.core_type = #tpu.core_type<sc_vector_subcore>, window_params = [{transform_indices = #map}, {transform_indices = #map}, {transform_indices = #map1}, {transform_indices = #map2}, {transform_indices = #map2}]} {
    %mul3A = arith.constant 2 : i32
    %mul3A_0 = arith.muli %arg1, %mul3A : i32
    %add3A = arith.addi %mul3A_0, %arg0 : i32
    %mul3A_1 = arith.constant 8 : i32
    %mul3A_2 = arith.muli %add3A, %mul3A_1 : i32
    %jit3A = arith.constant 64 : i32
    %div3A = arith.divsi %mul3A_2, %jit3A : i32
    %sign3A = arith.constant 0 : i32
    %sign3A_3 = arith.cmpi sgt, %mul3A_2, %sign3A : i32
    %sign3A_4 = arith.extui %sign3A_3 : i1 to i32
    %sign3A_5 = arith.constant 0 : i32
    %sign3A_6 = arith.cmpi slt, %mul3A_2, %sign3A_5 : i32
    %sign3A_7 = arith.extui %sign3A_6 : i1 to i32
    %sign3A_8 = arith.subi %sign3A_4, %sign3A_7 : i32
    %sign3A_9 = arith.constant 0 : i32
    %sign3A_10 = arith.cmpi sgt, %jit3A, %sign3A_9 : i32
    %sign3A_11 = arith.extui %sign3A_10 : i1 to i32
    %sign3A_12 = arith.constant 0 : i32
    %sign3A_13 = arith.cmpi slt, %jit3A, %sign3A_12 : i32
    %sign3A_14 = arith.extui %sign3A_13 : i1 to i32
    %sign3A_15 = arith.subi %sign3A_11, %sign3A_14 : i32
    %ne3A = arith.cmpi ne, %sign3A_8, %sign3A_15 : i32
    %rem3A = arith.remsi %mul3A_2, %jit3A : i32
    %ne3A_16 = arith.constant 0 : i32
    %ne3A_17 = arith.cmpi ne, %rem3A, %ne3A_16 : i32
    %and3A = arith.andi %ne3A, %ne3A_17 : i1
    %sub3A = arith.constant 1 : i32
    %sub3A_18 = arith.subi %div3A, %sub3A : i32
    %select_n3A = arith.select %and3A, %sub3A_18, %div3A : i32
    "tpu.region"() ({
      %run_scoped3A = tpu.sem_alloc : memref<!tpu.dma_semaphore, #tpu.memory_space<semaphore_mem>>
      %dma_start3A_45 = tpu.memref_slice %arg4[%mul3A_2] : memref<256xi32, #tpu.memory_space<hbm>> -> memref<8xi32, #tpu.memory_space<hbm>>
      %dma_start3A_46 = tpu.memref_slice %arg4[%mul3A_2] : memref<256xi32, #tpu.memory_space<hbm>> -> memref<8xi32, #tpu.memory_space<hbm>>
      tpu.enqueue_dma source(%dma_start3A_46 : memref<8xi32, #tpu.memory_space<hbm>>) target(%arg7 : memref<8xi32, #tpu.memory_space<vmem>>) target_semaphore(%run_scoped3A : memref<!tpu.dma_semaphore, #tpu.memory_space<semaphore_mem>>)
      %dma_wait3A_47 = tpu.memref_slice %arg4[%mul3A_2] : memref<256xi32, #tpu.memory_space<hbm>> -> memref<8xi32, #tpu.memory_space<hbm>>
      %dma_wait3A_48 = tpu.memref_slice %arg4[%mul3A_2] : memref<256xi32, #tpu.memory_space<hbm>> -> memref<8xi32, #tpu.memory_space<hbm>>
      tpu.wait_dma2 semaphore(%run_scoped3A : memref<!tpu.dma_semaphore, #tpu.memory_space<semaphore_mem>>) src(%dma_wait3A_48 : memref<8xi32, #tpu.memory_space<hbm>>) dst(%arg7 : memref<8xi32, #tpu.memory_space<vmem>>)
      tpu.yield
    }) : () -> ()
    %dma_start3A = arith.constant 0 : i32
    %dma_start3A_19 = arith.constant 0 : i32
    %dma_start3A_20 = tpu.memref_slice %arg2[%select_n3A, %dma_start3A, %dma_start3A_19] : memref<4x20000x256xf32, #tpu.memory_space<hbm>> -> memref<1x20000x256xf32, #tpu.memory_space<hbm>>
    %dma_start3A_21 = tpu.memref_squeeze %dma_start3A_20 : memref<1x20000x256xf32, #tpu.memory_space<hbm>> -> memref<20000x256xf32, #tpu.memory_space<hbm>>
    %dma_start3A_22 = arith.constant 0 : i32
    %dma_start3A_23 = arith.constant 0 : i32
    %dma_start3A_24 = tpu.memref_slice %dma_start3A_21[%dma_start3A_22, %dma_start3A_23] : memref<20000x256xf32, #tpu.memory_space<hbm>> -> memref<20000x256xf32, #tpu.memory_space<hbm>>
    tpu.enqueue_indirect_dma source(%dma_start3A_24 : memref<20000x256xf32, #tpu.memory_space<hbm>>) target(%arg8 : memref<8x256xf32, #tpu.memory_space<vmem>>) offsets(%arg7 : memref<8xi32, #tpu.memory_space<vmem>>) semaphore(%arg10 : memref<!tpu.dma_semaphore, #tpu.memory_space<semaphore_mem>>)
    %dma_start3A_25 = arith.constant 0 : i32
    %dma_start3A_26 = arith.constant 0 : i32
    %dma_start3A_27 = tpu.memref_slice %arg3[%select_n3A, %dma_start3A_25, %dma_start3A_26] : memref<4x20000x256xf32, #tpu.memory_space<hbm>> -> memref<1x20000x256xf32, #tpu.memory_space<hbm>>
    %dma_start3A_28 = tpu.memref_squeeze %dma_start3A_27 : memref<1x20000x256xf32, #tpu.memory_space<hbm>> -> memref<20000x256xf32, #tpu.memory_space<hbm>>
    %dma_start3A_29 = arith.constant 0 : i32
    %dma_start3A_30 = arith.constant 0 : i32
    %dma_start3A_31 = tpu.memref_slice %dma_start3A_28[%dma_start3A_29, %dma_start3A_30] : memref<20000x256xf32, #tpu.memory_space<hbm>> -> memref<20000x256xf32, #tpu.memory_space<hbm>>
    tpu.enqueue_indirect_dma source(%dma_start3A_31 : memref<20000x256xf32, #tpu.memory_space<hbm>>) target(%arg9 : memref<8x256xf32, #tpu.memory_space<vmem>>) offsets(%arg7 : memref<8xi32, #tpu.memory_space<vmem>>) semaphore(%arg11 : memref<!tpu.dma_semaphore, #tpu.memory_space<semaphore_mem>>)
    %dma_wait3A = arith.constant 0 : i32
    %dma_wait3A_32 = arith.constant 0 : i32
    %dma_wait3A_33 = tpu.memref_slice %arg2[%select_n3A, %dma_wait3A, %dma_wait3A_32] : memref<4x20000x256xf32, #tpu.memory_space<hbm>> -> memref<1x20000x256xf32, #tpu.memory_space<hbm>>
    %dma_wait3A_34 = tpu.memref_squeeze %dma_wait3A_33 : memref<1x20000x256xf32, #tpu.memory_space<hbm>> -> memref<20000x256xf32, #tpu.memory_space<hbm>>
    %dma_wait3A_35 = arith.constant 0 : i32
    %dma_wait3A_36 = arith.constant 0 : i32
    %dma_wait3A_37 = tpu.memref_slice %dma_wait3A_34[%dma_wait3A_35, %dma_wait3A_36] : memref<20000x256xf32, #tpu.memory_space<hbm>> -> memref<20000x256xf32, #tpu.memory_space<hbm>>
    tpu.wait_indirect_dma semaphore(%arg10 : memref<!tpu.dma_semaphore, #tpu.memory_space<semaphore_mem>>) src(%dma_wait3A_37 : memref<20000x256xf32, #tpu.memory_space<hbm>>) dst(%arg8 : memref<8x256xf32, #tpu.memory_space<vmem>>)
    %dma_wait3A_38 = arith.constant 0 : i32
    %dma_wait3A_39 = arith.constant 0 : i32
    %dma_wait3A_40 = tpu.memref_slice %arg3[%select_n3A, %dma_wait3A_38, %dma_wait3A_39] : memref<4x20000x256xf32, #tpu.memory_space<hbm>> -> memref<1x20000x256xf32, #tpu.memory_space<hbm>>
    %dma_wait3A_41 = tpu.memref_squeeze %dma_wait3A_40 : memref<1x20000x256xf32, #tpu.memory_space<hbm>> -> memref<20000x256xf32, #tpu.memory_space<hbm>>
    %dma_wait3A_42 = arith.constant 0 : i32
    %dma_wait3A_43 = arith.constant 0 : i32
    %dma_wait3A_44 = tpu.memref_slice %dma_wait3A_41[%dma_wait3A_42, %dma_wait3A_43] : memref<20000x256xf32, #tpu.memory_space<hbm>> -> memref<20000x256xf32, #tpu.memory_space<hbm>>
    tpu.wait_indirect_dma semaphore(%arg11 : memref<!tpu.dma_semaphore, #tpu.memory_space<semaphore_mem>>) src(%dma_wait3A_44 : memref<20000x256xf32, #tpu.memory_space<hbm>>) dst(%arg9 : memref<8x256xf32, #tpu.memory_space<vmem>>)
    "tpu.region"() ({
      %run_scoped3A = tpu.sem_alloc : memref<!tpu.dma_semaphore, #tpu.memory_space<semaphore_mem>>
      %dma_start3A_45 = arith.constant 0 : i32
      %dma_start3A_46 = tpu.memref_slice %arg5[%mul3A_2, %dma_start3A_45] : memref<256x256xf32, #tpu.memory_space<hbm>> -> memref<8x256xf32, #tpu.memory_space<hbm>>
      %dma_start3A_47 = arith.constant 0 : i32
      %dma_start3A_48 = tpu.memref_slice %arg5[%mul3A_2, %dma_start3A_47] : memref<256x256xf32, #tpu.memory_space<hbm>> -> memref<8x256xf32, #tpu.memory_space<hbm>>
      tpu.enqueue_dma source(%arg8 : memref<8x256xf32, #tpu.memory_space<vmem>>) target(%dma_start3A_48 : memref<8x256xf32, #tpu.memory_space<hbm>>) target_semaphore(%run_scoped3A : memref<!tpu.dma_semaphore, #tpu.memory_space<semaphore_mem>>)
      %dma_wait3A_49 = arith.constant 0 : i32
      %dma_wait3A_50 = tpu.memref_slice %arg5[%mul3A_2, %dma_wait3A_49] : memref<256x256xf32, #tpu.memory_space<hbm>> -> memref<8x256xf32, #tpu.memory_space<hbm>>
      %dma_wait3A_51 = arith.constant 0 : i32
      %dma_wait3A_52 = tpu.memref_slice %arg5[%mul3A_2, %dma_wait3A_51] : memref<256x256xf32, #tpu.memory_space<hbm>> -> memref<8x256xf32, #tpu.memory_space<hbm>>
      tpu.wait_dma2 semaphore(%run_scoped3A : memref<!tpu.dma_semaphore, #tpu.memory_space<semaphore_mem>>) src(%arg8 : memref<8x256xf32, #tpu.memory_space<vmem>>) dst(%dma_wait3A_52 : memref<8x256xf32, #tpu.memory_space<hbm>>)
      tpu.yield
    }) : () -> ()
    "tpu.region"() ({
      %run_scoped3A = tpu.sem_alloc : memref<!tpu.dma_semaphore, #tpu.memory_space<semaphore_mem>>
      %dma_start3A_45 = arith.constant 0 : i32
      %dma_start3A_46 = tpu.memref_slice %arg6[%mul3A_2, %dma_start3A_45] : memref<256x256xf32, #tpu.memory_space<hbm>> -> memref<8x256xf32, #tpu.memory_space<hbm>>
      %dma_start3A_47 = arith.constant 0 : i32
      %dma_start3A_48 = tpu.memref_slice %arg6[%mul3A_2, %dma_start3A_47] : memref<256x256xf32, #tpu.memory_space<hbm>> -> memref<8x256xf32, #tpu.memory_space<hbm>>
      tpu.enqueue_dma source(%arg9 : memref<8x256xf32, #tpu.memory_space<vmem>>) target(%dma_start3A_48 : memref<8x256xf32, #tpu.memory_space<hbm>>) target_semaphore(%run_scoped3A : memref<!tpu.dma_semaphore, #tpu.memory_space<semaphore_mem>>)
      %dma_wait3A_49 = arith.constant 0 : i32
      %dma_wait3A_50 = tpu.memref_slice %arg6[%mul3A_2, %dma_wait3A_49] : memref<256x256xf32, #tpu.memory_space<hbm>> -> memref<8x256xf32, #tpu.memory_space<hbm>>
      %dma_wait3A_51 = arith.constant 0 : i32
      %dma_wait3A_52 = tpu.memref_slice %arg6[%mul3A_2, %dma_wait3A_51] : memref<256x256xf32, #tpu.memory_space<hbm>> -> memref<8x256xf32, #tpu.memory_space<hbm>>
      tpu.wait_dma2 semaphore(%run_scoped3A : memref<!tpu.dma_semaphore, #tpu.memory_space<semaphore_mem>>) src(%arg9 : memref<8x256xf32, #tpu.memory_space<vmem>>) dst(%dma_wait3A_52 : memref<8x256xf32, #tpu.memory_space<hbm>>)
      tpu.yield
    }) : () -> ()
    return
  }
}

module attributes {stable_mosaic.version = 14 : i64} {
  func.func @_select_body(%arg0: i32, %arg1: memref<34x4x2560xf32, #tpu.memory_space<vmem>>, %arg2: memref<4x64xi32, #tpu.memory_space<vmem>>, %arg3: memref<4x4x64xf32, #tpu.memory_space<vmem>>, %arg4: memref<4x64xf32, #tpu.memory_space<vmem>>, %arg5: memref<34x4x8x2560xf32, #tpu.memory_space<vmem>>) attributes {dimension_semantics = [#tpu.dimension_semantics<arbitrary>], iteration_bounds = array<i64: 8>, scalar_prefetch = 0 : i64, scratch_operands = 1 : i64, tpu.core_type = #tpu.core_type<tc>, window_params = [{transform_indices = @transform_0, window_bounds = array<i64: 34, 4, 2560>}, {pipeline_mode = #tpu.pipeline_mode<synchronous>, transform_indices = @transform_1, window_bounds = array<i64: 4, 64>}, {pipeline_mode = #tpu.pipeline_mode<synchronous>, transform_indices = @transform_2, window_bounds = array<i64: 4, 4, 64>}, {pipeline_mode = #tpu.pipeline_mode<synchronous>, transform_indices = @transform_3, window_bounds = array<i64: 4, 64>}]} {
    %get3A = arith.constant 0 : index
    %get3A_0 = arith.constant 0 : index
    %get3A_1 = arith.constant 0 : index
    %get3A_2 = vector.load %arg1[%get3A, %get3A_0, %get3A_1] : memref<34x4x2560xf32, #tpu.memory_space<vmem>>, vector<34x4x2560xf32>
    %swap3A = arith.constant 0 : index
    %swap3A_3 = arith.constant 0 : index
    %swap3A_4 = arith.index_cast %arg0 : i32 to index
    %swap3A_5 = arith.constant 0 : index
    %swap3A_6 = vector.load %arg5[%swap3A, %swap3A_3, %swap3A_4, %swap3A_5] : memref<34x4x8x2560xf32, #tpu.memory_space<vmem>>, vector<34x4x1x2560xf32>
    %swap3A_7 = vector.shape_cast %swap3A_6 : vector<34x4x1x2560xf32> to vector<34x4x2560xf32>
    %swap3A_8 = vector.shape_cast %get3A_2 : vector<34x4x2560xf32> to vector<34x4x1x2560xf32>
    tpu.vector_store %arg5[%swap3A, %swap3A_3, %swap3A_4, %swap3A_5], %swap3A_8 {strides = array<i32>} : memref<34x4x8x2560xf32, #tpu.memory_space<vmem>>, vector<34x4x1x2560xf32>,
    %eq3A = arith.constant 7 : i32
    %eq3A_9 = arith.cmpi eq, %arg0, %eq3A : i32
    %convert_element_type3A = arith.extui %eq3A_9 : i1 to i32
    %cond3A = arith.constant 0 : i32
    %cond3A_10 = arith.cmpi ne, %convert_element_type3A, %cond3A : i32
    scf.if %cond3A_10 {
      %get3A_11 = arith.constant 0 : index
      %get3A_12 = arith.constant 0 : index
      %get3A_13 = arith.constant 0 : index
      %get3A_14 = arith.constant 0 : index
      %get3A_15 = vector.load %arg5[%get3A_11, %get3A_12, %get3A_13, %get3A_14] : memref<34x4x8x2560xf32, #tpu.memory_space<vmem>>, vector<1x4x8x2560xf32>
      %get3A_16 = vector.shape_cast %get3A_15 : vector<1x4x8x2560xf32> to vector<4x8x2560xf32>
      %get3A_17 = arith.constant 1 : index
      %get3A_18 = arith.constant 0 : index
      %get3A_19 = arith.constant 0 : index
      %get3A_20 = arith.constant 0 : index
      %get3A_21 = vector.load %arg5[%get3A_17, %get3A_18, %get3A_19, %get3A_20] : memref<34x4x8x2560xf32, #tpu.memory_space<vmem>>, vector<1x4x8x2560xf32>
      %get3A_22 = vector.shape_cast %get3A_21 : vector<1x4x8x2560xf32> to vector<4x8x2560xf32>
      %get3A_23 = arith.constant 2 : index
      %get3A_24 = arith.constant 0 : index
      %get3A_25 = arith.constant 0 : index
      %get3A_26 = arith.constant 0 : index
      %get3A_27 = vector.load %arg5[%get3A_23, %get3A_24, %get3A_25, %get3A_26] : memref<34x4x8x2560xf32, #tpu.memory_space<vmem>>, vector<1x4x8x2560xf32>
      %get3A_28 = vector.shape_cast %get3A_27 : vector<1x4x8x2560xf32> to vector<4x8x2560xf32>
      %get3A_29 = arith.constant 3 : index
      %get3A_30 = arith.constant 0 : index
      %get3A_31 = arith.constant 0 : index
      %get3A_32 = arith.constant 0 : index
      %get3A_33 = vector.load %arg5[%get3A_29, %get3A_30, %get3A_31, %get3A_32] : memref<34x4x8x2560xf32, #tpu.memory_space<vmem>>, vector<1x4x8x2560xf32>
      %get3A_34 = vector.shape_cast %get3A_33 : vector<1x4x8x2560xf32> to vector<4x8x2560xf32>
      %get3A_35 = arith.constant 4 : index
      %get3A_36 = arith.constant 0 : index
      %get3A_37 = arith.constant 0 : index
      %get3A_38 = arith.constant 0 : index
      %get3A_39 = vector.load %arg5[%get3A_35, %get3A_36, %get3A_37, %get3A_38] : memref<34x4x8x2560xf32, #tpu.memory_space<vmem>>, vector<1x4x8x2560xf32>
      %get3A_40 = vector.shape_cast %get3A_39 : vector<1x4x8x2560xf32> to vector<4x8x2560xf32>
      %broadcast_in_dim3A = arith.constant 0.000000e+00 : f32
      %broadcast_in_dim3A_41 = vector.broadcast %broadcast_in_dim3A : f32 to vector<4x8x2560xf32>
      %get3A_42 = arith.constant 5 : index
      %get3A_43 = arith.constant 0 : index
      %get3A_44 = arith.constant 0 : index
      %get3A_45 = arith.constant 0 : index
      %get3A_46 = vector.load %arg5[%get3A_42, %get3A_43, %get3A_44, %get3A_45] : memref<34x4x8x2560xf32, #tpu.memory_space<vmem>>, vector<1x4x8x2560xf32>
      %get3A_47 = vector.shape_cast %get3A_46 : vector<1x4x8x2560xf32> to vector<4x8x2560xf32>
      %gt3A = arith.cmpf ogt, %get3A_47, %get3A_40 : vector<4x8x2560xf32>
      %jit3A = arith.constant 1.000000e+00 : f32
      %broadcast_in_dim3A_48 = vector.broadcast %jit3A : f32 to vector<4x8x2560xf32>
      %select_n3A = arith.select %gt3A, %broadcast_in_dim3A_48, %broadcast_in_dim3A_41 : vector<4x8x2560xi1>, vector<4x8x2560xf32>
      %max3A = arith.maximumf %get3A_40, %get3A_47 : vector<4x8x2560xf32>
      %get3A_49 = arith.constant 6 : index
      %get3A_50 = arith.constant 0 : index
      %get3A_51 = arith.constant 0 : index
      %get3A_52 = arith.constant 0 : index
      %get3A_53 = vector.load %arg5[%get3A_49, %get3A_50, %get3A_51, %get3A_52] : memref<34x4x8x2560xf32, #tpu.memory_space<vmem>>, vector<1x4x8x2560xf32>
      %get3A_54 = vector.shape_cast %get3A_53 : vector<1x4x8x2560xf32> to vector<4x8x2560xf32>
      %gt3A_55 = arith.cmpf ogt, %get3A_54, %max3A : vector<4x8x2560xf32>
      %jit3A_56 = arith.constant 2.000000e+00 : f32
      %broadcast_in_dim3A_57 = vector.broadcast %jit3A_56 : f32 to vector<4x8x2560xf32>
      %select_n3A_58 = arith.select %gt3A_55, %broadcast_in_dim3A_57, %select_n3A : vector<4x8x2560xi1>, vector<4x8x2560xf32>
      %max3A_59 = arith.maximumf %max3A, %get3A_54 : vector<4x8x2560xf32>
      %get3A_60 = arith.constant 7 : index
      %get3A_61 = arith.constant 0 : index
      %get3A_62 = arith.constant 0 : index
      %get3A_63 = arith.constant 0 : index
      %get3A_64 = vector.load %arg5[%get3A_60, %get3A_61, %get3A_62, %get3A_63] : memref<34x4x8x2560xf32, #tpu.memory_space<vmem>>, vector<1x4x8x2560xf32>
      %get3A_65 = vector.shape_cast %get3A_64 : vector<1x4x8x2560xf32> to vector<4x8x2560xf32>
      %gt3A_66 = arith.cmpf ogt, %get3A_65, %max3A_59 : vector<4x8x2560xf32>
      %jit3A_67 = arith.constant 3.000000e+00 : f32
      %broadcast_in_dim3A_68 = vector.broadcast %jit3A_67 : f32 to vector<4x8x2560xf32>
      %select_n3A_69 = arith.select %gt3A_66, %broadcast_in_dim3A_68, %select_n3A_58 : vector<4x8x2560xi1>, vector<4x8x2560xf32>
      %max3A_70 = arith.maximumf %max3A_59, %get3A_65 : vector<4x8x2560xf32>
      %get3A_71 = arith.constant 8 : index
      %get3A_72 = arith.constant 0 : index
      %get3A_73 = arith.constant 0 : index
      %get3A_74 = arith.constant 0 : index
      %get3A_75 = vector.load %arg5[%get3A_71, %get3A_72, %get3A_73, %get3A_74] : memref<34x4x8x2560xf32, #tpu.memory_space<vmem>>, vector<1x4x8x2560xf32>
      %get3A_76 = vector.shape_cast %get3A_75 : vector<1x4x8x2560xf32> to vector<4x8x2560xf32>
      %gt3A_77 = arith.cmpf ogt, %get3A_76, %max3A_70 : vector<4x8x2560xf32>
      %jit3A_78 = arith.constant 4.000000e+00 : f32
      %broadcast_in_dim3A_79 = vector.broadcast %jit3A_78 : f32 to vector<4x8x2560xf32>
      %select_n3A_80 = arith.select %gt3A_77, %broadcast_in_dim3A_79, %select_n3A_69 : vector<4x8x2560xi1>, vector<4x8x2560xf32>
      %max3A_81 = arith.maximumf %max3A_70, %get3A_76 : vector<4x8x2560xf32>
      %get3A_82 = arith.constant 9 : index
      %get3A_83 = arith.constant 0 : index
      %get3A_84 = arith.constant 0 : index
      %get3A_85 = arith.constant 0 : index
      %get3A_86 = vector.load %arg5[%get3A_82, %get3A_83, %get3A_84, %get3A_85] : memref<34x4x8x2560xf32, #tpu.memory_space<vmem>>, vector<1x4x8x2560xf32>
      %get3A_87 = vector.shape_cast %get3A_86 : vector<1x4x8x2560xf32> to vector<4x8x2560xf32>
      %gt3A_88 = arith.cmpf ogt, %get3A_87, %max3A_81 : vector<4x8x2560xf32>
      %jit3A_89 = arith.constant 5.000000e+00 : f32
      %broadcast_in_dim3A_90 = vector.broadcast %jit3A_89 : f32 to vector<4x8x2560xf32>
      %select_n3A_91 = arith.select %gt3A_88, %broadcast_in_dim3A_90, %select_n3A_80 : vector<4x8x2560xi1>, vector<4x8x2560xf32>
      %max3A_92 = arith.maximumf %max3A_81, %get3A_87 : vector<4x8x2560xf32>
      %get3A_93 = arith.constant 10 : index
      %get3A_94 = arith.constant 0 : index
      %get3A_95 = arith.constant 0 : index
      %get3A_96 = arith.constant 0 : index
      %get3A_97 = vector.load %arg5[%get3A_93, %get3A_94, %get3A_95, %get3A_96] : memref<34x4x8x2560xf32, #tpu.memory_space<vmem>>, vector<1x4x8x2560xf32>
      %get3A_98 = vector.shape_cast %get3A_97 : vector<1x4x8x2560xf32> to vector<4x8x2560xf32>
      %gt3A_99 = arith.cmpf ogt, %get3A_98, %max3A_92 : vector<4x8x2560xf32>
      %jit3A_100 = arith.constant 6.000000e+00 : f32
      %broadcast_in_dim3A_101 = vector.broadcast %jit3A_100 : f32 to vector<4x8x2560xf32>
      %select_n3A_102 = arith.select %gt3A_99, %broadcast_in_dim3A_101, %select_n3A_91 : vector<4x8x2560xi1>, vector<4x8x2560xf32>
      %max3A_103 = arith.maximumf %max3A_92, %get3A_98 : vector<4x8x2560xf32>
      %get3A_104 = arith.constant 11 : index
      %get3A_105 = arith.constant 0 : index
      %get3A_106 = arith.constant 0 : index
      %get3A_107 = arith.constant 0 : index
      %get3A_108 = vector.load %arg5[%get3A_104, %get3A_105, %get3A_106, %get3A_107] : memref<34x4x8x2560xf32, #tpu.memory_space<vmem>>, vector<1x4x8x2560xf32>
      %get3A_109 = vector.shape_cast %get3A_108 : vector<1x4x8x2560xf32> to vector<4x8x2560xf32>
      %gt3A_110 = arith.cmpf ogt, %get3A_109, %max3A_103 : vector<4x8x2560xf32>
      %jit3A_111 = arith.constant 7.000000e+00 : f32
      %broadcast_in_dim3A_112 = vector.broadcast %jit3A_111 : f32 to vector<4x8x2560xf32>
      %select_n3A_113 = arith.select %gt3A_110, %broadcast_in_dim3A_112, %select_n3A_102 : vector<4x8x2560xi1>, vector<4x8x2560xf32>
      %max3A_114 = arith.maximumf %max3A_103, %get3A_109 : vector<4x8x2560xf32>
      %get3A_115 = arith.constant 12 : index
      %get3A_116 = arith.constant 0 : index
      %get3A_117 = arith.constant 0 : index
      %get3A_118 = arith.constant 0 : index
      %get3A_119 = vector.load %arg5[%get3A_115, %get3A_116, %get3A_117, %get3A_118] : memref<34x4x8x2560xf32, #tpu.memory_space<vmem>>, vector<1x4x8x2560xf32>
      %get3A_120 = vector.shape_cast %get3A_119 : vector<1x4x8x2560xf32> to vector<4x8x2560xf32>
      %gt3A_121 = arith.cmpf ogt, %get3A_120, %max3A_114 : vector<4x8x2560xf32>
      %jit3A_122 = arith.constant 8.000000e+00 : f32
      %broadcast_in_dim3A_123 = vector.broadcast %jit3A_122 : f32 to vector<4x8x2560xf32>
      %select_n3A_124 = arith.select %gt3A_121, %broadcast_in_dim3A_123, %select_n3A_113 : vector<4x8x2560xi1>, vector<4x8x2560xf32>
      %max3A_125 = arith.maximumf %max3A_114, %get3A_120 : vector<4x8x2560xf32>
      %get3A_126 = arith.constant 13 : index
      %get3A_127 = arith.constant 0 : index
      %get3A_128 = arith.constant 0 : index
      %get3A_129 = arith.constant 0 : index
      %get3A_130 = vector.load %arg5[%get3A_126, %get3A_127, %get3A_128, %get3A_129] : memref<34x4x8x2560xf32, #tpu.memory_space<vmem>>, vector<1x4x8x2560xf32>
      %get3A_131 = vector.shape_cast %get3A_130 : vector<1x4x8x2560xf32> to vector<4x8x2560xf32>
      %gt3A_132 = arith.cmpf ogt, %get3A_131, %max3A_125 : vector<4x8x2560xf32>
      %jit3A_133 = arith.constant 9.000000e+00 : f32
      %broadcast_in_dim3A_134 = vector.broadcast %jit3A_133 : f32 to vector<4x8x2560xf32>
      %select_n3A_135 = arith.select %gt3A_132, %broadcast_in_dim3A_134, %select_n3A_124 : vector<4x8x2560xi1>, vector<4x8x2560xf32>
      %max3A_136 = arith.maximumf %max3A_125, %get3A_131 : vector<4x8x2560xf32>
      %get3A_137 = arith.constant 14 : index
      %get3A_138 = arith.constant 0 : index
      %get3A_139 = arith.constant 0 : index
      %get3A_140 = arith.constant 0 : index
      %get3A_141 = vector.load %arg5[%get3A_137, %get3A_138, %get3A_139, %get3A_140] : memref<34x4x8x2560xf32, #tpu.memory_space<vmem>>, vector<1x4x8x2560xf32>
      %get3A_142 = vector.shape_cast %get3A_141 : vector<1x4x8x2560xf32> to vector<4x8x2560xf32>
      %gt3A_143 = arith.cmpf ogt, %get3A_142, %max3A_136 : vector<4x8x2560xf32>
      %jit3A_144 = arith.constant 1.000000e+01 : f32
      %broadcast_in_dim3A_145 = vector.broadcast %jit3A_144 : f32 to vector<4x8x2560xf32>
      %select_n3A_146 = arith.select %gt3A_143, %broadcast_in_dim3A_145, %select_n3A_135 : vector<4x8x2560xi1>, vector<4x8x2560xf32>
      %max3A_147 = arith.maximumf %max3A_136, %get3A_142 : vector<4x8x2560xf32>
      %get3A_148 = arith.constant 15 : index
      %get3A_149 = arith.constant 0 : index
      %get3A_150 = arith.constant 0 : index
      %get3A_151 = arith.constant 0 : index
      %get3A_152 = vector.load %arg5[%get3A_148, %get3A_149, %get3A_150, %get3A_151] : memref<34x4x8x2560xf32, #tpu.memory_space<vmem>>, vector<1x4x8x2560xf32>
      %get3A_153 = vector.shape_cast %get3A_152 : vector<1x4x8x2560xf32> to vector<4x8x2560xf32>
      %gt3A_154 = arith.cmpf ogt, %get3A_153, %max3A_147 : vector<4x8x2560xf32>
      %jit3A_155 = arith.constant 1.100000e+01 : f32
      %broadcast_in_dim3A_156 = vector.broadcast %jit3A_155 : f32 to vector<4x8x2560xf32>
      %select_n3A_157 = arith.select %gt3A_154, %broadcast_in_dim3A_156, %select_n3A_146 : vector<4x8x2560xi1>, vector<4x8x2560xf32>
      %max3A_158 = arith.maximumf %max3A_147, %get3A_153 : vector<4x8x2560xf32>
      %get3A_159 = arith.constant 16 : index
      %get3A_160 = arith.constant 0 : index
      %get3A_161 = arith.constant 0 : index
      %get3A_162 = arith.constant 0 : index
      %get3A_163 = vector.load %arg5[%get3A_159, %get3A_160, %get3A_161, %get3A_162] : memref<34x4x8x2560xf32, #tpu.memory_space<vmem>>, vector<1x4x8x2560xf32>
      %get3A_164 = vector.shape_cast %get3A_163 : vector<1x4x8x2560xf32> to vector<4x8x2560xf32>
      %gt3A_165 = arith.cmpf ogt, %get3A_164, %max3A_158 : vector<4x8x2560xf32>
      %jit3A_166 = arith.constant 1.200000e+01 : f32
      %broadcast_in_dim3A_167 = vector.broadcast %jit3A_166 : f32 to vector<4x8x2560xf32>
      %select_n3A_168 = arith.select %gt3A_165, %broadcast_in_dim3A_167, %select_n3A_157 : vector<4x8x2560xi1>, vector<4x8x2560xf32>
      %max3A_169 = arith.maximumf %max3A_158, %get3A_164 : vector<4x8x2560xf32>
      %get3A_170 = arith.constant 17 : index
      %get3A_171 = arith.constant 0 : index
      %get3A_172 = arith.constant 0 : index
      %get3A_173 = arith.constant 0 : index
      %get3A_174 = vector.load %arg5[%get3A_170, %get3A_171, %get3A_172, %get3A_173] : memref<34x4x8x2560xf32, #tpu.memory_space<vmem>>, vector<1x4x8x2560xf32>
      %get3A_175 = vector.shape_cast %get3A_174 : vector<1x4x8x2560xf32> to vector<4x8x2560xf32>
      %gt3A_176 = arith.cmpf ogt, %get3A_175, %max3A_169 : vector<4x8x2560xf32>
      %jit3A_177 = arith.constant 1.300000e+01 : f32
      %broadcast_in_dim3A_178 = vector.broadcast %jit3A_177 : f32 to vector<4x8x2560xf32>
      %select_n3A_179 = arith.select %gt3A_176, %broadcast_in_dim3A_178, %select_n3A_168 : vector<4x8x2560xi1>, vector<4x8x2560xf32>
      %max3A_180 = arith.maximumf %max3A_169, %get3A_175 : vector<4x8x2560xf32>
      %get3A_181 = arith.constant 18 : index
      %get3A_182 = arith.constant 0 : index
      %get3A_183 = arith.constant 0 : index
      %get3A_184 = arith.constant 0 : index
      %get3A_185 = vector.load %arg5[%get3A_181, %get3A_182, %get3A_183, %get3A_184] : memref<34x4x8x2560xf32, #tpu.memory_space<vmem>>, vector<1x4x8x2560xf32>
      %get3A_186 = vector.shape_cast %get3A_185 : vector<1x4x8x2560xf32> to vector<4x8x2560xf32>
      %gt3A_187 = arith.cmpf ogt, %get3A_186, %max3A_180 : vector<4x8x2560xf32>
      %jit3A_188 = arith.constant 1.400000e+01 : f32
      %broadcast_in_dim3A_189 = vector.broadcast %jit3A_188 : f32 to vector<4x8x2560xf32>
      %select_n3A_190 = arith.select %gt3A_187, %broadcast_in_dim3A_189, %select_n3A_179 : vector<4x8x2560xi1>, vector<4x8x2560xf32>
      %max3A_191 = arith.maximumf %max3A_180, %get3A_186 : vector<4x8x2560xf32>
      %get3A_192 = arith.constant 19 : index
      %get3A_193 = arith.constant 0 : index
      %get3A_194 = arith.constant 0 : index
      %get3A_195 = arith.constant 0 : index
      %get3A_196 = vector.load %arg5[%get3A_192, %get3A_193, %get3A_194, %get3A_195] : memref<34x4x8x2560xf32, #tpu.memory_space<vmem>>, vector<1x4x8x2560xf32>
      %get3A_197 = vector.shape_cast %get3A_196 : vector<1x4x8x2560xf32> to vector<4x8x2560xf32>
      %gt3A_198 = arith.cmpf ogt, %get3A_197, %max3A_191 : vector<4x8x2560xf32>
      %jit3A_199 = arith.constant 1.500000e+01 : f32
      %broadcast_in_dim3A_200 = vector.broadcast %jit3A_199 : f32 to vector<4x8x2560xf32>
      %select_n3A_201 = arith.select %gt3A_198, %broadcast_in_dim3A_200, %select_n3A_190 : vector<4x8x2560xi1>, vector<4x8x2560xf32>
      %max3A_202 = arith.maximumf %max3A_191, %get3A_197 : vector<4x8x2560xf32>
      %get3A_203 = arith.constant 20 : index
      %get3A_204 = arith.constant 0 : index
      %get3A_205 = arith.constant 0 : index
      %get3A_206 = arith.constant 0 : index
      %get3A_207 = vector.load %arg5[%get3A_203, %get3A_204, %get3A_205, %get3A_206] : memref<34x4x8x2560xf32, #tpu.memory_space<vmem>>, vector<1x4x8x2560xf32>
      %get3A_208 = vector.shape_cast %get3A_207 : vector<1x4x8x2560xf32> to vector<4x8x2560xf32>
      %gt3A_209 = arith.cmpf ogt, %get3A_208, %max3A_202 : vector<4x8x2560xf32>
      %jit3A_210 = arith.constant 1.600000e+01 : f32
      %broadcast_in_dim3A_211 = vector.broadcast %jit3A_210 : f32 to vector<4x8x2560xf32>
      %select_n3A_212 = arith.select %gt3A_209, %broadcast_in_dim3A_211, %select_n3A_201 : vector<4x8x2560xi1>, vector<4x8x2560xf32>
      %max3A_213 = arith.maximumf %max3A_202, %get3A_208 : vector<4x8x2560xf32>
      %get3A_214 = arith.constant 21 : index
      %get3A_215 = arith.constant 0 : index
      %get3A_216 = arith.constant 0 : index
      %get3A_217 = arith.constant 0 : index
      %get3A_218 = vector.load %arg5[%get3A_214, %get3A_215, %get3A_216, %get3A_217] : memref<34x4x8x2560xf32, #tpu.memory_space<vmem>>, vector<1x4x8x2560xf32>
      %get3A_219 = vector.shape_cast %get3A_218 : vector<1x4x8x2560xf32> to vector<4x8x2560xf32>
      %gt3A_220 = arith.cmpf ogt, %get3A_219, %max3A_213 : vector<4x8x2560xf32>
      %jit3A_221 = arith.constant 1.700000e+01 : f32
      %broadcast_in_dim3A_222 = vector.broadcast %jit3A_221 : f32 to vector<4x8x2560xf32>
      %select_n3A_223 = arith.select %gt3A_220, %broadcast_in_dim3A_222, %select_n3A_212 : vector<4x8x2560xi1>, vector<4x8x2560xf32>
      %max3A_224 = arith.maximumf %max3A_213, %get3A_219 : vector<4x8x2560xf32>
      %get3A_225 = arith.constant 22 : index
      %get3A_226 = arith.constant 0 : index
      %get3A_227 = arith.constant 0 : index
      %get3A_228 = arith.constant 0 : index
      %get3A_229 = vector.load %arg5[%get3A_225, %get3A_226, %get3A_227, %get3A_228] : memref<34x4x8x2560xf32, #tpu.memory_space<vmem>>, vector<1x4x8x2560xf32>
      %get3A_230 = vector.shape_cast %get3A_229 : vector<1x4x8x2560xf32> to vector<4x8x2560xf32>
      %gt3A_231 = arith.cmpf ogt, %get3A_230, %max3A_224 : vector<4x8x2560xf32>
      %jit3A_232 = arith.constant 1.800000e+01 : f32
      %broadcast_in_dim3A_233 = vector.broadcast %jit3A_232 : f32 to vector<4x8x2560xf32>
      %select_n3A_234 = arith.select %gt3A_231, %broadcast_in_dim3A_233, %select_n3A_223 : vector<4x8x2560xi1>, vector<4x8x2560xf32>
      %max3A_235 = arith.maximumf %max3A_224, %get3A_230 : vector<4x8x2560xf32>
      %get3A_236 = arith.constant 23 : index
      %get3A_237 = arith.constant 0 : index
      %get3A_238 = arith.constant 0 : index
      %get3A_239 = arith.constant 0 : index
      %get3A_240 = vector.load %arg5[%get3A_236, %get3A_237, %get3A_238, %get3A_239] : memref<34x4x8x2560xf32, #tpu.memory_space<vmem>>, vector<1x4x8x2560xf32>
      %get3A_241 = vector.shape_cast %get3A_240 : vector<1x4x8x2560xf32> to vector<4x8x2560xf32>
      %gt3A_242 = arith.cmpf ogt, %get3A_241, %max3A_235 : vector<4x8x2560xf32>
      %jit3A_243 = arith.constant 1.900000e+01 : f32
      %broadcast_in_dim3A_244 = vector.broadcast %jit3A_243 : f32 to vector<4x8x2560xf32>
      %select_n3A_245 = arith.select %gt3A_242, %broadcast_in_dim3A_244, %select_n3A_234 : vector<4x8x2560xi1>, vector<4x8x2560xf32>
      %max3A_246 = arith.maximumf %max3A_235, %get3A_241 : vector<4x8x2560xf32>
      %get3A_247 = arith.constant 24 : index
      %get3A_248 = arith.constant 0 : index
      %get3A_249 = arith.constant 0 : index
      %get3A_250 = arith.constant 0 : index
      %get3A_251 = vector.load %arg5[%get3A_247, %get3A_248, %get3A_249, %get3A_250] : memref<34x4x8x2560xf32, #tpu.memory_space<vmem>>, vector<1x4x8x2560xf32>
      %get3A_252 = vector.shape_cast %get3A_251 : vector<1x4x8x2560xf32> to vector<4x8x2560xf32>
      %gt3A_253 = arith.cmpf ogt, %get3A_252, %max3A_246 : vector<4x8x2560xf32>
      %jit3A_254 = arith.constant 2.000000e+01 : f32
      %broadcast_in_dim3A_255 = vector.broadcast %jit3A_254 : f32 to vector<4x8x2560xf32>
      %select_n3A_256 = arith.select %gt3A_253, %broadcast_in_dim3A_255, %select_n3A_245 : vector<4x8x2560xi1>, vector<4x8x2560xf32>
      %max3A_257 = arith.maximumf %max3A_246, %get3A_252 : vector<4x8x2560xf32>
      %get3A_258 = arith.constant 25 : index
      %get3A_259 = arith.constant 0 : index
      %get3A_260 = arith.constant 0 : index
      %get3A_261 = arith.constant 0 : index
      %get3A_262 = vector.load %arg5[%get3A_258, %get3A_259, %get3A_260, %get3A_261] : memref<34x4x8x2560xf32, #tpu.memory_space<vmem>>, vector<1x4x8x2560xf32>
      %get3A_263 = vector.shape_cast %get3A_262 : vector<1x4x8x2560xf32> to vector<4x8x2560xf32>
      %gt3A_264 = arith.cmpf ogt, %get3A_263, %max3A_257 : vector<4x8x2560xf32>
      %jit3A_265 = arith.constant 2.100000e+01 : f32
      %broadcast_in_dim3A_266 = vector.broadcast %jit3A_265 : f32 to vector<4x8x2560xf32>
      %select_n3A_267 = arith.select %gt3A_264, %broadcast_in_dim3A_266, %select_n3A_256 : vector<4x8x2560xi1>, vector<4x8x2560xf32>
      %max3A_268 = arith.maximumf %max3A_257, %get3A_263 : vector<4x8x2560xf32>
      %get3A_269 = arith.constant 26 : index
      %get3A_270 = arith.constant 0 : index
      %get3A_271 = arith.constant 0 : index
      %get3A_272 = arith.constant 0 : index
      %get3A_273 = vector.load %arg5[%get3A_269, %get3A_270, %get3A_271, %get3A_272] : memref<34x4x8x2560xf32, #tpu.memory_space<vmem>>, vector<1x4x8x2560xf32>
      %get3A_274 = vector.shape_cast %get3A_273 : vector<1x4x8x2560xf32> to vector<4x8x2560xf32>
      %gt3A_275 = arith.cmpf ogt, %get3A_274, %max3A_268 : vector<4x8x2560xf32>
      %jit3A_276 = arith.constant 2.200000e+01 : f32
      %broadcast_in_dim3A_277 = vector.broadcast %jit3A_276 : f32 to vector<4x8x2560xf32>
      %select_n3A_278 = arith.select %gt3A_275, %broadcast_in_dim3A_277, %select_n3A_267 : vector<4x8x2560xi1>, vector<4x8x2560xf32>
      %max3A_279 = arith.maximumf %max3A_268, %get3A_274 : vector<4x8x2560xf32>
      %get3A_280 = arith.constant 27 : index
      %get3A_281 = arith.constant 0 : index
      %get3A_282 = arith.constant 0 : index
      %get3A_283 = arith.constant 0 : index
      %get3A_284 = vector.load %arg5[%get3A_280, %get3A_281, %get3A_282, %get3A_283] : memref<34x4x8x2560xf32, #tpu.memory_space<vmem>>, vector<1x4x8x2560xf32>
      %get3A_285 = vector.shape_cast %get3A_284 : vector<1x4x8x2560xf32> to vector<4x8x2560xf32>
      %gt3A_286 = arith.cmpf ogt, %get3A_285, %max3A_279 : vector<4x8x2560xf32>
      %jit3A_287 = arith.constant 2.300000e+01 : f32
      %broadcast_in_dim3A_288 = vector.broadcast %jit3A_287 : f32 to vector<4x8x2560xf32>
      %select_n3A_289 = arith.select %gt3A_286, %broadcast_in_dim3A_288, %select_n3A_278 : vector<4x8x2560xi1>, vector<4x8x2560xf32>
      %max3A_290 = arith.maximumf %max3A_279, %get3A_285 : vector<4x8x2560xf32>
      %get3A_291 = arith.constant 28 : index
      %get3A_292 = arith.constant 0 : index
      %get3A_293 = arith.constant 0 : index
      %get3A_294 = arith.constant 0 : index
      %get3A_295 = vector.load %arg5[%get3A_291, %get3A_292, %get3A_293, %get3A_294] : memref<34x4x8x2560xf32, #tpu.memory_space<vmem>>, vector<1x4x8x2560xf32>
      %get3A_296 = vector.shape_cast %get3A_295 : vector<1x4x8x2560xf32> to vector<4x8x2560xf32>
      %gt3A_297 = arith.cmpf ogt, %get3A_296, %max3A_290 : vector<4x8x2560xf32>
      %jit3A_298 = arith.constant 2.400000e+01 : f32
      %broadcast_in_dim3A_299 = vector.broadcast %jit3A_298 : f32 to vector<4x8x2560xf32>
      %select_n3A_300 = arith.select %gt3A_297, %broadcast_in_dim3A_299, %select_n3A_289 : vector<4x8x2560xi1>, vector<4x8x2560xf32>
      %max3A_301 = arith.maximumf %max3A_290, %get3A_296 : vector<4x8x2560xf32>
      %get3A_302 = arith.constant 29 : index
      %get3A_303 = arith.constant 0 : index
      %get3A_304 = arith.constant 0 : index
      %get3A_305 = arith.constant 0 : index
      %get3A_306 = vector.load %arg5[%get3A_302, %get3A_303, %get3A_304, %get3A_305] : memref<34x4x8x2560xf32, #tpu.memory_space<vmem>>, vector<1x4x8x2560xf32>
      %get3A_307 = vector.shape_cast %get3A_306 : vector<1x4x8x2560xf32> to vector<4x8x2560xf32>
      %gt3A_308 = arith.cmpf ogt, %get3A_307, %max3A_301 : vector<4x8x2560xf32>
      %jit3A_309 = arith.constant 2.500000e+01 : f32
      %broadcast_in_dim3A_310 = vector.broadcast %jit3A_309 : f32 to vector<4x8x2560xf32>
      %select_n3A_311 = arith.select %gt3A_308, %broadcast_in_dim3A_310, %select_n3A_300 : vector<4x8x2560xi1>, vector<4x8x2560xf32>
      %max3A_312 = arith.maximumf %max3A_301, %get3A_307 : vector<4x8x2560xf32>
      %get3A_313 = arith.constant 30 : index
      %get3A_314 = arith.constant 0 : index
      %get3A_315 = arith.constant 0 : index
      %get3A_316 = arith.constant 0 : index
      %get3A_317 = vector.load %arg5[%get3A_313, %get3A_314, %get3A_315, %get3A_316] : memref<34x4x8x2560xf32, #tpu.memory_space<vmem>>, vector<1x4x8x2560xf32>
      %get3A_318 = vector.shape_cast %get3A_317 : vector<1x4x8x2560xf32> to vector<4x8x2560xf32>
      %gt3A_319 = arith.cmpf ogt, %get3A_318, %max3A_312 : vector<4x8x2560xf32>
      %jit3A_320 = arith.constant 2.600000e+01 : f32
      %broadcast_in_dim3A_321 = vector.broadcast %jit3A_320 : f32 to vector<4x8x2560xf32>
      %select_n3A_322 = arith.select %gt3A_319, %broadcast_in_dim3A_321, %select_n3A_311 : vector<4x8x2560xi1>, vector<4x8x2560xf32>
      %max3A_323 = arith.maximumf %max3A_312, %get3A_318 : vector<4x8x2560xf32>
      %get3A_324 = arith.constant 31 : index
      %get3A_325 = arith.constant 0 : index
      %get3A_326 = arith.constant 0 : index
      %get3A_327 = arith.constant 0 : index
      %get3A_328 = vector.load %arg5[%get3A_324, %get3A_325, %get3A_326, %get3A_327] : memref<34x4x8x2560xf32, #tpu.memory_space<vmem>>, vector<1x4x8x2560xf32>
      %get3A_329 = vector.shape_cast %get3A_328 : vector<1x4x8x2560xf32> to vector<4x8x2560xf32>
      %gt3A_330 = arith.cmpf ogt, %get3A_329, %max3A_323 : vector<4x8x2560xf32>
      %jit3A_331 = arith.constant 2.700000e+01 : f32
      %broadcast_in_dim3A_332 = vector.broadcast %jit3A_331 : f32 to vector<4x8x2560xf32>
      %select_n3A_333 = arith.select %gt3A_330, %broadcast_in_dim3A_332, %select_n3A_322 : vector<4x8x2560xi1>, vector<4x8x2560xf32>
      %max3A_334 = arith.maximumf %max3A_323, %get3A_329 : vector<4x8x2560xf32>
      %get3A_335 = arith.constant 32 : index
      %get3A_336 = arith.constant 0 : index
      %get3A_337 = arith.constant 0 : index
      %get3A_338 = arith.constant 0 : index
      %get3A_339 = vector.load %arg5[%get3A_335, %get3A_336, %get3A_337, %get3A_338] : memref<34x4x8x2560xf32, #tpu.memory_space<vmem>>, vector<1x4x8x2560xf32>
      %get3A_340 = vector.shape_cast %get3A_339 : vector<1x4x8x2560xf32> to vector<4x8x2560xf32>
      %gt3A_341 = arith.cmpf ogt, %get3A_340, %max3A_334 : vector<4x8x2560xf32>
      %jit3A_342 = arith.constant 2.800000e+01 : f32
      %broadcast_in_dim3A_343 = vector.broadcast %jit3A_342 : f32 to vector<4x8x2560xf32>
      %select_n3A_344 = arith.select %gt3A_341, %broadcast_in_dim3A_343, %select_n3A_333 : vector<4x8x2560xi1>, vector<4x8x2560xf32>
      %max3A_345 = arith.maximumf %max3A_334, %get3A_340 : vector<4x8x2560xf32>
      %get3A_346 = arith.constant 33 : index
      %get3A_347 = arith.constant 0 : index
      %get3A_348 = arith.constant 0 : index
      %get3A_349 = arith.constant 0 : index
      %get3A_350 = vector.load %arg5[%get3A_346, %get3A_347, %get3A_348, %get3A_349] : memref<34x4x8x2560xf32, #tpu.memory_space<vmem>>, vector<1x4x8x2560xf32>
      %get3A_351 = vector.shape_cast %get3A_350 : vector<1x4x8x2560xf32> to vector<4x8x2560xf32>
      %gt3A_352 = arith.cmpf ogt, %get3A_351, %max3A_345 : vector<4x8x2560xf32>
      %jit3A_353 = arith.constant 2.900000e+01 : f32
      %broadcast_in_dim3A_354 = vector.broadcast %jit3A_353 : f32 to vector<4x8x2560xf32>
      %select_n3A_355 = arith.select %gt3A_352, %broadcast_in_dim3A_354, %select_n3A_344 : vector<4x8x2560xi1>, vector<4x8x2560xf32>
      %max3A_356 = arith.maximumf %max3A_345, %get3A_351 : vector<4x8x2560xf32>
      %iota3A = tpu.iota {dimensions = array<i32: 1>} : vector<4x8x2560xi32>
      %iota3A_357 = tpu.iota {dimensions = array<i32: 2>} : vector<4x8x2560xi32>
      %mul3A = arith.constant 2560 : i32
      %mul3A_358 = vector.broadcast %mul3A : i32 to vector<4x8x2560xi32>
      %mul3A_359 = arith.muli %iota3A, %mul3A_358 : vector<4x8x2560xi32>
      %add3A = arith.addi %mul3A_359, %iota3A_357 : vector<4x8x2560xi32>
      %lt3A = arith.constant 20000 : i32
      %lt3A_360 = vector.broadcast %lt3A : i32 to vector<4x8x2560xi32>
      %lt3A_361 = arith.cmpi slt, %add3A, %lt3A_360 : vector<4x8x2560xi32>
      %bitcast_convert_type3A = tpu.bitcast %max3A_356 : vector<4x8x2560xf32> -> vector<4x8x2560xi32>
      %jit3A_362 = arith.constant -1 : i32
      %broadcast_in_dim3A_363 = vector.broadcast %jit3A_362 : i32 to vector<4x8x2560xi32>
      %select_n3A_364 = arith.select %lt3A_361, %bitcast_convert_type3A, %broadcast_in_dim3A_363 : vector<4x8x2560xi1>, vector<4x8x2560xi32>
      %broadcast_in_dim3A_365 = arith.constant -1 : i32
      %broadcast_in_dim3A_366 = vector.broadcast %broadcast_in_dim3A_365 : i32 to vector<4xi32>
      %broadcast_in_dim3A_367 = arith.constant 2139095040 : i32
      %broadcast_in_dim3A_368 = vector.broadcast %broadcast_in_dim3A_367 : i32 to vector<4xi32>
      %scan3A = arith.constant 750 : i32
      %scan3A_369 = arith.constant 0 : i32
      %scan3A_370 = arith.constant 10 : i32
      %scan3A_371 = arith.addi %scan3A_369, %scan3A_370 : i32
      %scan3A_372 = arith.constant 1 : i32
      %scan3A_373:2 = scf.for %scan3A_3939 = %scan3A_369 to %scan3A_371 step %scan3A_372 iter_args(%scan3A_3940 = %broadcast_in_dim3A_366, %scan3A_3941 = %broadcast_in_dim3A_368) -> (vector<4xi32>, vector<4xi32>)  : i32 {
        %sub3A_3942 = arith.subi %scan3A_3941, %scan3A_3940 : vector<4xi32>
        %shift_right_arithmetic3A = arith.constant 3 : i32
        %shift_right_arithmetic3A_3943 = vector.broadcast %shift_right_arithmetic3A : i32 to vector<4xi32>
        %shift_right_arithmetic3A_3944 = arith.shrsi %sub3A_3942, %shift_right_arithmetic3A_3943 : vector<4xi32>
        %mul3A_3945 = arith.constant 1 : i32
        %mul3A_3946 = vector.broadcast %mul3A_3945 : i32 to vector<4xi32>
        %mul3A_3947 = arith.muli %shift_right_arithmetic3A_3944, %mul3A_3946 : vector<4xi32>
        %add3A_3948 = arith.addi %scan3A_3940, %mul3A_3947 : vector<4xi32>
        %mul3A_3949 = arith.constant 2 : i32
        %mul3A_3950 = vector.broadcast %mul3A_3949 : i32 to vector<4xi32>
        %mul3A_3951 = arith.muli %shift_right_arithmetic3A_3944, %mul3A_3950 : vector<4xi32>
        %add3A_3952 = arith.addi %scan3A_3940, %mul3A_3951 : vector<4xi32>
        %mul3A_3953 = arith.constant 3 : i32
        %mul3A_3954 = vector.broadcast %mul3A_3953 : i32 to vector<4xi32>
        %mul3A_3955 = arith.muli %shift_right_arithmetic3A_3944, %mul3A_3954 : vector<4xi32>
        %add3A_3956 = arith.addi %scan3A_3940, %mul3A_3955 : vector<4xi32>
        %mul3A_3957 = arith.constant 4 : i32
        %mul3A_3958 = vector.broadcast %mul3A_3957 : i32 to vector<4xi32>
        %mul3A_3959 = arith.muli %shift_right_arithmetic3A_3944, %mul3A_3958 : vector<4xi32>
        %add3A_3960 = arith.addi %scan3A_3940, %mul3A_3959 : vector<4xi32>
        %mul3A_3961 = arith.constant 5 : i32
        %mul3A_3962 = vector.broadcast %mul3A_3961 : i32 to vector<4xi32>
        %mul3A_3963 = arith.muli %shift_right_arithmetic3A_3944, %mul3A_3962 : vector<4xi32>
        %add3A_3964 = arith.addi %scan3A_3940, %mul3A_3963 : vector<4xi32>
        %mul3A_3965 = arith.constant 6 : i32
        %mul3A_3966 = vector.broadcast %mul3A_3965 : i32 to vector<4xi32>
        %mul3A_3967 = arith.muli %shift_right_arithmetic3A_3944, %mul3A_3966 : vector<4xi32>
        %add3A_3968 = arith.addi %scan3A_3940, %mul3A_3967 : vector<4xi32>
        %mul3A_3969 = arith.constant 7 : i32
        %mul3A_3970 = vector.broadcast %mul3A_3969 : i32 to vector<4xi32>
        %mul3A_3971 = arith.muli %shift_right_arithmetic3A_3944, %mul3A_3970 : vector<4xi32>
        %add3A_3972 = arith.addi %scan3A_3940, %mul3A_3971 : vector<4xi32>
        %broadcast_in_dim3A_3973 = vector.shape_cast %add3A_3948 : vector<4xi32> to vector<4x1x1xi32>
        %gt3A_3974 = vector.broadcast %broadcast_in_dim3A_3973 : vector<4x1x1xi32> to vector<4x8x2560xi32>
        %gt3A_3975 = arith.cmpi sgt, %select_n3A_364, %gt3A_3974 : vector<4x8x2560xi32>
        %convert_element_type3A_3976 = arith.extui %gt3A_3975 : vector<4x8x2560xi1> to vector<4x8x2560xi32>
        %reduce_sum3A_3977 = arith.constant dense<0> : vector<4xi32>
        %reduce_sum3A_3978 = vector.multi_reduction <add>, %convert_element_type3A_3976, %reduce_sum3A_3977 [1, 2] : vector<4x8x2560xi32> to vector<4xi32>
        %ge3A = vector.broadcast %scan3A : i32 to vector<4xi32>
        %ge3A_3979 = arith.cmpi sge, %reduce_sum3A_3978, %ge3A : vector<4xi32>
        %broadcast_in_dim3A_3980 = vector.shape_cast %add3A_3952 : vector<4xi32> to vector<4x1x1xi32>
        %gt3A_3981 = vector.broadcast %broadcast_in_dim3A_3980 : vector<4x1x1xi32> to vector<4x8x2560xi32>
        %gt3A_3982 = arith.cmpi sgt, %select_n3A_364, %gt3A_3981 : vector<4x8x2560xi32>
        %convert_element_type3A_3983 = arith.extui %gt3A_3982 : vector<4x8x2560xi1> to vector<4x8x2560xi32>
        %reduce_sum3A_3984 = arith.constant dense<0> : vector<4xi32>
        %reduce_sum3A_3985 = vector.multi_reduction <add>, %convert_element_type3A_3983, %reduce_sum3A_3984 [1, 2] : vector<4x8x2560xi32> to vector<4xi32>
        %ge3A_3986 = vector.broadcast %scan3A : i32 to vector<4xi32>
        %ge3A_3987 = arith.cmpi sge, %reduce_sum3A_3985, %ge3A_3986 : vector<4xi32>
        %broadcast_in_dim3A_3988 = vector.shape_cast %add3A_3956 : vector<4xi32> to vector<4x1x1xi32>
        %gt3A_3989 = vector.broadcast %broadcast_in_dim3A_3988 : vector<4x1x1xi32> to vector<4x8x2560xi32>
        %gt3A_3990 = arith.cmpi sgt, %select_n3A_364, %gt3A_3989 : vector<4x8x2560xi32>
        %convert_element_type3A_3991 = arith.extui %gt3A_3990 : vector<4x8x2560xi1> to vector<4x8x2560xi32>
        %reduce_sum3A_3992 = arith.constant dense<0> : vector<4xi32>
        %reduce_sum3A_3993 = vector.multi_reduction <add>, %convert_element_type3A_3991, %reduce_sum3A_3992 [1, 2] : vector<4x8x2560xi32> to vector<4xi32>
        %ge3A_3994 = vector.broadcast %scan3A : i32 to vector<4xi32>
        %ge3A_3995 = arith.cmpi sge, %reduce_sum3A_3993, %ge3A_3994 : vector<4xi32>
        %broadcast_in_dim3A_3996 = vector.shape_cast %add3A_3960 : vector<4xi32> to vector<4x1x1xi32>
        %gt3A_3997 = vector.broadcast %broadcast_in_dim3A_3996 : vector<4x1x1xi32> to vector<4x8x2560xi32>
        %gt3A_3998 = arith.cmpi sgt, %select_n3A_364, %gt3A_3997 : vector<4x8x2560xi32>
        %convert_element_type3A_3999 = arith.extui %gt3A_3998 : vector<4x8x2560xi1> to vector<4x8x2560xi32>
        %reduce_sum3A_4000 = arith.constant dense<0> : vector<4xi32>
        %reduce_sum3A_4001 = vector.multi_reduction <add>, %convert_element_type3A_3999, %reduce_sum3A_4000 [1, 2] : vector<4x8x2560xi32> to vector<4xi32>
        %ge3A_4002 = vector.broadcast %scan3A : i32 to vector<4xi32>
        %ge3A_4003 = arith.cmpi sge, %reduce_sum3A_4001, %ge3A_4002 : vector<4xi32>
        %broadcast_in_dim3A_4004 = vector.shape_cast %add3A_3964 : vector<4xi32> to vector<4x1x1xi32>
        %gt3A_4005 = vector.broadcast %broadcast_in_dim3A_4004 : vector<4x1x1xi32> to vector<4x8x2560xi32>
        %gt3A_4006 = arith.cmpi sgt, %select_n3A_364, %gt3A_4005 : vector<4x8x2560xi32>
        %convert_element_type3A_4007 = arith.extui %gt3A_4006 : vector<4x8x2560xi1> to vector<4x8x2560xi32>
        %reduce_sum3A_4008 = arith.constant dense<0> : vector<4xi32>
        %reduce_sum3A_4009 = vector.multi_reduction <add>, %convert_element_type3A_4007, %reduce_sum3A_4008 [1, 2] : vector<4x8x2560xi32> to vector<4xi32>
        %ge3A_4010 = vector.broadcast %scan3A : i32 to vector<4xi32>
        %ge3A_4011 = arith.cmpi sge, %reduce_sum3A_4009, %ge3A_4010 : vector<4xi32>
        %broadcast_in_dim3A_4012 = vector.shape_cast %add3A_3968 : vector<4xi32> to vector<4x1x1xi32>
        %gt3A_4013 = vector.broadcast %broadcast_in_dim3A_4012 : vector<4x1x1xi32> to vector<4x8x2560xi32>
        %gt3A_4014 = arith.cmpi sgt, %select_n3A_364, %gt3A_4013 : vector<4x8x2560xi32>
        %convert_element_type3A_4015 = arith.extui %gt3A_4014 : vector<4x8x2560xi1> to vector<4x8x2560xi32>
        %reduce_sum3A_4016 = arith.constant dense<0> : vector<4xi32>
        %reduce_sum3A_4017 = vector.multi_reduction <add>, %convert_element_type3A_4015, %reduce_sum3A_4016 [1, 2] : vector<4x8x2560xi32> to vector<4xi32>
        %ge3A_4018 = vector.broadcast %scan3A : i32 to vector<4xi32>
        %ge3A_4019 = arith.cmpi sge, %reduce_sum3A_4017, %ge3A_4018 : vector<4xi32>
        %broadcast_in_dim3A_4020 = vector.shape_cast %add3A_3972 : vector<4xi32> to vector<4x1x1xi32>
        %gt3A_4021 = vector.broadcast %broadcast_in_dim3A_4020 : vector<4x1x1xi32> to vector<4x8x2560xi32>
        %gt3A_4022 = arith.cmpi sgt, %select_n3A_364, %gt3A_4021 : vector<4x8x2560xi32>
        %convert_element_type3A_4023 = arith.extui %gt3A_4022 : vector<4x8x2560xi1> to vector<4x8x2560xi32>
        %reduce_sum3A_4024 = arith.constant dense<0> : vector<4xi32>
        %reduce_sum3A_4025 = vector.multi_reduction <add>, %convert_element_type3A_4023, %reduce_sum3A_4024 [1, 2] : vector<4x8x2560xi32> to vector<4xi32>
        %ge3A_4026 = vector.broadcast %scan3A : i32 to vector<4xi32>
        %ge3A_4027 = arith.cmpi sge, %reduce_sum3A_4025, %ge3A_4026 : vector<4xi32>
        %select_n3A_4028 = arith.select %ge3A_3979, %add3A_3948, %scan3A_3940 : vector<4xi1>, vector<4xi32>
        %select_n3A_4029 = arith.select %ge3A_3987, %add3A_3952, %select_n3A_4028 : vector<4xi1>, vector<4xi32>
        %select_n3A_4030 = arith.select %ge3A_3995, %add3A_3956, %select_n3A_4029 : vector<4xi1>, vector<4xi32>
        %select_n3A_4031 = arith.select %ge3A_4003, %add3A_3960, %select_n3A_4030 : vector<4xi1>, vector<4xi32>
        %select_n3A_4032 = arith.select %ge3A_4011, %add3A_3964, %select_n3A_4031 : vector<4xi1>, vector<4xi32>
        %select_n3A_4033 = arith.select %ge3A_4019, %add3A_3968, %select_n3A_4032 : vector<4xi1>, vector<4xi32>
        %select_n3A_4034 = arith.select %ge3A_4027, %add3A_3972, %select_n3A_4033 : vector<4xi1>, vector<4xi32>
        %select_n3A_4035 = arith.select %ge3A_4027, %scan3A_3941, %add3A_3972 : vector<4xi1>, vector<4xi32>
        %select_n3A_4036 = arith.select %ge3A_4019, %select_n3A_4035, %add3A_3968 : vector<4xi1>, vector<4xi32>
        %select_n3A_4037 = arith.select %ge3A_4011, %select_n3A_4036, %add3A_3964 : vector<4xi1>, vector<4xi32>
        %select_n3A_4038 = arith.select %ge3A_4003, %select_n3A_4037, %add3A_3960 : vector<4xi1>, vector<4xi32>
        %select_n3A_4039 = arith.select %ge3A_3995, %select_n3A_4038, %add3A_3956 : vector<4xi1>, vector<4xi32>
        %select_n3A_4040 = arith.select %ge3A_3987, %select_n3A_4039, %add3A_3952 : vector<4xi1>, vector<4xi32>
        %select_n3A_4041 = arith.select %ge3A_3979, %select_n3A_4040, %add3A_3948 : vector<4xi1>, vector<4xi32>
        scf.yield %select_n3A_4034, %select_n3A_4041 : vector<4xi32>, vector<4xi32>
      }
      %scan3A_374 = arith.constant 750 : i32
      %scan3A_375 = arith.constant 0 : i32
      %scan3A_376 = arith.constant 4 : i32
      %scan3A_377 = arith.addi %scan3A_375, %scan3A_376 : i32
      %scan3A_378 = arith.constant 1 : i32
      %scan3A_379:2 = scf.for %scan3A_3939 = %scan3A_375 to %scan3A_377 step %scan3A_378 iter_args(%scan3A_3940 = %scan3A_373#0, %scan3A_3941 = %scan3A_373#1) -> (vector<4xi32>, vector<4xi32>)  : i32 {
        %sub3A_3942 = arith.subi %scan3A_3941, %scan3A_3940 : vector<4xi32>
        %shift_right_arithmetic3A = arith.constant 1 : i32
        %shift_right_arithmetic3A_3943 = vector.broadcast %shift_right_arithmetic3A : i32 to vector<4xi32>
        %shift_right_arithmetic3A_3944 = arith.shrsi %sub3A_3942, %shift_right_arithmetic3A_3943 : vector<4xi32>
        %mul3A_3945 = arith.constant 1 : i32
        %mul3A_3946 = vector.broadcast %mul3A_3945 : i32 to vector<4xi32>
        %mul3A_3947 = arith.muli %shift_right_arithmetic3A_3944, %mul3A_3946 : vector<4xi32>
        %add3A_3948 = arith.addi %scan3A_3940, %mul3A_3947 : vector<4xi32>
        %broadcast_in_dim3A_3949 = vector.shape_cast %add3A_3948 : vector<4xi32> to vector<4x1x1xi32>
        %gt3A_3950 = vector.broadcast %broadcast_in_dim3A_3949 : vector<4x1x1xi32> to vector<4x8x2560xi32>
        %gt3A_3951 = arith.cmpi sgt, %select_n3A_364, %gt3A_3950 : vector<4x8x2560xi32>
        %convert_element_type3A_3952 = arith.extui %gt3A_3951 : vector<4x8x2560xi1> to vector<4x8x2560xi32>
        %reduce_sum3A_3953 = arith.constant dense<0> : vector<4xi32>
        %reduce_sum3A_3954 = vector.multi_reduction <add>, %convert_element_type3A_3952, %reduce_sum3A_3953 [1, 2] : vector<4x8x2560xi32> to vector<4xi32>
        %ge3A = vector.broadcast %scan3A_374 : i32 to vector<4xi32>
        %ge3A_3955 = arith.cmpi sge, %reduce_sum3A_3954, %ge3A : vector<4xi32>
        %select_n3A_3956 = arith.select %ge3A_3955, %add3A_3948, %scan3A_3940 : vector<4xi1>, vector<4xi32>
        %select_n3A_3957 = arith.select %ge3A_3955, %scan3A_3941, %add3A_3948 : vector<4xi1>, vector<4xi32>
        scf.yield %select_n3A_3956, %select_n3A_3957 : vector<4xi32>, vector<4xi32>
      }
      %broadcast_in_dim3A_380 = vector.shape_cast %scan3A_379#1 : vector<4xi32> to vector<4x1x1xi32>
      %gt3A_381 = vector.broadcast %broadcast_in_dim3A_380 : vector<4x1x1xi32> to vector<4x8x2560xi32>
      %gt3A_382 = arith.cmpi sgt, %select_n3A_364, %gt3A_381 : vector<4x8x2560xi32>
      %convert_element_type3A_383 = arith.extui %gt3A_382 : vector<4x8x2560xi1> to vector<4x8x2560xi32>
      %reduce_sum3A = arith.constant dense<0> : vector<4xi32>
      %reduce_sum3A_384 = vector.multi_reduction <add>, %convert_element_type3A_383, %reduce_sum3A [1, 2] : vector<4x8x2560xi32> to vector<4xi32>
      %sub3A = arith.constant 750 : i32
      %sub3A_385 = vector.broadcast %sub3A : i32 to vector<4xi32>
      %sub3A_386 = arith.subi %sub3A_385, %reduce_sum3A_384 : vector<4xi32>
      %eq3A_387 = vector.broadcast %broadcast_in_dim3A_380 : vector<4x1x1xi32> to vector<4x8x2560xi32>
      %eq3A_388 = arith.cmpi eq, %select_n3A_364, %eq3A_387 : vector<4x8x2560xi32>
      %broadcast_in_dim3A_389 = arith.constant 0 : i32
      %broadcast_in_dim3A_390 = vector.broadcast %broadcast_in_dim3A_389 : i32 to vector<4xi32>
      %broadcast_in_dim3A_391 = arith.constant 20000 : i32
      %broadcast_in_dim3A_392 = vector.broadcast %broadcast_in_dim3A_391 : i32 to vector<4xi32>
      %scan3A_393 = arith.constant 0 : i32
      %scan3A_394 = arith.constant 4 : i32
      %scan3A_395 = arith.addi %scan3A_393, %scan3A_394 : i32
      %scan3A_396 = arith.constant 1 : i32
      %scan3A_397:2 = scf.for %scan3A_3939 = %scan3A_393 to %scan3A_395 step %scan3A_396 iter_args(%scan3A_3940 = %broadcast_in_dim3A_390, %scan3A_3941 = %broadcast_in_dim3A_392) -> (vector<4xi32>, vector<4xi32>)  : i32 {
        %sub3A_3942 = arith.subi %scan3A_3941, %scan3A_3940 : vector<4xi32>
        %shift_right_arithmetic3A = arith.constant 3 : i32
        %shift_right_arithmetic3A_3943 = vector.broadcast %shift_right_arithmetic3A : i32 to vector<4xi32>
        %shift_right_arithmetic3A_3944 = arith.shrsi %sub3A_3942, %shift_right_arithmetic3A_3943 : vector<4xi32>
        %mul3A_3945 = arith.constant 1 : i32
        %mul3A_3946 = vector.broadcast %mul3A_3945 : i32 to vector<4xi32>
        %mul3A_3947 = arith.muli %shift_right_arithmetic3A_3944, %mul3A_3946 : vector<4xi32>
        %add3A_3948 = arith.addi %scan3A_3940, %mul3A_3947 : vector<4xi32>
        %mul3A_3949 = arith.constant 2 : i32
        %mul3A_3950 = vector.broadcast %mul3A_3949 : i32 to vector<4xi32>
        %mul3A_3951 = arith.muli %shift_right_arithmetic3A_3944, %mul3A_3950 : vector<4xi32>
        %add3A_3952 = arith.addi %scan3A_3940, %mul3A_3951 : vector<4xi32>
        %mul3A_3953 = arith.constant 3 : i32
        %mul3A_3954 = vector.broadcast %mul3A_3953 : i32 to vector<4xi32>
        %mul3A_3955 = arith.muli %shift_right_arithmetic3A_3944, %mul3A_3954 : vector<4xi32>
        %add3A_3956 = arith.addi %scan3A_3940, %mul3A_3955 : vector<4xi32>
        %mul3A_3957 = arith.constant 4 : i32
        %mul3A_3958 = vector.broadcast %mul3A_3957 : i32 to vector<4xi32>
        %mul3A_3959 = arith.muli %shift_right_arithmetic3A_3944, %mul3A_3958 : vector<4xi32>
        %add3A_3960 = arith.addi %scan3A_3940, %mul3A_3959 : vector<4xi32>
        %mul3A_3961 = arith.constant 5 : i32
        %mul3A_3962 = vector.broadcast %mul3A_3961 : i32 to vector<4xi32>
        %mul3A_3963 = arith.muli %shift_right_arithmetic3A_3944, %mul3A_3962 : vector<4xi32>
        %add3A_3964 = arith.addi %scan3A_3940, %mul3A_3963 : vector<4xi32>
        %mul3A_3965 = arith.constant 6 : i32
        %mul3A_3966 = vector.broadcast %mul3A_3965 : i32 to vector<4xi32>
        %mul3A_3967 = arith.muli %shift_right_arithmetic3A_3944, %mul3A_3966 : vector<4xi32>
        %add3A_3968 = arith.addi %scan3A_3940, %mul3A_3967 : vector<4xi32>
        %mul3A_3969 = arith.constant 7 : i32
        %mul3A_3970 = vector.broadcast %mul3A_3969 : i32 to vector<4xi32>
        %mul3A_3971 = arith.muli %shift_right_arithmetic3A_3944, %mul3A_3970 : vector<4xi32>
        %add3A_3972 = arith.addi %scan3A_3940, %mul3A_3971 : vector<4xi32>
        %broadcast_in_dim3A_3973 = vector.shape_cast %add3A_3948 : vector<4xi32> to vector<4x1x1xi32>
        %lt3A_3974 = vector.broadcast %broadcast_in_dim3A_3973 : vector<4x1x1xi32> to vector<4x8x2560xi32>
        %lt3A_3975 = arith.cmpi slt, %add3A, %lt3A_3974 : vector<4x8x2560xi32>
        %and3A_3976 = arith.andi %eq3A_388, %lt3A_3975 : vector<4x8x2560xi1>
        %convert_element_type3A_3977 = arith.extui %and3A_3976 : vector<4x8x2560xi1> to vector<4x8x2560xi32>
        %reduce_sum3A_3978 = arith.constant dense<0> : vector<4xi32>
        %reduce_sum3A_3979 = vector.multi_reduction <add>, %convert_element_type3A_3977, %reduce_sum3A_3978 [1, 2] : vector<4x8x2560xi32> to vector<4xi32>
        %ge3A = arith.cmpi sge, %reduce_sum3A_3979, %sub3A_386 : vector<4xi32>
        %broadcast_in_dim3A_3980 = vector.shape_cast %add3A_3952 : vector<4xi32> to vector<4x1x1xi32>
        %lt3A_3981 = vector.broadcast %broadcast_in_dim3A_3980 : vector<4x1x1xi32> to vector<4x8x2560xi32>
        %lt3A_3982 = arith.cmpi slt, %add3A, %lt3A_3981 : vector<4x8x2560xi32>
        %and3A_3983 = arith.andi %eq3A_388, %lt3A_3982 : vector<4x8x2560xi1>
        %convert_element_type3A_3984 = arith.extui %and3A_3983 : vector<4x8x2560xi1> to vector<4x8x2560xi32>
        %reduce_sum3A_3985 = arith.constant dense<0> : vector<4xi32>
        %reduce_sum3A_3986 = vector.multi_reduction <add>, %convert_element_type3A_3984, %reduce_sum3A_3985 [1, 2] : vector<4x8x2560xi32> to vector<4xi32>
        %ge3A_3987 = arith.cmpi sge, %reduce_sum3A_3986, %sub3A_386 : vector<4xi32>
        %broadcast_in_dim3A_3988 = vector.shape_cast %add3A_3956 : vector<4xi32> to vector<4x1x1xi32>
        %lt3A_3989 = vector.broadcast %broadcast_in_dim3A_3988 : vector<4x1x1xi32> to vector<4x8x2560xi32>
        %lt3A_3990 = arith.cmpi slt, %add3A, %lt3A_3989 : vector<4x8x2560xi32>
        %and3A_3991 = arith.andi %eq3A_388, %lt3A_3990 : vector<4x8x2560xi1>
        %convert_element_type3A_3992 = arith.extui %and3A_3991 : vector<4x8x2560xi1> to vector<4x8x2560xi32>
        %reduce_sum3A_3993 = arith.constant dense<0> : vector<4xi32>
        %reduce_sum3A_3994 = vector.multi_reduction <add>, %convert_element_type3A_3992, %reduce_sum3A_3993 [1, 2] : vector<4x8x2560xi32> to vector<4xi32>
        %ge3A_3995 = arith.cmpi sge, %reduce_sum3A_3994, %sub3A_386 : vector<4xi32>
        %broadcast_in_dim3A_3996 = vector.shape_cast %add3A_3960 : vector<4xi32> to vector<4x1x1xi32>
        %lt3A_3997 = vector.broadcast %broadcast_in_dim3A_3996 : vector<4x1x1xi32> to vector<4x8x2560xi32>
        %lt3A_3998 = arith.cmpi slt, %add3A, %lt3A_3997 : vector<4x8x2560xi32>
        %and3A_3999 = arith.andi %eq3A_388, %lt3A_3998 : vector<4x8x2560xi1>
        %convert_element_type3A_4000 = arith.extui %and3A_3999 : vector<4x8x2560xi1> to vector<4x8x2560xi32>
        %reduce_sum3A_4001 = arith.constant dense<0> : vector<4xi32>
        %reduce_sum3A_4002 = vector.multi_reduction <add>, %convert_element_type3A_4000, %reduce_sum3A_4001 [1, 2] : vector<4x8x2560xi32> to vector<4xi32>
        %ge3A_4003 = arith.cmpi sge, %reduce_sum3A_4002, %sub3A_386 : vector<4xi32>
        %broadcast_in_dim3A_4004 = vector.shape_cast %add3A_3964 : vector<4xi32> to vector<4x1x1xi32>
        %lt3A_4005 = vector.broadcast %broadcast_in_dim3A_4004 : vector<4x1x1xi32> to vector<4x8x2560xi32>
        %lt3A_4006 = arith.cmpi slt, %add3A, %lt3A_4005 : vector<4x8x2560xi32>
        %and3A_4007 = arith.andi %eq3A_388, %lt3A_4006 : vector<4x8x2560xi1>
        %convert_element_type3A_4008 = arith.extui %and3A_4007 : vector<4x8x2560xi1> to vector<4x8x2560xi32>
        %reduce_sum3A_4009 = arith.constant dense<0> : vector<4xi32>
        %reduce_sum3A_4010 = vector.multi_reduction <add>, %convert_element_type3A_4008, %reduce_sum3A_4009 [1, 2] : vector<4x8x2560xi32> to vector<4xi32>
        %ge3A_4011 = arith.cmpi sge, %reduce_sum3A_4010, %sub3A_386 : vector<4xi32>
        %broadcast_in_dim3A_4012 = vector.shape_cast %add3A_3968 : vector<4xi32> to vector<4x1x1xi32>
        %lt3A_4013 = vector.broadcast %broadcast_in_dim3A_4012 : vector<4x1x1xi32> to vector<4x8x2560xi32>
        %lt3A_4014 = arith.cmpi slt, %add3A, %lt3A_4013 : vector<4x8x2560xi32>
        %and3A_4015 = arith.andi %eq3A_388, %lt3A_4014 : vector<4x8x2560xi1>
        %convert_element_type3A_4016 = arith.extui %and3A_4015 : vector<4x8x2560xi1> to vector<4x8x2560xi32>
        %reduce_sum3A_4017 = arith.constant dense<0> : vector<4xi32>
        %reduce_sum3A_4018 = vector.multi_reduction <add>, %convert_element_type3A_4016, %reduce_sum3A_4017 [1, 2] : vector<4x8x2560xi32> to vector<4xi32>
        %ge3A_4019 = arith.cmpi sge, %reduce_sum3A_4018, %sub3A_386 : vector<4xi32>
        %broadcast_in_dim3A_4020 = vector.shape_cast %add3A_3972 : vector<4xi32> to vector<4x1x1xi32>
        %lt3A_4021 = vector.broadcast %broadcast_in_dim3A_4020 : vector<4x1x1xi32> to vector<4x8x2560xi32>
        %lt3A_4022 = arith.cmpi slt, %add3A, %lt3A_4021 : vector<4x8x2560xi32>
        %and3A_4023 = arith.andi %eq3A_388, %lt3A_4022 : vector<4x8x2560xi1>
        %convert_element_type3A_4024 = arith.extui %and3A_4023 : vector<4x8x2560xi1> to vector<4x8x2560xi32>
        %reduce_sum3A_4025 = arith.constant dense<0> : vector<4xi32>
        %reduce_sum3A_4026 = vector.multi_reduction <add>, %convert_element_type3A_4024, %reduce_sum3A_4025 [1, 2] : vector<4x8x2560xi32> to vector<4xi32>
        %ge3A_4027 = arith.cmpi sge, %reduce_sum3A_4026, %sub3A_386 : vector<4xi32>
        %min3A_4028 = arith.minsi %scan3A_3941, %add3A_3948 : vector<4xi32>
        %select_n3A_4029 = arith.select %ge3A, %min3A_4028, %scan3A_3941 : vector<4xi1>, vector<4xi32>
        %min3A_4030 = arith.minsi %select_n3A_4029, %add3A_3952 : vector<4xi32>
        %select_n3A_4031 = arith.select %ge3A_3987, %min3A_4030, %select_n3A_4029 : vector<4xi1>, vector<4xi32>
        %min3A_4032 = arith.minsi %select_n3A_4031, %add3A_3956 : vector<4xi32>
        %select_n3A_4033 = arith.select %ge3A_3995, %min3A_4032, %select_n3A_4031 : vector<4xi1>, vector<4xi32>
        %min3A_4034 = arith.minsi %select_n3A_4033, %add3A_3960 : vector<4xi32>
        %select_n3A_4035 = arith.select %ge3A_4003, %min3A_4034, %select_n3A_4033 : vector<4xi1>, vector<4xi32>
        %min3A_4036 = arith.minsi %select_n3A_4035, %add3A_3964 : vector<4xi32>
        %select_n3A_4037 = arith.select %ge3A_4011, %min3A_4036, %select_n3A_4035 : vector<4xi1>, vector<4xi32>
        %min3A_4038 = arith.minsi %select_n3A_4037, %add3A_3968 : vector<4xi32>
        %select_n3A_4039 = arith.select %ge3A_4019, %min3A_4038, %select_n3A_4037 : vector<4xi1>, vector<4xi32>
        %min3A_4040 = arith.minsi %select_n3A_4039, %add3A_3972 : vector<4xi32>
        %select_n3A_4041 = arith.select %ge3A_4027, %min3A_4040, %select_n3A_4039 : vector<4xi1>, vector<4xi32>
        %max3A_4042 = arith.maxsi %scan3A_3940, %add3A_3972 : vector<4xi32>
        %select_n3A_4043 = arith.select %ge3A_4027, %scan3A_3940, %max3A_4042 : vector<4xi1>, vector<4xi32>
        %max3A_4044 = arith.maxsi %select_n3A_4043, %add3A_3968 : vector<4xi32>
        %select_n3A_4045 = arith.select %ge3A_4019, %select_n3A_4043, %max3A_4044 : vector<4xi1>, vector<4xi32>
        %max3A_4046 = arith.maxsi %select_n3A_4045, %add3A_3964 : vector<4xi32>
        %select_n3A_4047 = arith.select %ge3A_4011, %select_n3A_4045, %max3A_4046 : vector<4xi1>, vector<4xi32>
        %max3A_4048 = arith.maxsi %select_n3A_4047, %add3A_3960 : vector<4xi32>
        %select_n3A_4049 = arith.select %ge3A_4003, %select_n3A_4047, %max3A_4048 : vector<4xi1>, vector<4xi32>
        %max3A_4050 = arith.maxsi %select_n3A_4049, %add3A_3956 : vector<4xi32>
        %select_n3A_4051 = arith.select %ge3A_3995, %select_n3A_4049, %max3A_4050 : vector<4xi1>, vector<4xi32>
        %max3A_4052 = arith.maxsi %select_n3A_4051, %add3A_3952 : vector<4xi32>
        %select_n3A_4053 = arith.select %ge3A_3987, %select_n3A_4051, %max3A_4052 : vector<4xi1>, vector<4xi32>
        %max3A_4054 = arith.maxsi %select_n3A_4053, %add3A_3948 : vector<4xi32>
        %select_n3A_4055 = arith.select %ge3A, %select_n3A_4053, %max3A_4054 : vector<4xi1>, vector<4xi32>
        scf.yield %select_n3A_4055, %select_n3A_4041 : vector<4xi32>, vector<4xi32>
      }
      %scan3A_398 = arith.constant 0 : i32
      %scan3A_399 = arith.constant 4 : i32
      %scan3A_400 = arith.addi %scan3A_398, %scan3A_399 : i32
      %scan3A_401 = arith.constant 1 : i32
      %scan3A_402:2 = scf.for %scan3A_3939 = %scan3A_398 to %scan3A_400 step %scan3A_401 iter_args(%scan3A_3940 = %scan3A_397#0, %scan3A_3941 = %scan3A_397#1) -> (vector<4xi32>, vector<4xi32>)  : i32 {
        %sub3A_3942 = arith.subi %scan3A_3941, %scan3A_3940 : vector<4xi32>
        %shift_right_arithmetic3A = arith.constant 1 : i32
        %shift_right_arithmetic3A_3943 = vector.broadcast %shift_right_arithmetic3A : i32 to vector<4xi32>
        %shift_right_arithmetic3A_3944 = arith.shrsi %sub3A_3942, %shift_right_arithmetic3A_3943 : vector<4xi32>
        %mul3A_3945 = arith.constant 1 : i32
        %mul3A_3946 = vector.broadcast %mul3A_3945 : i32 to vector<4xi32>
        %mul3A_3947 = arith.muli %shift_right_arithmetic3A_3944, %mul3A_3946 : vector<4xi32>
        %add3A_3948 = arith.addi %scan3A_3940, %mul3A_3947 : vector<4xi32>
        %broadcast_in_dim3A_3949 = vector.shape_cast %add3A_3948 : vector<4xi32> to vector<4x1x1xi32>
        %lt3A_3950 = vector.broadcast %broadcast_in_dim3A_3949 : vector<4x1x1xi32> to vector<4x8x2560xi32>
        %lt3A_3951 = arith.cmpi slt, %add3A, %lt3A_3950 : vector<4x8x2560xi32>
        %and3A_3952 = arith.andi %eq3A_388, %lt3A_3951 : vector<4x8x2560xi1>
        %convert_element_type3A_3953 = arith.extui %and3A_3952 : vector<4x8x2560xi1> to vector<4x8x2560xi32>
        %reduce_sum3A_3954 = arith.constant dense<0> : vector<4xi32>
        %reduce_sum3A_3955 = vector.multi_reduction <add>, %convert_element_type3A_3953, %reduce_sum3A_3954 [1, 2] : vector<4x8x2560xi32> to vector<4xi32>
        %ge3A = arith.cmpi sge, %reduce_sum3A_3955, %sub3A_386 : vector<4xi32>
        %min3A_3956 = arith.minsi %scan3A_3941, %add3A_3948 : vector<4xi32>
        %select_n3A_3957 = arith.select %ge3A, %min3A_3956, %scan3A_3941 : vector<4xi1>, vector<4xi32>
        %max3A_3958 = arith.maxsi %scan3A_3940, %add3A_3948 : vector<4xi32>
        %select_n3A_3959 = arith.select %ge3A, %scan3A_3940, %max3A_3958 : vector<4xi1>, vector<4xi32>
        scf.yield %select_n3A_3959, %select_n3A_3957 : vector<4xi32>, vector<4xi32>
      }
      %gt3A_403 = vector.broadcast %broadcast_in_dim3A_380 : vector<4x1x1xi32> to vector<4x8x2560xi32>
      %gt3A_404 = arith.cmpi sgt, %select_n3A_364, %gt3A_403 : vector<4x8x2560xi32>
      %broadcast_in_dim3A_405 = vector.shape_cast %scan3A_402#1 : vector<4xi32> to vector<4x1x1xi32>
      %lt3A_406 = vector.broadcast %broadcast_in_dim3A_405 : vector<4x1x1xi32> to vector<4x8x2560xi32>
      %lt3A_407 = arith.cmpi slt, %add3A, %lt3A_406 : vector<4x8x2560xi32>
      %and3A = arith.andi %eq3A_388, %lt3A_407 : vector<4x8x2560xi1>
      %or3A = arith.ori %gt3A_404, %and3A : vector<4x8x2560xi1>
      %max3A_408 = arith.maximumf %get3A_16, %get3A_22 : vector<4x8x2560xf32>
      %max3A_409 = arith.maximumf %get3A_28, %get3A_34 : vector<4x8x2560xf32>
      %max3A_410 = arith.maximumf %max3A_408, %max3A_409 : vector<4x8x2560xf32>
      %jit3A_411 = arith.constant 0xFF800000 : f32
      %broadcast_in_dim3A_412 = vector.broadcast %jit3A_411 : f32 to vector<4x8x2560xf32>
      %select_n3A_413 = arith.select %or3A, %max3A_410, %broadcast_in_dim3A_412 : vector<4x8x2560xi1>, vector<4x8x2560xf32>
      %reduce_max3A = arith.constant dense<0xFF800000> : vector<4xf32>
      %reduce_max3A_414 = vector.multi_reduction <maximumf>, %select_n3A_413, %reduce_max3A [1, 2] : vector<4x8x2560xf32> to vector<4xf32>
      %add3A_415 = arith.constant 1.000000e+00 : f32
      %add3A_416 = vector.broadcast %add3A_415 : f32 to vector<4xf32>
      %add3A_417 = arith.addf %reduce_max3A_414, %add3A_416 : vector<4xf32>
      %broadcast_in_dim3A_418 = vector.shape_cast %add3A_417 : vector<4xf32> to vector<4x1x1xf32>
      %mul3A_419 = vector.broadcast %broadcast_in_dim3A_418 : vector<4x1x1xf32> to vector<4x8x2560xf32>
      %mul3A_420 = arith.mulf %select_n3A_355, %mul3A_419 : vector<4x8x2560xf32>
      %add3A_421 = arith.addf %get3A_16, %mul3A_420 : vector<4x8x2560xf32>
      %add3A_422 = arith.addf %get3A_22, %mul3A_420 : vector<4x8x2560xf32>
      %add3A_423 = arith.addf %get3A_28, %mul3A_420 : vector<4x8x2560xf32>
      %add3A_424 = arith.addf %get3A_34, %mul3A_420 : vector<4x8x2560xf32>
      %sub3A_425 = arith.subf %get3A_28, %get3A_16 : vector<4x8x2560xf32>
      %sub3A_426 = arith.subf %get3A_34, %get3A_22 : vector<4x8x2560xf32>
      %mul3A_427 = arith.mulf %sub3A_425, %sub3A_426 : vector<4x8x2560xf32>
      %jit3A_428 = arith.constant 0xFF800000 : f32
      %broadcast_in_dim3A_429 = vector.broadcast %jit3A_428 : f32 to vector<4x8x2560xf32>
      %select_n3A_430 = arith.select %or3A, %max3A_356, %broadcast_in_dim3A_429 : vector<4x8x2560xi1>, vector<4x8x2560xf32>
      %reduce_max3A_431 = arith.constant dense<0xFF800000> : vector<4xf32>
      %reduce_max3A_432 = vector.multi_reduction <maximumf>, %select_n3A_430, %reduce_max3A_431 [1, 2] : vector<4x8x2560xf32> to vector<4xf32>
      %broadcast_in_dim3A_433 = vector.shape_cast %reduce_max3A_432 : vector<4xf32> to vector<4x1x1xf32>
      %eq3A_434 = vector.broadcast %broadcast_in_dim3A_433 : vector<4x1x1xf32> to vector<4x8x2560xf32>
      %eq3A_435 = arith.cmpf oeq, %select_n3A_430, %eq3A_434 : vector<4x8x2560xf32>
      %jit3A_436 = arith.constant 1073741824 : i32
      %broadcast_in_dim3A_437 = vector.broadcast %jit3A_436 : i32 to vector<4x8x2560xi32>
      %select_n3A_438 = arith.select %eq3A_435, %add3A, %broadcast_in_dim3A_437 : vector<4x8x2560xi1>, vector<4x8x2560xi32>
      %reduce_min3A = arith.constant dense<2147483647> : vector<4xi32>
      %reduce_min3A_439 = vector.multi_reduction <minsi>, %select_n3A_438, %reduce_min3A [1, 2] : vector<4x8x2560xi32> to vector<4xi32>
      %iota3A_440 = tpu.iota {dimensions = array<i32: 1>} : vector<4x64xi32>
      %broadcast_in_dim3A_441 = arith.constant 0 : i32
      %broadcast_in_dim3A_442 = vector.broadcast %broadcast_in_dim3A_441 : i32 to vector<4x64xi32>
      %broadcast_in_dim3A_443 = arith.constant 0.000000e+00 : f32
      %broadcast_in_dim3A_444 = vector.broadcast %broadcast_in_dim3A_443 : f32 to vector<4x64xf32>
      %broadcast_in_dim3A_445 = arith.constant 0.000000e+00 : f32
      %broadcast_in_dim3A_446 = vector.broadcast %broadcast_in_dim3A_445 : f32 to vector<4x64xf32>
      %broadcast_in_dim3A_447 = arith.constant 0.000000e+00 : f32
      %broadcast_in_dim3A_448 = vector.broadcast %broadcast_in_dim3A_447 : f32 to vector<4x64xf32>
      %broadcast_in_dim3A_449 = arith.constant 0.000000e+00 : f32
      %broadcast_in_dim3A_450 = vector.broadcast %broadcast_in_dim3A_449 : f32 to vector<4x64xf32>
      %broadcast_in_dim3A_451 = arith.constant 0.000000e+00 : f32
      %broadcast_in_dim3A_452 = vector.broadcast %broadcast_in_dim3A_451 : f32 to vector<4x64xf32>
      %reduce_max3A_453 = arith.constant dense<0xFF800000> : vector<4xf32>
      %reduce_max3A_454 = vector.multi_reduction <maximumf>, %select_n3A_430, %reduce_max3A_453 [1, 2] : vector<4x8x2560xf32> to vector<4xf32>
      %gt3A_455 = arith.constant 0xFF800000 : f32
      %gt3A_456 = vector.broadcast %gt3A_455 : f32 to vector<4xf32>
      %gt3A_457 = arith.cmpf ogt, %reduce_max3A_454, %gt3A_456 : vector<4xf32>
      %broadcast_in_dim3A_458 = vector.shape_cast %reduce_max3A_454 : vector<4xf32> to vector<4x1x1xf32>
      %eq3A_459 = vector.broadcast %broadcast_in_dim3A_458 : vector<4x1x1xf32> to vector<4x8x2560xf32>
      %eq3A_460 = arith.cmpf oeq, %select_n3A_430, %eq3A_459 : vector<4x8x2560xf32>
      %jit3A_461 = arith.constant 1073741824 : i32
      %broadcast_in_dim3A_462 = vector.broadcast %jit3A_461 : i32 to vector<4x8x2560xi32>
      %select_n3A_463 = arith.select %eq3A_460, %add3A, %broadcast_in_dim3A_462 : vector<4x8x2560xi1>, vector<4x8x2560xi32>
      %reduce_min3A_464 = arith.constant dense<2147483647> : vector<4xi32>
      %reduce_min3A_465 = vector.multi_reduction <minsi>, %select_n3A_463, %reduce_min3A_464 [1, 2] : vector<4x8x2560xi32> to vector<4xi32>
      %select_n3A_466 = arith.select %gt3A_457, %reduce_min3A_465, %reduce_min3A_439 : vector<4xi1>, vector<4xi32>
      %broadcast_in_dim3A_467 = vector.shape_cast %select_n3A_466 : vector<4xi32> to vector<4x1x1xi32>
      %eq3A_468 = vector.broadcast %broadcast_in_dim3A_467 : vector<4x1x1xi32> to vector<4x8x2560xi32>
      %eq3A_469 = arith.cmpi eq, %add3A, %eq3A_468 : vector<4x8x2560xi32>
      %jit3A_470 = arith.constant 0.000000e+00 : f32
      %broadcast_in_dim3A_471 = vector.broadcast %jit3A_470 : f32 to vector<4x8x2560xf32>
      %select_n3A_472 = arith.select %eq3A_469, %get3A_16, %broadcast_in_dim3A_471 : vector<4x8x2560xi1>, vector<4x8x2560xf32>
      %reduce_sum3A_473 = arith.constant dense<0.000000e+00> : vector<4xf32>
      %reduce_sum3A_474 = vector.multi_reduction <add>, %select_n3A_472, %reduce_sum3A_473 [1, 2] : vector<4x8x2560xf32> to vector<4xf32>
      %jit3A_475 = arith.constant 0.000000e+00 : f32
      %broadcast_in_dim3A_476 = vector.broadcast %jit3A_475 : f32 to vector<4x8x2560xf32>
      %select_n3A_477 = arith.select %eq3A_469, %get3A_22, %broadcast_in_dim3A_476 : vector<4x8x2560xi1>, vector<4x8x2560xf32>
      %reduce_sum3A_478 = arith.constant dense<0.000000e+00> : vector<4xf32>
      %reduce_sum3A_479 = vector.multi_reduction <add>, %select_n3A_477, %reduce_sum3A_478 [1, 2] : vector<4x8x2560xf32> to vector<4xf32>
      %jit3A_480 = arith.constant 0.000000e+00 : f32
      %broadcast_in_dim3A_481 = vector.broadcast %jit3A_480 : f32 to vector<4x8x2560xf32>
      %select_n3A_482 = arith.select %eq3A_469, %get3A_28, %broadcast_in_dim3A_481 : vector<4x8x2560xi1>, vector<4x8x2560xf32>
      %reduce_sum3A_483 = arith.constant dense<0.000000e+00> : vector<4xf32>
      %reduce_sum3A_484 = vector.multi_reduction <add>, %select_n3A_482, %reduce_sum3A_483 [1, 2] : vector<4x8x2560xf32> to vector<4xf32>
      %jit3A_485 = arith.constant 0.000000e+00 : f32
      %broadcast_in_dim3A_486 = vector.broadcast %jit3A_485 : f32 to vector<4x8x2560xf32>
      %select_n3A_487 = arith.select %eq3A_469, %get3A_34, %broadcast_in_dim3A_486 : vector<4x8x2560xi1>, vector<4x8x2560xf32>
      %reduce_sum3A_488 = arith.constant dense<0.000000e+00> : vector<4xf32>
      %reduce_sum3A_489 = vector.multi_reduction <add>, %select_n3A_487, %reduce_sum3A_488 [1, 2] : vector<4x8x2560xf32> to vector<4xf32>
      %jit3A_490 = arith.constant 0.000000e+00 : f32
      %broadcast_in_dim3A_491 = vector.broadcast %jit3A_490 : f32 to vector<4x8x2560xf32>
      %select_n3A_492 = arith.select %eq3A_469, %select_n3A_355, %broadcast_in_dim3A_491 : vector<4x8x2560xi1>, vector<4x8x2560xf32>
      %reduce_sum3A_493 = arith.constant dense<0.000000e+00> : vector<4xf32>
      %reduce_sum3A_494 = vector.multi_reduction <add>, %select_n3A_492, %reduce_sum3A_493 [1, 2] : vector<4x8x2560xf32> to vector<4xf32>
      %select_n3A_495 = arith.select %gt3A_457, %reduce_max3A_454, %reduce_max3A_432 : vector<4xi1>, vector<4xf32>
      %mul3A_496 = arith.mulf %reduce_sum3A_494, %add3A_417 : vector<4xf32>
      %add3A_497 = arith.addf %reduce_sum3A_474, %mul3A_496 : vector<4xf32>
      %broadcast_in_dim3A_498 = vector.shape_cast %add3A_497 : vector<4xf32> to vector<4x1x1xf32>
      %max3A_499 = vector.broadcast %broadcast_in_dim3A_498 : vector<4x1x1xf32> to vector<4x8x2560xf32>
      %max3A_500 = arith.maximumf %max3A_499, %add3A_421 : vector<4x8x2560xf32>
      %add3A_501 = arith.addf %reduce_sum3A_479, %mul3A_496 : vector<4xf32>
      %broadcast_in_dim3A_502 = vector.shape_cast %add3A_501 : vector<4xf32> to vector<4x1x1xf32>
      %max3A_503 = vector.broadcast %broadcast_in_dim3A_502 : vector<4x1x1xf32> to vector<4x8x2560xf32>
      %max3A_504 = arith.maximumf %max3A_503, %add3A_422 : vector<4x8x2560xf32>
      %add3A_505 = arith.addf %reduce_sum3A_484, %mul3A_496 : vector<4xf32>
      %broadcast_in_dim3A_506 = vector.shape_cast %add3A_505 : vector<4xf32> to vector<4x1x1xf32>
      %min3A = vector.broadcast %broadcast_in_dim3A_506 : vector<4x1x1xf32> to vector<4x8x2560xf32>
      %min3A_507 = arith.minimumf %min3A, %add3A_423 : vector<4x8x2560xf32>
      %add3A_508 = arith.addf %reduce_sum3A_489, %mul3A_496 : vector<4xf32>
      %broadcast_in_dim3A_509 = vector.shape_cast %add3A_508 : vector<4xf32> to vector<4x1x1xf32>
      %min3A_510 = vector.broadcast %broadcast_in_dim3A_509 : vector<4x1x1xf32> to vector<4x8x2560xf32>
      %min3A_511 = arith.minimumf %min3A_510, %add3A_424 : vector<4x8x2560xf32>
      %sub3A_512 = arith.subf %min3A_507, %max3A_500 : vector<4x8x2560xf32>
      %max3A_513 = arith.constant 0.000000e+00 : f32
      %max3A_514 = vector.broadcast %max3A_513 : f32 to vector<4x8x2560xf32>
      %max3A_515 = arith.maximumf %sub3A_512, %max3A_514 : vector<4x8x2560xf32>
      %sub3A_516 = arith.subf %min3A_511, %max3A_504 : vector<4x8x2560xf32>
      %max3A_517 = arith.constant 0.000000e+00 : f32
      %max3A_518 = vector.broadcast %max3A_517 : f32 to vector<4x8x2560xf32>
      %max3A_519 = arith.maximumf %sub3A_516, %max3A_518 : vector<4x8x2560xf32>
      %mul3A_520 = arith.mulf %max3A_515, %max3A_519 : vector<4x8x2560xf32>
      %sub3A_521 = arith.subf %reduce_sum3A_484, %reduce_sum3A_474 : vector<4xf32>
      %sub3A_522 = arith.subf %reduce_sum3A_489, %reduce_sum3A_479 : vector<4xf32>
      %mul3A_523 = arith.mulf %sub3A_521, %sub3A_522 : vector<4xf32>
      %broadcast_in_dim3A_524 = vector.shape_cast %mul3A_523 : vector<4xf32> to vector<4x1x1xf32>
      %add3A_525 = vector.broadcast %broadcast_in_dim3A_524 : vector<4x1x1xf32> to vector<4x8x2560xf32>
      %add3A_526 = arith.addf %add3A_525, %mul3A_427 : vector<4x8x2560xf32>
      %sub3A_527 = arith.subf %add3A_526, %mul3A_520 : vector<4x8x2560xf32>
      %add3A_528 = arith.constant 9.99999971E-10 : f32
      %add3A_529 = vector.broadcast %add3A_528 : f32 to vector<4x8x2560xf32>
      %add3A_530 = arith.addf %sub3A_527, %add3A_529 : vector<4x8x2560xf32>
      %div3A = arith.divf %mul3A_520, %add3A_530 : vector<4x8x2560xf32>
      %gt3A_531 = arith.constant 7.500000e-01 : f32
      %gt3A_532 = vector.broadcast %gt3A_531 : f32 to vector<4x8x2560xf32>
      %gt3A_533 = arith.cmpf ogt, %div3A, %gt3A_532 : vector<4x8x2560xf32>
      %or3A_534 = arith.ori %gt3A_533, %eq3A_469 : vector<4x8x2560xi1>
      %broadcast_in_dim3A_535 = vector.shape_cast %gt3A_457 : vector<4xi1> to vector<4x1x1xi1>
      %and3A_536 = vector.broadcast %broadcast_in_dim3A_535 : vector<4x1x1xi1> to vector<4x8x2560xi1>
      %and3A_537 = arith.andi %or3A_534, %and3A_536 : vector<4x8x2560xi1>
      %jit3A_538 = arith.constant 0xFF800000 : f32
      %broadcast_in_dim3A_539 = vector.broadcast %jit3A_538 : f32 to vector<4x8x2560xf32>
      %select_n3A_540 = arith.select %and3A_537, %broadcast_in_dim3A_539, %select_n3A_430 : vector<4x8x2560xi1>, vector<4x8x2560xf32>
      %eq3A_541 = arith.constant 0 : i32
      %eq3A_542 = vector.broadcast %eq3A_541 : i32 to vector<4x64xi32>
      %eq3A_543 = arith.cmpi eq, %iota3A_440, %eq3A_542 : vector<4x64xi32>
      %broadcast_in_dim3A_544 = vector.shape_cast %select_n3A_466 : vector<4xi32> to vector<4x1xi32>
      %broadcast_in_dim3A_545 = vector.shape_cast %broadcast_in_dim3A_544 : vector<4x1xi32> to vector<4x1xi32>
      %broadcast_in_dim3A_546 = vector.broadcast %broadcast_in_dim3A_545 : vector<4x1xi32> to vector<4x64xi32>
      %select_n3A_547 = arith.select %eq3A_543, %broadcast_in_dim3A_546, %broadcast_in_dim3A_442 : vector<4x64xi1>, vector<4x64xi32>
      %broadcast_in_dim3A_548 = vector.shape_cast %select_n3A_495 : vector<4xf32> to vector<4x1xf32>
      %broadcast_in_dim3A_549 = vector.shape_cast %broadcast_in_dim3A_548 : vector<4x1xf32> to vector<4x1xf32>
      %broadcast_in_dim3A_550 = vector.broadcast %broadcast_in_dim3A_549 : vector<4x1xf32> to vector<4x64xf32>
      %select_n3A_551 = arith.select %eq3A_543, %broadcast_in_dim3A_550, %broadcast_in_dim3A_444 : vector<4x64xi1>, vector<4x64xf32>
      %broadcast_in_dim3A_552 = vector.shape_cast %reduce_sum3A_474 : vector<4xf32> to vector<4x1xf32>
      %broadcast_in_dim3A_553 = vector.shape_cast %broadcast_in_dim3A_552 : vector<4x1xf32> to vector<4x1xf32>
      %broadcast_in_dim3A_554 = vector.broadcast %broadcast_in_dim3A_553 : vector<4x1xf32> to vector<4x64xf32>
      %select_n3A_555 = arith.select %eq3A_543, %broadcast_in_dim3A_554, %broadcast_in_dim3A_446 : vector<4x64xi1>, vector<4x64xf32>
      %broadcast_in_dim3A_556 = vector.shape_cast %reduce_sum3A_479 : vector<4xf32> to vector<4x1xf32>
      %broadcast_in_dim3A_557 = vector.shape_cast %broadcast_in_dim3A_556 : vector<4x1xf32> to vector<4x1xf32>
      %broadcast_in_dim3A_558 = vector.broadcast %broadcast_in_dim3A_557 : vector<4x1xf32> to vector<4x64xf32>
      %select_n3A_559 = arith.select %eq3A_543, %broadcast_in_dim3A_558, %broadcast_in_dim3A_448 : vector<4x64xi1>, vector<4x64xf32>
      %broadcast_in_dim3A_560 = vector.shape_cast %reduce_sum3A_484 : vector<4xf32> to vector<4x1xf32>
      %broadcast_in_dim3A_561 = vector.shape_cast %broadcast_in_dim3A_560 : vector<4x1xf32> to vector<4x1xf32>
      %broadcast_in_dim3A_562 = vector.broadcast %broadcast_in_dim3A_561 : vector<4x1xf32> to vector<4x64xf32>
      %select_n3A_563 = arith.select %eq3A_543, %broadcast_in_dim3A_562, %broadcast_in_dim3A_450 : vector<4x64xi1>, vector<4x64xf32>
      %broadcast_in_dim3A_564 = vector.shape_cast %reduce_sum3A_489 : vector<4xf32> to vector<4x1xf32>
      %broadcast_in_dim3A_565 = vector.shape_cast %broadcast_in_dim3A_564 : vector<4x1xf32> to vector<4x1xf32>
      %broadcast_in_dim3A_566 = vector.broadcast %broadcast_in_dim3A_565 : vector<4x1xf32> to vector<4x64xf32>
      %select_n3A_567 = arith.select %eq3A_543, %broadcast_in_dim3A_566, %broadcast_in_dim3A_452 : vector<4x64xi1>, vector<4x64xf32>
      %reduce_max3A_568 = arith.constant dense<0xFF800000> : vector<4xf32>
      %reduce_max3A_569 = vector.multi_reduction <maximumf>, %select_n3A_540, %reduce_max3A_568 [1, 2] : vector<4x8x2560xf32> to vector<4xf32>
      %gt3A_570 = arith.constant 0xFF800000 : f32
      %gt3A_571 = vector.broadcast %gt3A_570 : f32 to vector<4xf32>
      %gt3A_572 = arith.cmpf ogt, %reduce_max3A_569, %gt3A_571 : vector<4xf32>
      %broadcast_in_dim3A_573 = vector.shape_cast %reduce_max3A_569 : vector<4xf32> to vector<4x1x1xf32>
      %eq3A_574 = vector.broadcast %broadcast_in_dim3A_573 : vector<4x1x1xf32> to vector<4x8x2560xf32>
      %eq3A_575 = arith.cmpf oeq, %select_n3A_540, %eq3A_574 : vector<4x8x2560xf32>
      %jit3A_576 = arith.constant 1073741824 : i32
      %broadcast_in_dim3A_577 = vector.broadcast %jit3A_576 : i32 to vector<4x8x2560xi32>
      %select_n3A_578 = arith.select %eq3A_575, %add3A, %broadcast_in_dim3A_577 : vector<4x8x2560xi1>, vector<4x8x2560xi32>
      %reduce_min3A_579 = arith.constant dense<2147483647> : vector<4xi32>
      %reduce_min3A_580 = vector.multi_reduction <minsi>, %select_n3A_578, %reduce_min3A_579 [1, 2] : vector<4x8x2560xi32> to vector<4xi32>
      %select_n3A_581 = arith.select %gt3A_572, %reduce_min3A_580, %reduce_min3A_439 : vector<4xi1>, vector<4xi32>
      %broadcast_in_dim3A_582 = vector.shape_cast %select_n3A_581 : vector<4xi32> to vector<4x1x1xi32>
      %eq3A_583 = vector.broadcast %broadcast_in_dim3A_582 : vector<4x1x1xi32> to vector<4x8x2560xi32>
      %eq3A_584 = arith.cmpi eq, %add3A, %eq3A_583 : vector<4x8x2560xi32>
      %jit3A_585 = arith.constant 0.000000e+00 : f32
      %broadcast_in_dim3A_586 = vector.broadcast %jit3A_585 : f32 to vector<4x8x2560xf32>
      %select_n3A_587 = arith.select %eq3A_584, %get3A_16, %broadcast_in_dim3A_586 : vector<4x8x2560xi1>, vector<4x8x2560xf32>
      %reduce_sum3A_588 = arith.constant dense<0.000000e+00> : vector<4xf32>
      %reduce_sum3A_589 = vector.multi_reduction <add>, %select_n3A_587, %reduce_sum3A_588 [1, 2] : vector<4x8x2560xf32> to vector<4xf32>
      %jit3A_590 = arith.constant 0.000000e+00 : f32
      %broadcast_in_dim3A_591 = vector.broadcast %jit3A_590 : f32 to vector<4x8x2560xf32>
      %select_n3A_592 = arith.select %eq3A_584, %get3A_22, %broadcast_in_dim3A_591 : vector<4x8x2560xi1>, vector<4x8x2560xf32>
      %reduce_sum3A_593 = arith.constant dense<0.000000e+00> : vector<4xf32>
      %reduce_sum3A_594 = vector.multi_reduction <add>, %select_n3A_592, %reduce_sum3A_593 [1, 2] : vector<4x8x2560xf32> to vector<4xf32>
      %jit3A_595 = arith.constant 0.000000e+00 : f32
      %broadcast_in_dim3A_596 = vector.broadcast %jit3A_595 : f32 to vector<4x8x2560xf32>
      %select_n3A_597 = arith.select %eq3A_584, %get3A_28, %broadcast_in_dim3A_596 : vector<4x8x2560xi1>, vector<4x8x2560xf32>
      %reduce_sum3A_598 = arith.constant dense<0.000000e+00> : vector<4xf32>
      %reduce_sum3A_599 = vector.multi_reduction <add>, %select_n3A_597, %reduce_sum3A_598 [1, 2] : vector<4x8x2560xf32> to vector<4xf32>
      %jit3A_600 = arith.constant 0.000000e+00 : f32
      %broadcast_in_dim3A_601 = vector.broadcast %jit3A_600 : f32 to vector<4x8x2560xf32>
      %select_n3A_602 = arith.select %eq3A_584, %get3A_34, %broadcast_in_dim3A_601 : vector<4x8x2560xi1>, vector<4x8x2560xf32>
      %reduce_sum3A_603 = arith.constant dense<0.000000e+00> : vector<4xf32>
      %reduce_sum3A_604 = vector.multi_reduction <add>, %select_n3A_602, %reduce_sum3A_603 [1, 2] : vector<4x8x2560xf32> to vector<4xf32>
      %jit3A_605 = arith.constant 0.000000e+00 : f32
      %broadcast_in_dim3A_606 = vector.broadcast %jit3A_605 : f32 to vector<4x8x2560xf32>
      %select_n3A_607 = arith.select %eq3A_584, %select_n3A_355, %broadcast_in_dim3A_606 : vector<4x8x2560xi1>, vector<4x8x2560xf32>
      %reduce_sum3A_608 = arith.constant dense<0.000000e+00> : vector<4xf32>
      %reduce_sum3A_609 = vector.multi_reduction <add>, %select_n3A_607, %reduce_sum3A_608 [1, 2] : vector<4x8x2560xf32> to vector<4xf32>
      %select_n3A_610 = arith.select %gt3A_572, %reduce_max3A_569, %reduce_max3A_432 : vector<4xi1>, vector<4xf32>
      %mul3A_611 = arith.mulf %reduce_sum3A_609, %add3A_417 : vector<4xf32>
      %add3A_612 = arith.addf %reduce_sum3A_589, %mul3A_611 : vector<4xf32>
      %broadcast_in_dim3A_613 = vector.shape_cast %add3A_612 : vector<4xf32> to vector<4x1x1xf32>
      %max3A_614 = vector.broadcast %broadcast_in_dim3A_613 : vector<4x1x1xf32> to vector<4x8x2560xf32>
      %max3A_615 = arith.maximumf %max3A_614, %add3A_421 : vector<4x8x2560xf32>
      %add3A_616 = arith.addf %reduce_sum3A_594, %mul3A_611 : vector<4xf32>
      %broadcast_in_dim3A_617 = vector.shape_cast %add3A_616 : vector<4xf32> to vector<4x1x1xf32>
      %max3A_618 = vector.broadcast %broadcast_in_dim3A_617 : vector<4x1x1xf32> to vector<4x8x2560xf32>
      %max3A_619 = arith.maximumf %max3A_618, %add3A_422 : vector<4x8x2560xf32>
      %add3A_620 = arith.addf %reduce_sum3A_599, %mul3A_611 : vector<4xf32>
      %broadcast_in_dim3A_621 = vector.shape_cast %add3A_620 : vector<4xf32> to vector<4x1x1xf32>
      %min3A_622 = vector.broadcast %broadcast_in_dim3A_621 : vector<4x1x1xf32> to vector<4x8x2560xf32>
      %min3A_623 = arith.minimumf %min3A_622, %add3A_423 : vector<4x8x2560xf32>
      %add3A_624 = arith.addf %reduce_sum3A_604, %mul3A_611 : vector<4xf32>
      %broadcast_in_dim3A_625 = vector.shape_cast %add3A_624 : vector<4xf32> to vector<4x1x1xf32>
      %min3A_626 = vector.broadcast %broadcast_in_dim3A_625 : vector<4x1x1xf32> to vector<4x8x2560xf32>
      %min3A_627 = arith.minimumf %min3A_626, %add3A_424 : vector<4x8x2560xf32>
      %sub3A_628 = arith.subf %min3A_623, %max3A_615 : vector<4x8x2560xf32>
      %max3A_629 = arith.constant 0.000000e+00 : f32
      %max3A_630 = vector.broadcast %max3A_629 : f32 to vector<4x8x2560xf32>
      %max3A_631 = arith.maximumf %sub3A_628, %max3A_630 : vector<4x8x2560xf32>
      %sub3A_632 = arith.subf %min3A_627, %max3A_619 : vector<4x8x2560xf32>
      %max3A_633 = arith.constant 0.000000e+00 : f32
      %max3A_634 = vector.broadcast %max3A_633 : f32 to vector<4x8x2560xf32>
      %max3A_635 = arith.maximumf %sub3A_632, %max3A_634 : vector<4x8x2560xf32>
      %mul3A_636 = arith.mulf %max3A_631, %max3A_635 : vector<4x8x2560xf32>
      %sub3A_637 = arith.subf %reduce_sum3A_599, %reduce_sum3A_589 : vector<4xf32>
      %sub3A_638 = arith.subf %reduce_sum3A_604, %reduce_sum3A_594 : vector<4xf32>
      %mul3A_639 = arith.mulf %sub3A_637, %sub3A_638 : vector<4xf32>
      %broadcast_in_dim3A_640 = vector.shape_cast %mul3A_639 : vector<4xf32> to vector<4x1x1xf32>
      %add3A_641 = vector.broadcast %broadcast_in_dim3A_640 : vector<4x1x1xf32> to vector<4x8x2560xf32>
      %add3A_642 = arith.addf %add3A_641, %mul3A_427 : vector<4x8x2560xf32>
      %sub3A_643 = arith.subf %add3A_642, %mul3A_636 : vector<4x8x2560xf32>
      %add3A_644 = arith.constant 9.99999971E-10 : f32
      %add3A_645 = vector.broadcast %add3A_644 : f32 to vector<4x8x2560xf32>
      %add3A_646 = arith.addf %sub3A_643, %add3A_645 : vector<4x8x2560xf32>
      %div3A_647 = arith.divf %mul3A_636, %add3A_646 : vector<4x8x2560xf32>
      %gt3A_648 = arith.constant 7.500000e-01 : f32
      %gt3A_649 = vector.broadcast %gt3A_648 : f32 to vector<4x8x2560xf32>
      %gt3A_650 = arith.cmpf ogt, %div3A_647, %gt3A_649 : vector<4x8x2560xf32>
      %or3A_651 = arith.ori %gt3A_650, %eq3A_584 : vector<4x8x2560xi1>
      %broadcast_in_dim3A_652 = vector.shape_cast %gt3A_572 : vector<4xi1> to vector<4x1x1xi1>
      %and3A_653 = vector.broadcast %broadcast_in_dim3A_652 : vector<4x1x1xi1> to vector<4x8x2560xi1>
      %and3A_654 = arith.andi %or3A_651, %and3A_653 : vector<4x8x2560xi1>
      %jit3A_655 = arith.constant 0xFF800000 : f32
      %broadcast_in_dim3A_656 = vector.broadcast %jit3A_655 : f32 to vector<4x8x2560xf32>
      %select_n3A_657 = arith.select %and3A_654, %broadcast_in_dim3A_656, %select_n3A_540 : vector<4x8x2560xi1>, vector<4x8x2560xf32>
      %eq3A_658 = arith.constant 1 : i32
      %eq3A_659 = vector.broadcast %eq3A_658 : i32 to vector<4x64xi32>
      %eq3A_660 = arith.cmpi eq, %iota3A_440, %eq3A_659 : vector<4x64xi32>
      %broadcast_in_dim3A_661 = vector.shape_cast %select_n3A_581 : vector<4xi32> to vector<4x1xi32>
      %broadcast_in_dim3A_662 = vector.shape_cast %broadcast_in_dim3A_661 : vector<4x1xi32> to vector<4x1xi32>
      %broadcast_in_dim3A_663 = vector.broadcast %broadcast_in_dim3A_662 : vector<4x1xi32> to vector<4x64xi32>
      %select_n3A_664 = arith.select %eq3A_660, %broadcast_in_dim3A_663, %select_n3A_547 : vector<4x64xi1>, vector<4x64xi32>
      %broadcast_in_dim3A_665 = vector.shape_cast %select_n3A_610 : vector<4xf32> to vector<4x1xf32>
      %broadcast_in_dim3A_666 = vector.shape_cast %broadcast_in_dim3A_665 : vector<4x1xf32> to vector<4x1xf32>
      %broadcast_in_dim3A_667 = vector.broadcast %broadcast_in_dim3A_666 : vector<4x1xf32> to vector<4x64xf32>
      %select_n3A_668 = arith.select %eq3A_660, %broadcast_in_dim3A_667, %select_n3A_551 : vector<4x64xi1>, vector<4x64xf32>
      %broadcast_in_dim3A_669 = vector.shape_cast %reduce_sum3A_589 : vector<4xf32> to vector<4x1xf32>
      %broadcast_in_dim3A_670 = vector.shape_cast %broadcast_in_dim3A_669 : vector<4x1xf32> to vector<4x1xf32>
      %broadcast_in_dim3A_671 = vector.broadcast %broadcast_in_dim3A_670 : vector<4x1xf32> to vector<4x64xf32>
      %select_n3A_672 = arith.select %eq3A_660, %broadcast_in_dim3A_671, %select_n3A_555 : vector<4x64xi1>, vector<4x64xf32>
      %broadcast_in_dim3A_673 = vector.shape_cast %reduce_sum3A_594 : vector<4xf32> to vector<4x1xf32>
      %broadcast_in_dim3A_674 = vector.shape_cast %broadcast_in_dim3A_673 : vector<4x1xf32> to vector<4x1xf32>
      %broadcast_in_dim3A_675 = vector.broadcast %broadcast_in_dim3A_674 : vector<4x1xf32> to vector<4x64xf32>
      %select_n3A_676 = arith.select %eq3A_660, %broadcast_in_dim3A_675, %select_n3A_559 : vector<4x64xi1>, vector<4x64xf32>
      %broadcast_in_dim3A_677 = vector.shape_cast %reduce_sum3A_599 : vector<4xf32> to vector<4x1xf32>
      %broadcast_in_dim3A_678 = vector.shape_cast %broadcast_in_dim3A_677 : vector<4x1xf32> to vector<4x1xf32>
      %broadcast_in_dim3A_679 = vector.broadcast %broadcast_in_dim3A_678 : vector<4x1xf32> to vector<4x64xf32>
      %select_n3A_680 = arith.select %eq3A_660, %broadcast_in_dim3A_679, %select_n3A_563 : vector<4x64xi1>, vector<4x64xf32>
      %broadcast_in_dim3A_681 = vector.shape_cast %reduce_sum3A_604 : vector<4xf32> to vector<4x1xf32>
      %broadcast_in_dim3A_682 = vector.shape_cast %broadcast_in_dim3A_681 : vector<4x1xf32> to vector<4x1xf32>
      %broadcast_in_dim3A_683 = vector.broadcast %broadcast_in_dim3A_682 : vector<4x1xf32> to vector<4x64xf32>
      %select_n3A_684 = arith.select %eq3A_660, %broadcast_in_dim3A_683, %select_n3A_567 : vector<4x64xi1>, vector<4x64xf32>
      %reduce_max3A_685 = arith.constant dense<0xFF800000> : vector<4xf32>
      %reduce_max3A_686 = vector.multi_reduction <maximumf>, %select_n3A_657, %reduce_max3A_685 [1, 2] : vector<4x8x2560xf32> to vector<4xf32>
      %gt3A_687 = arith.constant 0xFF800000 : f32
      %gt3A_688 = vector.broadcast %gt3A_687 : f32 to vector<4xf32>
      %gt3A_689 = arith.cmpf ogt, %reduce_max3A_686, %gt3A_688 : vector<4xf32>
      %broadcast_in_dim3A_690 = vector.shape_cast %reduce_max3A_686 : vector<4xf32> to vector<4x1x1xf32>
      %eq3A_691 = vector.broadcast %broadcast_in_dim3A_690 : vector<4x1x1xf32> to vector<4x8x2560xf32>
      %eq3A_692 = arith.cmpf oeq, %select_n3A_657, %eq3A_691 : vector<4x8x2560xf32>
      %jit3A_693 = arith.constant 1073741824 : i32
      %broadcast_in_dim3A_694 = vector.broadcast %jit3A_693 : i32 to vector<4x8x2560xi32>
      %select_n3A_695 = arith.select %eq3A_692, %add3A, %broadcast_in_dim3A_694 : vector<4x8x2560xi1>, vector<4x8x2560xi32>
      %reduce_min3A_696 = arith.constant dense<2147483647> : vector<4xi32>
      %reduce_min3A_697 = vector.multi_reduction <minsi>, %select_n3A_695, %reduce_min3A_696 [1, 2] : vector<4x8x2560xi32> to vector<4xi32>
      %select_n3A_698 = arith.select %gt3A_689, %reduce_min3A_697, %reduce_min3A_439 : vector<4xi1>, vector<4xi32>
      %broadcast_in_dim3A_699 = vector.shape_cast %select_n3A_698 : vector<4xi32> to vector<4x1x1xi32>
      %eq3A_700 = vector.broadcast %broadcast_in_dim3A_699 : vector<4x1x1xi32> to vector<4x8x2560xi32>
      %eq3A_701 = arith.cmpi eq, %add3A, %eq3A_700 : vector<4x8x2560xi32>
      %jit3A_702 = arith.constant 0.000000e+00 : f32
      %broadcast_in_dim3A_703 = vector.broadcast %jit3A_702 : f32 to vector<4x8x2560xf32>
      %select_n3A_704 = arith.select %eq3A_701, %get3A_16, %broadcast_in_dim3A_703 : vector<4x8x2560xi1>, vector<4x8x2560xf32>
      %reduce_sum3A_705 = arith.constant dense<0.000000e+00> : vector<4xf32>
      %reduce_sum3A_706 = vector.multi_reduction <add>, %select_n3A_704, %reduce_sum3A_705 [1, 2] : vector<4x8x2560xf32> to vector<4xf32>
      %jit3A_707 = arith.constant 0.000000e+00 : f32
      %broadcast_in_dim3A_708 = vector.broadcast %jit3A_707 : f32 to vector<4x8x2560xf32>
      %select_n3A_709 = arith.select %eq3A_701, %get3A_22, %broadcast_in_dim3A_708 : vector<4x8x2560xi1>, vector<4x8x2560xf32>
      %reduce_sum3A_710 = arith.constant dense<0.000000e+00> : vector<4xf32>
      %reduce_sum3A_711 = vector.multi_reduction <add>, %select_n3A_709, %reduce_sum3A_710 [1, 2] : vector<4x8x2560xf32> to vector<4xf32>
      %jit3A_712 = arith.constant 0.000000e+00 : f32
      %broadcast_in_dim3A_713 = vector.broadcast %jit3A_712 : f32 to vector<4x8x2560xf32>
      %select_n3A_714 = arith.select %eq3A_701, %get3A_28, %broadcast_in_dim3A_713 : vector<4x8x2560xi1>, vector<4x8x2560xf32>
      %reduce_sum3A_715 = arith.constant dense<0.000000e+00> : vector<4xf32>
      %reduce_sum3A_716 = vector.multi_reduction <add>, %select_n3A_714, %reduce_sum3A_715 [1, 2] : vector<4x8x2560xf32> to vector<4xf32>
      %jit3A_717 = arith.constant 0.000000e+00 : f32
      %broadcast_in_dim3A_718 = vector.broadcast %jit3A_717 : f32 to vector<4x8x2560xf32>
      %select_n3A_719 = arith.select %eq3A_701, %get3A_34, %broadcast_in_dim3A_718 : vector<4x8x2560xi1>, vector<4x8x2560xf32>
      %reduce_sum3A_720 = arith.constant dense<0.000000e+00> : vector<4xf32>
      %reduce_sum3A_721 = vector.multi_reduction <add>, %select_n3A_719, %reduce_sum3A_720 [1, 2] : vector<4x8x2560xf32> to vector<4xf32>
      %jit3A_722 = arith.constant 0.000000e+00 : f32
      %broadcast_in_dim3A_723 = vector.broadcast %jit3A_722 : f32 to vector<4x8x2560xf32>
      %select_n3A_724 = arith.select %eq3A_701, %select_n3A_355, %broadcast_in_dim3A_723 : vector<4x8x2560xi1>, vector<4x8x2560xf32>
      %reduce_sum3A_725 = arith.constant dense<0.000000e+00> : vector<4xf32>
      %reduce_sum3A_726 = vector.multi_reduction <add>, %select_n3A_724, %reduce_sum3A_725 [1, 2] : vector<4x8x2560xf32> to vector<4xf32>
      %select_n3A_727 = arith.select %gt3A_689, %reduce_max3A_686, %reduce_max3A_432 : vector<4xi1>, vector<4xf32>
      %mul3A_728 = arith.mulf %reduce_sum3A_726, %add3A_417 : vector<4xf32>
      %add3A_729 = arith.addf %reduce_sum3A_706, %mul3A_728 : vector<4xf32>
      %broadcast_in_dim3A_730 = vector.shape_cast %add3A_729 : vector<4xf32> to vector<4x1x1xf32>
      %max3A_731 = vector.broadcast %broadcast_in_dim3A_730 : vector<4x1x1xf32> to vector<4x8x2560xf32>
      %max3A_732 = arith.maximumf %max3A_731, %add3A_421 : vector<4x8x2560xf32>
      %add3A_733 = arith.addf %reduce_sum3A_711, %mul3A_728 : vector<4xf32>
      %broadcast_in_dim3A_734 = vector.shape_cast %add3A_733 : vector<4xf32> to vector<4x1x1xf32>
      %max3A_735 = vector.broadcast %broadcast_in_dim3A_734 : vector<4x1x1xf32> to vector<4x8x2560xf32>
      %max3A_736 = arith.maximumf %max3A_735, %add3A_422 : vector<4x8x2560xf32>
      %add3A_737 = arith.addf %reduce_sum3A_716, %mul3A_728 : vector<4xf32>
      %broadcast_in_dim3A_738 = vector.shape_cast %add3A_737 : vector<4xf32> to vector<4x1x1xf32>
      %min3A_739 = vector.broadcast %broadcast_in_dim3A_738 : vector<4x1x1xf32> to vector<4x8x2560xf32>
      %min3A_740 = arith.minimumf %min3A_739, %add3A_423 : vector<4x8x2560xf32>
      %add3A_741 = arith.addf %reduce_sum3A_721, %mul3A_728 : vector<4xf32>
      %broadcast_in_dim3A_742 = vector.shape_cast %add3A_741 : vector<4xf32> to vector<4x1x1xf32>
      %min3A_743 = vector.broadcast %broadcast_in_dim3A_742 : vector<4x1x1xf32> to vector<4x8x2560xf32>
      %min3A_744 = arith.minimumf %min3A_743, %add3A_424 : vector<4x8x2560xf32>
      %sub3A_745 = arith.subf %min3A_740, %max3A_732 : vector<4x8x2560xf32>
      %max3A_746 = arith.constant 0.000000e+00 : f32
      %max3A_747 = vector.broadcast %max3A_746 : f32 to vector<4x8x2560xf32>
      %max3A_748 = arith.maximumf %sub3A_745, %max3A_747 : vector<4x8x2560xf32>
      %sub3A_749 = arith.subf %min3A_744, %max3A_736 : vector<4x8x2560xf32>
      %max3A_750 = arith.constant 0.000000e+00 : f32
      %max3A_751 = vector.broadcast %max3A_750 : f32 to vector<4x8x2560xf32>
      %max3A_752 = arith.maximumf %sub3A_749, %max3A_751 : vector<4x8x2560xf32>
      %mul3A_753 = arith.mulf %max3A_748, %max3A_752 : vector<4x8x2560xf32>
      %sub3A_754 = arith.subf %reduce_sum3A_716, %reduce_sum3A_706 : vector<4xf32>
      %sub3A_755 = arith.subf %reduce_sum3A_721, %reduce_sum3A_711 : vector<4xf32>
      %mul3A_756 = arith.mulf %sub3A_754, %sub3A_755 : vector<4xf32>
      %broadcast_in_dim3A_757 = vector.shape_cast %mul3A_756 : vector<4xf32> to vector<4x1x1xf32>
      %add3A_758 = vector.broadcast %broadcast_in_dim3A_757 : vector<4x1x1xf32> to vector<4x8x2560xf32>
      %add3A_759 = arith.addf %add3A_758, %mul3A_427 : vector<4x8x2560xf32>
      %sub3A_760 = arith.subf %add3A_759, %mul3A_753 : vector<4x8x2560xf32>
      %add3A_761 = arith.constant 9.99999971E-10 : f32
      %add3A_762 = vector.broadcast %add3A_761 : f32 to vector<4x8x2560xf32>
      %add3A_763 = arith.addf %sub3A_760, %add3A_762 : vector<4x8x2560xf32>
      %div3A_764 = arith.divf %mul3A_753, %add3A_763 : vector<4x8x2560xf32>
      %gt3A_765 = arith.constant 7.500000e-01 : f32
      %gt3A_766 = vector.broadcast %gt3A_765 : f32 to vector<4x8x2560xf32>
      %gt3A_767 = arith.cmpf ogt, %div3A_764, %gt3A_766 : vector<4x8x2560xf32>
      %or3A_768 = arith.ori %gt3A_767, %eq3A_701 : vector<4x8x2560xi1>
      %broadcast_in_dim3A_769 = vector.shape_cast %gt3A_689 : vector<4xi1> to vector<4x1x1xi1>
      %and3A_770 = vector.broadcast %broadcast_in_dim3A_769 : vector<4x1x1xi1> to vector<4x8x2560xi1>
      %and3A_771 = arith.andi %or3A_768, %and3A_770 : vector<4x8x2560xi1>
      %jit3A_772 = arith.constant 0xFF800000 : f32
      %broadcast_in_dim3A_773 = vector.broadcast %jit3A_772 : f32 to vector<4x8x2560xf32>
      %select_n3A_774 = arith.select %and3A_771, %broadcast_in_dim3A_773, %select_n3A_657 : vector<4x8x2560xi1>, vector<4x8x2560xf32>
      %eq3A_775 = arith.constant 2 : i32
      %eq3A_776 = vector.broadcast %eq3A_775 : i32 to vector<4x64xi32>
      %eq3A_777 = arith.cmpi eq, %iota3A_440, %eq3A_776 : vector<4x64xi32>
      %broadcast_in_dim3A_778 = vector.shape_cast %select_n3A_698 : vector<4xi32> to vector<4x1xi32>
      %broadcast_in_dim3A_779 = vector.shape_cast %broadcast_in_dim3A_778 : vector<4x1xi32> to vector<4x1xi32>
      %broadcast_in_dim3A_780 = vector.broadcast %broadcast_in_dim3A_779 : vector<4x1xi32> to vector<4x64xi32>
      %select_n3A_781 = arith.select %eq3A_777, %broadcast_in_dim3A_780, %select_n3A_664 : vector<4x64xi1>, vector<4x64xi32>
      %broadcast_in_dim3A_782 = vector.shape_cast %select_n3A_727 : vector<4xf32> to vector<4x1xf32>
      %broadcast_in_dim3A_783 = vector.shape_cast %broadcast_in_dim3A_782 : vector<4x1xf32> to vector<4x1xf32>
      %broadcast_in_dim3A_784 = vector.broadcast %broadcast_in_dim3A_783 : vector<4x1xf32> to vector<4x64xf32>
      %select_n3A_785 = arith.select %eq3A_777, %broadcast_in_dim3A_784, %select_n3A_668 : vector<4x64xi1>, vector<4x64xf32>
      %broadcast_in_dim3A_786 = vector.shape_cast %reduce_sum3A_706 : vector<4xf32> to vector<4x1xf32>
      %broadcast_in_dim3A_787 = vector.shape_cast %broadcast_in_dim3A_786 : vector<4x1xf32> to vector<4x1xf32>
      %broadcast_in_dim3A_788 = vector.broadcast %broadcast_in_dim3A_787 : vector<4x1xf32> to vector<4x64xf32>
      %select_n3A_789 = arith.select %eq3A_777, %broadcast_in_dim3A_788, %select_n3A_672 : vector<4x64xi1>, vector<4x64xf32>
      %broadcast_in_dim3A_790 = vector.shape_cast %reduce_sum3A_711 : vector<4xf32> to vector<4x1xf32>
      %broadcast_in_dim3A_791 = vector.shape_cast %broadcast_in_dim3A_790 : vector<4x1xf32> to vector<4x1xf32>
      %broadcast_in_dim3A_792 = vector.broadcast %broadcast_in_dim3A_791 : vector<4x1xf32> to vector<4x64xf32>
      %select_n3A_793 = arith.select %eq3A_777, %broadcast_in_dim3A_792, %select_n3A_676 : vector<4x64xi1>, vector<4x64xf32>
      %broadcast_in_dim3A_794 = vector.shape_cast %reduce_sum3A_716 : vector<4xf32> to vector<4x1xf32>
      %broadcast_in_dim3A_795 = vector.shape_cast %broadcast_in_dim3A_794 : vector<4x1xf32> to vector<4x1xf32>
      %broadcast_in_dim3A_796 = vector.broadcast %broadcast_in_dim3A_795 : vector<4x1xf32> to vector<4x64xf32>
      %select_n3A_797 = arith.select %eq3A_777, %broadcast_in_dim3A_796, %select_n3A_680 : vector<4x64xi1>, vector<4x64xf32>
      %broadcast_in_dim3A_798 = vector.shape_cast %reduce_sum3A_721 : vector<4xf32> to vector<4x1xf32>
      %broadcast_in_dim3A_799 = vector.shape_cast %broadcast_in_dim3A_798 : vector<4x1xf32> to vector<4x1xf32>
      %broadcast_in_dim3A_800 = vector.broadcast %broadcast_in_dim3A_799 : vector<4x1xf32> to vector<4x64xf32>
      %select_n3A_801 = arith.select %eq3A_777, %broadcast_in_dim3A_800, %select_n3A_684 : vector<4x64xi1>, vector<4x64xf32>
      %reduce_max3A_802 = arith.constant dense<0xFF800000> : vector<4xf32>
      %reduce_max3A_803 = vector.multi_reduction <maximumf>, %select_n3A_774, %reduce_max3A_802 [1, 2] : vector<4x8x2560xf32> to vector<4xf32>
      %gt3A_804 = arith.constant 0xFF800000 : f32
      %gt3A_805 = vector.broadcast %gt3A_804 : f32 to vector<4xf32>
      %gt3A_806 = arith.cmpf ogt, %reduce_max3A_803, %gt3A_805 : vector<4xf32>
      %broadcast_in_dim3A_807 = vector.shape_cast %reduce_max3A_803 : vector<4xf32> to vector<4x1x1xf32>
      %eq3A_808 = vector.broadcast %broadcast_in_dim3A_807 : vector<4x1x1xf32> to vector<4x8x2560xf32>
      %eq3A_809 = arith.cmpf oeq, %select_n3A_774, %eq3A_808 : vector<4x8x2560xf32>
      %jit3A_810 = arith.constant 1073741824 : i32
      %broadcast_in_dim3A_811 = vector.broadcast %jit3A_810 : i32 to vector<4x8x2560xi32>
      %select_n3A_812 = arith.select %eq3A_809, %add3A, %broadcast_in_dim3A_811 : vector<4x8x2560xi1>, vector<4x8x2560xi32>
      %reduce_min3A_813 = arith.constant dense<2147483647> : vector<4xi32>
      %reduce_min3A_814 = vector.multi_reduction <minsi>, %select_n3A_812, %reduce_min3A_813 [1, 2] : vector<4x8x2560xi32> to vector<4xi32>
      %select_n3A_815 = arith.select %gt3A_806, %reduce_min3A_814, %reduce_min3A_439 : vector<4xi1>, vector<4xi32>
      %broadcast_in_dim3A_816 = vector.shape_cast %select_n3A_815 : vector<4xi32> to vector<4x1x1xi32>
      %eq3A_817 = vector.broadcast %broadcast_in_dim3A_816 : vector<4x1x1xi32> to vector<4x8x2560xi32>
      %eq3A_818 = arith.cmpi eq, %add3A, %eq3A_817 : vector<4x8x2560xi32>
      %jit3A_819 = arith.constant 0.000000e+00 : f32
      %broadcast_in_dim3A_820 = vector.broadcast %jit3A_819 : f32 to vector<4x8x2560xf32>
      %select_n3A_821 = arith.select %eq3A_818, %get3A_16, %broadcast_in_dim3A_820 : vector<4x8x2560xi1>, vector<4x8x2560xf32>
      %reduce_sum3A_822 = arith.constant dense<0.000000e+00> : vector<4xf32>
      %reduce_sum3A_823 = vector.multi_reduction <add>, %select_n3A_821, %reduce_sum3A_822 [1, 2] : vector<4x8x2560xf32> to vector<4xf32>
      %jit3A_824 = arith.constant 0.000000e+00 : f32
      %broadcast_in_dim3A_825 = vector.broadcast %jit3A_824 : f32 to vector<4x8x2560xf32>
      %select_n3A_826 = arith.select %eq3A_818, %get3A_22, %broadcast_in_dim3A_825 : vector<4x8x2560xi1>, vector<4x8x2560xf32>
      %reduce_sum3A_827 = arith.constant dense<0.000000e+00> : vector<4xf32>
      %reduce_sum3A_828 = vector.multi_reduction <add>, %select_n3A_826, %reduce_sum3A_827 [1, 2] : vector<4x8x2560xf32> to vector<4xf32>
      %jit3A_829 = arith.constant 0.000000e+00 : f32
      %broadcast_in_dim3A_830 = vector.broadcast %jit3A_829 : f32 to vector<4x8x2560xf32>
      %select_n3A_831 = arith.select %eq3A_818, %get3A_28, %broadcast_in_dim3A_830 : vector<4x8x2560xi1>, vector<4x8x2560xf32>
      %reduce_sum3A_832 = arith.constant dense<0.000000e+00> : vector<4xf32>
      %reduce_sum3A_833 = vector.multi_reduction <add>, %select_n3A_831, %reduce_sum3A_832 [1, 2] : vector<4x8x2560xf32> to vector<4xf32>
      %jit3A_834 = arith.constant 0.000000e+00 : f32
      %broadcast_in_dim3A_835 = vector.broadcast %jit3A_834 : f32 to vector<4x8x2560xf32>
      %select_n3A_836 = arith.select %eq3A_818, %get3A_34, %broadcast_in_dim3A_835 : vector<4x8x2560xi1>, vector<4x8x2560xf32>
      %reduce_sum3A_837 = arith.constant dense<0.000000e+00> : vector<4xf32>
      %reduce_sum3A_838 = vector.multi_reduction <add>, %select_n3A_836, %reduce_sum3A_837 [1, 2] : vector<4x8x2560xf32> to vector<4xf32>
      %jit3A_839 = arith.constant 0.000000e+00 : f32
      %broadcast_in_dim3A_840 = vector.broadcast %jit3A_839 : f32 to vector<4x8x2560xf32>
      %select_n3A_841 = arith.select %eq3A_818, %select_n3A_355, %broadcast_in_dim3A_840 : vector<4x8x2560xi1>, vector<4x8x2560xf32>
      %reduce_sum3A_842 = arith.constant dense<0.000000e+00> : vector<4xf32>
      %reduce_sum3A_843 = vector.multi_reduction <add>, %select_n3A_841, %reduce_sum3A_842 [1, 2] : vector<4x8x2560xf32> to vector<4xf32>
      %select_n3A_844 = arith.select %gt3A_806, %reduce_max3A_803, %reduce_max3A_432 : vector<4xi1>, vector<4xf32>
      %mul3A_845 = arith.mulf %reduce_sum3A_843, %add3A_417 : vector<4xf32>
      %add3A_846 = arith.addf %reduce_sum3A_823, %mul3A_845 : vector<4xf32>
      %broadcast_in_dim3A_847 = vector.shape_cast %add3A_846 : vector<4xf32> to vector<4x1x1xf32>
      %max3A_848 = vector.broadcast %broadcast_in_dim3A_847 : vector<4x1x1xf32> to vector<4x8x2560xf32>
      %max3A_849 = arith.maximumf %max3A_848, %add3A_421 : vector<4x8x2560xf32>
      %add3A_850 = arith.addf %reduce_sum3A_828, %mul3A_845 : vector<4xf32>
      %broadcast_in_dim3A_851 = vector.shape_cast %add3A_850 : vector<4xf32> to vector<4x1x1xf32>
      %max3A_852 = vector.broadcast %broadcast_in_dim3A_851 : vector<4x1x1xf32> to vector<4x8x2560xf32>
      %max3A_853 = arith.maximumf %max3A_852, %add3A_422 : vector<4x8x2560xf32>
      %add3A_854 = arith.addf %reduce_sum3A_833, %mul3A_845 : vector<4xf32>
      %broadcast_in_dim3A_855 = vector.shape_cast %add3A_854 : vector<4xf32> to vector<4x1x1xf32>
      %min3A_856 = vector.broadcast %broadcast_in_dim3A_855 : vector<4x1x1xf32> to vector<4x8x2560xf32>
      %min3A_857 = arith.minimumf %min3A_856, %add3A_423 : vector<4x8x2560xf32>
      %add3A_858 = arith.addf %reduce_sum3A_838, %mul3A_845 : vector<4xf32>
      %broadcast_in_dim3A_859 = vector.shape_cast %add3A_858 : vector<4xf32> to vector<4x1x1xf32>
      %min3A_860 = vector.broadcast %broadcast_in_dim3A_859 : vector<4x1x1xf32> to vector<4x8x2560xf32>
      %min3A_861 = arith.minimumf %min3A_860, %add3A_424 : vector<4x8x2560xf32>
      %sub3A_862 = arith.subf %min3A_857, %max3A_849 : vector<4x8x2560xf32>
      %max3A_863 = arith.constant 0.000000e+00 : f32
      %max3A_864 = vector.broadcast %max3A_863 : f32 to vector<4x8x2560xf32>
      %max3A_865 = arith.maximumf %sub3A_862, %max3A_864 : vector<4x8x2560xf32>
      %sub3A_866 = arith.subf %min3A_861, %max3A_853 : vector<4x8x2560xf32>
      %max3A_867 = arith.constant 0.000000e+00 : f32
      %max3A_868 = vector.broadcast %max3A_867 : f32 to vector<4x8x2560xf32>
      %max3A_869 = arith.maximumf %sub3A_866, %max3A_868 : vector<4x8x2560xf32>
      %mul3A_870 = arith.mulf %max3A_865, %max3A_869 : vector<4x8x2560xf32>
      %sub3A_871 = arith.subf %reduce_sum3A_833, %reduce_sum3A_823 : vector<4xf32>
      %sub3A_872 = arith.subf %reduce_sum3A_838, %reduce_sum3A_828 : vector<4xf32>
      %mul3A_873 = arith.mulf %sub3A_871, %sub3A_872 : vector<4xf32>
      %broadcast_in_dim3A_874 = vector.shape_cast %mul3A_873 : vector<4xf32> to vector<4x1x1xf32>
      %add3A_875 = vector.broadcast %broadcast_in_dim3A_874 : vector<4x1x1xf32> to vector<4x8x2560xf32>
      %add3A_876 = arith.addf %add3A_875, %mul3A_427 : vector<4x8x2560xf32>
      %sub3A_877 = arith.subf %add3A_876, %mul3A_870 : vector<4x8x2560xf32>
      %add3A_878 = arith.constant 9.99999971E-10 : f32
      %add3A_879 = vector.broadcast %add3A_878 : f32 to vector<4x8x2560xf32>
      %add3A_880 = arith.addf %sub3A_877, %add3A_879 : vector<4x8x2560xf32>
      %div3A_881 = arith.divf %mul3A_870, %add3A_880 : vector<4x8x2560xf32>
      %gt3A_882 = arith.constant 7.500000e-01 : f32
      %gt3A_883 = vector.broadcast %gt3A_882 : f32 to vector<4x8x2560xf32>
      %gt3A_884 = arith.cmpf ogt, %div3A_881, %gt3A_883 : vector<4x8x2560xf32>
      %or3A_885 = arith.ori %gt3A_884, %eq3A_818 : vector<4x8x2560xi1>
      %broadcast_in_dim3A_886 = vector.shape_cast %gt3A_806 : vector<4xi1> to vector<4x1x1xi1>
      %and3A_887 = vector.broadcast %broadcast_in_dim3A_886 : vector<4x1x1xi1> to vector<4x8x2560xi1>
      %and3A_888 = arith.andi %or3A_885, %and3A_887 : vector<4x8x2560xi1>
      %jit3A_889 = arith.constant 0xFF800000 : f32
      %broadcast_in_dim3A_890 = vector.broadcast %jit3A_889 : f32 to vector<4x8x2560xf32>
      %select_n3A_891 = arith.select %and3A_888, %broadcast_in_dim3A_890, %select_n3A_774 : vector<4x8x2560xi1>, vector<4x8x2560xf32>
      %eq3A_892 = arith.constant 3 : i32
      %eq3A_893 = vector.broadcast %eq3A_892 : i32 to vector<4x64xi32>
      %eq3A_894 = arith.cmpi eq, %iota3A_440, %eq3A_893 : vector<4x64xi32>
      %broadcast_in_dim3A_895 = vector.shape_cast %select_n3A_815 : vector<4xi32> to vector<4x1xi32>
      %broadcast_in_dim3A_896 = vector.shape_cast %broadcast_in_dim3A_895 : vector<4x1xi32> to vector<4x1xi32>
      %broadcast_in_dim3A_897 = vector.broadcast %broadcast_in_dim3A_896 : vector<4x1xi32> to vector<4x64xi32>
      %select_n3A_898 = arith.select %eq3A_894, %broadcast_in_dim3A_897, %select_n3A_781 : vector<4x64xi1>, vector<4x64xi32>
      %broadcast_in_dim3A_899 = vector.shape_cast %select_n3A_844 : vector<4xf32> to vector<4x1xf32>
      %broadcast_in_dim3A_900 = vector.shape_cast %broadcast_in_dim3A_899 : vector<4x1xf32> to vector<4x1xf32>
      %broadcast_in_dim3A_901 = vector.broadcast %broadcast_in_dim3A_900 : vector<4x1xf32> to vector<4x64xf32>
      %select_n3A_902 = arith.select %eq3A_894, %broadcast_in_dim3A_901, %select_n3A_785 : vector<4x64xi1>, vector<4x64xf32>
      %broadcast_in_dim3A_903 = vector.shape_cast %reduce_sum3A_823 : vector<4xf32> to vector<4x1xf32>
      %broadcast_in_dim3A_904 = vector.shape_cast %broadcast_in_dim3A_903 : vector<4x1xf32> to vector<4x1xf32>
      %broadcast_in_dim3A_905 = vector.broadcast %broadcast_in_dim3A_904 : vector<4x1xf32> to vector<4x64xf32>
      %select_n3A_906 = arith.select %eq3A_894, %broadcast_in_dim3A_905, %select_n3A_789 : vector<4x64xi1>, vector<4x64xf32>
      %broadcast_in_dim3A_907 = vector.shape_cast %reduce_sum3A_828 : vector<4xf32> to vector<4x1xf32>
      %broadcast_in_dim3A_908 = vector.shape_cast %broadcast_in_dim3A_907 : vector<4x1xf32> to vector<4x1xf32>
      %broadcast_in_dim3A_909 = vector.broadcast %broadcast_in_dim3A_908 : vector<4x1xf32> to vector<4x64xf32>
      %select_n3A_910 = arith.select %eq3A_894, %broadcast_in_dim3A_909, %select_n3A_793 : vector<4x64xi1>, vector<4x64xf32>
      %broadcast_in_dim3A_911 = vector.shape_cast %reduce_sum3A_833 : vector<4xf32> to vector<4x1xf32>
      %broadcast_in_dim3A_912 = vector.shape_cast %broadcast_in_dim3A_911 : vector<4x1xf32> to vector<4x1xf32>
      %broadcast_in_dim3A_913 = vector.broadcast %broadcast_in_dim3A_912 : vector<4x1xf32> to vector<4x64xf32>
      %select_n3A_914 = arith.select %eq3A_894, %broadcast_in_dim3A_913, %select_n3A_797 : vector<4x64xi1>, vector<4x64xf32>
      %broadcast_in_dim3A_915 = vector.shape_cast %reduce_sum3A_838 : vector<4xf32> to vector<4x1xf32>
      %broadcast_in_dim3A_916 = vector.shape_cast %broadcast_in_dim3A_915 : vector<4x1xf32> to vector<4x1xf32>
      %broadcast_in_dim3A_917 = vector.broadcast %broadcast_in_dim3A_916 : vector<4x1xf32> to vector<4x64xf32>
      %select_n3A_918 = arith.select %eq3A_894, %broadcast_in_dim3A_917, %select_n3A_801 : vector<4x64xi1>, vector<4x64xf32>
      %reduce_max3A_919 = arith.constant dense<0xFF800000> : vector<4xf32>
      %reduce_max3A_920 = vector.multi_reduction <maximumf>, %select_n3A_891, %reduce_max3A_919 [1, 2] : vector<4x8x2560xf32> to vector<4xf32>
      %gt3A_921 = arith.constant 0xFF800000 : f32
      %gt3A_922 = vector.broadcast %gt3A_921 : f32 to vector<4xf32>
      %gt3A_923 = arith.cmpf ogt, %reduce_max3A_920, %gt3A_922 : vector<4xf32>
      %broadcast_in_dim3A_924 = vector.shape_cast %reduce_max3A_920 : vector<4xf32> to vector<4x1x1xf32>
      %eq3A_925 = vector.broadcast %broadcast_in_dim3A_924 : vector<4x1x1xf32> to vector<4x8x2560xf32>
      %eq3A_926 = arith.cmpf oeq, %select_n3A_891, %eq3A_925 : vector<4x8x2560xf32>
      %jit3A_927 = arith.constant 1073741824 : i32
      %broadcast_in_dim3A_928 = vector.broadcast %jit3A_927 : i32 to vector<4x8x2560xi32>
      %select_n3A_929 = arith.select %eq3A_926, %add3A, %broadcast_in_dim3A_928 : vector<4x8x2560xi1>, vector<4x8x2560xi32>
      %reduce_min3A_930 = arith.constant dense<2147483647> : vector<4xi32>
      %reduce_min3A_931 = vector.multi_reduction <minsi>, %select_n3A_929, %reduce_min3A_930 [1, 2] : vector<4x8x2560xi32> to vector<4xi32>
      %select_n3A_932 = arith.select %gt3A_923, %reduce_min3A_931, %reduce_min3A_439 : vector<4xi1>, vector<4xi32>
      %broadcast_in_dim3A_933 = vector.shape_cast %select_n3A_932 : vector<4xi32> to vector<4x1x1xi32>
      %eq3A_934 = vector.broadcast %broadcast_in_dim3A_933 : vector<4x1x1xi32> to vector<4x8x2560xi32>
      %eq3A_935 = arith.cmpi eq, %add3A, %eq3A_934 : vector<4x8x2560xi32>
      %jit3A_936 = arith.constant 0.000000e+00 : f32
      %broadcast_in_dim3A_937 = vector.broadcast %jit3A_936 : f32 to vector<4x8x2560xf32>
      %select_n3A_938 = arith.select %eq3A_935, %get3A_16, %broadcast_in_dim3A_937 : vector<4x8x2560xi1>, vector<4x8x2560xf32>
      %reduce_sum3A_939 = arith.constant dense<0.000000e+00> : vector<4xf32>
      %reduce_sum3A_940 = vector.multi_reduction <add>, %select_n3A_938, %reduce_sum3A_939 [1, 2] : vector<4x8x2560xf32> to vector<4xf32>
      %jit3A_941 = arith.constant 0.000000e+00 : f32
      %broadcast_in_dim3A_942 = vector.broadcast %jit3A_941 : f32 to vector<4x8x2560xf32>
      %select_n3A_943 = arith.select %eq3A_935, %get3A_22, %broadcast_in_dim3A_942 : vector<4x8x2560xi1>, vector<4x8x2560xf32>
      %reduce_sum3A_944 = arith.constant dense<0.000000e+00> : vector<4xf32>
      %reduce_sum3A_945 = vector.multi_reduction <add>, %select_n3A_943, %reduce_sum3A_944 [1, 2] : vector<4x8x2560xf32> to vector<4xf32>
      %jit3A_946 = arith.constant 0.000000e+00 : f32
      %broadcast_in_dim3A_947 = vector.broadcast %jit3A_946 : f32 to vector<4x8x2560xf32>
      %select_n3A_948 = arith.select %eq3A_935, %get3A_28, %broadcast_in_dim3A_947 : vector<4x8x2560xi1>, vector<4x8x2560xf32>
      %reduce_sum3A_949 = arith.constant dense<0.000000e+00> : vector<4xf32>
      %reduce_sum3A_950 = vector.multi_reduction <add>, %select_n3A_948, %reduce_sum3A_949 [1, 2] : vector<4x8x2560xf32> to vector<4xf32>
      %jit3A_951 = arith.constant 0.000000e+00 : f32
      %broadcast_in_dim3A_952 = vector.broadcast %jit3A_951 : f32 to vector<4x8x2560xf32>
      %select_n3A_953 = arith.select %eq3A_935, %get3A_34, %broadcast_in_dim3A_952 : vector<4x8x2560xi1>, vector<4x8x2560xf32>
      %reduce_sum3A_954 = arith.constant dense<0.000000e+00> : vector<4xf32>
      %reduce_sum3A_955 = vector.multi_reduction <add>, %select_n3A_953, %reduce_sum3A_954 [1, 2] : vector<4x8x2560xf32> to vector<4xf32>
      %jit3A_956 = arith.constant 0.000000e+00 : f32
      %broadcast_in_dim3A_957 = vector.broadcast %jit3A_956 : f32 to vector<4x8x2560xf32>
      %select_n3A_958 = arith.select %eq3A_935, %select_n3A_355, %broadcast_in_dim3A_957 : vector<4x8x2560xi1>, vector<4x8x2560xf32>
      %reduce_sum3A_959 = arith.constant dense<0.000000e+00> : vector<4xf32>
      %reduce_sum3A_960 = vector.multi_reduction <add>, %select_n3A_958, %reduce_sum3A_959 [1, 2] : vector<4x8x2560xf32> to vector<4xf32>
      %select_n3A_961 = arith.select %gt3A_923, %reduce_max3A_920, %reduce_max3A_432 : vector<4xi1>, vector<4xf32>
      %mul3A_962 = arith.mulf %reduce_sum3A_960, %add3A_417 : vector<4xf32>
      %add3A_963 = arith.addf %reduce_sum3A_940, %mul3A_962 : vector<4xf32>
      %broadcast_in_dim3A_964 = vector.shape_cast %add3A_963 : vector<4xf32> to vector<4x1x1xf32>
      %max3A_965 = vector.broadcast %broadcast_in_dim3A_964 : vector<4x1x1xf32> to vector<4x8x2560xf32>
      %max3A_966 = arith.maximumf %max3A_965, %add3A_421 : vector<4x8x2560xf32>
      %add3A_967 = arith.addf %reduce_sum3A_945, %mul3A_962 : vector<4xf32>
      %broadcast_in_dim3A_968 = vector.shape_cast %add3A_967 : vector<4xf32> to vector<4x1x1xf32>
      %max3A_969 = vector.broadcast %broadcast_in_dim3A_968 : vector<4x1x1xf32> to vector<4x8x2560xf32>
      %max3A_970 = arith.maximumf %max3A_969, %add3A_422 : vector<4x8x2560xf32>
      %add3A_971 = arith.addf %reduce_sum3A_950, %mul3A_962 : vector<4xf32>
      %broadcast_in_dim3A_972 = vector.shape_cast %add3A_971 : vector<4xf32> to vector<4x1x1xf32>
      %min3A_973 = vector.broadcast %broadcast_in_dim3A_972 : vector<4x1x1xf32> to vector<4x8x2560xf32>
      %min3A_974 = arith.minimumf %min3A_973, %add3A_423 : vector<4x8x2560xf32>
      %add3A_975 = arith.addf %reduce_sum3A_955, %mul3A_962 : vector<4xf32>
      %broadcast_in_dim3A_976 = vector.shape_cast %add3A_975 : vector<4xf32> to vector<4x1x1xf32>
      %min3A_977 = vector.broadcast %broadcast_in_dim3A_976 : vector<4x1x1xf32> to vector<4x8x2560xf32>
      %min3A_978 = arith.minimumf %min3A_977, %add3A_424 : vector<4x8x2560xf32>
      %sub3A_979 = arith.subf %min3A_974, %max3A_966 : vector<4x8x2560xf32>
      %max3A_980 = arith.constant 0.000000e+00 : f32
      %max3A_981 = vector.broadcast %max3A_980 : f32 to vector<4x8x2560xf32>
      %max3A_982 = arith.maximumf %sub3A_979, %max3A_981 : vector<4x8x2560xf32>
      %sub3A_983 = arith.subf %min3A_978, %max3A_970 : vector<4x8x2560xf32>
      %max3A_984 = arith.constant 0.000000e+00 : f32
      %max3A_985 = vector.broadcast %max3A_984 : f32 to vector<4x8x2560xf32>
      %max3A_986 = arith.maximumf %sub3A_983, %max3A_985 : vector<4x8x2560xf32>
      %mul3A_987 = arith.mulf %max3A_982, %max3A_986 : vector<4x8x2560xf32>
      %sub3A_988 = arith.subf %reduce_sum3A_950, %reduce_sum3A_940 : vector<4xf32>
      %sub3A_989 = arith.subf %reduce_sum3A_955, %reduce_sum3A_945 : vector<4xf32>
      %mul3A_990 = arith.mulf %sub3A_988, %sub3A_989 : vector<4xf32>
      %broadcast_in_dim3A_991 = vector.shape_cast %mul3A_990 : vector<4xf32> to vector<4x1x1xf32>
      %add3A_992 = vector.broadcast %broadcast_in_dim3A_991 : vector<4x1x1xf32> to vector<4x8x2560xf32>
      %add3A_993 = arith.addf %add3A_992, %mul3A_427 : vector<4x8x2560xf32>
      %sub3A_994 = arith.subf %add3A_993, %mul3A_987 : vector<4x8x2560xf32>
      %add3A_995 = arith.constant 9.99999971E-10 : f32
      %add3A_996 = vector.broadcast %add3A_995 : f32 to vector<4x8x2560xf32>
      %add3A_997 = arith.addf %sub3A_994, %add3A_996 : vector<4x8x2560xf32>
      %div3A_998 = arith.divf %mul3A_987, %add3A_997 : vector<4x8x2560xf32>
      %gt3A_999 = arith.constant 7.500000e-01 : f32
      %gt3A_1000 = vector.broadcast %gt3A_999 : f32 to vector<4x8x2560xf32>
      %gt3A_1001 = arith.cmpf ogt, %div3A_998, %gt3A_1000 : vector<4x8x2560xf32>
      %or3A_1002 = arith.ori %gt3A_1001, %eq3A_935 : vector<4x8x2560xi1>
      %broadcast_in_dim3A_1003 = vector.shape_cast %gt3A_923 : vector<4xi1> to vector<4x1x1xi1>
      %and3A_1004 = vector.broadcast %broadcast_in_dim3A_1003 : vector<4x1x1xi1> to vector<4x8x2560xi1>
      %and3A_1005 = arith.andi %or3A_1002, %and3A_1004 : vector<4x8x2560xi1>
      %jit3A_1006 = arith.constant 0xFF800000 : f32
      %broadcast_in_dim3A_1007 = vector.broadcast %jit3A_1006 : f32 to vector<4x8x2560xf32>
      %select_n3A_1008 = arith.select %and3A_1005, %broadcast_in_dim3A_1007, %select_n3A_891 : vector<4x8x2560xi1>, vector<4x8x2560xf32>
      %eq3A_1009 = arith.constant 4 : i32
      %eq3A_1010 = vector.broadcast %eq3A_1009 : i32 to vector<4x64xi32>
      %eq3A_1011 = arith.cmpi eq, %iota3A_440, %eq3A_1010 : vector<4x64xi32>
      %broadcast_in_dim3A_1012 = vector.shape_cast %select_n3A_932 : vector<4xi32> to vector<4x1xi32>
      %broadcast_in_dim3A_1013 = vector.shape_cast %broadcast_in_dim3A_1012 : vector<4x1xi32> to vector<4x1xi32>
      %broadcast_in_dim3A_1014 = vector.broadcast %broadcast_in_dim3A_1013 : vector<4x1xi32> to vector<4x64xi32>
      %select_n3A_1015 = arith.select %eq3A_1011, %broadcast_in_dim3A_1014, %select_n3A_898 : vector<4x64xi1>, vector<4x64xi32>
      %broadcast_in_dim3A_1016 = vector.shape_cast %select_n3A_961 : vector<4xf32> to vector<4x1xf32>
      %broadcast_in_dim3A_1017 = vector.shape_cast %broadcast_in_dim3A_1016 : vector<4x1xf32> to vector<4x1xf32>
      %broadcast_in_dim3A_1018 = vector.broadcast %broadcast_in_dim3A_1017 : vector<4x1xf32> to vector<4x64xf32>
      %select_n3A_1019 = arith.select %eq3A_1011, %broadcast_in_dim3A_1018, %select_n3A_902 : vector<4x64xi1>, vector<4x64xf32>
      %broadcast_in_dim3A_1020 = vector.shape_cast %reduce_sum3A_940 : vector<4xf32> to vector<4x1xf32>
      %broadcast_in_dim3A_1021 = vector.shape_cast %broadcast_in_dim3A_1020 : vector<4x1xf32> to vector<4x1xf32>
      %broadcast_in_dim3A_1022 = vector.broadcast %broadcast_in_dim3A_1021 : vector<4x1xf32> to vector<4x64xf32>
      %select_n3A_1023 = arith.select %eq3A_1011, %broadcast_in_dim3A_1022, %select_n3A_906 : vector<4x64xi1>, vector<4x64xf32>
      %broadcast_in_dim3A_1024 = vector.shape_cast %reduce_sum3A_945 : vector<4xf32> to vector<4x1xf32>
      %broadcast_in_dim3A_1025 = vector.shape_cast %broadcast_in_dim3A_1024 : vector<4x1xf32> to vector<4x1xf32>
      %broadcast_in_dim3A_1026 = vector.broadcast %broadcast_in_dim3A_1025 : vector<4x1xf32> to vector<4x64xf32>
      %select_n3A_1027 = arith.select %eq3A_1011, %broadcast_in_dim3A_1026, %select_n3A_910 : vector<4x64xi1>, vector<4x64xf32>
      %broadcast_in_dim3A_1028 = vector.shape_cast %reduce_sum3A_950 : vector<4xf32> to vector<4x1xf32>
      %broadcast_in_dim3A_1029 = vector.shape_cast %broadcast_in_dim3A_1028 : vector<4x1xf32> to vector<4x1xf32>
      %broadcast_in_dim3A_1030 = vector.broadcast %broadcast_in_dim3A_1029 : vector<4x1xf32> to vector<4x64xf32>
      %select_n3A_1031 = arith.select %eq3A_1011, %broadcast_in_dim3A_1030, %select_n3A_914 : vector<4x64xi1>, vector<4x64xf32>
      %broadcast_in_dim3A_1032 = vector.shape_cast %reduce_sum3A_955 : vector<4xf32> to vector<4x1xf32>
      %broadcast_in_dim3A_1033 = vector.shape_cast %broadcast_in_dim3A_1032 : vector<4x1xf32> to vector<4x1xf32>
      %broadcast_in_dim3A_1034 = vector.broadcast %broadcast_in_dim3A_1033 : vector<4x1xf32> to vector<4x64xf32>
      %select_n3A_1035 = arith.select %eq3A_1011, %broadcast_in_dim3A_1034, %select_n3A_918 : vector<4x64xi1>, vector<4x64xf32>
      %reduce_max3A_1036 = arith.constant dense<0xFF800000> : vector<4xf32>
      %reduce_max3A_1037 = vector.multi_reduction <maximumf>, %select_n3A_1008, %reduce_max3A_1036 [1, 2] : vector<4x8x2560xf32> to vector<4xf32>
      %gt3A_1038 = arith.constant 0xFF800000 : f32
      %gt3A_1039 = vector.broadcast %gt3A_1038 : f32 to vector<4xf32>
      %gt3A_1040 = arith.cmpf ogt, %reduce_max3A_1037, %gt3A_1039 : vector<4xf32>
      %broadcast_in_dim3A_1041 = vector.shape_cast %reduce_max3A_1037 : vector<4xf32> to vector<4x1x1xf32>
      %eq3A_1042 = vector.broadcast %broadcast_in_dim3A_1041 : vector<4x1x1xf32> to vector<4x8x2560xf32>
      %eq3A_1043 = arith.cmpf oeq, %select_n3A_1008, %eq3A_1042 : vector<4x8x2560xf32>
      %jit3A_1044 = arith.constant 1073741824 : i32
      %broadcast_in_dim3A_1045 = vector.broadcast %jit3A_1044 : i32 to vector<4x8x2560xi32>
      %select_n3A_1046 = arith.select %eq3A_1043, %add3A, %broadcast_in_dim3A_1045 : vector<4x8x2560xi1>, vector<4x8x2560xi32>
      %reduce_min3A_1047 = arith.constant dense<2147483647> : vector<4xi32>
      %reduce_min3A_1048 = vector.multi_reduction <minsi>, %select_n3A_1046, %reduce_min3A_1047 [1, 2] : vector<4x8x2560xi32> to vector<4xi32>
      %select_n3A_1049 = arith.select %gt3A_1040, %reduce_min3A_1048, %reduce_min3A_439 : vector<4xi1>, vector<4xi32>
      %broadcast_in_dim3A_1050 = vector.shape_cast %select_n3A_1049 : vector<4xi32> to vector<4x1x1xi32>
      %eq3A_1051 = vector.broadcast %broadcast_in_dim3A_1050 : vector<4x1x1xi32> to vector<4x8x2560xi32>
      %eq3A_1052 = arith.cmpi eq, %add3A, %eq3A_1051 : vector<4x8x2560xi32>
      %jit3A_1053 = arith.constant 0.000000e+00 : f32
      %broadcast_in_dim3A_1054 = vector.broadcast %jit3A_1053 : f32 to vector<4x8x2560xf32>
      %select_n3A_1055 = arith.select %eq3A_1052, %get3A_16, %broadcast_in_dim3A_1054 : vector<4x8x2560xi1>, vector<4x8x2560xf32>
      %reduce_sum3A_1056 = arith.constant dense<0.000000e+00> : vector<4xf32>
      %reduce_sum3A_1057 = vector.multi_reduction <add>, %select_n3A_1055, %reduce_sum3A_1056 [1, 2] : vector<4x8x2560xf32> to vector<4xf32>
      %jit3A_1058 = arith.constant 0.000000e+00 : f32
      %broadcast_in_dim3A_1059 = vector.broadcast %jit3A_1058 : f32 to vector<4x8x2560xf32>
      %select_n3A_1060 = arith.select %eq3A_1052, %get3A_22, %broadcast_in_dim3A_1059 : vector<4x8x2560xi1>, vector<4x8x2560xf32>
      %reduce_sum3A_1061 = arith.constant dense<0.000000e+00> : vector<4xf32>
      %reduce_sum3A_1062 = vector.multi_reduction <add>, %select_n3A_1060, %reduce_sum3A_1061 [1, 2] : vector<4x8x2560xf32> to vector<4xf32>
      %jit3A_1063 = arith.constant 0.000000e+00 : f32
      %broadcast_in_dim3A_1064 = vector.broadcast %jit3A_1063 : f32 to vector<4x8x2560xf32>
      %select_n3A_1065 = arith.select %eq3A_1052, %get3A_28, %broadcast_in_dim3A_1064 : vector<4x8x2560xi1>, vector<4x8x2560xf32>
      %reduce_sum3A_1066 = arith.constant dense<0.000000e+00> : vector<4xf32>
      %reduce_sum3A_1067 = vector.multi_reduction <add>, %select_n3A_1065, %reduce_sum3A_1066 [1, 2] : vector<4x8x2560xf32> to vector<4xf32>
      %jit3A_1068 = arith.constant 0.000000e+00 : f32
      %broadcast_in_dim3A_1069 = vector.broadcast %jit3A_1068 : f32 to vector<4x8x2560xf32>
      %select_n3A_1070 = arith.select %eq3A_1052, %get3A_34, %broadcast_in_dim3A_1069 : vector<4x8x2560xi1>, vector<4x8x2560xf32>
      %reduce_sum3A_1071 = arith.constant dense<0.000000e+00> : vector<4xf32>
      %reduce_sum3A_1072 = vector.multi_reduction <add>, %select_n3A_1070, %reduce_sum3A_1071 [1, 2] : vector<4x8x2560xf32> to vector<4xf32>
      %jit3A_1073 = arith.constant 0.000000e+00 : f32
      %broadcast_in_dim3A_1074 = vector.broadcast %jit3A_1073 : f32 to vector<4x8x2560xf32>
      %select_n3A_1075 = arith.select %eq3A_1052, %select_n3A_355, %broadcast_in_dim3A_1074 : vector<4x8x2560xi1>, vector<4x8x2560xf32>
      %reduce_sum3A_1076 = arith.constant dense<0.000000e+00> : vector<4xf32>
      %reduce_sum3A_1077 = vector.multi_reduction <add>, %select_n3A_1075, %reduce_sum3A_1076 [1, 2] : vector<4x8x2560xf32> to vector<4xf32>
      %select_n3A_1078 = arith.select %gt3A_1040, %reduce_max3A_1037, %reduce_max3A_432 : vector<4xi1>, vector<4xf32>
      %mul3A_1079 = arith.mulf %reduce_sum3A_1077, %add3A_417 : vector<4xf32>
      %add3A_1080 = arith.addf %reduce_sum3A_1057, %mul3A_1079 : vector<4xf32>
      %broadcast_in_dim3A_1081 = vector.shape_cast %add3A_1080 : vector<4xf32> to vector<4x1x1xf32>
      %max3A_1082 = vector.broadcast %broadcast_in_dim3A_1081 : vector<4x1x1xf32> to vector<4x8x2560xf32>
      %max3A_1083 = arith.maximumf %max3A_1082, %add3A_421 : vector<4x8x2560xf32>
      %add3A_1084 = arith.addf %reduce_sum3A_1062, %mul3A_1079 : vector<4xf32>
      %broadcast_in_dim3A_1085 = vector.shape_cast %add3A_1084 : vector<4xf32> to vector<4x1x1xf32>
      %max3A_1086 = vector.broadcast %broadcast_in_dim3A_1085 : vector<4x1x1xf32> to vector<4x8x2560xf32>
      %max3A_1087 = arith.maximumf %max3A_1086, %add3A_422 : vector<4x8x2560xf32>
      %add3A_1088 = arith.addf %reduce_sum3A_1067, %mul3A_1079 : vector<4xf32>
      %broadcast_in_dim3A_1089 = vector.shape_cast %add3A_1088 : vector<4xf32> to vector<4x1x1xf32>
      %min3A_1090 = vector.broadcast %broadcast_in_dim3A_1089 : vector<4x1x1xf32> to vector<4x8x2560xf32>
      %min3A_1091 = arith.minimumf %min3A_1090, %add3A_423 : vector<4x8x2560xf32>
      %add3A_1092 = arith.addf %reduce_sum3A_1072, %mul3A_1079 : vector<4xf32>
      %broadcast_in_dim3A_1093 = vector.shape_cast %add3A_1092 : vector<4xf32> to vector<4x1x1xf32>
      %min3A_1094 = vector.broadcast %broadcast_in_dim3A_1093 : vector<4x1x1xf32> to vector<4x8x2560xf32>
      %min3A_1095 = arith.minimumf %min3A_1094, %add3A_424 : vector<4x8x2560xf32>
      %sub3A_1096 = arith.subf %min3A_1091, %max3A_1083 : vector<4x8x2560xf32>
      %max3A_1097 = arith.constant 0.000000e+00 : f32
      %max3A_1098 = vector.broadcast %max3A_1097 : f32 to vector<4x8x2560xf32>
      %max3A_1099 = arith.maximumf %sub3A_1096, %max3A_1098 : vector<4x8x2560xf32>
      %sub3A_1100 = arith.subf %min3A_1095, %max3A_1087 : vector<4x8x2560xf32>
      %max3A_1101 = arith.constant 0.000000e+00 : f32
      %max3A_1102 = vector.broadcast %max3A_1101 : f32 to vector<4x8x2560xf32>
      %max3A_1103 = arith.maximumf %sub3A_1100, %max3A_1102 : vector<4x8x2560xf32>
      %mul3A_1104 = arith.mulf %max3A_1099, %max3A_1103 : vector<4x8x2560xf32>
      %sub3A_1105 = arith.subf %reduce_sum3A_1067, %reduce_sum3A_1057 : vector<4xf32>
      %sub3A_1106 = arith.subf %reduce_sum3A_1072, %reduce_sum3A_1062 : vector<4xf32>
      %mul3A_1107 = arith.mulf %sub3A_1105, %sub3A_1106 : vector<4xf32>
      %broadcast_in_dim3A_1108 = vector.shape_cast %mul3A_1107 : vector<4xf32> to vector<4x1x1xf32>
      %add3A_1109 = vector.broadcast %broadcast_in_dim3A_1108 : vector<4x1x1xf32> to vector<4x8x2560xf32>
      %add3A_1110 = arith.addf %add3A_1109, %mul3A_427 : vector<4x8x2560xf32>
      %sub3A_1111 = arith.subf %add3A_1110, %mul3A_1104 : vector<4x8x2560xf32>
      %add3A_1112 = arith.constant 9.99999971E-10 : f32
      %add3A_1113 = vector.broadcast %add3A_1112 : f32 to vector<4x8x2560xf32>
      %add3A_1114 = arith.addf %sub3A_1111, %add3A_1113 : vector<4x8x2560xf32>
      %div3A_1115 = arith.divf %mul3A_1104, %add3A_1114 : vector<4x8x2560xf32>
      %gt3A_1116 = arith.constant 7.500000e-01 : f32
      %gt3A_1117 = vector.broadcast %gt3A_1116 : f32 to vector<4x8x2560xf32>
      %gt3A_1118 = arith.cmpf ogt, %div3A_1115, %gt3A_1117 : vector<4x8x2560xf32>
      %or3A_1119 = arith.ori %gt3A_1118, %eq3A_1052 : vector<4x8x2560xi1>
      %broadcast_in_dim3A_1120 = vector.shape_cast %gt3A_1040 : vector<4xi1> to vector<4x1x1xi1>
      %and3A_1121 = vector.broadcast %broadcast_in_dim3A_1120 : vector<4x1x1xi1> to vector<4x8x2560xi1>
      %and3A_1122 = arith.andi %or3A_1119, %and3A_1121 : vector<4x8x2560xi1>
      %jit3A_1123 = arith.constant 0xFF800000 : f32
      %broadcast_in_dim3A_1124 = vector.broadcast %jit3A_1123 : f32 to vector<4x8x2560xf32>
      %select_n3A_1125 = arith.select %and3A_1122, %broadcast_in_dim3A_1124, %select_n3A_1008 : vector<4x8x2560xi1>, vector<4x8x2560xf32>
      %eq3A_1126 = arith.constant 5 : i32
      %eq3A_1127 = vector.broadcast %eq3A_1126 : i32 to vector<4x64xi32>
      %eq3A_1128 = arith.cmpi eq, %iota3A_440, %eq3A_1127 : vector<4x64xi32>
      %broadcast_in_dim3A_1129 = vector.shape_cast %select_n3A_1049 : vector<4xi32> to vector<4x1xi32>
      %broadcast_in_dim3A_1130 = vector.shape_cast %broadcast_in_dim3A_1129 : vector<4x1xi32> to vector<4x1xi32>
      %broadcast_in_dim3A_1131 = vector.broadcast %broadcast_in_dim3A_1130 : vector<4x1xi32> to vector<4x64xi32>
      %select_n3A_1132 = arith.select %eq3A_1128, %broadcast_in_dim3A_1131, %select_n3A_1015 : vector<4x64xi1>, vector<4x64xi32>
      %broadcast_in_dim3A_1133 = vector.shape_cast %select_n3A_1078 : vector<4xf32> to vector<4x1xf32>
      %broadcast_in_dim3A_1134 = vector.shape_cast %broadcast_in_dim3A_1133 : vector<4x1xf32> to vector<4x1xf32>
      %broadcast_in_dim3A_1135 = vector.broadcast %broadcast_in_dim3A_1134 : vector<4x1xf32> to vector<4x64xf32>
      %select_n3A_1136 = arith.select %eq3A_1128, %broadcast_in_dim3A_1135, %select_n3A_1019 : vector<4x64xi1>, vector<4x64xf32>
      %broadcast_in_dim3A_1137 = vector.shape_cast %reduce_sum3A_1057 : vector<4xf32> to vector<4x1xf32>
      %broadcast_in_dim3A_1138 = vector.shape_cast %broadcast_in_dim3A_1137 : vector<4x1xf32> to vector<4x1xf32>
      %broadcast_in_dim3A_1139 = vector.broadcast %broadcast_in_dim3A_1138 : vector<4x1xf32> to vector<4x64xf32>
      %select_n3A_1140 = arith.select %eq3A_1128, %broadcast_in_dim3A_1139, %select_n3A_1023 : vector<4x64xi1>, vector<4x64xf32>
      %broadcast_in_dim3A_1141 = vector.shape_cast %reduce_sum3A_1062 : vector<4xf32> to vector<4x1xf32>
      %broadcast_in_dim3A_1142 = vector.shape_cast %broadcast_in_dim3A_1141 : vector<4x1xf32> to vector<4x1xf32>
      %broadcast_in_dim3A_1143 = vector.broadcast %broadcast_in_dim3A_1142 : vector<4x1xf32> to vector<4x64xf32>
      %select_n3A_1144 = arith.select %eq3A_1128, %broadcast_in_dim3A_1143, %select_n3A_1027 : vector<4x64xi1>, vector<4x64xf32>
      %broadcast_in_dim3A_1145 = vector.shape_cast %reduce_sum3A_1067 : vector<4xf32> to vector<4x1xf32>
      %broadcast_in_dim3A_1146 = vector.shape_cast %broadcast_in_dim3A_1145 : vector<4x1xf32> to vector<4x1xf32>
      %broadcast_in_dim3A_1147 = vector.broadcast %broadcast_in_dim3A_1146 : vector<4x1xf32> to vector<4x64xf32>
      %select_n3A_1148 = arith.select %eq3A_1128, %broadcast_in_dim3A_1147, %select_n3A_1031 : vector<4x64xi1>, vector<4x64xf32>
      %broadcast_in_dim3A_1149 = vector.shape_cast %reduce_sum3A_1072 : vector<4xf32> to vector<4x1xf32>
      %broadcast_in_dim3A_1150 = vector.shape_cast %broadcast_in_dim3A_1149 : vector<4x1xf32> to vector<4x1xf32>
      %broadcast_in_dim3A_1151 = vector.broadcast %broadcast_in_dim3A_1150 : vector<4x1xf32> to vector<4x64xf32>
      %select_n3A_1152 = arith.select %eq3A_1128, %broadcast_in_dim3A_1151, %select_n3A_1035 : vector<4x64xi1>, vector<4x64xf32>
      %reduce_max3A_1153 = arith.constant dense<0xFF800000> : vector<4xf32>
      %reduce_max3A_1154 = vector.multi_reduction <maximumf>, %select_n3A_1125, %reduce_max3A_1153 [1, 2] : vector<4x8x2560xf32> to vector<4xf32>
      %gt3A_1155 = arith.constant 0xFF800000 : f32
      %gt3A_1156 = vector.broadcast %gt3A_1155 : f32 to vector<4xf32>
      %gt3A_1157 = arith.cmpf ogt, %reduce_max3A_1154, %gt3A_1156 : vector<4xf32>
      %broadcast_in_dim3A_1158 = vector.shape_cast %reduce_max3A_1154 : vector<4xf32> to vector<4x1x1xf32>
      %eq3A_1159 = vector.broadcast %broadcast_in_dim3A_1158 : vector<4x1x1xf32> to vector<4x8x2560xf32>
      %eq3A_1160 = arith.cmpf oeq, %select_n3A_1125, %eq3A_1159 : vector<4x8x2560xf32>
      %jit3A_1161 = arith.constant 1073741824 : i32
      %broadcast_in_dim3A_1162 = vector.broadcast %jit3A_1161 : i32 to vector<4x8x2560xi32>
      %select_n3A_1163 = arith.select %eq3A_1160, %add3A, %broadcast_in_dim3A_1162 : vector<4x8x2560xi1>, vector<4x8x2560xi32>
      %reduce_min3A_1164 = arith.constant dense<2147483647> : vector<4xi32>
      %reduce_min3A_1165 = vector.multi_reduction <minsi>, %select_n3A_1163, %reduce_min3A_1164 [1, 2] : vector<4x8x2560xi32> to vector<4xi32>
      %select_n3A_1166 = arith.select %gt3A_1157, %reduce_min3A_1165, %reduce_min3A_439 : vector<4xi1>, vector<4xi32>
      %broadcast_in_dim3A_1167 = vector.shape_cast %select_n3A_1166 : vector<4xi32> to vector<4x1x1xi32>
      %eq3A_1168 = vector.broadcast %broadcast_in_dim3A_1167 : vector<4x1x1xi32> to vector<4x8x2560xi32>
      %eq3A_1169 = arith.cmpi eq, %add3A, %eq3A_1168 : vector<4x8x2560xi32>
      %jit3A_1170 = arith.constant 0.000000e+00 : f32
      %broadcast_in_dim3A_1171 = vector.broadcast %jit3A_1170 : f32 to vector<4x8x2560xf32>
      %select_n3A_1172 = arith.select %eq3A_1169, %get3A_16, %broadcast_in_dim3A_1171 : vector<4x8x2560xi1>, vector<4x8x2560xf32>
      %reduce_sum3A_1173 = arith.constant dense<0.000000e+00> : vector<4xf32>
      %reduce_sum3A_1174 = vector.multi_reduction <add>, %select_n3A_1172, %reduce_sum3A_1173 [1, 2] : vector<4x8x2560xf32> to vector<4xf32>
      %jit3A_1175 = arith.constant 0.000000e+00 : f32
      %broadcast_in_dim3A_1176 = vector.broadcast %jit3A_1175 : f32 to vector<4x8x2560xf32>
      %select_n3A_1177 = arith.select %eq3A_1169, %get3A_22, %broadcast_in_dim3A_1176 : vector<4x8x2560xi1>, vector<4x8x2560xf32>
      %reduce_sum3A_1178 = arith.constant dense<0.000000e+00> : vector<4xf32>
      %reduce_sum3A_1179 = vector.multi_reduction <add>, %select_n3A_1177, %reduce_sum3A_1178 [1, 2] : vector<4x8x2560xf32> to vector<4xf32>
      %jit3A_1180 = arith.constant 0.000000e+00 : f32
      %broadcast_in_dim3A_1181 = vector.broadcast %jit3A_1180 : f32 to vector<4x8x2560xf32>
      %select_n3A_1182 = arith.select %eq3A_1169, %get3A_28, %broadcast_in_dim3A_1181 : vector<4x8x2560xi1>, vector<4x8x2560xf32>
      %reduce_sum3A_1183 = arith.constant dense<0.000000e+00> : vector<4xf32>
      %reduce_sum3A_1184 = vector.multi_reduction <add>, %select_n3A_1182, %reduce_sum3A_1183 [1, 2] : vector<4x8x2560xf32> to vector<4xf32>
      %jit3A_1185 = arith.constant 0.000000e+00 : f32
      %broadcast_in_dim3A_1186 = vector.broadcast %jit3A_1185 : f32 to vector<4x8x2560xf32>
      %select_n3A_1187 = arith.select %eq3A_1169, %get3A_34, %broadcast_in_dim3A_1186 : vector<4x8x2560xi1>, vector<4x8x2560xf32>
      %reduce_sum3A_1188 = arith.constant dense<0.000000e+00> : vector<4xf32>
      %reduce_sum3A_1189 = vector.multi_reduction <add>, %select_n3A_1187, %reduce_sum3A_1188 [1, 2] : vector<4x8x2560xf32> to vector<4xf32>
      %jit3A_1190 = arith.constant 0.000000e+00 : f32
      %broadcast_in_dim3A_1191 = vector.broadcast %jit3A_1190 : f32 to vector<4x8x2560xf32>
      %select_n3A_1192 = arith.select %eq3A_1169, %select_n3A_355, %broadcast_in_dim3A_1191 : vector<4x8x2560xi1>, vector<4x8x2560xf32>
      %reduce_sum3A_1193 = arith.constant dense<0.000000e+00> : vector<4xf32>
      %reduce_sum3A_1194 = vector.multi_reduction <add>, %select_n3A_1192, %reduce_sum3A_1193 [1, 2] : vector<4x8x2560xf32> to vector<4xf32>
      %select_n3A_1195 = arith.select %gt3A_1157, %reduce_max3A_1154, %reduce_max3A_432 : vector<4xi1>, vector<4xf32>
      %mul3A_1196 = arith.mulf %reduce_sum3A_1194, %add3A_417 : vector<4xf32>
      %add3A_1197 = arith.addf %reduce_sum3A_1174, %mul3A_1196 : vector<4xf32>
      %broadcast_in_dim3A_1198 = vector.shape_cast %add3A_1197 : vector<4xf32> to vector<4x1x1xf32>
      %max3A_1199 = vector.broadcast %broadcast_in_dim3A_1198 : vector<4x1x1xf32> to vector<4x8x2560xf32>
      %max3A_1200 = arith.maximumf %max3A_1199, %add3A_421 : vector<4x8x2560xf32>
      %add3A_1201 = arith.addf %reduce_sum3A_1179, %mul3A_1196 : vector<4xf32>
      %broadcast_in_dim3A_1202 = vector.shape_cast %add3A_1201 : vector<4xf32> to vector<4x1x1xf32>
      %max3A_1203 = vector.broadcast %broadcast_in_dim3A_1202 : vector<4x1x1xf32> to vector<4x8x2560xf32>
      %max3A_1204 = arith.maximumf %max3A_1203, %add3A_422 : vector<4x8x2560xf32>
      %add3A_1205 = arith.addf %reduce_sum3A_1184, %mul3A_1196 : vector<4xf32>
      %broadcast_in_dim3A_1206 = vector.shape_cast %add3A_1205 : vector<4xf32> to vector<4x1x1xf32>
      %min3A_1207 = vector.broadcast %broadcast_in_dim3A_1206 : vector<4x1x1xf32> to vector<4x8x2560xf32>
      %min3A_1208 = arith.minimumf %min3A_1207, %add3A_423 : vector<4x8x2560xf32>
      %add3A_1209 = arith.addf %reduce_sum3A_1189, %mul3A_1196 : vector<4xf32>
      %broadcast_in_dim3A_1210 = vector.shape_cast %add3A_1209 : vector<4xf32> to vector<4x1x1xf32>
      %min3A_1211 = vector.broadcast %broadcast_in_dim3A_1210 : vector<4x1x1xf32> to vector<4x8x2560xf32>
      %min3A_1212 = arith.minimumf %min3A_1211, %add3A_424 : vector<4x8x2560xf32>
      %sub3A_1213 = arith.subf %min3A_1208, %max3A_1200 : vector<4x8x2560xf32>
      %max3A_1214 = arith.constant 0.000000e+00 : f32
      %max3A_1215 = vector.broadcast %max3A_1214 : f32 to vector<4x8x2560xf32>
      %max3A_1216 = arith.maximumf %sub3A_1213, %max3A_1215 : vector<4x8x2560xf32>
      %sub3A_1217 = arith.subf %min3A_1212, %max3A_1204 : vector<4x8x2560xf32>
      %max3A_1218 = arith.constant 0.000000e+00 : f32
      %max3A_1219 = vector.broadcast %max3A_1218 : f32 to vector<4x8x2560xf32>
      %max3A_1220 = arith.maximumf %sub3A_1217, %max3A_1219 : vector<4x8x2560xf32>
      %mul3A_1221 = arith.mulf %max3A_1216, %max3A_1220 : vector<4x8x2560xf32>
      %sub3A_1222 = arith.subf %reduce_sum3A_1184, %reduce_sum3A_1174 : vector<4xf32>
      %sub3A_1223 = arith.subf %reduce_sum3A_1189, %reduce_sum3A_1179 : vector<4xf32>
      %mul3A_1224 = arith.mulf %sub3A_1222, %sub3A_1223 : vector<4xf32>
      %broadcast_in_dim3A_1225 = vector.shape_cast %mul3A_1224 : vector<4xf32> to vector<4x1x1xf32>
      %add3A_1226 = vector.broadcast %broadcast_in_dim3A_1225 : vector<4x1x1xf32> to vector<4x8x2560xf32>
      %add3A_1227 = arith.addf %add3A_1226, %mul3A_427 : vector<4x8x2560xf32>
      %sub3A_1228 = arith.subf %add3A_1227, %mul3A_1221 : vector<4x8x2560xf32>
      %add3A_1229 = arith.constant 9.99999971E-10 : f32
      %add3A_1230 = vector.broadcast %add3A_1229 : f32 to vector<4x8x2560xf32>
      %add3A_1231 = arith.addf %sub3A_1228, %add3A_1230 : vector<4x8x2560xf32>
      %div3A_1232 = arith.divf %mul3A_1221, %add3A_1231 : vector<4x8x2560xf32>
      %gt3A_1233 = arith.constant 7.500000e-01 : f32
      %gt3A_1234 = vector.broadcast %gt3A_1233 : f32 to vector<4x8x2560xf32>
      %gt3A_1235 = arith.cmpf ogt, %div3A_1232, %gt3A_1234 : vector<4x8x2560xf32>
      %or3A_1236 = arith.ori %gt3A_1235, %eq3A_1169 : vector<4x8x2560xi1>
      %broadcast_in_dim3A_1237 = vector.shape_cast %gt3A_1157 : vector<4xi1> to vector<4x1x1xi1>
      %and3A_1238 = vector.broadcast %broadcast_in_dim3A_1237 : vector<4x1x1xi1> to vector<4x8x2560xi1>
      %and3A_1239 = arith.andi %or3A_1236, %and3A_1238 : vector<4x8x2560xi1>
      %jit3A_1240 = arith.constant 0xFF800000 : f32
      %broadcast_in_dim3A_1241 = vector.broadcast %jit3A_1240 : f32 to vector<4x8x2560xf32>
      %select_n3A_1242 = arith.select %and3A_1239, %broadcast_in_dim3A_1241, %select_n3A_1125 : vector<4x8x2560xi1>, vector<4x8x2560xf32>
      %eq3A_1243 = arith.constant 6 : i32
      %eq3A_1244 = vector.broadcast %eq3A_1243 : i32 to vector<4x64xi32>
      %eq3A_1245 = arith.cmpi eq, %iota3A_440, %eq3A_1244 : vector<4x64xi32>
      %broadcast_in_dim3A_1246 = vector.shape_cast %select_n3A_1166 : vector<4xi32> to vector<4x1xi32>
      %broadcast_in_dim3A_1247 = vector.shape_cast %broadcast_in_dim3A_1246 : vector<4x1xi32> to vector<4x1xi32>
      %broadcast_in_dim3A_1248 = vector.broadcast %broadcast_in_dim3A_1247 : vector<4x1xi32> to vector<4x64xi32>
      %select_n3A_1249 = arith.select %eq3A_1245, %broadcast_in_dim3A_1248, %select_n3A_1132 : vector<4x64xi1>, vector<4x64xi32>
      %broadcast_in_dim3A_1250 = vector.shape_cast %select_n3A_1195 : vector<4xf32> to vector<4x1xf32>
      %broadcast_in_dim3A_1251 = vector.shape_cast %broadcast_in_dim3A_1250 : vector<4x1xf32> to vector<4x1xf32>
      %broadcast_in_dim3A_1252 = vector.broadcast %broadcast_in_dim3A_1251 : vector<4x1xf32> to vector<4x64xf32>
      %select_n3A_1253 = arith.select %eq3A_1245, %broadcast_in_dim3A_1252, %select_n3A_1136 : vector<4x64xi1>, vector<4x64xf32>
      %broadcast_in_dim3A_1254 = vector.shape_cast %reduce_sum3A_1174 : vector<4xf32> to vector<4x1xf32>
      %broadcast_in_dim3A_1255 = vector.shape_cast %broadcast_in_dim3A_1254 : vector<4x1xf32> to vector<4x1xf32>
      %broadcast_in_dim3A_1256 = vector.broadcast %broadcast_in_dim3A_1255 : vector<4x1xf32> to vector<4x64xf32>
      %select_n3A_1257 = arith.select %eq3A_1245, %broadcast_in_dim3A_1256, %select_n3A_1140 : vector<4x64xi1>, vector<4x64xf32>
      %broadcast_in_dim3A_1258 = vector.shape_cast %reduce_sum3A_1179 : vector<4xf32> to vector<4x1xf32>
      %broadcast_in_dim3A_1259 = vector.shape_cast %broadcast_in_dim3A_1258 : vector<4x1xf32> to vector<4x1xf32>
      %broadcast_in_dim3A_1260 = vector.broadcast %broadcast_in_dim3A_1259 : vector<4x1xf32> to vector<4x64xf32>
      %select_n3A_1261 = arith.select %eq3A_1245, %broadcast_in_dim3A_1260, %select_n3A_1144 : vector<4x64xi1>, vector<4x64xf32>
      %broadcast_in_dim3A_1262 = vector.shape_cast %reduce_sum3A_1184 : vector<4xf32> to vector<4x1xf32>
      %broadcast_in_dim3A_1263 = vector.shape_cast %broadcast_in_dim3A_1262 : vector<4x1xf32> to vector<4x1xf32>
      %broadcast_in_dim3A_1264 = vector.broadcast %broadcast_in_dim3A_1263 : vector<4x1xf32> to vector<4x64xf32>
      %select_n3A_1265 = arith.select %eq3A_1245, %broadcast_in_dim3A_1264, %select_n3A_1148 : vector<4x64xi1>, vector<4x64xf32>
      %broadcast_in_dim3A_1266 = vector.shape_cast %reduce_sum3A_1189 : vector<4xf32> to vector<4x1xf32>
      %broadcast_in_dim3A_1267 = vector.shape_cast %broadcast_in_dim3A_1266 : vector<4x1xf32> to vector<4x1xf32>
      %broadcast_in_dim3A_1268 = vector.broadcast %broadcast_in_dim3A_1267 : vector<4x1xf32> to vector<4x64xf32>
      %select_n3A_1269 = arith.select %eq3A_1245, %broadcast_in_dim3A_1268, %select_n3A_1152 : vector<4x64xi1>, vector<4x64xf32>
      %reduce_max3A_1270 = arith.constant dense<0xFF800000> : vector<4xf32>
      %reduce_max3A_1271 = vector.multi_reduction <maximumf>, %select_n3A_1242, %reduce_max3A_1270 [1, 2] : vector<4x8x2560xf32> to vector<4xf32>
      %gt3A_1272 = arith.constant 0xFF800000 : f32
      %gt3A_1273 = vector.broadcast %gt3A_1272 : f32 to vector<4xf32>
      %gt3A_1274 = arith.cmpf ogt, %reduce_max3A_1271, %gt3A_1273 : vector<4xf32>
      %broadcast_in_dim3A_1275 = vector.shape_cast %reduce_max3A_1271 : vector<4xf32> to vector<4x1x1xf32>
      %eq3A_1276 = vector.broadcast %broadcast_in_dim3A_1275 : vector<4x1x1xf32> to vector<4x8x2560xf32>
      %eq3A_1277 = arith.cmpf oeq, %select_n3A_1242, %eq3A_1276 : vector<4x8x2560xf32>
      %jit3A_1278 = arith.constant 1073741824 : i32
      %broadcast_in_dim3A_1279 = vector.broadcast %jit3A_1278 : i32 to vector<4x8x2560xi32>
      %select_n3A_1280 = arith.select %eq3A_1277, %add3A, %broadcast_in_dim3A_1279 : vector<4x8x2560xi1>, vector<4x8x2560xi32>
      %reduce_min3A_1281 = arith.constant dense<2147483647> : vector<4xi32>
      %reduce_min3A_1282 = vector.multi_reduction <minsi>, %select_n3A_1280, %reduce_min3A_1281 [1, 2] : vector<4x8x2560xi32> to vector<4xi32>
      %select_n3A_1283 = arith.select %gt3A_1274, %reduce_min3A_1282, %reduce_min3A_439 : vector<4xi1>, vector<4xi32>
      %broadcast_in_dim3A_1284 = vector.shape_cast %select_n3A_1283 : vector<4xi32> to vector<4x1x1xi32>
      %eq3A_1285 = vector.broadcast %broadcast_in_dim3A_1284 : vector<4x1x1xi32> to vector<4x8x2560xi32>
      %eq3A_1286 = arith.cmpi eq, %add3A, %eq3A_1285 : vector<4x8x2560xi32>
      %jit3A_1287 = arith.constant 0.000000e+00 : f32
      %broadcast_in_dim3A_1288 = vector.broadcast %jit3A_1287 : f32 to vector<4x8x2560xf32>
      %select_n3A_1289 = arith.select %eq3A_1286, %get3A_16, %broadcast_in_dim3A_1288 : vector<4x8x2560xi1>, vector<4x8x2560xf32>
      %reduce_sum3A_1290 = arith.constant dense<0.000000e+00> : vector<4xf32>
      %reduce_sum3A_1291 = vector.multi_reduction <add>, %select_n3A_1289, %reduce_sum3A_1290 [1, 2] : vector<4x8x2560xf32> to vector<4xf32>
      %jit3A_1292 = arith.constant 0.000000e+00 : f32
      %broadcast_in_dim3A_1293 = vector.broadcast %jit3A_1292 : f32 to vector<4x8x2560xf32>
      %select_n3A_1294 = arith.select %eq3A_1286, %get3A_22, %broadcast_in_dim3A_1293 : vector<4x8x2560xi1>, vector<4x8x2560xf32>
      %reduce_sum3A_1295 = arith.constant dense<0.000000e+00> : vector<4xf32>
      %reduce_sum3A_1296 = vector.multi_reduction <add>, %select_n3A_1294, %reduce_sum3A_1295 [1, 2] : vector<4x8x2560xf32> to vector<4xf32>
      %jit3A_1297 = arith.constant 0.000000e+00 : f32
      %broadcast_in_dim3A_1298 = vector.broadcast %jit3A_1297 : f32 to vector<4x8x2560xf32>
      %select_n3A_1299 = arith.select %eq3A_1286, %get3A_28, %broadcast_in_dim3A_1298 : vector<4x8x2560xi1>, vector<4x8x2560xf32>
      %reduce_sum3A_1300 = arith.constant dense<0.000000e+00> : vector<4xf32>
      %reduce_sum3A_1301 = vector.multi_reduction <add>, %select_n3A_1299, %reduce_sum3A_1300 [1, 2] : vector<4x8x2560xf32> to vector<4xf32>
      %jit3A_1302 = arith.constant 0.000000e+00 : f32
      %broadcast_in_dim3A_1303 = vector.broadcast %jit3A_1302 : f32 to vector<4x8x2560xf32>
      %select_n3A_1304 = arith.select %eq3A_1286, %get3A_34, %broadcast_in_dim3A_1303 : vector<4x8x2560xi1>, vector<4x8x2560xf32>
      %reduce_sum3A_1305 = arith.constant dense<0.000000e+00> : vector<4xf32>
      %reduce_sum3A_1306 = vector.multi_reduction <add>, %select_n3A_1304, %reduce_sum3A_1305 [1, 2] : vector<4x8x2560xf32> to vector<4xf32>
      %jit3A_1307 = arith.constant 0.000000e+00 : f32
      %broadcast_in_dim3A_1308 = vector.broadcast %jit3A_1307 : f32 to vector<4x8x2560xf32>
      %select_n3A_1309 = arith.select %eq3A_1286, %select_n3A_355, %broadcast_in_dim3A_1308 : vector<4x8x2560xi1>, vector<4x8x2560xf32>
      %reduce_sum3A_1310 = arith.constant dense<0.000000e+00> : vector<4xf32>
      %reduce_sum3A_1311 = vector.multi_reduction <add>, %select_n3A_1309, %reduce_sum3A_1310 [1, 2] : vector<4x8x2560xf32> to vector<4xf32>
      %select_n3A_1312 = arith.select %gt3A_1274, %reduce_max3A_1271, %reduce_max3A_432 : vector<4xi1>, vector<4xf32>
      %mul3A_1313 = arith.mulf %reduce_sum3A_1311, %add3A_417 : vector<4xf32>
      %add3A_1314 = arith.addf %reduce_sum3A_1291, %mul3A_1313 : vector<4xf32>
      %broadcast_in_dim3A_1315 = vector.shape_cast %add3A_1314 : vector<4xf32> to vector<4x1x1xf32>
      %max3A_1316 = vector.broadcast %broadcast_in_dim3A_1315 : vector<4x1x1xf32> to vector<4x8x2560xf32>
      %max3A_1317 = arith.maximumf %max3A_1316, %add3A_421 : vector<4x8x2560xf32>
      %add3A_1318 = arith.addf %reduce_sum3A_1296, %mul3A_1313 : vector<4xf32>
      %broadcast_in_dim3A_1319 = vector.shape_cast %add3A_1318 : vector<4xf32> to vector<4x1x1xf32>
      %max3A_1320 = vector.broadcast %broadcast_in_dim3A_1319 : vector<4x1x1xf32> to vector<4x8x2560xf32>
      %max3A_1321 = arith.maximumf %max3A_1320, %add3A_422 : vector<4x8x2560xf32>
      %add3A_1322 = arith.addf %reduce_sum3A_1301, %mul3A_1313 : vector<4xf32>
      %broadcast_in_dim3A_1323 = vector.shape_cast %add3A_1322 : vector<4xf32> to vector<4x1x1xf32>
      %min3A_1324 = vector.broadcast %broadcast_in_dim3A_1323 : vector<4x1x1xf32> to vector<4x8x2560xf32>
      %min3A_1325 = arith.minimumf %min3A_1324, %add3A_423 : vector<4x8x2560xf32>
      %add3A_1326 = arith.addf %reduce_sum3A_1306, %mul3A_1313 : vector<4xf32>
      %broadcast_in_dim3A_1327 = vector.shape_cast %add3A_1326 : vector<4xf32> to vector<4x1x1xf32>
      %min3A_1328 = vector.broadcast %broadcast_in_dim3A_1327 : vector<4x1x1xf32> to vector<4x8x2560xf32>
      %min3A_1329 = arith.minimumf %min3A_1328, %add3A_424 : vector<4x8x2560xf32>
      %sub3A_1330 = arith.subf %min3A_1325, %max3A_1317 : vector<4x8x2560xf32>
      %max3A_1331 = arith.constant 0.000000e+00 : f32
      %max3A_1332 = vector.broadcast %max3A_1331 : f32 to vector<4x8x2560xf32>
      %max3A_1333 = arith.maximumf %sub3A_1330, %max3A_1332 : vector<4x8x2560xf32>
      %sub3A_1334 = arith.subf %min3A_1329, %max3A_1321 : vector<4x8x2560xf32>
      %max3A_1335 = arith.constant 0.000000e+00 : f32
      %max3A_1336 = vector.broadcast %max3A_1335 : f32 to vector<4x8x2560xf32>
      %max3A_1337 = arith.maximumf %sub3A_1334, %max3A_1336 : vector<4x8x2560xf32>
      %mul3A_1338 = arith.mulf %max3A_1333, %max3A_1337 : vector<4x8x2560xf32>
      %sub3A_1339 = arith.subf %reduce_sum3A_1301, %reduce_sum3A_1291 : vector<4xf32>
      %sub3A_1340 = arith.subf %reduce_sum3A_1306, %reduce_sum3A_1296 : vector<4xf32>
      %mul3A_1341 = arith.mulf %sub3A_1339, %sub3A_1340 : vector<4xf32>
      %broadcast_in_dim3A_1342 = vector.shape_cast %mul3A_1341 : vector<4xf32> to vector<4x1x1xf32>
      %add3A_1343 = vector.broadcast %broadcast_in_dim3A_1342 : vector<4x1x1xf32> to vector<4x8x2560xf32>
      %add3A_1344 = arith.addf %add3A_1343, %mul3A_427 : vector<4x8x2560xf32>
      %sub3A_1345 = arith.subf %add3A_1344, %mul3A_1338 : vector<4x8x2560xf32>
      %add3A_1346 = arith.constant 9.99999971E-10 : f32
      %add3A_1347 = vector.broadcast %add3A_1346 : f32 to vector<4x8x2560xf32>
      %add3A_1348 = arith.addf %sub3A_1345, %add3A_1347 : vector<4x8x2560xf32>
      %div3A_1349 = arith.divf %mul3A_1338, %add3A_1348 : vector<4x8x2560xf32>
      %gt3A_1350 = arith.constant 7.500000e-01 : f32
      %gt3A_1351 = vector.broadcast %gt3A_1350 : f32 to vector<4x8x2560xf32>
      %gt3A_1352 = arith.cmpf ogt, %div3A_1349, %gt3A_1351 : vector<4x8x2560xf32>
      %or3A_1353 = arith.ori %gt3A_1352, %eq3A_1286 : vector<4x8x2560xi1>
      %broadcast_in_dim3A_1354 = vector.shape_cast %gt3A_1274 : vector<4xi1> to vector<4x1x1xi1>
      %and3A_1355 = vector.broadcast %broadcast_in_dim3A_1354 : vector<4x1x1xi1> to vector<4x8x2560xi1>
      %and3A_1356 = arith.andi %or3A_1353, %and3A_1355 : vector<4x8x2560xi1>
      %jit3A_1357 = arith.constant 0xFF800000 : f32
      %broadcast_in_dim3A_1358 = vector.broadcast %jit3A_1357 : f32 to vector<4x8x2560xf32>
      %select_n3A_1359 = arith.select %and3A_1356, %broadcast_in_dim3A_1358, %select_n3A_1242 : vector<4x8x2560xi1>, vector<4x8x2560xf32>
      %eq3A_1360 = arith.constant 7 : i32
      %eq3A_1361 = vector.broadcast %eq3A_1360 : i32 to vector<4x64xi32>
      %eq3A_1362 = arith.cmpi eq, %iota3A_440, %eq3A_1361 : vector<4x64xi32>
      %broadcast_in_dim3A_1363 = vector.shape_cast %select_n3A_1283 : vector<4xi32> to vector<4x1xi32>
      %broadcast_in_dim3A_1364 = vector.shape_cast %broadcast_in_dim3A_1363 : vector<4x1xi32> to vector<4x1xi32>
      %broadcast_in_dim3A_1365 = vector.broadcast %broadcast_in_dim3A_1364 : vector<4x1xi32> to vector<4x64xi32>
      %select_n3A_1366 = arith.select %eq3A_1362, %broadcast_in_dim3A_1365, %select_n3A_1249 : vector<4x64xi1>, vector<4x64xi32>
      %broadcast_in_dim3A_1367 = vector.shape_cast %select_n3A_1312 : vector<4xf32> to vector<4x1xf32>
      %broadcast_in_dim3A_1368 = vector.shape_cast %broadcast_in_dim3A_1367 : vector<4x1xf32> to vector<4x1xf32>
      %broadcast_in_dim3A_1369 = vector.broadcast %broadcast_in_dim3A_1368 : vector<4x1xf32> to vector<4x64xf32>
      %select_n3A_1370 = arith.select %eq3A_1362, %broadcast_in_dim3A_1369, %select_n3A_1253 : vector<4x64xi1>, vector<4x64xf32>
      %broadcast_in_dim3A_1371 = vector.shape_cast %reduce_sum3A_1291 : vector<4xf32> to vector<4x1xf32>
      %broadcast_in_dim3A_1372 = vector.shape_cast %broadcast_in_dim3A_1371 : vector<4x1xf32> to vector<4x1xf32>
      %broadcast_in_dim3A_1373 = vector.broadcast %broadcast_in_dim3A_1372 : vector<4x1xf32> to vector<4x64xf32>
      %select_n3A_1374 = arith.select %eq3A_1362, %broadcast_in_dim3A_1373, %select_n3A_1257 : vector<4x64xi1>, vector<4x64xf32>
      %broadcast_in_dim3A_1375 = vector.shape_cast %reduce_sum3A_1296 : vector<4xf32> to vector<4x1xf32>
      %broadcast_in_dim3A_1376 = vector.shape_cast %broadcast_in_dim3A_1375 : vector<4x1xf32> to vector<4x1xf32>
      %broadcast_in_dim3A_1377 = vector.broadcast %broadcast_in_dim3A_1376 : vector<4x1xf32> to vector<4x64xf32>
      %select_n3A_1378 = arith.select %eq3A_1362, %broadcast_in_dim3A_1377, %select_n3A_1261 : vector<4x64xi1>, vector<4x64xf32>
      %broadcast_in_dim3A_1379 = vector.shape_cast %reduce_sum3A_1301 : vector<4xf32> to vector<4x1xf32>
      %broadcast_in_dim3A_1380 = vector.shape_cast %broadcast_in_dim3A_1379 : vector<4x1xf32> to vector<4x1xf32>
      %broadcast_in_dim3A_1381 = vector.broadcast %broadcast_in_dim3A_1380 : vector<4x1xf32> to vector<4x64xf32>
      %select_n3A_1382 = arith.select %eq3A_1362, %broadcast_in_dim3A_1381, %select_n3A_1265 : vector<4x64xi1>, vector<4x64xf32>
      %broadcast_in_dim3A_1383 = vector.shape_cast %reduce_sum3A_1306 : vector<4xf32> to vector<4x1xf32>
      %broadcast_in_dim3A_1384 = vector.shape_cast %broadcast_in_dim3A_1383 : vector<4x1xf32> to vector<4x1xf32>
      %broadcast_in_dim3A_1385 = vector.broadcast %broadcast_in_dim3A_1384 : vector<4x1xf32> to vector<4x64xf32>
      %select_n3A_1386 = arith.select %eq3A_1362, %broadcast_in_dim3A_1385, %select_n3A_1269 : vector<4x64xi1>, vector<4x64xf32>
      %reduce_max3A_1387 = arith.constant dense<0xFF800000> : vector<4xf32>
      %reduce_max3A_1388 = vector.multi_reduction <maximumf>, %select_n3A_1359, %reduce_max3A_1387 [1, 2] : vector<4x8x2560xf32> to vector<4xf32>
      %gt3A_1389 = arith.constant 0xFF800000 : f32
      %gt3A_1390 = vector.broadcast %gt3A_1389 : f32 to vector<4xf32>
      %gt3A_1391 = arith.cmpf ogt, %reduce_max3A_1388, %gt3A_1390 : vector<4xf32>
      %broadcast_in_dim3A_1392 = vector.shape_cast %reduce_max3A_1388 : vector<4xf32> to vector<4x1x1xf32>
      %eq3A_1393 = vector.broadcast %broadcast_in_dim3A_1392 : vector<4x1x1xf32> to vector<4x8x2560xf32>
      %eq3A_1394 = arith.cmpf oeq, %select_n3A_1359, %eq3A_1393 : vector<4x8x2560xf32>
      %jit3A_1395 = arith.constant 1073741824 : i32
      %broadcast_in_dim3A_1396 = vector.broadcast %jit3A_1395 : i32 to vector<4x8x2560xi32>
      %select_n3A_1397 = arith.select %eq3A_1394, %add3A, %broadcast_in_dim3A_1396 : vector<4x8x2560xi1>, vector<4x8x2560xi32>
      %reduce_min3A_1398 = arith.constant dense<2147483647> : vector<4xi32>
      %reduce_min3A_1399 = vector.multi_reduction <minsi>, %select_n3A_1397, %reduce_min3A_1398 [1, 2] : vector<4x8x2560xi32> to vector<4xi32>
      %select_n3A_1400 = arith.select %gt3A_1391, %reduce_min3A_1399, %reduce_min3A_439 : vector<4xi1>, vector<4xi32>
      %broadcast_in_dim3A_1401 = vector.shape_cast %select_n3A_1400 : vector<4xi32> to vector<4x1x1xi32>
      %eq3A_1402 = vector.broadcast %broadcast_in_dim3A_1401 : vector<4x1x1xi32> to vector<4x8x2560xi32>
      %eq3A_1403 = arith.cmpi eq, %add3A, %eq3A_1402 : vector<4x8x2560xi32>
      %jit3A_1404 = arith.constant 0.000000e+00 : f32
      %broadcast_in_dim3A_1405 = vector.broadcast %jit3A_1404 : f32 to vector<4x8x2560xf32>
      %select_n3A_1406 = arith.select %eq3A_1403, %get3A_16, %broadcast_in_dim3A_1405 : vector<4x8x2560xi1>, vector<4x8x2560xf32>
      %reduce_sum3A_1407 = arith.constant dense<0.000000e+00> : vector<4xf32>
      %reduce_sum3A_1408 = vector.multi_reduction <add>, %select_n3A_1406, %reduce_sum3A_1407 [1, 2] : vector<4x8x2560xf32> to vector<4xf32>
      %jit3A_1409 = arith.constant 0.000000e+00 : f32
      %broadcast_in_dim3A_1410 = vector.broadcast %jit3A_1409 : f32 to vector<4x8x2560xf32>
      %select_n3A_1411 = arith.select %eq3A_1403, %get3A_22, %broadcast_in_dim3A_1410 : vector<4x8x2560xi1>, vector<4x8x2560xf32>
      %reduce_sum3A_1412 = arith.constant dense<0.000000e+00> : vector<4xf32>
      %reduce_sum3A_1413 = vector.multi_reduction <add>, %select_n3A_1411, %reduce_sum3A_1412 [1, 2] : vector<4x8x2560xf32> to vector<4xf32>
      %jit3A_1414 = arith.constant 0.000000e+00 : f32
      %broadcast_in_dim3A_1415 = vector.broadcast %jit3A_1414 : f32 to vector<4x8x2560xf32>
      %select_n3A_1416 = arith.select %eq3A_1403, %get3A_28, %broadcast_in_dim3A_1415 : vector<4x8x2560xi1>, vector<4x8x2560xf32>
      %reduce_sum3A_1417 = arith.constant dense<0.000000e+00> : vector<4xf32>
      %reduce_sum3A_1418 = vector.multi_reduction <add>, %select_n3A_1416, %reduce_sum3A_1417 [1, 2] : vector<4x8x2560xf32> to vector<4xf32>
      %jit3A_1419 = arith.constant 0.000000e+00 : f32
      %broadcast_in_dim3A_1420 = vector.broadcast %jit3A_1419 : f32 to vector<4x8x2560xf32>
      %select_n3A_1421 = arith.select %eq3A_1403, %get3A_34, %broadcast_in_dim3A_1420 : vector<4x8x2560xi1>, vector<4x8x2560xf32>
      %reduce_sum3A_1422 = arith.constant dense<0.000000e+00> : vector<4xf32>
      %reduce_sum3A_1423 = vector.multi_reduction <add>, %select_n3A_1421, %reduce_sum3A_1422 [1, 2] : vector<4x8x2560xf32> to vector<4xf32>
      %jit3A_1424 = arith.constant 0.000000e+00 : f32
      %broadcast_in_dim3A_1425 = vector.broadcast %jit3A_1424 : f32 to vector<4x8x2560xf32>
      %select_n3A_1426 = arith.select %eq3A_1403, %select_n3A_355, %broadcast_in_dim3A_1425 : vector<4x8x2560xi1>, vector<4x8x2560xf32>
      %reduce_sum3A_1427 = arith.constant dense<0.000000e+00> : vector<4xf32>
      %reduce_sum3A_1428 = vector.multi_reduction <add>, %select_n3A_1426, %reduce_sum3A_1427 [1, 2] : vector<4x8x2560xf32> to vector<4xf32>
      %select_n3A_1429 = arith.select %gt3A_1391, %reduce_max3A_1388, %reduce_max3A_432 : vector<4xi1>, vector<4xf32>
      %mul3A_1430 = arith.mulf %reduce_sum3A_1428, %add3A_417 : vector<4xf32>
      %add3A_1431 = arith.addf %reduce_sum3A_1408, %mul3A_1430 : vector<4xf32>
      %broadcast_in_dim3A_1432 = vector.shape_cast %add3A_1431 : vector<4xf32> to vector<4x1x1xf32>
      %max3A_1433 = vector.broadcast %broadcast_in_dim3A_1432 : vector<4x1x1xf32> to vector<4x8x2560xf32>
      %max3A_1434 = arith.maximumf %max3A_1433, %add3A_421 : vector<4x8x2560xf32>
      %add3A_1435 = arith.addf %reduce_sum3A_1413, %mul3A_1430 : vector<4xf32>
      %broadcast_in_dim3A_1436 = vector.shape_cast %add3A_1435 : vector<4xf32> to vector<4x1x1xf32>
      %max3A_1437 = vector.broadcast %broadcast_in_dim3A_1436 : vector<4x1x1xf32> to vector<4x8x2560xf32>
      %max3A_1438 = arith.maximumf %max3A_1437, %add3A_422 : vector<4x8x2560xf32>
      %add3A_1439 = arith.addf %reduce_sum3A_1418, %mul3A_1430 : vector<4xf32>
      %broadcast_in_dim3A_1440 = vector.shape_cast %add3A_1439 : vector<4xf32> to vector<4x1x1xf32>
      %min3A_1441 = vector.broadcast %broadcast_in_dim3A_1440 : vector<4x1x1xf32> to vector<4x8x2560xf32>
      %min3A_1442 = arith.minimumf %min3A_1441, %add3A_423 : vector<4x8x2560xf32>
      %add3A_1443 = arith.addf %reduce_sum3A_1423, %mul3A_1430 : vector<4xf32>
      %broadcast_in_dim3A_1444 = vector.shape_cast %add3A_1443 : vector<4xf32> to vector<4x1x1xf32>
      %min3A_1445 = vector.broadcast %broadcast_in_dim3A_1444 : vector<4x1x1xf32> to vector<4x8x2560xf32>
      %min3A_1446 = arith.minimumf %min3A_1445, %add3A_424 : vector<4x8x2560xf32>
      %sub3A_1447 = arith.subf %min3A_1442, %max3A_1434 : vector<4x8x2560xf32>
      %max3A_1448 = arith.constant 0.000000e+00 : f32
      %max3A_1449 = vector.broadcast %max3A_1448 : f32 to vector<4x8x2560xf32>
      %max3A_1450 = arith.maximumf %sub3A_1447, %max3A_1449 : vector<4x8x2560xf32>
      %sub3A_1451 = arith.subf %min3A_1446, %max3A_1438 : vector<4x8x2560xf32>
      %max3A_1452 = arith.constant 0.000000e+00 : f32
      %max3A_1453 = vector.broadcast %max3A_1452 : f32 to vector<4x8x2560xf32>
      %max3A_1454 = arith.maximumf %sub3A_1451, %max3A_1453 : vector<4x8x2560xf32>
      %mul3A_1455 = arith.mulf %max3A_1450, %max3A_1454 : vector<4x8x2560xf32>
      %sub3A_1456 = arith.subf %reduce_sum3A_1418, %reduce_sum3A_1408 : vector<4xf32>
      %sub3A_1457 = arith.subf %reduce_sum3A_1423, %reduce_sum3A_1413 : vector<4xf32>
      %mul3A_1458 = arith.mulf %sub3A_1456, %sub3A_1457 : vector<4xf32>
      %broadcast_in_dim3A_1459 = vector.shape_cast %mul3A_1458 : vector<4xf32> to vector<4x1x1xf32>
      %add3A_1460 = vector.broadcast %broadcast_in_dim3A_1459 : vector<4x1x1xf32> to vector<4x8x2560xf32>
      %add3A_1461 = arith.addf %add3A_1460, %mul3A_427 : vector<4x8x2560xf32>
      %sub3A_1462 = arith.subf %add3A_1461, %mul3A_1455 : vector<4x8x2560xf32>
      %add3A_1463 = arith.constant 9.99999971E-10 : f32
      %add3A_1464 = vector.broadcast %add3A_1463 : f32 to vector<4x8x2560xf32>
      %add3A_1465 = arith.addf %sub3A_1462, %add3A_1464 : vector<4x8x2560xf32>
      %div3A_1466 = arith.divf %mul3A_1455, %add3A_1465 : vector<4x8x2560xf32>
      %gt3A_1467 = arith.constant 7.500000e-01 : f32
      %gt3A_1468 = vector.broadcast %gt3A_1467 : f32 to vector<4x8x2560xf32>
      %gt3A_1469 = arith.cmpf ogt, %div3A_1466, %gt3A_1468 : vector<4x8x2560xf32>
      %or3A_1470 = arith.ori %gt3A_1469, %eq3A_1403 : vector<4x8x2560xi1>
      %broadcast_in_dim3A_1471 = vector.shape_cast %gt3A_1391 : vector<4xi1> to vector<4x1x1xi1>
      %and3A_1472 = vector.broadcast %broadcast_in_dim3A_1471 : vector<4x1x1xi1> to vector<4x8x2560xi1>
      %and3A_1473 = arith.andi %or3A_1470, %and3A_1472 : vector<4x8x2560xi1>
      %jit3A_1474 = arith.constant 0xFF800000 : f32
      %broadcast_in_dim3A_1475 = vector.broadcast %jit3A_1474 : f32 to vector<4x8x2560xf32>
      %select_n3A_1476 = arith.select %and3A_1473, %broadcast_in_dim3A_1475, %select_n3A_1359 : vector<4x8x2560xi1>, vector<4x8x2560xf32>
      %eq3A_1477 = arith.constant 8 : i32
      %eq3A_1478 = vector.broadcast %eq3A_1477 : i32 to vector<4x64xi32>
      %eq3A_1479 = arith.cmpi eq, %iota3A_440, %eq3A_1478 : vector<4x64xi32>
      %broadcast_in_dim3A_1480 = vector.shape_cast %select_n3A_1400 : vector<4xi32> to vector<4x1xi32>
      %broadcast_in_dim3A_1481 = vector.shape_cast %broadcast_in_dim3A_1480 : vector<4x1xi32> to vector<4x1xi32>
      %broadcast_in_dim3A_1482 = vector.broadcast %broadcast_in_dim3A_1481 : vector<4x1xi32> to vector<4x64xi32>
      %select_n3A_1483 = arith.select %eq3A_1479, %broadcast_in_dim3A_1482, %select_n3A_1366 : vector<4x64xi1>, vector<4x64xi32>
      %broadcast_in_dim3A_1484 = vector.shape_cast %select_n3A_1429 : vector<4xf32> to vector<4x1xf32>
      %broadcast_in_dim3A_1485 = vector.shape_cast %broadcast_in_dim3A_1484 : vector<4x1xf32> to vector<4x1xf32>
      %broadcast_in_dim3A_1486 = vector.broadcast %broadcast_in_dim3A_1485 : vector<4x1xf32> to vector<4x64xf32>
      %select_n3A_1487 = arith.select %eq3A_1479, %broadcast_in_dim3A_1486, %select_n3A_1370 : vector<4x64xi1>, vector<4x64xf32>
      %broadcast_in_dim3A_1488 = vector.shape_cast %reduce_sum3A_1408 : vector<4xf32> to vector<4x1xf32>
      %broadcast_in_dim3A_1489 = vector.shape_cast %broadcast_in_dim3A_1488 : vector<4x1xf32> to vector<4x1xf32>
      %broadcast_in_dim3A_1490 = vector.broadcast %broadcast_in_dim3A_1489 : vector<4x1xf32> to vector<4x64xf32>
      %select_n3A_1491 = arith.select %eq3A_1479, %broadcast_in_dim3A_1490, %select_n3A_1374 : vector<4x64xi1>, vector<4x64xf32>
      %broadcast_in_dim3A_1492 = vector.shape_cast %reduce_sum3A_1413 : vector<4xf32> to vector<4x1xf32>
      %broadcast_in_dim3A_1493 = vector.shape_cast %broadcast_in_dim3A_1492 : vector<4x1xf32> to vector<4x1xf32>
      %broadcast_in_dim3A_1494 = vector.broadcast %broadcast_in_dim3A_1493 : vector<4x1xf32> to vector<4x64xf32>
      %select_n3A_1495 = arith.select %eq3A_1479, %broadcast_in_dim3A_1494, %select_n3A_1378 : vector<4x64xi1>, vector<4x64xf32>
      %broadcast_in_dim3A_1496 = vector.shape_cast %reduce_sum3A_1418 : vector<4xf32> to vector<4x1xf32>
      %broadcast_in_dim3A_1497 = vector.shape_cast %broadcast_in_dim3A_1496 : vector<4x1xf32> to vector<4x1xf32>
      %broadcast_in_dim3A_1498 = vector.broadcast %broadcast_in_dim3A_1497 : vector<4x1xf32> to vector<4x64xf32>
      %select_n3A_1499 = arith.select %eq3A_1479, %broadcast_in_dim3A_1498, %select_n3A_1382 : vector<4x64xi1>, vector<4x64xf32>
      %broadcast_in_dim3A_1500 = vector.shape_cast %reduce_sum3A_1423 : vector<4xf32> to vector<4x1xf32>
      %broadcast_in_dim3A_1501 = vector.shape_cast %broadcast_in_dim3A_1500 : vector<4x1xf32> to vector<4x1xf32>
      %broadcast_in_dim3A_1502 = vector.broadcast %broadcast_in_dim3A_1501 : vector<4x1xf32> to vector<4x64xf32>
      %select_n3A_1503 = arith.select %eq3A_1479, %broadcast_in_dim3A_1502, %select_n3A_1386 : vector<4x64xi1>, vector<4x64xf32>
      %reduce_max3A_1504 = arith.constant dense<0xFF800000> : vector<4xf32>
      %reduce_max3A_1505 = vector.multi_reduction <maximumf>, %select_n3A_1476, %reduce_max3A_1504 [1, 2] : vector<4x8x2560xf32> to vector<4xf32>
      %gt3A_1506 = arith.constant 0xFF800000 : f32
      %gt3A_1507 = vector.broadcast %gt3A_1506 : f32 to vector<4xf32>
      %gt3A_1508 = arith.cmpf ogt, %reduce_max3A_1505, %gt3A_1507 : vector<4xf32>
      %broadcast_in_dim3A_1509 = vector.shape_cast %reduce_max3A_1505 : vector<4xf32> to vector<4x1x1xf32>
      %eq3A_1510 = vector.broadcast %broadcast_in_dim3A_1509 : vector<4x1x1xf32> to vector<4x8x2560xf32>
      %eq3A_1511 = arith.cmpf oeq, %select_n3A_1476, %eq3A_1510 : vector<4x8x2560xf32>
      %jit3A_1512 = arith.constant 1073741824 : i32
      %broadcast_in_dim3A_1513 = vector.broadcast %jit3A_1512 : i32 to vector<4x8x2560xi32>
      %select_n3A_1514 = arith.select %eq3A_1511, %add3A, %broadcast_in_dim3A_1513 : vector<4x8x2560xi1>, vector<4x8x2560xi32>
      %reduce_min3A_1515 = arith.constant dense<2147483647> : vector<4xi32>
      %reduce_min3A_1516 = vector.multi_reduction <minsi>, %select_n3A_1514, %reduce_min3A_1515 [1, 2] : vector<4x8x2560xi32> to vector<4xi32>
      %select_n3A_1517 = arith.select %gt3A_1508, %reduce_min3A_1516, %reduce_min3A_439 : vector<4xi1>, vector<4xi32>
      %broadcast_in_dim3A_1518 = vector.shape_cast %select_n3A_1517 : vector<4xi32> to vector<4x1x1xi32>
      %eq3A_1519 = vector.broadcast %broadcast_in_dim3A_1518 : vector<4x1x1xi32> to vector<4x8x2560xi32>
      %eq3A_1520 = arith.cmpi eq, %add3A, %eq3A_1519 : vector<4x8x2560xi32>
      %jit3A_1521 = arith.constant 0.000000e+00 : f32
      %broadcast_in_dim3A_1522 = vector.broadcast %jit3A_1521 : f32 to vector<4x8x2560xf32>
      %select_n3A_1523 = arith.select %eq3A_1520, %get3A_16, %broadcast_in_dim3A_1522 : vector<4x8x2560xi1>, vector<4x8x2560xf32>
      %reduce_sum3A_1524 = arith.constant dense<0.000000e+00> : vector<4xf32>
      %reduce_sum3A_1525 = vector.multi_reduction <add>, %select_n3A_1523, %reduce_sum3A_1524 [1, 2] : vector<4x8x2560xf32> to vector<4xf32>
      %jit3A_1526 = arith.constant 0.000000e+00 : f32
      %broadcast_in_dim3A_1527 = vector.broadcast %jit3A_1526 : f32 to vector<4x8x2560xf32>
      %select_n3A_1528 = arith.select %eq3A_1520, %get3A_22, %broadcast_in_dim3A_1527 : vector<4x8x2560xi1>, vector<4x8x2560xf32>
      %reduce_sum3A_1529 = arith.constant dense<0.000000e+00> : vector<4xf32>
      %reduce_sum3A_1530 = vector.multi_reduction <add>, %select_n3A_1528, %reduce_sum3A_1529 [1, 2] : vector<4x8x2560xf32> to vector<4xf32>
      %jit3A_1531 = arith.constant 0.000000e+00 : f32
      %broadcast_in_dim3A_1532 = vector.broadcast %jit3A_1531 : f32 to vector<4x8x2560xf32>
      %select_n3A_1533 = arith.select %eq3A_1520, %get3A_28, %broadcast_in_dim3A_1532 : vector<4x8x2560xi1>, vector<4x8x2560xf32>
      %reduce_sum3A_1534 = arith.constant dense<0.000000e+00> : vector<4xf32>
      %reduce_sum3A_1535 = vector.multi_reduction <add>, %select_n3A_1533, %reduce_sum3A_1534 [1, 2] : vector<4x8x2560xf32> to vector<4xf32>
      %jit3A_1536 = arith.constant 0.000000e+00 : f32
      %broadcast_in_dim3A_1537 = vector.broadcast %jit3A_1536 : f32 to vector<4x8x2560xf32>
      %select_n3A_1538 = arith.select %eq3A_1520, %get3A_34, %broadcast_in_dim3A_1537 : vector<4x8x2560xi1>, vector<4x8x2560xf32>
      %reduce_sum3A_1539 = arith.constant dense<0.000000e+00> : vector<4xf32>
      %reduce_sum3A_1540 = vector.multi_reduction <add>, %select_n3A_1538, %reduce_sum3A_1539 [1, 2] : vector<4x8x2560xf32> to vector<4xf32>
      %jit3A_1541 = arith.constant 0.000000e+00 : f32
      %broadcast_in_dim3A_1542 = vector.broadcast %jit3A_1541 : f32 to vector<4x8x2560xf32>
      %select_n3A_1543 = arith.select %eq3A_1520, %select_n3A_355, %broadcast_in_dim3A_1542 : vector<4x8x2560xi1>, vector<4x8x2560xf32>
      %reduce_sum3A_1544 = arith.constant dense<0.000000e+00> : vector<4xf32>
      %reduce_sum3A_1545 = vector.multi_reduction <add>, %select_n3A_1543, %reduce_sum3A_1544 [1, 2] : vector<4x8x2560xf32> to vector<4xf32>
      %select_n3A_1546 = arith.select %gt3A_1508, %reduce_max3A_1505, %reduce_max3A_432 : vector<4xi1>, vector<4xf32>
      %mul3A_1547 = arith.mulf %reduce_sum3A_1545, %add3A_417 : vector<4xf32>
      %add3A_1548 = arith.addf %reduce_sum3A_1525, %mul3A_1547 : vector<4xf32>
      %broadcast_in_dim3A_1549 = vector.shape_cast %add3A_1548 : vector<4xf32> to vector<4x1x1xf32>
      %max3A_1550 = vector.broadcast %broadcast_in_dim3A_1549 : vector<4x1x1xf32> to vector<4x8x2560xf32>
      %max3A_1551 = arith.maximumf %max3A_1550, %add3A_421 : vector<4x8x2560xf32>
      %add3A_1552 = arith.addf %reduce_sum3A_1530, %mul3A_1547 : vector<4xf32>
      %broadcast_in_dim3A_1553 = vector.shape_cast %add3A_1552 : vector<4xf32> to vector<4x1x1xf32>
      %max3A_1554 = vector.broadcast %broadcast_in_dim3A_1553 : vector<4x1x1xf32> to vector<4x8x2560xf32>
      %max3A_1555 = arith.maximumf %max3A_1554, %add3A_422 : vector<4x8x2560xf32>
      %add3A_1556 = arith.addf %reduce_sum3A_1535, %mul3A_1547 : vector<4xf32>
      %broadcast_in_dim3A_1557 = vector.shape_cast %add3A_1556 : vector<4xf32> to vector<4x1x1xf32>
      %min3A_1558 = vector.broadcast %broadcast_in_dim3A_1557 : vector<4x1x1xf32> to vector<4x8x2560xf32>
      %min3A_1559 = arith.minimumf %min3A_1558, %add3A_423 : vector<4x8x2560xf32>
      %add3A_1560 = arith.addf %reduce_sum3A_1540, %mul3A_1547 : vector<4xf32>
      %broadcast_in_dim3A_1561 = vector.shape_cast %add3A_1560 : vector<4xf32> to vector<4x1x1xf32>
      %min3A_1562 = vector.broadcast %broadcast_in_dim3A_1561 : vector<4x1x1xf32> to vector<4x8x2560xf32>
      %min3A_1563 = arith.minimumf %min3A_1562, %add3A_424 : vector<4x8x2560xf32>
      %sub3A_1564 = arith.subf %min3A_1559, %max3A_1551 : vector<4x8x2560xf32>
      %max3A_1565 = arith.constant 0.000000e+00 : f32
      %max3A_1566 = vector.broadcast %max3A_1565 : f32 to vector<4x8x2560xf32>
      %max3A_1567 = arith.maximumf %sub3A_1564, %max3A_1566 : vector<4x8x2560xf32>
      %sub3A_1568 = arith.subf %min3A_1563, %max3A_1555 : vector<4x8x2560xf32>
      %max3A_1569 = arith.constant 0.000000e+00 : f32
      %max3A_1570 = vector.broadcast %max3A_1569 : f32 to vector<4x8x2560xf32>
      %max3A_1571 = arith.maximumf %sub3A_1568, %max3A_1570 : vector<4x8x2560xf32>
      %mul3A_1572 = arith.mulf %max3A_1567, %max3A_1571 : vector<4x8x2560xf32>
      %sub3A_1573 = arith.subf %reduce_sum3A_1535, %reduce_sum3A_1525 : vector<4xf32>
      %sub3A_1574 = arith.subf %reduce_sum3A_1540, %reduce_sum3A_1530 : vector<4xf32>
      %mul3A_1575 = arith.mulf %sub3A_1573, %sub3A_1574 : vector<4xf32>
      %broadcast_in_dim3A_1576 = vector.shape_cast %mul3A_1575 : vector<4xf32> to vector<4x1x1xf32>
      %add3A_1577 = vector.broadcast %broadcast_in_dim3A_1576 : vector<4x1x1xf32> to vector<4x8x2560xf32>
      %add3A_1578 = arith.addf %add3A_1577, %mul3A_427 : vector<4x8x2560xf32>
      %sub3A_1579 = arith.subf %add3A_1578, %mul3A_1572 : vector<4x8x2560xf32>
      %add3A_1580 = arith.constant 9.99999971E-10 : f32
      %add3A_1581 = vector.broadcast %add3A_1580 : f32 to vector<4x8x2560xf32>
      %add3A_1582 = arith.addf %sub3A_1579, %add3A_1581 : vector<4x8x2560xf32>
      %div3A_1583 = arith.divf %mul3A_1572, %add3A_1582 : vector<4x8x2560xf32>
      %gt3A_1584 = arith.constant 7.500000e-01 : f32
      %gt3A_1585 = vector.broadcast %gt3A_1584 : f32 to vector<4x8x2560xf32>
      %gt3A_1586 = arith.cmpf ogt, %div3A_1583, %gt3A_1585 : vector<4x8x2560xf32>
      %or3A_1587 = arith.ori %gt3A_1586, %eq3A_1520 : vector<4x8x2560xi1>
      %broadcast_in_dim3A_1588 = vector.shape_cast %gt3A_1508 : vector<4xi1> to vector<4x1x1xi1>
      %and3A_1589 = vector.broadcast %broadcast_in_dim3A_1588 : vector<4x1x1xi1> to vector<4x8x2560xi1>
      %and3A_1590 = arith.andi %or3A_1587, %and3A_1589 : vector<4x8x2560xi1>
      %jit3A_1591 = arith.constant 0xFF800000 : f32
      %broadcast_in_dim3A_1592 = vector.broadcast %jit3A_1591 : f32 to vector<4x8x2560xf32>
      %select_n3A_1593 = arith.select %and3A_1590, %broadcast_in_dim3A_1592, %select_n3A_1476 : vector<4x8x2560xi1>, vector<4x8x2560xf32>
      %eq3A_1594 = arith.constant 9 : i32
      %eq3A_1595 = vector.broadcast %eq3A_1594 : i32 to vector<4x64xi32>
      %eq3A_1596 = arith.cmpi eq, %iota3A_440, %eq3A_1595 : vector<4x64xi32>
      %broadcast_in_dim3A_1597 = vector.shape_cast %select_n3A_1517 : vector<4xi32> to vector<4x1xi32>
      %broadcast_in_dim3A_1598 = vector.shape_cast %broadcast_in_dim3A_1597 : vector<4x1xi32> to vector<4x1xi32>
      %broadcast_in_dim3A_1599 = vector.broadcast %broadcast_in_dim3A_1598 : vector<4x1xi32> to vector<4x64xi32>
      %select_n3A_1600 = arith.select %eq3A_1596, %broadcast_in_dim3A_1599, %select_n3A_1483 : vector<4x64xi1>, vector<4x64xi32>
      %broadcast_in_dim3A_1601 = vector.shape_cast %select_n3A_1546 : vector<4xf32> to vector<4x1xf32>
      %broadcast_in_dim3A_1602 = vector.shape_cast %broadcast_in_dim3A_1601 : vector<4x1xf32> to vector<4x1xf32>
      %broadcast_in_dim3A_1603 = vector.broadcast %broadcast_in_dim3A_1602 : vector<4x1xf32> to vector<4x64xf32>
      %select_n3A_1604 = arith.select %eq3A_1596, %broadcast_in_dim3A_1603, %select_n3A_1487 : vector<4x64xi1>, vector<4x64xf32>
      %broadcast_in_dim3A_1605 = vector.shape_cast %reduce_sum3A_1525 : vector<4xf32> to vector<4x1xf32>
      %broadcast_in_dim3A_1606 = vector.shape_cast %broadcast_in_dim3A_1605 : vector<4x1xf32> to vector<4x1xf32>
      %broadcast_in_dim3A_1607 = vector.broadcast %broadcast_in_dim3A_1606 : vector<4x1xf32> to vector<4x64xf32>
      %select_n3A_1608 = arith.select %eq3A_1596, %broadcast_in_dim3A_1607, %select_n3A_1491 : vector<4x64xi1>, vector<4x64xf32>
      %broadcast_in_dim3A_1609 = vector.shape_cast %reduce_sum3A_1530 : vector<4xf32> to vector<4x1xf32>
      %broadcast_in_dim3A_1610 = vector.shape_cast %broadcast_in_dim3A_1609 : vector<4x1xf32> to vector<4x1xf32>
      %broadcast_in_dim3A_1611 = vector.broadcast %broadcast_in_dim3A_1610 : vector<4x1xf32> to vector<4x64xf32>
      %select_n3A_1612 = arith.select %eq3A_1596, %broadcast_in_dim3A_1611, %select_n3A_1495 : vector<4x64xi1>, vector<4x64xf32>
      %broadcast_in_dim3A_1613 = vector.shape_cast %reduce_sum3A_1535 : vector<4xf32> to vector<4x1xf32>
      %broadcast_in_dim3A_1614 = vector.shape_cast %broadcast_in_dim3A_1613 : vector<4x1xf32> to vector<4x1xf32>
      %broadcast_in_dim3A_1615 = vector.broadcast %broadcast_in_dim3A_1614 : vector<4x1xf32> to vector<4x64xf32>
      %select_n3A_1616 = arith.select %eq3A_1596, %broadcast_in_dim3A_1615, %select_n3A_1499 : vector<4x64xi1>, vector<4x64xf32>
      %broadcast_in_dim3A_1617 = vector.shape_cast %reduce_sum3A_1540 : vector<4xf32> to vector<4x1xf32>
      %broadcast_in_dim3A_1618 = vector.shape_cast %broadcast_in_dim3A_1617 : vector<4x1xf32> to vector<4x1xf32>
      %broadcast_in_dim3A_1619 = vector.broadcast %broadcast_in_dim3A_1618 : vector<4x1xf32> to vector<4x64xf32>
      %select_n3A_1620 = arith.select %eq3A_1596, %broadcast_in_dim3A_1619, %select_n3A_1503 : vector<4x64xi1>, vector<4x64xf32>
      %reduce_max3A_1621 = arith.constant dense<0xFF800000> : vector<4xf32>
      %reduce_max3A_1622 = vector.multi_reduction <maximumf>, %select_n3A_1593, %reduce_max3A_1621 [1, 2] : vector<4x8x2560xf32> to vector<4xf32>
      %gt3A_1623 = arith.constant 0xFF800000 : f32
      %gt3A_1624 = vector.broadcast %gt3A_1623 : f32 to vector<4xf32>
      %gt3A_1625 = arith.cmpf ogt, %reduce_max3A_1622, %gt3A_1624 : vector<4xf32>
      %broadcast_in_dim3A_1626 = vector.shape_cast %reduce_max3A_1622 : vector<4xf32> to vector<4x1x1xf32>
      %eq3A_1627 = vector.broadcast %broadcast_in_dim3A_1626 : vector<4x1x1xf32> to vector<4x8x2560xf32>
      %eq3A_1628 = arith.cmpf oeq, %select_n3A_1593, %eq3A_1627 : vector<4x8x2560xf32>
      %jit3A_1629 = arith.constant 1073741824 : i32
      %broadcast_in_dim3A_1630 = vector.broadcast %jit3A_1629 : i32 to vector<4x8x2560xi32>
      %select_n3A_1631 = arith.select %eq3A_1628, %add3A, %broadcast_in_dim3A_1630 : vector<4x8x2560xi1>, vector<4x8x2560xi32>
      %reduce_min3A_1632 = arith.constant dense<2147483647> : vector<4xi32>
      %reduce_min3A_1633 = vector.multi_reduction <minsi>, %select_n3A_1631, %reduce_min3A_1632 [1, 2] : vector<4x8x2560xi32> to vector<4xi32>
      %select_n3A_1634 = arith.select %gt3A_1625, %reduce_min3A_1633, %reduce_min3A_439 : vector<4xi1>, vector<4xi32>
      %broadcast_in_dim3A_1635 = vector.shape_cast %select_n3A_1634 : vector<4xi32> to vector<4x1x1xi32>
      %eq3A_1636 = vector.broadcast %broadcast_in_dim3A_1635 : vector<4x1x1xi32> to vector<4x8x2560xi32>
      %eq3A_1637 = arith.cmpi eq, %add3A, %eq3A_1636 : vector<4x8x2560xi32>
      %jit3A_1638 = arith.constant 0.000000e+00 : f32
      %broadcast_in_dim3A_1639 = vector.broadcast %jit3A_1638 : f32 to vector<4x8x2560xf32>
      %select_n3A_1640 = arith.select %eq3A_1637, %get3A_16, %broadcast_in_dim3A_1639 : vector<4x8x2560xi1>, vector<4x8x2560xf32>
      %reduce_sum3A_1641 = arith.constant dense<0.000000e+00> : vector<4xf32>
      %reduce_sum3A_1642 = vector.multi_reduction <add>, %select_n3A_1640, %reduce_sum3A_1641 [1, 2] : vector<4x8x2560xf32> to vector<4xf32>
      %jit3A_1643 = arith.constant 0.000000e+00 : f32
      %broadcast_in_dim3A_1644 = vector.broadcast %jit3A_1643 : f32 to vector<4x8x2560xf32>
      %select_n3A_1645 = arith.select %eq3A_1637, %get3A_22, %broadcast_in_dim3A_1644 : vector<4x8x2560xi1>, vector<4x8x2560xf32>
      %reduce_sum3A_1646 = arith.constant dense<0.000000e+00> : vector<4xf32>
      %reduce_sum3A_1647 = vector.multi_reduction <add>, %select_n3A_1645, %reduce_sum3A_1646 [1, 2] : vector<4x8x2560xf32> to vector<4xf32>
      %jit3A_1648 = arith.constant 0.000000e+00 : f32
      %broadcast_in_dim3A_1649 = vector.broadcast %jit3A_1648 : f32 to vector<4x8x2560xf32>
      %select_n3A_1650 = arith.select %eq3A_1637, %get3A_28, %broadcast_in_dim3A_1649 : vector<4x8x2560xi1>, vector<4x8x2560xf32>
      %reduce_sum3A_1651 = arith.constant dense<0.000000e+00> : vector<4xf32>
      %reduce_sum3A_1652 = vector.multi_reduction <add>, %select_n3A_1650, %reduce_sum3A_1651 [1, 2] : vector<4x8x2560xf32> to vector<4xf32>
      %jit3A_1653 = arith.constant 0.000000e+00 : f32
      %broadcast_in_dim3A_1654 = vector.broadcast %jit3A_1653 : f32 to vector<4x8x2560xf32>
      %select_n3A_1655 = arith.select %eq3A_1637, %get3A_34, %broadcast_in_dim3A_1654 : vector<4x8x2560xi1>, vector<4x8x2560xf32>
      %reduce_sum3A_1656 = arith.constant dense<0.000000e+00> : vector<4xf32>
      %reduce_sum3A_1657 = vector.multi_reduction <add>, %select_n3A_1655, %reduce_sum3A_1656 [1, 2] : vector<4x8x2560xf32> to vector<4xf32>
      %jit3A_1658 = arith.constant 0.000000e+00 : f32
      %broadcast_in_dim3A_1659 = vector.broadcast %jit3A_1658 : f32 to vector<4x8x2560xf32>
      %select_n3A_1660 = arith.select %eq3A_1637, %select_n3A_355, %broadcast_in_dim3A_1659 : vector<4x8x2560xi1>, vector<4x8x2560xf32>
      %reduce_sum3A_1661 = arith.constant dense<0.000000e+00> : vector<4xf32>
      %reduce_sum3A_1662 = vector.multi_reduction <add>, %select_n3A_1660, %reduce_sum3A_1661 [1, 2] : vector<4x8x2560xf32> to vector<4xf32>
      %select_n3A_1663 = arith.select %gt3A_1625, %reduce_max3A_1622, %reduce_max3A_432 : vector<4xi1>, vector<4xf32>
      %mul3A_1664 = arith.mulf %reduce_sum3A_1662, %add3A_417 : vector<4xf32>
      %add3A_1665 = arith.addf %reduce_sum3A_1642, %mul3A_1664 : vector<4xf32>
      %broadcast_in_dim3A_1666 = vector.shape_cast %add3A_1665 : vector<4xf32> to vector<4x1x1xf32>
      %max3A_1667 = vector.broadcast %broadcast_in_dim3A_1666 : vector<4x1x1xf32> to vector<4x8x2560xf32>
      %max3A_1668 = arith.maximumf %max3A_1667, %add3A_421 : vector<4x8x2560xf32>
      %add3A_1669 = arith.addf %reduce_sum3A_1647, %mul3A_1664 : vector<4xf32>
      %broadcast_in_dim3A_1670 = vector.shape_cast %add3A_1669 : vector<4xf32> to vector<4x1x1xf32>
      %max3A_1671 = vector.broadcast %broadcast_in_dim3A_1670 : vector<4x1x1xf32> to vector<4x8x2560xf32>
      %max3A_1672 = arith.maximumf %max3A_1671, %add3A_422 : vector<4x8x2560xf32>
      %add3A_1673 = arith.addf %reduce_sum3A_1652, %mul3A_1664 : vector<4xf32>
      %broadcast_in_dim3A_1674 = vector.shape_cast %add3A_1673 : vector<4xf32> to vector<4x1x1xf32>
      %min3A_1675 = vector.broadcast %broadcast_in_dim3A_1674 : vector<4x1x1xf32> to vector<4x8x2560xf32>
      %min3A_1676 = arith.minimumf %min3A_1675, %add3A_423 : vector<4x8x2560xf32>
      %add3A_1677 = arith.addf %reduce_sum3A_1657, %mul3A_1664 : vector<4xf32>
      %broadcast_in_dim3A_1678 = vector.shape_cast %add3A_1677 : vector<4xf32> to vector<4x1x1xf32>
      %min3A_1679 = vector.broadcast %broadcast_in_dim3A_1678 : vector<4x1x1xf32> to vector<4x8x2560xf32>
      %min3A_1680 = arith.minimumf %min3A_1679, %add3A_424 : vector<4x8x2560xf32>
      %sub3A_1681 = arith.subf %min3A_1676, %max3A_1668 : vector<4x8x2560xf32>
      %max3A_1682 = arith.constant 0.000000e+00 : f32
      %max3A_1683 = vector.broadcast %max3A_1682 : f32 to vector<4x8x2560xf32>
      %max3A_1684 = arith.maximumf %sub3A_1681, %max3A_1683 : vector<4x8x2560xf32>
      %sub3A_1685 = arith.subf %min3A_1680, %max3A_1672 : vector<4x8x2560xf32>
      %max3A_1686 = arith.constant 0.000000e+00 : f32
      %max3A_1687 = vector.broadcast %max3A_1686 : f32 to vector<4x8x2560xf32>
      %max3A_1688 = arith.maximumf %sub3A_1685, %max3A_1687 : vector<4x8x2560xf32>
      %mul3A_1689 = arith.mulf %max3A_1684, %max3A_1688 : vector<4x8x2560xf32>
      %sub3A_1690 = arith.subf %reduce_sum3A_1652, %reduce_sum3A_1642 : vector<4xf32>
      %sub3A_1691 = arith.subf %reduce_sum3A_1657, %reduce_sum3A_1647 : vector<4xf32>
      %mul3A_1692 = arith.mulf %sub3A_1690, %sub3A_1691 : vector<4xf32>
      %broadcast_in_dim3A_1693 = vector.shape_cast %mul3A_1692 : vector<4xf32> to vector<4x1x1xf32>
      %add3A_1694 = vector.broadcast %broadcast_in_dim3A_1693 : vector<4x1x1xf32> to vector<4x8x2560xf32>
      %add3A_1695 = arith.addf %add3A_1694, %mul3A_427 : vector<4x8x2560xf32>
      %sub3A_1696 = arith.subf %add3A_1695, %mul3A_1689 : vector<4x8x2560xf32>
      %add3A_1697 = arith.constant 9.99999971E-10 : f32
      %add3A_1698 = vector.broadcast %add3A_1697 : f32 to vector<4x8x2560xf32>
      %add3A_1699 = arith.addf %sub3A_1696, %add3A_1698 : vector<4x8x2560xf32>
      %div3A_1700 = arith.divf %mul3A_1689, %add3A_1699 : vector<4x8x2560xf32>
      %gt3A_1701 = arith.constant 7.500000e-01 : f32
      %gt3A_1702 = vector.broadcast %gt3A_1701 : f32 to vector<4x8x2560xf32>
      %gt3A_1703 = arith.cmpf ogt, %div3A_1700, %gt3A_1702 : vector<4x8x2560xf32>
      %or3A_1704 = arith.ori %gt3A_1703, %eq3A_1637 : vector<4x8x2560xi1>
      %broadcast_in_dim3A_1705 = vector.shape_cast %gt3A_1625 : vector<4xi1> to vector<4x1x1xi1>
      %and3A_1706 = vector.broadcast %broadcast_in_dim3A_1705 : vector<4x1x1xi1> to vector<4x8x2560xi1>
      %and3A_1707 = arith.andi %or3A_1704, %and3A_1706 : vector<4x8x2560xi1>
      %jit3A_1708 = arith.constant 0xFF800000 : f32
      %broadcast_in_dim3A_1709 = vector.broadcast %jit3A_1708 : f32 to vector<4x8x2560xf32>
      %select_n3A_1710 = arith.select %and3A_1707, %broadcast_in_dim3A_1709, %select_n3A_1593 : vector<4x8x2560xi1>, vector<4x8x2560xf32>
      %eq3A_1711 = arith.constant 10 : i32
      %eq3A_1712 = vector.broadcast %eq3A_1711 : i32 to vector<4x64xi32>
      %eq3A_1713 = arith.cmpi eq, %iota3A_440, %eq3A_1712 : vector<4x64xi32>
      %broadcast_in_dim3A_1714 = vector.shape_cast %select_n3A_1634 : vector<4xi32> to vector<4x1xi32>
      %broadcast_in_dim3A_1715 = vector.shape_cast %broadcast_in_dim3A_1714 : vector<4x1xi32> to vector<4x1xi32>
      %broadcast_in_dim3A_1716 = vector.broadcast %broadcast_in_dim3A_1715 : vector<4x1xi32> to vector<4x64xi32>
      %select_n3A_1717 = arith.select %eq3A_1713, %broadcast_in_dim3A_1716, %select_n3A_1600 : vector<4x64xi1>, vector<4x64xi32>
      %broadcast_in_dim3A_1718 = vector.shape_cast %select_n3A_1663 : vector<4xf32> to vector<4x1xf32>
      %broadcast_in_dim3A_1719 = vector.shape_cast %broadcast_in_dim3A_1718 : vector<4x1xf32> to vector<4x1xf32>
      %broadcast_in_dim3A_1720 = vector.broadcast %broadcast_in_dim3A_1719 : vector<4x1xf32> to vector<4x64xf32>
      %select_n3A_1721 = arith.select %eq3A_1713, %broadcast_in_dim3A_1720, %select_n3A_1604 : vector<4x64xi1>, vector<4x64xf32>
      %broadcast_in_dim3A_1722 = vector.shape_cast %reduce_sum3A_1642 : vector<4xf32> to vector<4x1xf32>
      %broadcast_in_dim3A_1723 = vector.shape_cast %broadcast_in_dim3A_1722 : vector<4x1xf32> to vector<4x1xf32>
      %broadcast_in_dim3A_1724 = vector.broadcast %broadcast_in_dim3A_1723 : vector<4x1xf32> to vector<4x64xf32>
      %select_n3A_1725 = arith.select %eq3A_1713, %broadcast_in_dim3A_1724, %select_n3A_1608 : vector<4x64xi1>, vector<4x64xf32>
      %broadcast_in_dim3A_1726 = vector.shape_cast %reduce_sum3A_1647 : vector<4xf32> to vector<4x1xf32>
      %broadcast_in_dim3A_1727 = vector.shape_cast %broadcast_in_dim3A_1726 : vector<4x1xf32> to vector<4x1xf32>
      %broadcast_in_dim3A_1728 = vector.broadcast %broadcast_in_dim3A_1727 : vector<4x1xf32> to vector<4x64xf32>
      %select_n3A_1729 = arith.select %eq3A_1713, %broadcast_in_dim3A_1728, %select_n3A_1612 : vector<4x64xi1>, vector<4x64xf32>
      %broadcast_in_dim3A_1730 = vector.shape_cast %reduce_sum3A_1652 : vector<4xf32> to vector<4x1xf32>
      %broadcast_in_dim3A_1731 = vector.shape_cast %broadcast_in_dim3A_1730 : vector<4x1xf32> to vector<4x1xf32>
      %broadcast_in_dim3A_1732 = vector.broadcast %broadcast_in_dim3A_1731 : vector<4x1xf32> to vector<4x64xf32>
      %select_n3A_1733 = arith.select %eq3A_1713, %broadcast_in_dim3A_1732, %select_n3A_1616 : vector<4x64xi1>, vector<4x64xf32>
      %broadcast_in_dim3A_1734 = vector.shape_cast %reduce_sum3A_1657 : vector<4xf32> to vector<4x1xf32>
      %broadcast_in_dim3A_1735 = vector.shape_cast %broadcast_in_dim3A_1734 : vector<4x1xf32> to vector<4x1xf32>
      %broadcast_in_dim3A_1736 = vector.broadcast %broadcast_in_dim3A_1735 : vector<4x1xf32> to vector<4x64xf32>
      %select_n3A_1737 = arith.select %eq3A_1713, %broadcast_in_dim3A_1736, %select_n3A_1620 : vector<4x64xi1>, vector<4x64xf32>
      %reduce_max3A_1738 = arith.constant dense<0xFF800000> : vector<4xf32>
      %reduce_max3A_1739 = vector.multi_reduction <maximumf>, %select_n3A_1710, %reduce_max3A_1738 [1, 2] : vector<4x8x2560xf32> to vector<4xf32>
      %gt3A_1740 = arith.constant 0xFF800000 : f32
      %gt3A_1741 = vector.broadcast %gt3A_1740 : f32 to vector<4xf32>
      %gt3A_1742 = arith.cmpf ogt, %reduce_max3A_1739, %gt3A_1741 : vector<4xf32>
      %broadcast_in_dim3A_1743 = vector.shape_cast %reduce_max3A_1739 : vector<4xf32> to vector<4x1x1xf32>
      %eq3A_1744 = vector.broadcast %broadcast_in_dim3A_1743 : vector<4x1x1xf32> to vector<4x8x2560xf32>
      %eq3A_1745 = arith.cmpf oeq, %select_n3A_1710, %eq3A_1744 : vector<4x8x2560xf32>
      %jit3A_1746 = arith.constant 1073741824 : i32
      %broadcast_in_dim3A_1747 = vector.broadcast %jit3A_1746 : i32 to vector<4x8x2560xi32>
      %select_n3A_1748 = arith.select %eq3A_1745, %add3A, %broadcast_in_dim3A_1747 : vector<4x8x2560xi1>, vector<4x8x2560xi32>
      %reduce_min3A_1749 = arith.constant dense<2147483647> : vector<4xi32>
      %reduce_min3A_1750 = vector.multi_reduction <minsi>, %select_n3A_1748, %reduce_min3A_1749 [1, 2] : vector<4x8x2560xi32> to vector<4xi32>
      %select_n3A_1751 = arith.select %gt3A_1742, %reduce_min3A_1750, %reduce_min3A_439 : vector<4xi1>, vector<4xi32>
      %broadcast_in_dim3A_1752 = vector.shape_cast %select_n3A_1751 : vector<4xi32> to vector<4x1x1xi32>
      %eq3A_1753 = vector.broadcast %broadcast_in_dim3A_1752 : vector<4x1x1xi32> to vector<4x8x2560xi32>
      %eq3A_1754 = arith.cmpi eq, %add3A, %eq3A_1753 : vector<4x8x2560xi32>
      %jit3A_1755 = arith.constant 0.000000e+00 : f32
      %broadcast_in_dim3A_1756 = vector.broadcast %jit3A_1755 : f32 to vector<4x8x2560xf32>
      %select_n3A_1757 = arith.select %eq3A_1754, %get3A_16, %broadcast_in_dim3A_1756 : vector<4x8x2560xi1>, vector<4x8x2560xf32>
      %reduce_sum3A_1758 = arith.constant dense<0.000000e+00> : vector<4xf32>
      %reduce_sum3A_1759 = vector.multi_reduction <add>, %select_n3A_1757, %reduce_sum3A_1758 [1, 2] : vector<4x8x2560xf32> to vector<4xf32>
      %jit3A_1760 = arith.constant 0.000000e+00 : f32
      %broadcast_in_dim3A_1761 = vector.broadcast %jit3A_1760 : f32 to vector<4x8x2560xf32>
      %select_n3A_1762 = arith.select %eq3A_1754, %get3A_22, %broadcast_in_dim3A_1761 : vector<4x8x2560xi1>, vector<4x8x2560xf32>
      %reduce_sum3A_1763 = arith.constant dense<0.000000e+00> : vector<4xf32>
      %reduce_sum3A_1764 = vector.multi_reduction <add>, %select_n3A_1762, %reduce_sum3A_1763 [1, 2] : vector<4x8x2560xf32> to vector<4xf32>
      %jit3A_1765 = arith.constant 0.000000e+00 : f32
      %broadcast_in_dim3A_1766 = vector.broadcast %jit3A_1765 : f32 to vector<4x8x2560xf32>
      %select_n3A_1767 = arith.select %eq3A_1754, %get3A_28, %broadcast_in_dim3A_1766 : vector<4x8x2560xi1>, vector<4x8x2560xf32>
      %reduce_sum3A_1768 = arith.constant dense<0.000000e+00> : vector<4xf32>
      %reduce_sum3A_1769 = vector.multi_reduction <add>, %select_n3A_1767, %reduce_sum3A_1768 [1, 2] : vector<4x8x2560xf32> to vector<4xf32>
      %jit3A_1770 = arith.constant 0.000000e+00 : f32
      %broadcast_in_dim3A_1771 = vector.broadcast %jit3A_1770 : f32 to vector<4x8x2560xf32>
      %select_n3A_1772 = arith.select %eq3A_1754, %get3A_34, %broadcast_in_dim3A_1771 : vector<4x8x2560xi1>, vector<4x8x2560xf32>
      %reduce_sum3A_1773 = arith.constant dense<0.000000e+00> : vector<4xf32>
      %reduce_sum3A_1774 = vector.multi_reduction <add>, %select_n3A_1772, %reduce_sum3A_1773 [1, 2] : vector<4x8x2560xf32> to vector<4xf32>
      %jit3A_1775 = arith.constant 0.000000e+00 : f32
      %broadcast_in_dim3A_1776 = vector.broadcast %jit3A_1775 : f32 to vector<4x8x2560xf32>
      %select_n3A_1777 = arith.select %eq3A_1754, %select_n3A_355, %broadcast_in_dim3A_1776 : vector<4x8x2560xi1>, vector<4x8x2560xf32>
      %reduce_sum3A_1778 = arith.constant dense<0.000000e+00> : vector<4xf32>
      %reduce_sum3A_1779 = vector.multi_reduction <add>, %select_n3A_1777, %reduce_sum3A_1778 [1, 2] : vector<4x8x2560xf32> to vector<4xf32>
      %select_n3A_1780 = arith.select %gt3A_1742, %reduce_max3A_1739, %reduce_max3A_432 : vector<4xi1>, vector<4xf32>
      %mul3A_1781 = arith.mulf %reduce_sum3A_1779, %add3A_417 : vector<4xf32>
      %add3A_1782 = arith.addf %reduce_sum3A_1759, %mul3A_1781 : vector<4xf32>
      %broadcast_in_dim3A_1783 = vector.shape_cast %add3A_1782 : vector<4xf32> to vector<4x1x1xf32>
      %max3A_1784 = vector.broadcast %broadcast_in_dim3A_1783 : vector<4x1x1xf32> to vector<4x8x2560xf32>
      %max3A_1785 = arith.maximumf %max3A_1784, %add3A_421 : vector<4x8x2560xf32>
      %add3A_1786 = arith.addf %reduce_sum3A_1764, %mul3A_1781 : vector<4xf32>
      %broadcast_in_dim3A_1787 = vector.shape_cast %add3A_1786 : vector<4xf32> to vector<4x1x1xf32>
      %max3A_1788 = vector.broadcast %broadcast_in_dim3A_1787 : vector<4x1x1xf32> to vector<4x8x2560xf32>
      %max3A_1789 = arith.maximumf %max3A_1788, %add3A_422 : vector<4x8x2560xf32>
      %add3A_1790 = arith.addf %reduce_sum3A_1769, %mul3A_1781 : vector<4xf32>
      %broadcast_in_dim3A_1791 = vector.shape_cast %add3A_1790 : vector<4xf32> to vector<4x1x1xf32>
      %min3A_1792 = vector.broadcast %broadcast_in_dim3A_1791 : vector<4x1x1xf32> to vector<4x8x2560xf32>
      %min3A_1793 = arith.minimumf %min3A_1792, %add3A_423 : vector<4x8x2560xf32>
      %add3A_1794 = arith.addf %reduce_sum3A_1774, %mul3A_1781 : vector<4xf32>
      %broadcast_in_dim3A_1795 = vector.shape_cast %add3A_1794 : vector<4xf32> to vector<4x1x1xf32>
      %min3A_1796 = vector.broadcast %broadcast_in_dim3A_1795 : vector<4x1x1xf32> to vector<4x8x2560xf32>
      %min3A_1797 = arith.minimumf %min3A_1796, %add3A_424 : vector<4x8x2560xf32>
      %sub3A_1798 = arith.subf %min3A_1793, %max3A_1785 : vector<4x8x2560xf32>
      %max3A_1799 = arith.constant 0.000000e+00 : f32
      %max3A_1800 = vector.broadcast %max3A_1799 : f32 to vector<4x8x2560xf32>
      %max3A_1801 = arith.maximumf %sub3A_1798, %max3A_1800 : vector<4x8x2560xf32>
      %sub3A_1802 = arith.subf %min3A_1797, %max3A_1789 : vector<4x8x2560xf32>
      %max3A_1803 = arith.constant 0.000000e+00 : f32
      %max3A_1804 = vector.broadcast %max3A_1803 : f32 to vector<4x8x2560xf32>
      %max3A_1805 = arith.maximumf %sub3A_1802, %max3A_1804 : vector<4x8x2560xf32>
      %mul3A_1806 = arith.mulf %max3A_1801, %max3A_1805 : vector<4x8x2560xf32>
      %sub3A_1807 = arith.subf %reduce_sum3A_1769, %reduce_sum3A_1759 : vector<4xf32>
      %sub3A_1808 = arith.subf %reduce_sum3A_1774, %reduce_sum3A_1764 : vector<4xf32>
      %mul3A_1809 = arith.mulf %sub3A_1807, %sub3A_1808 : vector<4xf32>
      %broadcast_in_dim3A_1810 = vector.shape_cast %mul3A_1809 : vector<4xf32> to vector<4x1x1xf32>
      %add3A_1811 = vector.broadcast %broadcast_in_dim3A_1810 : vector<4x1x1xf32> to vector<4x8x2560xf32>
      %add3A_1812 = arith.addf %add3A_1811, %mul3A_427 : vector<4x8x2560xf32>
      %sub3A_1813 = arith.subf %add3A_1812, %mul3A_1806 : vector<4x8x2560xf32>
      %add3A_1814 = arith.constant 9.99999971E-10 : f32
      %add3A_1815 = vector.broadcast %add3A_1814 : f32 to vector<4x8x2560xf32>
      %add3A_1816 = arith.addf %sub3A_1813, %add3A_1815 : vector<4x8x2560xf32>
      %div3A_1817 = arith.divf %mul3A_1806, %add3A_1816 : vector<4x8x2560xf32>
      %gt3A_1818 = arith.constant 7.500000e-01 : f32
      %gt3A_1819 = vector.broadcast %gt3A_1818 : f32 to vector<4x8x2560xf32>
      %gt3A_1820 = arith.cmpf ogt, %div3A_1817, %gt3A_1819 : vector<4x8x2560xf32>
      %or3A_1821 = arith.ori %gt3A_1820, %eq3A_1754 : vector<4x8x2560xi1>
      %broadcast_in_dim3A_1822 = vector.shape_cast %gt3A_1742 : vector<4xi1> to vector<4x1x1xi1>
      %and3A_1823 = vector.broadcast %broadcast_in_dim3A_1822 : vector<4x1x1xi1> to vector<4x8x2560xi1>
      %and3A_1824 = arith.andi %or3A_1821, %and3A_1823 : vector<4x8x2560xi1>
      %jit3A_1825 = arith.constant 0xFF800000 : f32
      %broadcast_in_dim3A_1826 = vector.broadcast %jit3A_1825 : f32 to vector<4x8x2560xf32>
      %select_n3A_1827 = arith.select %and3A_1824, %broadcast_in_dim3A_1826, %select_n3A_1710 : vector<4x8x2560xi1>, vector<4x8x2560xf32>
      %eq3A_1828 = arith.constant 11 : i32
      %eq3A_1829 = vector.broadcast %eq3A_1828 : i32 to vector<4x64xi32>
      %eq3A_1830 = arith.cmpi eq, %iota3A_440, %eq3A_1829 : vector<4x64xi32>
      %broadcast_in_dim3A_1831 = vector.shape_cast %select_n3A_1751 : vector<4xi32> to vector<4x1xi32>
      %broadcast_in_dim3A_1832 = vector.shape_cast %broadcast_in_dim3A_1831 : vector<4x1xi32> to vector<4x1xi32>
      %broadcast_in_dim3A_1833 = vector.broadcast %broadcast_in_dim3A_1832 : vector<4x1xi32> to vector<4x64xi32>
      %select_n3A_1834 = arith.select %eq3A_1830, %broadcast_in_dim3A_1833, %select_n3A_1717 : vector<4x64xi1>, vector<4x64xi32>
      %broadcast_in_dim3A_1835 = vector.shape_cast %select_n3A_1780 : vector<4xf32> to vector<4x1xf32>
      %broadcast_in_dim3A_1836 = vector.shape_cast %broadcast_in_dim3A_1835 : vector<4x1xf32> to vector<4x1xf32>
      %broadcast_in_dim3A_1837 = vector.broadcast %broadcast_in_dim3A_1836 : vector<4x1xf32> to vector<4x64xf32>
      %select_n3A_1838 = arith.select %eq3A_1830, %broadcast_in_dim3A_1837, %select_n3A_1721 : vector<4x64xi1>, vector<4x64xf32>
      %broadcast_in_dim3A_1839 = vector.shape_cast %reduce_sum3A_1759 : vector<4xf32> to vector<4x1xf32>
      %broadcast_in_dim3A_1840 = vector.shape_cast %broadcast_in_dim3A_1839 : vector<4x1xf32> to vector<4x1xf32>
      %broadcast_in_dim3A_1841 = vector.broadcast %broadcast_in_dim3A_1840 : vector<4x1xf32> to vector<4x64xf32>
      %select_n3A_1842 = arith.select %eq3A_1830, %broadcast_in_dim3A_1841, %select_n3A_1725 : vector<4x64xi1>, vector<4x64xf32>
      %broadcast_in_dim3A_1843 = vector.shape_cast %reduce_sum3A_1764 : vector<4xf32> to vector<4x1xf32>
      %broadcast_in_dim3A_1844 = vector.shape_cast %broadcast_in_dim3A_1843 : vector<4x1xf32> to vector<4x1xf32>
      %broadcast_in_dim3A_1845 = vector.broadcast %broadcast_in_dim3A_1844 : vector<4x1xf32> to vector<4x64xf32>
      %select_n3A_1846 = arith.select %eq3A_1830, %broadcast_in_dim3A_1845, %select_n3A_1729 : vector<4x64xi1>, vector<4x64xf32>
      %broadcast_in_dim3A_1847 = vector.shape_cast %reduce_sum3A_1769 : vector<4xf32> to vector<4x1xf32>
      %broadcast_in_dim3A_1848 = vector.shape_cast %broadcast_in_dim3A_1847 : vector<4x1xf32> to vector<4x1xf32>
      %broadcast_in_dim3A_1849 = vector.broadcast %broadcast_in_dim3A_1848 : vector<4x1xf32> to vector<4x64xf32>
      %select_n3A_1850 = arith.select %eq3A_1830, %broadcast_in_dim3A_1849, %select_n3A_1733 : vector<4x64xi1>, vector<4x64xf32>
      %broadcast_in_dim3A_1851 = vector.shape_cast %reduce_sum3A_1774 : vector<4xf32> to vector<4x1xf32>
      %broadcast_in_dim3A_1852 = vector.shape_cast %broadcast_in_dim3A_1851 : vector<4x1xf32> to vector<4x1xf32>
      %broadcast_in_dim3A_1853 = vector.broadcast %broadcast_in_dim3A_1852 : vector<4x1xf32> to vector<4x64xf32>
      %select_n3A_1854 = arith.select %eq3A_1830, %broadcast_in_dim3A_1853, %select_n3A_1737 : vector<4x64xi1>, vector<4x64xf32>
      %reduce_max3A_1855 = arith.constant dense<0xFF800000> : vector<4xf32>
      %reduce_max3A_1856 = vector.multi_reduction <maximumf>, %select_n3A_1827, %reduce_max3A_1855 [1, 2] : vector<4x8x2560xf32> to vector<4xf32>
      %gt3A_1857 = arith.constant 0xFF800000 : f32
      %gt3A_1858 = vector.broadcast %gt3A_1857 : f32 to vector<4xf32>
      %gt3A_1859 = arith.cmpf ogt, %reduce_max3A_1856, %gt3A_1858 : vector<4xf32>
      %broadcast_in_dim3A_1860 = vector.shape_cast %reduce_max3A_1856 : vector<4xf32> to vector<4x1x1xf32>
      %eq3A_1861 = vector.broadcast %broadcast_in_dim3A_1860 : vector<4x1x1xf32> to vector<4x8x2560xf32>
      %eq3A_1862 = arith.cmpf oeq, %select_n3A_1827, %eq3A_1861 : vector<4x8x2560xf32>
      %jit3A_1863 = arith.constant 1073741824 : i32
      %broadcast_in_dim3A_1864 = vector.broadcast %jit3A_1863 : i32 to vector<4x8x2560xi32>
      %select_n3A_1865 = arith.select %eq3A_1862, %add3A, %broadcast_in_dim3A_1864 : vector<4x8x2560xi1>, vector<4x8x2560xi32>
      %reduce_min3A_1866 = arith.constant dense<2147483647> : vector<4xi32>
      %reduce_min3A_1867 = vector.multi_reduction <minsi>, %select_n3A_1865, %reduce_min3A_1866 [1, 2] : vector<4x8x2560xi32> to vector<4xi32>
      %select_n3A_1868 = arith.select %gt3A_1859, %reduce_min3A_1867, %reduce_min3A_439 : vector<4xi1>, vector<4xi32>
      %broadcast_in_dim3A_1869 = vector.shape_cast %select_n3A_1868 : vector<4xi32> to vector<4x1x1xi32>
      %eq3A_1870 = vector.broadcast %broadcast_in_dim3A_1869 : vector<4x1x1xi32> to vector<4x8x2560xi32>
      %eq3A_1871 = arith.cmpi eq, %add3A, %eq3A_1870 : vector<4x8x2560xi32>
      %jit3A_1872 = arith.constant 0.000000e+00 : f32
      %broadcast_in_dim3A_1873 = vector.broadcast %jit3A_1872 : f32 to vector<4x8x2560xf32>
      %select_n3A_1874 = arith.select %eq3A_1871, %get3A_16, %broadcast_in_dim3A_1873 : vector<4x8x2560xi1>, vector<4x8x2560xf32>
      %reduce_sum3A_1875 = arith.constant dense<0.000000e+00> : vector<4xf32>
      %reduce_sum3A_1876 = vector.multi_reduction <add>, %select_n3A_1874, %reduce_sum3A_1875 [1, 2] : vector<4x8x2560xf32> to vector<4xf32>
      %jit3A_1877 = arith.constant 0.000000e+00 : f32
      %broadcast_in_dim3A_1878 = vector.broadcast %jit3A_1877 : f32 to vector<4x8x2560xf32>
      %select_n3A_1879 = arith.select %eq3A_1871, %get3A_22, %broadcast_in_dim3A_1878 : vector<4x8x2560xi1>, vector<4x8x2560xf32>
      %reduce_sum3A_1880 = arith.constant dense<0.000000e+00> : vector<4xf32>
      %reduce_sum3A_1881 = vector.multi_reduction <add>, %select_n3A_1879, %reduce_sum3A_1880 [1, 2] : vector<4x8x2560xf32> to vector<4xf32>
      %jit3A_1882 = arith.constant 0.000000e+00 : f32
      %broadcast_in_dim3A_1883 = vector.broadcast %jit3A_1882 : f32 to vector<4x8x2560xf32>
      %select_n3A_1884 = arith.select %eq3A_1871, %get3A_28, %broadcast_in_dim3A_1883 : vector<4x8x2560xi1>, vector<4x8x2560xf32>
      %reduce_sum3A_1885 = arith.constant dense<0.000000e+00> : vector<4xf32>
      %reduce_sum3A_1886 = vector.multi_reduction <add>, %select_n3A_1884, %reduce_sum3A_1885 [1, 2] : vector<4x8x2560xf32> to vector<4xf32>
      %jit3A_1887 = arith.constant 0.000000e+00 : f32
      %broadcast_in_dim3A_1888 = vector.broadcast %jit3A_1887 : f32 to vector<4x8x2560xf32>
      %select_n3A_1889 = arith.select %eq3A_1871, %get3A_34, %broadcast_in_dim3A_1888 : vector<4x8x2560xi1>, vector<4x8x2560xf32>
      %reduce_sum3A_1890 = arith.constant dense<0.000000e+00> : vector<4xf32>
      %reduce_sum3A_1891 = vector.multi_reduction <add>, %select_n3A_1889, %reduce_sum3A_1890 [1, 2] : vector<4x8x2560xf32> to vector<4xf32>
      %jit3A_1892 = arith.constant 0.000000e+00 : f32
      %broadcast_in_dim3A_1893 = vector.broadcast %jit3A_1892 : f32 to vector<4x8x2560xf32>
      %select_n3A_1894 = arith.select %eq3A_1871, %select_n3A_355, %broadcast_in_dim3A_1893 : vector<4x8x2560xi1>, vector<4x8x2560xf32>
      %reduce_sum3A_1895 = arith.constant dense<0.000000e+00> : vector<4xf32>
      %reduce_sum3A_1896 = vector.multi_reduction <add>, %select_n3A_1894, %reduce_sum3A_1895 [1, 2] : vector<4x8x2560xf32> to vector<4xf32>
      %select_n3A_1897 = arith.select %gt3A_1859, %reduce_max3A_1856, %reduce_max3A_432 : vector<4xi1>, vector<4xf32>
      %mul3A_1898 = arith.mulf %reduce_sum3A_1896, %add3A_417 : vector<4xf32>
      %add3A_1899 = arith.addf %reduce_sum3A_1876, %mul3A_1898 : vector<4xf32>
      %broadcast_in_dim3A_1900 = vector.shape_cast %add3A_1899 : vector<4xf32> to vector<4x1x1xf32>
      %max3A_1901 = vector.broadcast %broadcast_in_dim3A_1900 : vector<4x1x1xf32> to vector<4x8x2560xf32>
      %max3A_1902 = arith.maximumf %max3A_1901, %add3A_421 : vector<4x8x2560xf32>
      %add3A_1903 = arith.addf %reduce_sum3A_1881, %mul3A_1898 : vector<4xf32>
      %broadcast_in_dim3A_1904 = vector.shape_cast %add3A_1903 : vector<4xf32> to vector<4x1x1xf32>
      %max3A_1905 = vector.broadcast %broadcast_in_dim3A_1904 : vector<4x1x1xf32> to vector<4x8x2560xf32>
      %max3A_1906 = arith.maximumf %max3A_1905, %add3A_422 : vector<4x8x2560xf32>
      %add3A_1907 = arith.addf %reduce_sum3A_1886, %mul3A_1898 : vector<4xf32>
      %broadcast_in_dim3A_1908 = vector.shape_cast %add3A_1907 : vector<4xf32> to vector<4x1x1xf32>
      %min3A_1909 = vector.broadcast %broadcast_in_dim3A_1908 : vector<4x1x1xf32> to vector<4x8x2560xf32>
      %min3A_1910 = arith.minimumf %min3A_1909, %add3A_423 : vector<4x8x2560xf32>
      %add3A_1911 = arith.addf %reduce_sum3A_1891, %mul3A_1898 : vector<4xf32>
      %broadcast_in_dim3A_1912 = vector.shape_cast %add3A_1911 : vector<4xf32> to vector<4x1x1xf32>
      %min3A_1913 = vector.broadcast %broadcast_in_dim3A_1912 : vector<4x1x1xf32> to vector<4x8x2560xf32>
      %min3A_1914 = arith.minimumf %min3A_1913, %add3A_424 : vector<4x8x2560xf32>
      %sub3A_1915 = arith.subf %min3A_1910, %max3A_1902 : vector<4x8x2560xf32>
      %max3A_1916 = arith.constant 0.000000e+00 : f32
      %max3A_1917 = vector.broadcast %max3A_1916 : f32 to vector<4x8x2560xf32>
      %max3A_1918 = arith.maximumf %sub3A_1915, %max3A_1917 : vector<4x8x2560xf32>
      %sub3A_1919 = arith.subf %min3A_1914, %max3A_1906 : vector<4x8x2560xf32>
      %max3A_1920 = arith.constant 0.000000e+00 : f32
      %max3A_1921 = vector.broadcast %max3A_1920 : f32 to vector<4x8x2560xf32>
      %max3A_1922 = arith.maximumf %sub3A_1919, %max3A_1921 : vector<4x8x2560xf32>
      %mul3A_1923 = arith.mulf %max3A_1918, %max3A_1922 : vector<4x8x2560xf32>
      %sub3A_1924 = arith.subf %reduce_sum3A_1886, %reduce_sum3A_1876 : vector<4xf32>
      %sub3A_1925 = arith.subf %reduce_sum3A_1891, %reduce_sum3A_1881 : vector<4xf32>
      %mul3A_1926 = arith.mulf %sub3A_1924, %sub3A_1925 : vector<4xf32>
      %broadcast_in_dim3A_1927 = vector.shape_cast %mul3A_1926 : vector<4xf32> to vector<4x1x1xf32>
      %add3A_1928 = vector.broadcast %broadcast_in_dim3A_1927 : vector<4x1x1xf32> to vector<4x8x2560xf32>
      %add3A_1929 = arith.addf %add3A_1928, %mul3A_427 : vector<4x8x2560xf32>
      %sub3A_1930 = arith.subf %add3A_1929, %mul3A_1923 : vector<4x8x2560xf32>
      %add3A_1931 = arith.constant 9.99999971E-10 : f32
      %add3A_1932 = vector.broadcast %add3A_1931 : f32 to vector<4x8x2560xf32>
      %add3A_1933 = arith.addf %sub3A_1930, %add3A_1932 : vector<4x8x2560xf32>
      %div3A_1934 = arith.divf %mul3A_1923, %add3A_1933 : vector<4x8x2560xf32>
      %gt3A_1935 = arith.constant 7.500000e-01 : f32
      %gt3A_1936 = vector.broadcast %gt3A_1935 : f32 to vector<4x8x2560xf32>
      %gt3A_1937 = arith.cmpf ogt, %div3A_1934, %gt3A_1936 : vector<4x8x2560xf32>
      %or3A_1938 = arith.ori %gt3A_1937, %eq3A_1871 : vector<4x8x2560xi1>
      %broadcast_in_dim3A_1939 = vector.shape_cast %gt3A_1859 : vector<4xi1> to vector<4x1x1xi1>
      %and3A_1940 = vector.broadcast %broadcast_in_dim3A_1939 : vector<4x1x1xi1> to vector<4x8x2560xi1>
      %and3A_1941 = arith.andi %or3A_1938, %and3A_1940 : vector<4x8x2560xi1>
      %jit3A_1942 = arith.constant 0xFF800000 : f32
      %broadcast_in_dim3A_1943 = vector.broadcast %jit3A_1942 : f32 to vector<4x8x2560xf32>
      %select_n3A_1944 = arith.select %and3A_1941, %broadcast_in_dim3A_1943, %select_n3A_1827 : vector<4x8x2560xi1>, vector<4x8x2560xf32>
      %eq3A_1945 = arith.constant 12 : i32
      %eq3A_1946 = vector.broadcast %eq3A_1945 : i32 to vector<4x64xi32>
      %eq3A_1947 = arith.cmpi eq, %iota3A_440, %eq3A_1946 : vector<4x64xi32>
      %broadcast_in_dim3A_1948 = vector.shape_cast %select_n3A_1868 : vector<4xi32> to vector<4x1xi32>
      %broadcast_in_dim3A_1949 = vector.shape_cast %broadcast_in_dim3A_1948 : vector<4x1xi32> to vector<4x1xi32>
      %broadcast_in_dim3A_1950 = vector.broadcast %broadcast_in_dim3A_1949 : vector<4x1xi32> to vector<4x64xi32>
      %select_n3A_1951 = arith.select %eq3A_1947, %broadcast_in_dim3A_1950, %select_n3A_1834 : vector<4x64xi1>, vector<4x64xi32>
      %broadcast_in_dim3A_1952 = vector.shape_cast %select_n3A_1897 : vector<4xf32> to vector<4x1xf32>
      %broadcast_in_dim3A_1953 = vector.shape_cast %broadcast_in_dim3A_1952 : vector<4x1xf32> to vector<4x1xf32>
      %broadcast_in_dim3A_1954 = vector.broadcast %broadcast_in_dim3A_1953 : vector<4x1xf32> to vector<4x64xf32>
      %select_n3A_1955 = arith.select %eq3A_1947, %broadcast_in_dim3A_1954, %select_n3A_1838 : vector<4x64xi1>, vector<4x64xf32>
      %broadcast_in_dim3A_1956 = vector.shape_cast %reduce_sum3A_1876 : vector<4xf32> to vector<4x1xf32>
      %broadcast_in_dim3A_1957 = vector.shape_cast %broadcast_in_dim3A_1956 : vector<4x1xf32> to vector<4x1xf32>
      %broadcast_in_dim3A_1958 = vector.broadcast %broadcast_in_dim3A_1957 : vector<4x1xf32> to vector<4x64xf32>
      %select_n3A_1959 = arith.select %eq3A_1947, %broadcast_in_dim3A_1958, %select_n3A_1842 : vector<4x64xi1>, vector<4x64xf32>
      %broadcast_in_dim3A_1960 = vector.shape_cast %reduce_sum3A_1881 : vector<4xf32> to vector<4x1xf32>
      %broadcast_in_dim3A_1961 = vector.shape_cast %broadcast_in_dim3A_1960 : vector<4x1xf32> to vector<4x1xf32>
      %broadcast_in_dim3A_1962 = vector.broadcast %broadcast_in_dim3A_1961 : vector<4x1xf32> to vector<4x64xf32>
      %select_n3A_1963 = arith.select %eq3A_1947, %broadcast_in_dim3A_1962, %select_n3A_1846 : vector<4x64xi1>, vector<4x64xf32>
      %broadcast_in_dim3A_1964 = vector.shape_cast %reduce_sum3A_1886 : vector<4xf32> to vector<4x1xf32>
      %broadcast_in_dim3A_1965 = vector.shape_cast %broadcast_in_dim3A_1964 : vector<4x1xf32> to vector<4x1xf32>
      %broadcast_in_dim3A_1966 = vector.broadcast %broadcast_in_dim3A_1965 : vector<4x1xf32> to vector<4x64xf32>
      %select_n3A_1967 = arith.select %eq3A_1947, %broadcast_in_dim3A_1966, %select_n3A_1850 : vector<4x64xi1>, vector<4x64xf32>
      %broadcast_in_dim3A_1968 = vector.shape_cast %reduce_sum3A_1891 : vector<4xf32> to vector<4x1xf32>
      %broadcast_in_dim3A_1969 = vector.shape_cast %broadcast_in_dim3A_1968 : vector<4x1xf32> to vector<4x1xf32>
      %broadcast_in_dim3A_1970 = vector.broadcast %broadcast_in_dim3A_1969 : vector<4x1xf32> to vector<4x64xf32>
      %select_n3A_1971 = arith.select %eq3A_1947, %broadcast_in_dim3A_1970, %select_n3A_1854 : vector<4x64xi1>, vector<4x64xf32>
      %reduce_max3A_1972 = arith.constant dense<0xFF800000> : vector<4xf32>
      %reduce_max3A_1973 = vector.multi_reduction <maximumf>, %select_n3A_1944, %reduce_max3A_1972 [1, 2] : vector<4x8x2560xf32> to vector<4xf32>
      %gt3A_1974 = arith.constant 0xFF800000 : f32
      %gt3A_1975 = vector.broadcast %gt3A_1974 : f32 to vector<4xf32>
      %gt3A_1976 = arith.cmpf ogt, %reduce_max3A_1973, %gt3A_1975 : vector<4xf32>
      %broadcast_in_dim3A_1977 = vector.shape_cast %reduce_max3A_1973 : vector<4xf32> to vector<4x1x1xf32>
      %eq3A_1978 = vector.broadcast %broadcast_in_dim3A_1977 : vector<4x1x1xf32> to vector<4x8x2560xf32>
      %eq3A_1979 = arith.cmpf oeq, %select_n3A_1944, %eq3A_1978 : vector<4x8x2560xf32>
      %jit3A_1980 = arith.constant 1073741824 : i32
      %broadcast_in_dim3A_1981 = vector.broadcast %jit3A_1980 : i32 to vector<4x8x2560xi32>
      %select_n3A_1982 = arith.select %eq3A_1979, %add3A, %broadcast_in_dim3A_1981 : vector<4x8x2560xi1>, vector<4x8x2560xi32>
      %reduce_min3A_1983 = arith.constant dense<2147483647> : vector<4xi32>
      %reduce_min3A_1984 = vector.multi_reduction <minsi>, %select_n3A_1982, %reduce_min3A_1983 [1, 2] : vector<4x8x2560xi32> to vector<4xi32>
      %select_n3A_1985 = arith.select %gt3A_1976, %reduce_min3A_1984, %reduce_min3A_439 : vector<4xi1>, vector<4xi32>
      %broadcast_in_dim3A_1986 = vector.shape_cast %select_n3A_1985 : vector<4xi32> to vector<4x1x1xi32>
      %eq3A_1987 = vector.broadcast %broadcast_in_dim3A_1986 : vector<4x1x1xi32> to vector<4x8x2560xi32>
      %eq3A_1988 = arith.cmpi eq, %add3A, %eq3A_1987 : vector<4x8x2560xi32>
      %jit3A_1989 = arith.constant 0.000000e+00 : f32
      %broadcast_in_dim3A_1990 = vector.broadcast %jit3A_1989 : f32 to vector<4x8x2560xf32>
      %select_n3A_1991 = arith.select %eq3A_1988, %get3A_16, %broadcast_in_dim3A_1990 : vector<4x8x2560xi1>, vector<4x8x2560xf32>
      %reduce_sum3A_1992 = arith.constant dense<0.000000e+00> : vector<4xf32>
      %reduce_sum3A_1993 = vector.multi_reduction <add>, %select_n3A_1991, %reduce_sum3A_1992 [1, 2] : vector<4x8x2560xf32> to vector<4xf32>
      %jit3A_1994 = arith.constant 0.000000e+00 : f32
      %broadcast_in_dim3A_1995 = vector.broadcast %jit3A_1994 : f32 to vector<4x8x2560xf32>
      %select_n3A_1996 = arith.select %eq3A_1988, %get3A_22, %broadcast_in_dim3A_1995 : vector<4x8x2560xi1>, vector<4x8x2560xf32>
      %reduce_sum3A_1997 = arith.constant dense<0.000000e+00> : vector<4xf32>
      %reduce_sum3A_1998 = vector.multi_reduction <add>, %select_n3A_1996, %reduce_sum3A_1997 [1, 2] : vector<4x8x2560xf32> to vector<4xf32>
      %jit3A_1999 = arith.constant 0.000000e+00 : f32
      %broadcast_in_dim3A_2000 = vector.broadcast %jit3A_1999 : f32 to vector<4x8x2560xf32>
      %select_n3A_2001 = arith.select %eq3A_1988, %get3A_28, %broadcast_in_dim3A_2000 : vector<4x8x2560xi1>, vector<4x8x2560xf32>
      %reduce_sum3A_2002 = arith.constant dense<0.000000e+00> : vector<4xf32>
      %reduce_sum3A_2003 = vector.multi_reduction <add>, %select_n3A_2001, %reduce_sum3A_2002 [1, 2] : vector<4x8x2560xf32> to vector<4xf32>
      %jit3A_2004 = arith.constant 0.000000e+00 : f32
      %broadcast_in_dim3A_2005 = vector.broadcast %jit3A_2004 : f32 to vector<4x8x2560xf32>
      %select_n3A_2006 = arith.select %eq3A_1988, %get3A_34, %broadcast_in_dim3A_2005 : vector<4x8x2560xi1>, vector<4x8x2560xf32>
      %reduce_sum3A_2007 = arith.constant dense<0.000000e+00> : vector<4xf32>
      %reduce_sum3A_2008 = vector.multi_reduction <add>, %select_n3A_2006, %reduce_sum3A_2007 [1, 2] : vector<4x8x2560xf32> to vector<4xf32>
      %jit3A_2009 = arith.constant 0.000000e+00 : f32
      %broadcast_in_dim3A_2010 = vector.broadcast %jit3A_2009 : f32 to vector<4x8x2560xf32>
      %select_n3A_2011 = arith.select %eq3A_1988, %select_n3A_355, %broadcast_in_dim3A_2010 : vector<4x8x2560xi1>, vector<4x8x2560xf32>
      %reduce_sum3A_2012 = arith.constant dense<0.000000e+00> : vector<4xf32>
      %reduce_sum3A_2013 = vector.multi_reduction <add>, %select_n3A_2011, %reduce_sum3A_2012 [1, 2] : vector<4x8x2560xf32> to vector<4xf32>
      %select_n3A_2014 = arith.select %gt3A_1976, %reduce_max3A_1973, %reduce_max3A_432 : vector<4xi1>, vector<4xf32>
      %mul3A_2015 = arith.mulf %reduce_sum3A_2013, %add3A_417 : vector<4xf32>
      %add3A_2016 = arith.addf %reduce_sum3A_1993, %mul3A_2015 : vector<4xf32>
      %broadcast_in_dim3A_2017 = vector.shape_cast %add3A_2016 : vector<4xf32> to vector<4x1x1xf32>
      %max3A_2018 = vector.broadcast %broadcast_in_dim3A_2017 : vector<4x1x1xf32> to vector<4x8x2560xf32>
      %max3A_2019 = arith.maximumf %max3A_2018, %add3A_421 : vector<4x8x2560xf32>
      %add3A_2020 = arith.addf %reduce_sum3A_1998, %mul3A_2015 : vector<4xf32>
      %broadcast_in_dim3A_2021 = vector.shape_cast %add3A_2020 : vector<4xf32> to vector<4x1x1xf32>
      %max3A_2022 = vector.broadcast %broadcast_in_dim3A_2021 : vector<4x1x1xf32> to vector<4x8x2560xf32>
      %max3A_2023 = arith.maximumf %max3A_2022, %add3A_422 : vector<4x8x2560xf32>
      %add3A_2024 = arith.addf %reduce_sum3A_2003, %mul3A_2015 : vector<4xf32>
      %broadcast_in_dim3A_2025 = vector.shape_cast %add3A_2024 : vector<4xf32> to vector<4x1x1xf32>
      %min3A_2026 = vector.broadcast %broadcast_in_dim3A_2025 : vector<4x1x1xf32> to vector<4x8x2560xf32>
      %min3A_2027 = arith.minimumf %min3A_2026, %add3A_423 : vector<4x8x2560xf32>
      %add3A_2028 = arith.addf %reduce_sum3A_2008, %mul3A_2015 : vector<4xf32>
      %broadcast_in_dim3A_2029 = vector.shape_cast %add3A_2028 : vector<4xf32> to vector<4x1x1xf32>
      %min3A_2030 = vector.broadcast %broadcast_in_dim3A_2029 : vector<4x1x1xf32> to vector<4x8x2560xf32>
      %min3A_2031 = arith.minimumf %min3A_2030, %add3A_424 : vector<4x8x2560xf32>
      %sub3A_2032 = arith.subf %min3A_2027, %max3A_2019 : vector<4x8x2560xf32>
      %max3A_2033 = arith.constant 0.000000e+00 : f32
      %max3A_2034 = vector.broadcast %max3A_2033 : f32 to vector<4x8x2560xf32>
      %max3A_2035 = arith.maximumf %sub3A_2032, %max3A_2034 : vector<4x8x2560xf32>
      %sub3A_2036 = arith.subf %min3A_2031, %max3A_2023 : vector<4x8x2560xf32>
      %max3A_2037 = arith.constant 0.000000e+00 : f32
      %max3A_2038 = vector.broadcast %max3A_2037 : f32 to vector<4x8x2560xf32>
      %max3A_2039 = arith.maximumf %sub3A_2036, %max3A_2038 : vector<4x8x2560xf32>
      %mul3A_2040 = arith.mulf %max3A_2035, %max3A_2039 : vector<4x8x2560xf32>
      %sub3A_2041 = arith.subf %reduce_sum3A_2003, %reduce_sum3A_1993 : vector<4xf32>
      %sub3A_2042 = arith.subf %reduce_sum3A_2008, %reduce_sum3A_1998 : vector<4xf32>
      %mul3A_2043 = arith.mulf %sub3A_2041, %sub3A_2042 : vector<4xf32>
      %broadcast_in_dim3A_2044 = vector.shape_cast %mul3A_2043 : vector<4xf32> to vector<4x1x1xf32>
      %add3A_2045 = vector.broadcast %broadcast_in_dim3A_2044 : vector<4x1x1xf32> to vector<4x8x2560xf32>
      %add3A_2046 = arith.addf %add3A_2045, %mul3A_427 : vector<4x8x2560xf32>
      %sub3A_2047 = arith.subf %add3A_2046, %mul3A_2040 : vector<4x8x2560xf32>
      %add3A_2048 = arith.constant 9.99999971E-10 : f32
      %add3A_2049 = vector.broadcast %add3A_2048 : f32 to vector<4x8x2560xf32>
      %add3A_2050 = arith.addf %sub3A_2047, %add3A_2049 : vector<4x8x2560xf32>
      %div3A_2051 = arith.divf %mul3A_2040, %add3A_2050 : vector<4x8x2560xf32>
      %gt3A_2052 = arith.constant 7.500000e-01 : f32
      %gt3A_2053 = vector.broadcast %gt3A_2052 : f32 to vector<4x8x2560xf32>
      %gt3A_2054 = arith.cmpf ogt, %div3A_2051, %gt3A_2053 : vector<4x8x2560xf32>
      %or3A_2055 = arith.ori %gt3A_2054, %eq3A_1988 : vector<4x8x2560xi1>
      %broadcast_in_dim3A_2056 = vector.shape_cast %gt3A_1976 : vector<4xi1> to vector<4x1x1xi1>
      %and3A_2057 = vector.broadcast %broadcast_in_dim3A_2056 : vector<4x1x1xi1> to vector<4x8x2560xi1>
      %and3A_2058 = arith.andi %or3A_2055, %and3A_2057 : vector<4x8x2560xi1>
      %jit3A_2059 = arith.constant 0xFF800000 : f32
      %broadcast_in_dim3A_2060 = vector.broadcast %jit3A_2059 : f32 to vector<4x8x2560xf32>
      %select_n3A_2061 = arith.select %and3A_2058, %broadcast_in_dim3A_2060, %select_n3A_1944 : vector<4x8x2560xi1>, vector<4x8x2560xf32>
      %eq3A_2062 = arith.constant 13 : i32
      %eq3A_2063 = vector.broadcast %eq3A_2062 : i32 to vector<4x64xi32>
      %eq3A_2064 = arith.cmpi eq, %iota3A_440, %eq3A_2063 : vector<4x64xi32>
      %broadcast_in_dim3A_2065 = vector.shape_cast %select_n3A_1985 : vector<4xi32> to vector<4x1xi32>
      %broadcast_in_dim3A_2066 = vector.shape_cast %broadcast_in_dim3A_2065 : vector<4x1xi32> to vector<4x1xi32>
      %broadcast_in_dim3A_2067 = vector.broadcast %broadcast_in_dim3A_2066 : vector<4x1xi32> to vector<4x64xi32>
      %select_n3A_2068 = arith.select %eq3A_2064, %broadcast_in_dim3A_2067, %select_n3A_1951 : vector<4x64xi1>, vector<4x64xi32>
      %broadcast_in_dim3A_2069 = vector.shape_cast %select_n3A_2014 : vector<4xf32> to vector<4x1xf32>
      %broadcast_in_dim3A_2070 = vector.shape_cast %broadcast_in_dim3A_2069 : vector<4x1xf32> to vector<4x1xf32>
      %broadcast_in_dim3A_2071 = vector.broadcast %broadcast_in_dim3A_2070 : vector<4x1xf32> to vector<4x64xf32>
      %select_n3A_2072 = arith.select %eq3A_2064, %broadcast_in_dim3A_2071, %select_n3A_1955 : vector<4x64xi1>, vector<4x64xf32>
      %broadcast_in_dim3A_2073 = vector.shape_cast %reduce_sum3A_1993 : vector<4xf32> to vector<4x1xf32>
      %broadcast_in_dim3A_2074 = vector.shape_cast %broadcast_in_dim3A_2073 : vector<4x1xf32> to vector<4x1xf32>
      %broadcast_in_dim3A_2075 = vector.broadcast %broadcast_in_dim3A_2074 : vector<4x1xf32> to vector<4x64xf32>
      %select_n3A_2076 = arith.select %eq3A_2064, %broadcast_in_dim3A_2075, %select_n3A_1959 : vector<4x64xi1>, vector<4x64xf32>
      %broadcast_in_dim3A_2077 = vector.shape_cast %reduce_sum3A_1998 : vector<4xf32> to vector<4x1xf32>
      %broadcast_in_dim3A_2078 = vector.shape_cast %broadcast_in_dim3A_2077 : vector<4x1xf32> to vector<4x1xf32>
      %broadcast_in_dim3A_2079 = vector.broadcast %broadcast_in_dim3A_2078 : vector<4x1xf32> to vector<4x64xf32>
      %select_n3A_2080 = arith.select %eq3A_2064, %broadcast_in_dim3A_2079, %select_n3A_1963 : vector<4x64xi1>, vector<4x64xf32>
      %broadcast_in_dim3A_2081 = vector.shape_cast %reduce_sum3A_2003 : vector<4xf32> to vector<4x1xf32>
      %broadcast_in_dim3A_2082 = vector.shape_cast %broadcast_in_dim3A_2081 : vector<4x1xf32> to vector<4x1xf32>
      %broadcast_in_dim3A_2083 = vector.broadcast %broadcast_in_dim3A_2082 : vector<4x1xf32> to vector<4x64xf32>
      %select_n3A_2084 = arith.select %eq3A_2064, %broadcast_in_dim3A_2083, %select_n3A_1967 : vector<4x64xi1>, vector<4x64xf32>
      %broadcast_in_dim3A_2085 = vector.shape_cast %reduce_sum3A_2008 : vector<4xf32> to vector<4x1xf32>
      %broadcast_in_dim3A_2086 = vector.shape_cast %broadcast_in_dim3A_2085 : vector<4x1xf32> to vector<4x1xf32>
      %broadcast_in_dim3A_2087 = vector.broadcast %broadcast_in_dim3A_2086 : vector<4x1xf32> to vector<4x64xf32>
      %select_n3A_2088 = arith.select %eq3A_2064, %broadcast_in_dim3A_2087, %select_n3A_1971 : vector<4x64xi1>, vector<4x64xf32>
      %reduce_max3A_2089 = arith.constant dense<0xFF800000> : vector<4xf32>
      %reduce_max3A_2090 = vector.multi_reduction <maximumf>, %select_n3A_2061, %reduce_max3A_2089 [1, 2] : vector<4x8x2560xf32> to vector<4xf32>
      %gt3A_2091 = arith.constant 0xFF800000 : f32
      %gt3A_2092 = vector.broadcast %gt3A_2091 : f32 to vector<4xf32>
      %gt3A_2093 = arith.cmpf ogt, %reduce_max3A_2090, %gt3A_2092 : vector<4xf32>
      %broadcast_in_dim3A_2094 = vector.shape_cast %reduce_max3A_2090 : vector<4xf32> to vector<4x1x1xf32>
      %eq3A_2095 = vector.broadcast %broadcast_in_dim3A_2094 : vector<4x1x1xf32> to vector<4x8x2560xf32>
      %eq3A_2096 = arith.cmpf oeq, %select_n3A_2061, %eq3A_2095 : vector<4x8x2560xf32>
      %jit3A_2097 = arith.constant 1073741824 : i32
      %broadcast_in_dim3A_2098 = vector.broadcast %jit3A_2097 : i32 to vector<4x8x2560xi32>
      %select_n3A_2099 = arith.select %eq3A_2096, %add3A, %broadcast_in_dim3A_2098 : vector<4x8x2560xi1>, vector<4x8x2560xi32>
      %reduce_min3A_2100 = arith.constant dense<2147483647> : vector<4xi32>
      %reduce_min3A_2101 = vector.multi_reduction <minsi>, %select_n3A_2099, %reduce_min3A_2100 [1, 2] : vector<4x8x2560xi32> to vector<4xi32>
      %select_n3A_2102 = arith.select %gt3A_2093, %reduce_min3A_2101, %reduce_min3A_439 : vector<4xi1>, vector<4xi32>
      %broadcast_in_dim3A_2103 = vector.shape_cast %select_n3A_2102 : vector<4xi32> to vector<4x1x1xi32>
      %eq3A_2104 = vector.broadcast %broadcast_in_dim3A_2103 : vector<4x1x1xi32> to vector<4x8x2560xi32>
      %eq3A_2105 = arith.cmpi eq, %add3A, %eq3A_2104 : vector<4x8x2560xi32>
      %jit3A_2106 = arith.constant 0.000000e+00 : f32
      %broadcast_in_dim3A_2107 = vector.broadcast %jit3A_2106 : f32 to vector<4x8x2560xf32>
      %select_n3A_2108 = arith.select %eq3A_2105, %get3A_16, %broadcast_in_dim3A_2107 : vector<4x8x2560xi1>, vector<4x8x2560xf32>
      %reduce_sum3A_2109 = arith.constant dense<0.000000e+00> : vector<4xf32>
      %reduce_sum3A_2110 = vector.multi_reduction <add>, %select_n3A_2108, %reduce_sum3A_2109 [1, 2] : vector<4x8x2560xf32> to vector<4xf32>
      %jit3A_2111 = arith.constant 0.000000e+00 : f32
      %broadcast_in_dim3A_2112 = vector.broadcast %jit3A_2111 : f32 to vector<4x8x2560xf32>
      %select_n3A_2113 = arith.select %eq3A_2105, %get3A_22, %broadcast_in_dim3A_2112 : vector<4x8x2560xi1>, vector<4x8x2560xf32>
      %reduce_sum3A_2114 = arith.constant dense<0.000000e+00> : vector<4xf32>
      %reduce_sum3A_2115 = vector.multi_reduction <add>, %select_n3A_2113, %reduce_sum3A_2114 [1, 2] : vector<4x8x2560xf32> to vector<4xf32>
      %jit3A_2116 = arith.constant 0.000000e+00 : f32
      %broadcast_in_dim3A_2117 = vector.broadcast %jit3A_2116 : f32 to vector<4x8x2560xf32>
      %select_n3A_2118 = arith.select %eq3A_2105, %get3A_28, %broadcast_in_dim3A_2117 : vector<4x8x2560xi1>, vector<4x8x2560xf32>
      %reduce_sum3A_2119 = arith.constant dense<0.000000e+00> : vector<4xf32>
      %reduce_sum3A_2120 = vector.multi_reduction <add>, %select_n3A_2118, %reduce_sum3A_2119 [1, 2] : vector<4x8x2560xf32> to vector<4xf32>
      %jit3A_2121 = arith.constant 0.000000e+00 : f32
      %broadcast_in_dim3A_2122 = vector.broadcast %jit3A_2121 : f32 to vector<4x8x2560xf32>
      %select_n3A_2123 = arith.select %eq3A_2105, %get3A_34, %broadcast_in_dim3A_2122 : vector<4x8x2560xi1>, vector<4x8x2560xf32>
      %reduce_sum3A_2124 = arith.constant dense<0.000000e+00> : vector<4xf32>
      %reduce_sum3A_2125 = vector.multi_reduction <add>, %select_n3A_2123, %reduce_sum3A_2124 [1, 2] : vector<4x8x2560xf32> to vector<4xf32>
      %jit3A_2126 = arith.constant 0.000000e+00 : f32
      %broadcast_in_dim3A_2127 = vector.broadcast %jit3A_2126 : f32 to vector<4x8x2560xf32>
      %select_n3A_2128 = arith.select %eq3A_2105, %select_n3A_355, %broadcast_in_dim3A_2127 : vector<4x8x2560xi1>, vector<4x8x2560xf32>
      %reduce_sum3A_2129 = arith.constant dense<0.000000e+00> : vector<4xf32>
      %reduce_sum3A_2130 = vector.multi_reduction <add>, %select_n3A_2128, %reduce_sum3A_2129 [1, 2] : vector<4x8x2560xf32> to vector<4xf32>
      %select_n3A_2131 = arith.select %gt3A_2093, %reduce_max3A_2090, %reduce_max3A_432 : vector<4xi1>, vector<4xf32>
      %mul3A_2132 = arith.mulf %reduce_sum3A_2130, %add3A_417 : vector<4xf32>
      %add3A_2133 = arith.addf %reduce_sum3A_2110, %mul3A_2132 : vector<4xf32>
      %broadcast_in_dim3A_2134 = vector.shape_cast %add3A_2133 : vector<4xf32> to vector<4x1x1xf32>
      %max3A_2135 = vector.broadcast %broadcast_in_dim3A_2134 : vector<4x1x1xf32> to vector<4x8x2560xf32>
      %max3A_2136 = arith.maximumf %max3A_2135, %add3A_421 : vector<4x8x2560xf32>
      %add3A_2137 = arith.addf %reduce_sum3A_2115, %mul3A_2132 : vector<4xf32>
      %broadcast_in_dim3A_2138 = vector.shape_cast %add3A_2137 : vector<4xf32> to vector<4x1x1xf32>
      %max3A_2139 = vector.broadcast %broadcast_in_dim3A_2138 : vector<4x1x1xf32> to vector<4x8x2560xf32>
      %max3A_2140 = arith.maximumf %max3A_2139, %add3A_422 : vector<4x8x2560xf32>
      %add3A_2141 = arith.addf %reduce_sum3A_2120, %mul3A_2132 : vector<4xf32>
      %broadcast_in_dim3A_2142 = vector.shape_cast %add3A_2141 : vector<4xf32> to vector<4x1x1xf32>
      %min3A_2143 = vector.broadcast %broadcast_in_dim3A_2142 : vector<4x1x1xf32> to vector<4x8x2560xf32>
      %min3A_2144 = arith.minimumf %min3A_2143, %add3A_423 : vector<4x8x2560xf32>
      %add3A_2145 = arith.addf %reduce_sum3A_2125, %mul3A_2132 : vector<4xf32>
      %broadcast_in_dim3A_2146 = vector.shape_cast %add3A_2145 : vector<4xf32> to vector<4x1x1xf32>
      %min3A_2147 = vector.broadcast %broadcast_in_dim3A_2146 : vector<4x1x1xf32> to vector<4x8x2560xf32>
      %min3A_2148 = arith.minimumf %min3A_2147, %add3A_424 : vector<4x8x2560xf32>
      %sub3A_2149 = arith.subf %min3A_2144, %max3A_2136 : vector<4x8x2560xf32>
      %max3A_2150 = arith.constant 0.000000e+00 : f32
      %max3A_2151 = vector.broadcast %max3A_2150 : f32 to vector<4x8x2560xf32>
      %max3A_2152 = arith.maximumf %sub3A_2149, %max3A_2151 : vector<4x8x2560xf32>
      %sub3A_2153 = arith.subf %min3A_2148, %max3A_2140 : vector<4x8x2560xf32>
      %max3A_2154 = arith.constant 0.000000e+00 : f32
      %max3A_2155 = vector.broadcast %max3A_2154 : f32 to vector<4x8x2560xf32>
      %max3A_2156 = arith.maximumf %sub3A_2153, %max3A_2155 : vector<4x8x2560xf32>
      %mul3A_2157 = arith.mulf %max3A_2152, %max3A_2156 : vector<4x8x2560xf32>
      %sub3A_2158 = arith.subf %reduce_sum3A_2120, %reduce_sum3A_2110 : vector<4xf32>
      %sub3A_2159 = arith.subf %reduce_sum3A_2125, %reduce_sum3A_2115 : vector<4xf32>
      %mul3A_2160 = arith.mulf %sub3A_2158, %sub3A_2159 : vector<4xf32>
      %broadcast_in_dim3A_2161 = vector.shape_cast %mul3A_2160 : vector<4xf32> to vector<4x1x1xf32>
      %add3A_2162 = vector.broadcast %broadcast_in_dim3A_2161 : vector<4x1x1xf32> to vector<4x8x2560xf32>
      %add3A_2163 = arith.addf %add3A_2162, %mul3A_427 : vector<4x8x2560xf32>
      %sub3A_2164 = arith.subf %add3A_2163, %mul3A_2157 : vector<4x8x2560xf32>
      %add3A_2165 = arith.constant 9.99999971E-10 : f32
      %add3A_2166 = vector.broadcast %add3A_2165 : f32 to vector<4x8x2560xf32>
      %add3A_2167 = arith.addf %sub3A_2164, %add3A_2166 : vector<4x8x2560xf32>
      %div3A_2168 = arith.divf %mul3A_2157, %add3A_2167 : vector<4x8x2560xf32>
      %gt3A_2169 = arith.constant 7.500000e-01 : f32
      %gt3A_2170 = vector.broadcast %gt3A_2169 : f32 to vector<4x8x2560xf32>
      %gt3A_2171 = arith.cmpf ogt, %div3A_2168, %gt3A_2170 : vector<4x8x2560xf32>
      %or3A_2172 = arith.ori %gt3A_2171, %eq3A_2105 : vector<4x8x2560xi1>
      %broadcast_in_dim3A_2173 = vector.shape_cast %gt3A_2093 : vector<4xi1> to vector<4x1x1xi1>
      %and3A_2174 = vector.broadcast %broadcast_in_dim3A_2173 : vector<4x1x1xi1> to vector<4x8x2560xi1>
      %and3A_2175 = arith.andi %or3A_2172, %and3A_2174 : vector<4x8x2560xi1>
      %jit3A_2176 = arith.constant 0xFF800000 : f32
      %broadcast_in_dim3A_2177 = vector.broadcast %jit3A_2176 : f32 to vector<4x8x2560xf32>
      %select_n3A_2178 = arith.select %and3A_2175, %broadcast_in_dim3A_2177, %select_n3A_2061 : vector<4x8x2560xi1>, vector<4x8x2560xf32>
      %eq3A_2179 = arith.constant 14 : i32
      %eq3A_2180 = vector.broadcast %eq3A_2179 : i32 to vector<4x64xi32>
      %eq3A_2181 = arith.cmpi eq, %iota3A_440, %eq3A_2180 : vector<4x64xi32>
      %broadcast_in_dim3A_2182 = vector.shape_cast %select_n3A_2102 : vector<4xi32> to vector<4x1xi32>
      %broadcast_in_dim3A_2183 = vector.shape_cast %broadcast_in_dim3A_2182 : vector<4x1xi32> to vector<4x1xi32>
      %broadcast_in_dim3A_2184 = vector.broadcast %broadcast_in_dim3A_2183 : vector<4x1xi32> to vector<4x64xi32>
      %select_n3A_2185 = arith.select %eq3A_2181, %broadcast_in_dim3A_2184, %select_n3A_2068 : vector<4x64xi1>, vector<4x64xi32>
      %broadcast_in_dim3A_2186 = vector.shape_cast %select_n3A_2131 : vector<4xf32> to vector<4x1xf32>
      %broadcast_in_dim3A_2187 = vector.shape_cast %broadcast_in_dim3A_2186 : vector<4x1xf32> to vector<4x1xf32>
      %broadcast_in_dim3A_2188 = vector.broadcast %broadcast_in_dim3A_2187 : vector<4x1xf32> to vector<4x64xf32>
      %select_n3A_2189 = arith.select %eq3A_2181, %broadcast_in_dim3A_2188, %select_n3A_2072 : vector<4x64xi1>, vector<4x64xf32>
      %broadcast_in_dim3A_2190 = vector.shape_cast %reduce_sum3A_2110 : vector<4xf32> to vector<4x1xf32>
      %broadcast_in_dim3A_2191 = vector.shape_cast %broadcast_in_dim3A_2190 : vector<4x1xf32> to vector<4x1xf32>
      %broadcast_in_dim3A_2192 = vector.broadcast %broadcast_in_dim3A_2191 : vector<4x1xf32> to vector<4x64xf32>
      %select_n3A_2193 = arith.select %eq3A_2181, %broadcast_in_dim3A_2192, %select_n3A_2076 : vector<4x64xi1>, vector<4x64xf32>
      %broadcast_in_dim3A_2194 = vector.shape_cast %reduce_sum3A_2115 : vector<4xf32> to vector<4x1xf32>
      %broadcast_in_dim3A_2195 = vector.shape_cast %broadcast_in_dim3A_2194 : vector<4x1xf32> to vector<4x1xf32>
      %broadcast_in_dim3A_2196 = vector.broadcast %broadcast_in_dim3A_2195 : vector<4x1xf32> to vector<4x64xf32>
      %select_n3A_2197 = arith.select %eq3A_2181, %broadcast_in_dim3A_2196, %select_n3A_2080 : vector<4x64xi1>, vector<4x64xf32>
      %broadcast_in_dim3A_2198 = vector.shape_cast %reduce_sum3A_2120 : vector<4xf32> to vector<4x1xf32>
      %broadcast_in_dim3A_2199 = vector.shape_cast %broadcast_in_dim3A_2198 : vector<4x1xf32> to vector<4x1xf32>
      %broadcast_in_dim3A_2200 = vector.broadcast %broadcast_in_dim3A_2199 : vector<4x1xf32> to vector<4x64xf32>
      %select_n3A_2201 = arith.select %eq3A_2181, %broadcast_in_dim3A_2200, %select_n3A_2084 : vector<4x64xi1>, vector<4x64xf32>
      %broadcast_in_dim3A_2202 = vector.shape_cast %reduce_sum3A_2125 : vector<4xf32> to vector<4x1xf32>
      %broadcast_in_dim3A_2203 = vector.shape_cast %broadcast_in_dim3A_2202 : vector<4x1xf32> to vector<4x1xf32>
      %broadcast_in_dim3A_2204 = vector.broadcast %broadcast_in_dim3A_2203 : vector<4x1xf32> to vector<4x64xf32>
      %select_n3A_2205 = arith.select %eq3A_2181, %broadcast_in_dim3A_2204, %select_n3A_2088 : vector<4x64xi1>, vector<4x64xf32>
      %reduce_max3A_2206 = arith.constant dense<0xFF800000> : vector<4xf32>
      %reduce_max3A_2207 = vector.multi_reduction <maximumf>, %select_n3A_2178, %reduce_max3A_2206 [1, 2] : vector<4x8x2560xf32> to vector<4xf32>
      %gt3A_2208 = arith.constant 0xFF800000 : f32
      %gt3A_2209 = vector.broadcast %gt3A_2208 : f32 to vector<4xf32>
      %gt3A_2210 = arith.cmpf ogt, %reduce_max3A_2207, %gt3A_2209 : vector<4xf32>
      %broadcast_in_dim3A_2211 = vector.shape_cast %reduce_max3A_2207 : vector<4xf32> to vector<4x1x1xf32>
      %eq3A_2212 = vector.broadcast %broadcast_in_dim3A_2211 : vector<4x1x1xf32> to vector<4x8x2560xf32>
      %eq3A_2213 = arith.cmpf oeq, %select_n3A_2178, %eq3A_2212 : vector<4x8x2560xf32>
      %jit3A_2214 = arith.constant 1073741824 : i32
      %broadcast_in_dim3A_2215 = vector.broadcast %jit3A_2214 : i32 to vector<4x8x2560xi32>
      %select_n3A_2216 = arith.select %eq3A_2213, %add3A, %broadcast_in_dim3A_2215 : vector<4x8x2560xi1>, vector<4x8x2560xi32>
      %reduce_min3A_2217 = arith.constant dense<2147483647> : vector<4xi32>
      %reduce_min3A_2218 = vector.multi_reduction <minsi>, %select_n3A_2216, %reduce_min3A_2217 [1, 2] : vector<4x8x2560xi32> to vector<4xi32>
      %select_n3A_2219 = arith.select %gt3A_2210, %reduce_min3A_2218, %reduce_min3A_439 : vector<4xi1>, vector<4xi32>
      %broadcast_in_dim3A_2220 = vector.shape_cast %select_n3A_2219 : vector<4xi32> to vector<4x1x1xi32>
      %eq3A_2221 = vector.broadcast %broadcast_in_dim3A_2220 : vector<4x1x1xi32> to vector<4x8x2560xi32>
      %eq3A_2222 = arith.cmpi eq, %add3A, %eq3A_2221 : vector<4x8x2560xi32>
      %jit3A_2223 = arith.constant 0.000000e+00 : f32
      %broadcast_in_dim3A_2224 = vector.broadcast %jit3A_2223 : f32 to vector<4x8x2560xf32>
      %select_n3A_2225 = arith.select %eq3A_2222, %get3A_16, %broadcast_in_dim3A_2224 : vector<4x8x2560xi1>, vector<4x8x2560xf32>
      %reduce_sum3A_2226 = arith.constant dense<0.000000e+00> : vector<4xf32>
      %reduce_sum3A_2227 = vector.multi_reduction <add>, %select_n3A_2225, %reduce_sum3A_2226 [1, 2] : vector<4x8x2560xf32> to vector<4xf32>
      %jit3A_2228 = arith.constant 0.000000e+00 : f32
      %broadcast_in_dim3A_2229 = vector.broadcast %jit3A_2228 : f32 to vector<4x8x2560xf32>
      %select_n3A_2230 = arith.select %eq3A_2222, %get3A_22, %broadcast_in_dim3A_2229 : vector<4x8x2560xi1>, vector<4x8x2560xf32>
      %reduce_sum3A_2231 = arith.constant dense<0.000000e+00> : vector<4xf32>
      %reduce_sum3A_2232 = vector.multi_reduction <add>, %select_n3A_2230, %reduce_sum3A_2231 [1, 2] : vector<4x8x2560xf32> to vector<4xf32>
      %jit3A_2233 = arith.constant 0.000000e+00 : f32
      %broadcast_in_dim3A_2234 = vector.broadcast %jit3A_2233 : f32 to vector<4x8x2560xf32>
      %select_n3A_2235 = arith.select %eq3A_2222, %get3A_28, %broadcast_in_dim3A_2234 : vector<4x8x2560xi1>, vector<4x8x2560xf32>
      %reduce_sum3A_2236 = arith.constant dense<0.000000e+00> : vector<4xf32>
      %reduce_sum3A_2237 = vector.multi_reduction <add>, %select_n3A_2235, %reduce_sum3A_2236 [1, 2] : vector<4x8x2560xf32> to vector<4xf32>
      %jit3A_2238 = arith.constant 0.000000e+00 : f32
      %broadcast_in_dim3A_2239 = vector.broadcast %jit3A_2238 : f32 to vector<4x8x2560xf32>
      %select_n3A_2240 = arith.select %eq3A_2222, %get3A_34, %broadcast_in_dim3A_2239 : vector<4x8x2560xi1>, vector<4x8x2560xf32>
      %reduce_sum3A_2241 = arith.constant dense<0.000000e+00> : vector<4xf32>
      %reduce_sum3A_2242 = vector.multi_reduction <add>, %select_n3A_2240, %reduce_sum3A_2241 [1, 2] : vector<4x8x2560xf32> to vector<4xf32>
      %jit3A_2243 = arith.constant 0.000000e+00 : f32
      %broadcast_in_dim3A_2244 = vector.broadcast %jit3A_2243 : f32 to vector<4x8x2560xf32>
      %select_n3A_2245 = arith.select %eq3A_2222, %select_n3A_355, %broadcast_in_dim3A_2244 : vector<4x8x2560xi1>, vector<4x8x2560xf32>
      %reduce_sum3A_2246 = arith.constant dense<0.000000e+00> : vector<4xf32>
      %reduce_sum3A_2247 = vector.multi_reduction <add>, %select_n3A_2245, %reduce_sum3A_2246 [1, 2] : vector<4x8x2560xf32> to vector<4xf32>
      %select_n3A_2248 = arith.select %gt3A_2210, %reduce_max3A_2207, %reduce_max3A_432 : vector<4xi1>, vector<4xf32>
      %mul3A_2249 = arith.mulf %reduce_sum3A_2247, %add3A_417 : vector<4xf32>
      %add3A_2250 = arith.addf %reduce_sum3A_2227, %mul3A_2249 : vector<4xf32>
      %broadcast_in_dim3A_2251 = vector.shape_cast %add3A_2250 : vector<4xf32> to vector<4x1x1xf32>
      %max3A_2252 = vector.broadcast %broadcast_in_dim3A_2251 : vector<4x1x1xf32> to vector<4x8x2560xf32>
      %max3A_2253 = arith.maximumf %max3A_2252, %add3A_421 : vector<4x8x2560xf32>
      %add3A_2254 = arith.addf %reduce_sum3A_2232, %mul3A_2249 : vector<4xf32>
      %broadcast_in_dim3A_2255 = vector.shape_cast %add3A_2254 : vector<4xf32> to vector<4x1x1xf32>
      %max3A_2256 = vector.broadcast %broadcast_in_dim3A_2255 : vector<4x1x1xf32> to vector<4x8x2560xf32>
      %max3A_2257 = arith.maximumf %max3A_2256, %add3A_422 : vector<4x8x2560xf32>
      %add3A_2258 = arith.addf %reduce_sum3A_2237, %mul3A_2249 : vector<4xf32>
      %broadcast_in_dim3A_2259 = vector.shape_cast %add3A_2258 : vector<4xf32> to vector<4x1x1xf32>
      %min3A_2260 = vector.broadcast %broadcast_in_dim3A_2259 : vector<4x1x1xf32> to vector<4x8x2560xf32>
      %min3A_2261 = arith.minimumf %min3A_2260, %add3A_423 : vector<4x8x2560xf32>
      %add3A_2262 = arith.addf %reduce_sum3A_2242, %mul3A_2249 : vector<4xf32>
      %broadcast_in_dim3A_2263 = vector.shape_cast %add3A_2262 : vector<4xf32> to vector<4x1x1xf32>
      %min3A_2264 = vector.broadcast %broadcast_in_dim3A_2263 : vector<4x1x1xf32> to vector<4x8x2560xf32>
      %min3A_2265 = arith.minimumf %min3A_2264, %add3A_424 : vector<4x8x2560xf32>
      %sub3A_2266 = arith.subf %min3A_2261, %max3A_2253 : vector<4x8x2560xf32>
      %max3A_2267 = arith.constant 0.000000e+00 : f32
      %max3A_2268 = vector.broadcast %max3A_2267 : f32 to vector<4x8x2560xf32>
      %max3A_2269 = arith.maximumf %sub3A_2266, %max3A_2268 : vector<4x8x2560xf32>
      %sub3A_2270 = arith.subf %min3A_2265, %max3A_2257 : vector<4x8x2560xf32>
      %max3A_2271 = arith.constant 0.000000e+00 : f32
      %max3A_2272 = vector.broadcast %max3A_2271 : f32 to vector<4x8x2560xf32>
      %max3A_2273 = arith.maximumf %sub3A_2270, %max3A_2272 : vector<4x8x2560xf32>
      %mul3A_2274 = arith.mulf %max3A_2269, %max3A_2273 : vector<4x8x2560xf32>
      %sub3A_2275 = arith.subf %reduce_sum3A_2237, %reduce_sum3A_2227 : vector<4xf32>
      %sub3A_2276 = arith.subf %reduce_sum3A_2242, %reduce_sum3A_2232 : vector<4xf32>
      %mul3A_2277 = arith.mulf %sub3A_2275, %sub3A_2276 : vector<4xf32>
      %broadcast_in_dim3A_2278 = vector.shape_cast %mul3A_2277 : vector<4xf32> to vector<4x1x1xf32>
      %add3A_2279 = vector.broadcast %broadcast_in_dim3A_2278 : vector<4x1x1xf32> to vector<4x8x2560xf32>
      %add3A_2280 = arith.addf %add3A_2279, %mul3A_427 : vector<4x8x2560xf32>
      %sub3A_2281 = arith.subf %add3A_2280, %mul3A_2274 : vector<4x8x2560xf32>
      %add3A_2282 = arith.constant 9.99999971E-10 : f32
      %add3A_2283 = vector.broadcast %add3A_2282 : f32 to vector<4x8x2560xf32>
      %add3A_2284 = arith.addf %sub3A_2281, %add3A_2283 : vector<4x8x2560xf32>
      %div3A_2285 = arith.divf %mul3A_2274, %add3A_2284 : vector<4x8x2560xf32>
      %gt3A_2286 = arith.constant 7.500000e-01 : f32
      %gt3A_2287 = vector.broadcast %gt3A_2286 : f32 to vector<4x8x2560xf32>
      %gt3A_2288 = arith.cmpf ogt, %div3A_2285, %gt3A_2287 : vector<4x8x2560xf32>
      %or3A_2289 = arith.ori %gt3A_2288, %eq3A_2222 : vector<4x8x2560xi1>
      %broadcast_in_dim3A_2290 = vector.shape_cast %gt3A_2210 : vector<4xi1> to vector<4x1x1xi1>
      %and3A_2291 = vector.broadcast %broadcast_in_dim3A_2290 : vector<4x1x1xi1> to vector<4x8x2560xi1>
      %and3A_2292 = arith.andi %or3A_2289, %and3A_2291 : vector<4x8x2560xi1>
      %jit3A_2293 = arith.constant 0xFF800000 : f32
      %broadcast_in_dim3A_2294 = vector.broadcast %jit3A_2293 : f32 to vector<4x8x2560xf32>
      %select_n3A_2295 = arith.select %and3A_2292, %broadcast_in_dim3A_2294, %select_n3A_2178 : vector<4x8x2560xi1>, vector<4x8x2560xf32>
      %eq3A_2296 = arith.constant 15 : i32
      %eq3A_2297 = vector.broadcast %eq3A_2296 : i32 to vector<4x64xi32>
      %eq3A_2298 = arith.cmpi eq, %iota3A_440, %eq3A_2297 : vector<4x64xi32>
      %broadcast_in_dim3A_2299 = vector.shape_cast %select_n3A_2219 : vector<4xi32> to vector<4x1xi32>
      %broadcast_in_dim3A_2300 = vector.shape_cast %broadcast_in_dim3A_2299 : vector<4x1xi32> to vector<4x1xi32>
      %broadcast_in_dim3A_2301 = vector.broadcast %broadcast_in_dim3A_2300 : vector<4x1xi32> to vector<4x64xi32>
      %select_n3A_2302 = arith.select %eq3A_2298, %broadcast_in_dim3A_2301, %select_n3A_2185 : vector<4x64xi1>, vector<4x64xi32>
      %broadcast_in_dim3A_2303 = vector.shape_cast %select_n3A_2248 : vector<4xf32> to vector<4x1xf32>
      %broadcast_in_dim3A_2304 = vector.shape_cast %broadcast_in_dim3A_2303 : vector<4x1xf32> to vector<4x1xf32>
      %broadcast_in_dim3A_2305 = vector.broadcast %broadcast_in_dim3A_2304 : vector<4x1xf32> to vector<4x64xf32>
      %select_n3A_2306 = arith.select %eq3A_2298, %broadcast_in_dim3A_2305, %select_n3A_2189 : vector<4x64xi1>, vector<4x64xf32>
      %broadcast_in_dim3A_2307 = vector.shape_cast %reduce_sum3A_2227 : vector<4xf32> to vector<4x1xf32>
      %broadcast_in_dim3A_2308 = vector.shape_cast %broadcast_in_dim3A_2307 : vector<4x1xf32> to vector<4x1xf32>
      %broadcast_in_dim3A_2309 = vector.broadcast %broadcast_in_dim3A_2308 : vector<4x1xf32> to vector<4x64xf32>
      %select_n3A_2310 = arith.select %eq3A_2298, %broadcast_in_dim3A_2309, %select_n3A_2193 : vector<4x64xi1>, vector<4x64xf32>
      %broadcast_in_dim3A_2311 = vector.shape_cast %reduce_sum3A_2232 : vector<4xf32> to vector<4x1xf32>
      %broadcast_in_dim3A_2312 = vector.shape_cast %broadcast_in_dim3A_2311 : vector<4x1xf32> to vector<4x1xf32>
      %broadcast_in_dim3A_2313 = vector.broadcast %broadcast_in_dim3A_2312 : vector<4x1xf32> to vector<4x64xf32>
      %select_n3A_2314 = arith.select %eq3A_2298, %broadcast_in_dim3A_2313, %select_n3A_2197 : vector<4x64xi1>, vector<4x64xf32>
      %broadcast_in_dim3A_2315 = vector.shape_cast %reduce_sum3A_2237 : vector<4xf32> to vector<4x1xf32>
      %broadcast_in_dim3A_2316 = vector.shape_cast %broadcast_in_dim3A_2315 : vector<4x1xf32> to vector<4x1xf32>
      %broadcast_in_dim3A_2317 = vector.broadcast %broadcast_in_dim3A_2316 : vector<4x1xf32> to vector<4x64xf32>
      %select_n3A_2318 = arith.select %eq3A_2298, %broadcast_in_dim3A_2317, %select_n3A_2201 : vector<4x64xi1>, vector<4x64xf32>
      %broadcast_in_dim3A_2319 = vector.shape_cast %reduce_sum3A_2242 : vector<4xf32> to vector<4x1xf32>
      %broadcast_in_dim3A_2320 = vector.shape_cast %broadcast_in_dim3A_2319 : vector<4x1xf32> to vector<4x1xf32>
      %broadcast_in_dim3A_2321 = vector.broadcast %broadcast_in_dim3A_2320 : vector<4x1xf32> to vector<4x64xf32>
      %select_n3A_2322 = arith.select %eq3A_2298, %broadcast_in_dim3A_2321, %select_n3A_2205 : vector<4x64xi1>, vector<4x64xf32>
      %reduce_max3A_2323 = arith.constant dense<0xFF800000> : vector<4xf32>
      %reduce_max3A_2324 = vector.multi_reduction <maximumf>, %select_n3A_2295, %reduce_max3A_2323 [1, 2] : vector<4x8x2560xf32> to vector<4xf32>
      %gt3A_2325 = arith.constant 0xFF800000 : f32
      %gt3A_2326 = vector.broadcast %gt3A_2325 : f32 to vector<4xf32>
      %gt3A_2327 = arith.cmpf ogt, %reduce_max3A_2324, %gt3A_2326 : vector<4xf32>
      %broadcast_in_dim3A_2328 = vector.shape_cast %reduce_max3A_2324 : vector<4xf32> to vector<4x1x1xf32>
      %eq3A_2329 = vector.broadcast %broadcast_in_dim3A_2328 : vector<4x1x1xf32> to vector<4x8x2560xf32>
      %eq3A_2330 = arith.cmpf oeq, %select_n3A_2295, %eq3A_2329 : vector<4x8x2560xf32>
      %jit3A_2331 = arith.constant 1073741824 : i32
      %broadcast_in_dim3A_2332 = vector.broadcast %jit3A_2331 : i32 to vector<4x8x2560xi32>
      %select_n3A_2333 = arith.select %eq3A_2330, %add3A, %broadcast_in_dim3A_2332 : vector<4x8x2560xi1>, vector<4x8x2560xi32>
      %reduce_min3A_2334 = arith.constant dense<2147483647> : vector<4xi32>
      %reduce_min3A_2335 = vector.multi_reduction <minsi>, %select_n3A_2333, %reduce_min3A_2334 [1, 2] : vector<4x8x2560xi32> to vector<4xi32>
      %select_n3A_2336 = arith.select %gt3A_2327, %reduce_min3A_2335, %reduce_min3A_439 : vector<4xi1>, vector<4xi32>
      %broadcast_in_dim3A_2337 = vector.shape_cast %select_n3A_2336 : vector<4xi32> to vector<4x1x1xi32>
      %eq3A_2338 = vector.broadcast %broadcast_in_dim3A_2337 : vector<4x1x1xi32> to vector<4x8x2560xi32>
      %eq3A_2339 = arith.cmpi eq, %add3A, %eq3A_2338 : vector<4x8x2560xi32>
      %jit3A_2340 = arith.constant 0.000000e+00 : f32
      %broadcast_in_dim3A_2341 = vector.broadcast %jit3A_2340 : f32 to vector<4x8x2560xf32>
      %select_n3A_2342 = arith.select %eq3A_2339, %get3A_16, %broadcast_in_dim3A_2341 : vector<4x8x2560xi1>, vector<4x8x2560xf32>
      %reduce_sum3A_2343 = arith.constant dense<0.000000e+00> : vector<4xf32>
      %reduce_sum3A_2344 = vector.multi_reduction <add>, %select_n3A_2342, %reduce_sum3A_2343 [1, 2] : vector<4x8x2560xf32> to vector<4xf32>
      %jit3A_2345 = arith.constant 0.000000e+00 : f32
      %broadcast_in_dim3A_2346 = vector.broadcast %jit3A_2345 : f32 to vector<4x8x2560xf32>
      %select_n3A_2347 = arith.select %eq3A_2339, %get3A_22, %broadcast_in_dim3A_2346 : vector<4x8x2560xi1>, vector<4x8x2560xf32>
      %reduce_sum3A_2348 = arith.constant dense<0.000000e+00> : vector<4xf32>
      %reduce_sum3A_2349 = vector.multi_reduction <add>, %select_n3A_2347, %reduce_sum3A_2348 [1, 2] : vector<4x8x2560xf32> to vector<4xf32>
      %jit3A_2350 = arith.constant 0.000000e+00 : f32
      %broadcast_in_dim3A_2351 = vector.broadcast %jit3A_2350 : f32 to vector<4x8x2560xf32>
      %select_n3A_2352 = arith.select %eq3A_2339, %get3A_28, %broadcast_in_dim3A_2351 : vector<4x8x2560xi1>, vector<4x8x2560xf32>
      %reduce_sum3A_2353 = arith.constant dense<0.000000e+00> : vector<4xf32>
      %reduce_sum3A_2354 = vector.multi_reduction <add>, %select_n3A_2352, %reduce_sum3A_2353 [1, 2] : vector<4x8x2560xf32> to vector<4xf32>
      %jit3A_2355 = arith.constant 0.000000e+00 : f32
      %broadcast_in_dim3A_2356 = vector.broadcast %jit3A_2355 : f32 to vector<4x8x2560xf32>
      %select_n3A_2357 = arith.select %eq3A_2339, %get3A_34, %broadcast_in_dim3A_2356 : vector<4x8x2560xi1>, vector<4x8x2560xf32>
      %reduce_sum3A_2358 = arith.constant dense<0.000000e+00> : vector<4xf32>
      %reduce_sum3A_2359 = vector.multi_reduction <add>, %select_n3A_2357, %reduce_sum3A_2358 [1, 2] : vector<4x8x2560xf32> to vector<4xf32>
      %jit3A_2360 = arith.constant 0.000000e+00 : f32
      %broadcast_in_dim3A_2361 = vector.broadcast %jit3A_2360 : f32 to vector<4x8x2560xf32>
      %select_n3A_2362 = arith.select %eq3A_2339, %select_n3A_355, %broadcast_in_dim3A_2361 : vector<4x8x2560xi1>, vector<4x8x2560xf32>
      %reduce_sum3A_2363 = arith.constant dense<0.000000e+00> : vector<4xf32>
      %reduce_sum3A_2364 = vector.multi_reduction <add>, %select_n3A_2362, %reduce_sum3A_2363 [1, 2] : vector<4x8x2560xf32> to vector<4xf32>
      %select_n3A_2365 = arith.select %gt3A_2327, %reduce_max3A_2324, %reduce_max3A_432 : vector<4xi1>, vector<4xf32>
      %mul3A_2366 = arith.mulf %reduce_sum3A_2364, %add3A_417 : vector<4xf32>
      %add3A_2367 = arith.addf %reduce_sum3A_2344, %mul3A_2366 : vector<4xf32>
      %broadcast_in_dim3A_2368 = vector.shape_cast %add3A_2367 : vector<4xf32> to vector<4x1x1xf32>
      %max3A_2369 = vector.broadcast %broadcast_in_dim3A_2368 : vector<4x1x1xf32> to vector<4x8x2560xf32>
      %max3A_2370 = arith.maximumf %max3A_2369, %add3A_421 : vector<4x8x2560xf32>
      %add3A_2371 = arith.addf %reduce_sum3A_2349, %mul3A_2366 : vector<4xf32>
      %broadcast_in_dim3A_2372 = vector.shape_cast %add3A_2371 : vector<4xf32> to vector<4x1x1xf32>
      %max3A_2373 = vector.broadcast %broadcast_in_dim3A_2372 : vector<4x1x1xf32> to vector<4x8x2560xf32>
      %max3A_2374 = arith.maximumf %max3A_2373, %add3A_422 : vector<4x8x2560xf32>
      %add3A_2375 = arith.addf %reduce_sum3A_2354, %mul3A_2366 : vector<4xf32>
      %broadcast_in_dim3A_2376 = vector.shape_cast %add3A_2375 : vector<4xf32> to vector<4x1x1xf32>
      %min3A_2377 = vector.broadcast %broadcast_in_dim3A_2376 : vector<4x1x1xf32> to vector<4x8x2560xf32>
      %min3A_2378 = arith.minimumf %min3A_2377, %add3A_423 : vector<4x8x2560xf32>
      %add3A_2379 = arith.addf %reduce_sum3A_2359, %mul3A_2366 : vector<4xf32>
      %broadcast_in_dim3A_2380 = vector.shape_cast %add3A_2379 : vector<4xf32> to vector<4x1x1xf32>
      %min3A_2381 = vector.broadcast %broadcast_in_dim3A_2380 : vector<4x1x1xf32> to vector<4x8x2560xf32>
      %min3A_2382 = arith.minimumf %min3A_2381, %add3A_424 : vector<4x8x2560xf32>
      %sub3A_2383 = arith.subf %min3A_2378, %max3A_2370 : vector<4x8x2560xf32>
      %max3A_2384 = arith.constant 0.000000e+00 : f32
      %max3A_2385 = vector.broadcast %max3A_2384 : f32 to vector<4x8x2560xf32>
      %max3A_2386 = arith.maximumf %sub3A_2383, %max3A_2385 : vector<4x8x2560xf32>
      %sub3A_2387 = arith.subf %min3A_2382, %max3A_2374 : vector<4x8x2560xf32>
      %max3A_2388 = arith.constant 0.000000e+00 : f32
      %max3A_2389 = vector.broadcast %max3A_2388 : f32 to vector<4x8x2560xf32>
      %max3A_2390 = arith.maximumf %sub3A_2387, %max3A_2389 : vector<4x8x2560xf32>
      %mul3A_2391 = arith.mulf %max3A_2386, %max3A_2390 : vector<4x8x2560xf32>
      %sub3A_2392 = arith.subf %reduce_sum3A_2354, %reduce_sum3A_2344 : vector<4xf32>
      %sub3A_2393 = arith.subf %reduce_sum3A_2359, %reduce_sum3A_2349 : vector<4xf32>
      %mul3A_2394 = arith.mulf %sub3A_2392, %sub3A_2393 : vector<4xf32>
      %broadcast_in_dim3A_2395 = vector.shape_cast %mul3A_2394 : vector<4xf32> to vector<4x1x1xf32>
      %add3A_2396 = vector.broadcast %broadcast_in_dim3A_2395 : vector<4x1x1xf32> to vector<4x8x2560xf32>
      %add3A_2397 = arith.addf %add3A_2396, %mul3A_427 : vector<4x8x2560xf32>
      %sub3A_2398 = arith.subf %add3A_2397, %mul3A_2391 : vector<4x8x2560xf32>
      %add3A_2399 = arith.constant 9.99999971E-10 : f32
      %add3A_2400 = vector.broadcast %add3A_2399 : f32 to vector<4x8x2560xf32>
      %add3A_2401 = arith.addf %sub3A_2398, %add3A_2400 : vector<4x8x2560xf32>
      %div3A_2402 = arith.divf %mul3A_2391, %add3A_2401 : vector<4x8x2560xf32>
      %gt3A_2403 = arith.constant 7.500000e-01 : f32
      %gt3A_2404 = vector.broadcast %gt3A_2403 : f32 to vector<4x8x2560xf32>
      %gt3A_2405 = arith.cmpf ogt, %div3A_2402, %gt3A_2404 : vector<4x8x2560xf32>
      %or3A_2406 = arith.ori %gt3A_2405, %eq3A_2339 : vector<4x8x2560xi1>
      %broadcast_in_dim3A_2407 = vector.shape_cast %gt3A_2327 : vector<4xi1> to vector<4x1x1xi1>
      %and3A_2408 = vector.broadcast %broadcast_in_dim3A_2407 : vector<4x1x1xi1> to vector<4x8x2560xi1>
      %and3A_2409 = arith.andi %or3A_2406, %and3A_2408 : vector<4x8x2560xi1>
      %jit3A_2410 = arith.constant 0xFF800000 : f32
      %broadcast_in_dim3A_2411 = vector.broadcast %jit3A_2410 : f32 to vector<4x8x2560xf32>
      %select_n3A_2412 = arith.select %and3A_2409, %broadcast_in_dim3A_2411, %select_n3A_2295 : vector<4x8x2560xi1>, vector<4x8x2560xf32>
      %eq3A_2413 = arith.constant 16 : i32
      %eq3A_2414 = vector.broadcast %eq3A_2413 : i32 to vector<4x64xi32>
      %eq3A_2415 = arith.cmpi eq, %iota3A_440, %eq3A_2414 : vector<4x64xi32>
      %broadcast_in_dim3A_2416 = vector.shape_cast %select_n3A_2336 : vector<4xi32> to vector<4x1xi32>
      %broadcast_in_dim3A_2417 = vector.shape_cast %broadcast_in_dim3A_2416 : vector<4x1xi32> to vector<4x1xi32>
      %broadcast_in_dim3A_2418 = vector.broadcast %broadcast_in_dim3A_2417 : vector<4x1xi32> to vector<4x64xi32>
      %select_n3A_2419 = arith.select %eq3A_2415, %broadcast_in_dim3A_2418, %select_n3A_2302 : vector<4x64xi1>, vector<4x64xi32>
      %broadcast_in_dim3A_2420 = vector.shape_cast %select_n3A_2365 : vector<4xf32> to vector<4x1xf32>
      %broadcast_in_dim3A_2421 = vector.shape_cast %broadcast_in_dim3A_2420 : vector<4x1xf32> to vector<4x1xf32>
      %broadcast_in_dim3A_2422 = vector.broadcast %broadcast_in_dim3A_2421 : vector<4x1xf32> to vector<4x64xf32>
      %select_n3A_2423 = arith.select %eq3A_2415, %broadcast_in_dim3A_2422, %select_n3A_2306 : vector<4x64xi1>, vector<4x64xf32>
      %broadcast_in_dim3A_2424 = vector.shape_cast %reduce_sum3A_2344 : vector<4xf32> to vector<4x1xf32>
      %broadcast_in_dim3A_2425 = vector.shape_cast %broadcast_in_dim3A_2424 : vector<4x1xf32> to vector<4x1xf32>
      %broadcast_in_dim3A_2426 = vector.broadcast %broadcast_in_dim3A_2425 : vector<4x1xf32> to vector<4x64xf32>
      %select_n3A_2427 = arith.select %eq3A_2415, %broadcast_in_dim3A_2426, %select_n3A_2310 : vector<4x64xi1>, vector<4x64xf32>
      %broadcast_in_dim3A_2428 = vector.shape_cast %reduce_sum3A_2349 : vector<4xf32> to vector<4x1xf32>
      %broadcast_in_dim3A_2429 = vector.shape_cast %broadcast_in_dim3A_2428 : vector<4x1xf32> to vector<4x1xf32>
      %broadcast_in_dim3A_2430 = vector.broadcast %broadcast_in_dim3A_2429 : vector<4x1xf32> to vector<4x64xf32>
      %select_n3A_2431 = arith.select %eq3A_2415, %broadcast_in_dim3A_2430, %select_n3A_2314 : vector<4x64xi1>, vector<4x64xf32>
      %broadcast_in_dim3A_2432 = vector.shape_cast %reduce_sum3A_2354 : vector<4xf32> to vector<4x1xf32>
      %broadcast_in_dim3A_2433 = vector.shape_cast %broadcast_in_dim3A_2432 : vector<4x1xf32> to vector<4x1xf32>
      %broadcast_in_dim3A_2434 = vector.broadcast %broadcast_in_dim3A_2433 : vector<4x1xf32> to vector<4x64xf32>
      %select_n3A_2435 = arith.select %eq3A_2415, %broadcast_in_dim3A_2434, %select_n3A_2318 : vector<4x64xi1>, vector<4x64xf32>
      %broadcast_in_dim3A_2436 = vector.shape_cast %reduce_sum3A_2359 : vector<4xf32> to vector<4x1xf32>
      %broadcast_in_dim3A_2437 = vector.shape_cast %broadcast_in_dim3A_2436 : vector<4x1xf32> to vector<4x1xf32>
      %broadcast_in_dim3A_2438 = vector.broadcast %broadcast_in_dim3A_2437 : vector<4x1xf32> to vector<4x64xf32>
      %select_n3A_2439 = arith.select %eq3A_2415, %broadcast_in_dim3A_2438, %select_n3A_2322 : vector<4x64xi1>, vector<4x64xf32>
      %reduce_max3A_2440 = arith.constant dense<0xFF800000> : vector<4xf32>
      %reduce_max3A_2441 = vector.multi_reduction <maximumf>, %select_n3A_2412, %reduce_max3A_2440 [1, 2] : vector<4x8x2560xf32> to vector<4xf32>
      %gt3A_2442 = arith.constant 0xFF800000 : f32
      %gt3A_2443 = vector.broadcast %gt3A_2442 : f32 to vector<4xf32>
      %gt3A_2444 = arith.cmpf ogt, %reduce_max3A_2441, %gt3A_2443 : vector<4xf32>
      %broadcast_in_dim3A_2445 = vector.shape_cast %reduce_max3A_2441 : vector<4xf32> to vector<4x1x1xf32>
      %eq3A_2446 = vector.broadcast %broadcast_in_dim3A_2445 : vector<4x1x1xf32> to vector<4x8x2560xf32>
      %eq3A_2447 = arith.cmpf oeq, %select_n3A_2412, %eq3A_2446 : vector<4x8x2560xf32>
      %jit3A_2448 = arith.constant 1073741824 : i32
      %broadcast_in_dim3A_2449 = vector.broadcast %jit3A_2448 : i32 to vector<4x8x2560xi32>
      %select_n3A_2450 = arith.select %eq3A_2447, %add3A, %broadcast_in_dim3A_2449 : vector<4x8x2560xi1>, vector<4x8x2560xi32>
      %reduce_min3A_2451 = arith.constant dense<2147483647> : vector<4xi32>
      %reduce_min3A_2452 = vector.multi_reduction <minsi>, %select_n3A_2450, %reduce_min3A_2451 [1, 2] : vector<4x8x2560xi32> to vector<4xi32>
      %select_n3A_2453 = arith.select %gt3A_2444, %reduce_min3A_2452, %reduce_min3A_439 : vector<4xi1>, vector<4xi32>
      %broadcast_in_dim3A_2454 = vector.shape_cast %select_n3A_2453 : vector<4xi32> to vector<4x1x1xi32>
      %eq3A_2455 = vector.broadcast %broadcast_in_dim3A_2454 : vector<4x1x1xi32> to vector<4x8x2560xi32>
      %eq3A_2456 = arith.cmpi eq, %add3A, %eq3A_2455 : vector<4x8x2560xi32>
      %jit3A_2457 = arith.constant 0.000000e+00 : f32
      %broadcast_in_dim3A_2458 = vector.broadcast %jit3A_2457 : f32 to vector<4x8x2560xf32>
      %select_n3A_2459 = arith.select %eq3A_2456, %get3A_16, %broadcast_in_dim3A_2458 : vector<4x8x2560xi1>, vector<4x8x2560xf32>
      %reduce_sum3A_2460 = arith.constant dense<0.000000e+00> : vector<4xf32>
      %reduce_sum3A_2461 = vector.multi_reduction <add>, %select_n3A_2459, %reduce_sum3A_2460 [1, 2] : vector<4x8x2560xf32> to vector<4xf32>
      %jit3A_2462 = arith.constant 0.000000e+00 : f32
      %broadcast_in_dim3A_2463 = vector.broadcast %jit3A_2462 : f32 to vector<4x8x2560xf32>
      %select_n3A_2464 = arith.select %eq3A_2456, %get3A_22, %broadcast_in_dim3A_2463 : vector<4x8x2560xi1>, vector<4x8x2560xf32>
      %reduce_sum3A_2465 = arith.constant dense<0.000000e+00> : vector<4xf32>
      %reduce_sum3A_2466 = vector.multi_reduction <add>, %select_n3A_2464, %reduce_sum3A_2465 [1, 2] : vector<4x8x2560xf32> to vector<4xf32>
      %jit3A_2467 = arith.constant 0.000000e+00 : f32
      %broadcast_in_dim3A_2468 = vector.broadcast %jit3A_2467 : f32 to vector<4x8x2560xf32>
      %select_n3A_2469 = arith.select %eq3A_2456, %get3A_28, %broadcast_in_dim3A_2468 : vector<4x8x2560xi1>, vector<4x8x2560xf32>
      %reduce_sum3A_2470 = arith.constant dense<0.000000e+00> : vector<4xf32>
      %reduce_sum3A_2471 = vector.multi_reduction <add>, %select_n3A_2469, %reduce_sum3A_2470 [1, 2] : vector<4x8x2560xf32> to vector<4xf32>
      %jit3A_2472 = arith.constant 0.000000e+00 : f32
      %broadcast_in_dim3A_2473 = vector.broadcast %jit3A_2472 : f32 to vector<4x8x2560xf32>
      %select_n3A_2474 = arith.select %eq3A_2456, %get3A_34, %broadcast_in_dim3A_2473 : vector<4x8x2560xi1>, vector<4x8x2560xf32>
      %reduce_sum3A_2475 = arith.constant dense<0.000000e+00> : vector<4xf32>
      %reduce_sum3A_2476 = vector.multi_reduction <add>, %select_n3A_2474, %reduce_sum3A_2475 [1, 2] : vector<4x8x2560xf32> to vector<4xf32>
      %jit3A_2477 = arith.constant 0.000000e+00 : f32
      %broadcast_in_dim3A_2478 = vector.broadcast %jit3A_2477 : f32 to vector<4x8x2560xf32>
      %select_n3A_2479 = arith.select %eq3A_2456, %select_n3A_355, %broadcast_in_dim3A_2478 : vector<4x8x2560xi1>, vector<4x8x2560xf32>
      %reduce_sum3A_2480 = arith.constant dense<0.000000e+00> : vector<4xf32>
      %reduce_sum3A_2481 = vector.multi_reduction <add>, %select_n3A_2479, %reduce_sum3A_2480 [1, 2] : vector<4x8x2560xf32> to vector<4xf32>
      %select_n3A_2482 = arith.select %gt3A_2444, %reduce_max3A_2441, %reduce_max3A_432 : vector<4xi1>, vector<4xf32>
      %mul3A_2483 = arith.mulf %reduce_sum3A_2481, %add3A_417 : vector<4xf32>
      %add3A_2484 = arith.addf %reduce_sum3A_2461, %mul3A_2483 : vector<4xf32>
      %broadcast_in_dim3A_2485 = vector.shape_cast %add3A_2484 : vector<4xf32> to vector<4x1x1xf32>
      %max3A_2486 = vector.broadcast %broadcast_in_dim3A_2485 : vector<4x1x1xf32> to vector<4x8x2560xf32>
      %max3A_2487 = arith.maximumf %max3A_2486, %add3A_421 : vector<4x8x2560xf32>
      %add3A_2488 = arith.addf %reduce_sum3A_2466, %mul3A_2483 : vector<4xf32>
      %broadcast_in_dim3A_2489 = vector.shape_cast %add3A_2488 : vector<4xf32> to vector<4x1x1xf32>
      %max3A_2490 = vector.broadcast %broadcast_in_dim3A_2489 : vector<4x1x1xf32> to vector<4x8x2560xf32>
      %max3A_2491 = arith.maximumf %max3A_2490, %add3A_422 : vector<4x8x2560xf32>
      %add3A_2492 = arith.addf %reduce_sum3A_2471, %mul3A_2483 : vector<4xf32>
      %broadcast_in_dim3A_2493 = vector.shape_cast %add3A_2492 : vector<4xf32> to vector<4x1x1xf32>
      %min3A_2494 = vector.broadcast %broadcast_in_dim3A_2493 : vector<4x1x1xf32> to vector<4x8x2560xf32>
      %min3A_2495 = arith.minimumf %min3A_2494, %add3A_423 : vector<4x8x2560xf32>
      %add3A_2496 = arith.addf %reduce_sum3A_2476, %mul3A_2483 : vector<4xf32>
      %broadcast_in_dim3A_2497 = vector.shape_cast %add3A_2496 : vector<4xf32> to vector<4x1x1xf32>
      %min3A_2498 = vector.broadcast %broadcast_in_dim3A_2497 : vector<4x1x1xf32> to vector<4x8x2560xf32>
      %min3A_2499 = arith.minimumf %min3A_2498, %add3A_424 : vector<4x8x2560xf32>
      %sub3A_2500 = arith.subf %min3A_2495, %max3A_2487 : vector<4x8x2560xf32>
      %max3A_2501 = arith.constant 0.000000e+00 : f32
      %max3A_2502 = vector.broadcast %max3A_2501 : f32 to vector<4x8x2560xf32>
      %max3A_2503 = arith.maximumf %sub3A_2500, %max3A_2502 : vector<4x8x2560xf32>
      %sub3A_2504 = arith.subf %min3A_2499, %max3A_2491 : vector<4x8x2560xf32>
      %max3A_2505 = arith.constant 0.000000e+00 : f32
      %max3A_2506 = vector.broadcast %max3A_2505 : f32 to vector<4x8x2560xf32>
      %max3A_2507 = arith.maximumf %sub3A_2504, %max3A_2506 : vector<4x8x2560xf32>
      %mul3A_2508 = arith.mulf %max3A_2503, %max3A_2507 : vector<4x8x2560xf32>
      %sub3A_2509 = arith.subf %reduce_sum3A_2471, %reduce_sum3A_2461 : vector<4xf32>
      %sub3A_2510 = arith.subf %reduce_sum3A_2476, %reduce_sum3A_2466 : vector<4xf32>
      %mul3A_2511 = arith.mulf %sub3A_2509, %sub3A_2510 : vector<4xf32>
      %broadcast_in_dim3A_2512 = vector.shape_cast %mul3A_2511 : vector<4xf32> to vector<4x1x1xf32>
      %add3A_2513 = vector.broadcast %broadcast_in_dim3A_2512 : vector<4x1x1xf32> to vector<4x8x2560xf32>
      %add3A_2514 = arith.addf %add3A_2513, %mul3A_427 : vector<4x8x2560xf32>
      %sub3A_2515 = arith.subf %add3A_2514, %mul3A_2508 : vector<4x8x2560xf32>
      %add3A_2516 = arith.constant 9.99999971E-10 : f32
      %add3A_2517 = vector.broadcast %add3A_2516 : f32 to vector<4x8x2560xf32>
      %add3A_2518 = arith.addf %sub3A_2515, %add3A_2517 : vector<4x8x2560xf32>
      %div3A_2519 = arith.divf %mul3A_2508, %add3A_2518 : vector<4x8x2560xf32>
      %gt3A_2520 = arith.constant 7.500000e-01 : f32
      %gt3A_2521 = vector.broadcast %gt3A_2520 : f32 to vector<4x8x2560xf32>
      %gt3A_2522 = arith.cmpf ogt, %div3A_2519, %gt3A_2521 : vector<4x8x2560xf32>
      %or3A_2523 = arith.ori %gt3A_2522, %eq3A_2456 : vector<4x8x2560xi1>
      %broadcast_in_dim3A_2524 = vector.shape_cast %gt3A_2444 : vector<4xi1> to vector<4x1x1xi1>
      %and3A_2525 = vector.broadcast %broadcast_in_dim3A_2524 : vector<4x1x1xi1> to vector<4x8x2560xi1>
      %and3A_2526 = arith.andi %or3A_2523, %and3A_2525 : vector<4x8x2560xi1>
      %jit3A_2527 = arith.constant 0xFF800000 : f32
      %broadcast_in_dim3A_2528 = vector.broadcast %jit3A_2527 : f32 to vector<4x8x2560xf32>
      %select_n3A_2529 = arith.select %and3A_2526, %broadcast_in_dim3A_2528, %select_n3A_2412 : vector<4x8x2560xi1>, vector<4x8x2560xf32>
      %eq3A_2530 = arith.constant 17 : i32
      %eq3A_2531 = vector.broadcast %eq3A_2530 : i32 to vector<4x64xi32>
      %eq3A_2532 = arith.cmpi eq, %iota3A_440, %eq3A_2531 : vector<4x64xi32>
      %broadcast_in_dim3A_2533 = vector.shape_cast %select_n3A_2453 : vector<4xi32> to vector<4x1xi32>
      %broadcast_in_dim3A_2534 = vector.shape_cast %broadcast_in_dim3A_2533 : vector<4x1xi32> to vector<4x1xi32>
      %broadcast_in_dim3A_2535 = vector.broadcast %broadcast_in_dim3A_2534 : vector<4x1xi32> to vector<4x64xi32>
      %select_n3A_2536 = arith.select %eq3A_2532, %broadcast_in_dim3A_2535, %select_n3A_2419 : vector<4x64xi1>, vector<4x64xi32>
      %broadcast_in_dim3A_2537 = vector.shape_cast %select_n3A_2482 : vector<4xf32> to vector<4x1xf32>
      %broadcast_in_dim3A_2538 = vector.shape_cast %broadcast_in_dim3A_2537 : vector<4x1xf32> to vector<4x1xf32>
      %broadcast_in_dim3A_2539 = vector.broadcast %broadcast_in_dim3A_2538 : vector<4x1xf32> to vector<4x64xf32>
      %select_n3A_2540 = arith.select %eq3A_2532, %broadcast_in_dim3A_2539, %select_n3A_2423 : vector<4x64xi1>, vector<4x64xf32>
      %broadcast_in_dim3A_2541 = vector.shape_cast %reduce_sum3A_2461 : vector<4xf32> to vector<4x1xf32>
      %broadcast_in_dim3A_2542 = vector.shape_cast %broadcast_in_dim3A_2541 : vector<4x1xf32> to vector<4x1xf32>
      %broadcast_in_dim3A_2543 = vector.broadcast %broadcast_in_dim3A_2542 : vector<4x1xf32> to vector<4x64xf32>
      %select_n3A_2544 = arith.select %eq3A_2532, %broadcast_in_dim3A_2543, %select_n3A_2427 : vector<4x64xi1>, vector<4x64xf32>
      %broadcast_in_dim3A_2545 = vector.shape_cast %reduce_sum3A_2466 : vector<4xf32> to vector<4x1xf32>
      %broadcast_in_dim3A_2546 = vector.shape_cast %broadcast_in_dim3A_2545 : vector<4x1xf32> to vector<4x1xf32>
      %broadcast_in_dim3A_2547 = vector.broadcast %broadcast_in_dim3A_2546 : vector<4x1xf32> to vector<4x64xf32>
      %select_n3A_2548 = arith.select %eq3A_2532, %broadcast_in_dim3A_2547, %select_n3A_2431 : vector<4x64xi1>, vector<4x64xf32>
      %broadcast_in_dim3A_2549 = vector.shape_cast %reduce_sum3A_2471 : vector<4xf32> to vector<4x1xf32>
      %broadcast_in_dim3A_2550 = vector.shape_cast %broadcast_in_dim3A_2549 : vector<4x1xf32> to vector<4x1xf32>
      %broadcast_in_dim3A_2551 = vector.broadcast %broadcast_in_dim3A_2550 : vector<4x1xf32> to vector<4x64xf32>
      %select_n3A_2552 = arith.select %eq3A_2532, %broadcast_in_dim3A_2551, %select_n3A_2435 : vector<4x64xi1>, vector<4x64xf32>
      %broadcast_in_dim3A_2553 = vector.shape_cast %reduce_sum3A_2476 : vector<4xf32> to vector<4x1xf32>
      %broadcast_in_dim3A_2554 = vector.shape_cast %broadcast_in_dim3A_2553 : vector<4x1xf32> to vector<4x1xf32>
      %broadcast_in_dim3A_2555 = vector.broadcast %broadcast_in_dim3A_2554 : vector<4x1xf32> to vector<4x64xf32>
      %select_n3A_2556 = arith.select %eq3A_2532, %broadcast_in_dim3A_2555, %select_n3A_2439 : vector<4x64xi1>, vector<4x64xf32>
      %reduce_max3A_2557 = arith.constant dense<0xFF800000> : vector<4xf32>
      %reduce_max3A_2558 = vector.multi_reduction <maximumf>, %select_n3A_2529, %reduce_max3A_2557 [1, 2] : vector<4x8x2560xf32> to vector<4xf32>
      %gt3A_2559 = arith.constant 0xFF800000 : f32
      %gt3A_2560 = vector.broadcast %gt3A_2559 : f32 to vector<4xf32>
      %gt3A_2561 = arith.cmpf ogt, %reduce_max3A_2558, %gt3A_2560 : vector<4xf32>
      %broadcast_in_dim3A_2562 = vector.shape_cast %reduce_max3A_2558 : vector<4xf32> to vector<4x1x1xf32>
      %eq3A_2563 = vector.broadcast %broadcast_in_dim3A_2562 : vector<4x1x1xf32> to vector<4x8x2560xf32>
      %eq3A_2564 = arith.cmpf oeq, %select_n3A_2529, %eq3A_2563 : vector<4x8x2560xf32>
      %jit3A_2565 = arith.constant 1073741824 : i32
      %broadcast_in_dim3A_2566 = vector.broadcast %jit3A_2565 : i32 to vector<4x8x2560xi32>
      %select_n3A_2567 = arith.select %eq3A_2564, %add3A, %broadcast_in_dim3A_2566 : vector<4x8x2560xi1>, vector<4x8x2560xi32>
      %reduce_min3A_2568 = arith.constant dense<2147483647> : vector<4xi32>
      %reduce_min3A_2569 = vector.multi_reduction <minsi>, %select_n3A_2567, %reduce_min3A_2568 [1, 2] : vector<4x8x2560xi32> to vector<4xi32>
      %select_n3A_2570 = arith.select %gt3A_2561, %reduce_min3A_2569, %reduce_min3A_439 : vector<4xi1>, vector<4xi32>
      %broadcast_in_dim3A_2571 = vector.shape_cast %select_n3A_2570 : vector<4xi32> to vector<4x1x1xi32>
      %eq3A_2572 = vector.broadcast %broadcast_in_dim3A_2571 : vector<4x1x1xi32> to vector<4x8x2560xi32>
      %eq3A_2573 = arith.cmpi eq, %add3A, %eq3A_2572 : vector<4x8x2560xi32>
      %jit3A_2574 = arith.constant 0.000000e+00 : f32
      %broadcast_in_dim3A_2575 = vector.broadcast %jit3A_2574 : f32 to vector<4x8x2560xf32>
      %select_n3A_2576 = arith.select %eq3A_2573, %get3A_16, %broadcast_in_dim3A_2575 : vector<4x8x2560xi1>, vector<4x8x2560xf32>
      %reduce_sum3A_2577 = arith.constant dense<0.000000e+00> : vector<4xf32>
      %reduce_sum3A_2578 = vector.multi_reduction <add>, %select_n3A_2576, %reduce_sum3A_2577 [1, 2] : vector<4x8x2560xf32> to vector<4xf32>
      %jit3A_2579 = arith.constant 0.000000e+00 : f32
      %broadcast_in_dim3A_2580 = vector.broadcast %jit3A_2579 : f32 to vector<4x8x2560xf32>
      %select_n3A_2581 = arith.select %eq3A_2573, %get3A_22, %broadcast_in_dim3A_2580 : vector<4x8x2560xi1>, vector<4x8x2560xf32>
      %reduce_sum3A_2582 = arith.constant dense<0.000000e+00> : vector<4xf32>
      %reduce_sum3A_2583 = vector.multi_reduction <add>, %select_n3A_2581, %reduce_sum3A_2582 [1, 2] : vector<4x8x2560xf32> to vector<4xf32>
      %jit3A_2584 = arith.constant 0.000000e+00 : f32
      %broadcast_in_dim3A_2585 = vector.broadcast %jit3A_2584 : f32 to vector<4x8x2560xf32>
      %select_n3A_2586 = arith.select %eq3A_2573, %get3A_28, %broadcast_in_dim3A_2585 : vector<4x8x2560xi1>, vector<4x8x2560xf32>
      %reduce_sum3A_2587 = arith.constant dense<0.000000e+00> : vector<4xf32>
      %reduce_sum3A_2588 = vector.multi_reduction <add>, %select_n3A_2586, %reduce_sum3A_2587 [1, 2] : vector<4x8x2560xf32> to vector<4xf32>
      %jit3A_2589 = arith.constant 0.000000e+00 : f32
      %broadcast_in_dim3A_2590 = vector.broadcast %jit3A_2589 : f32 to vector<4x8x2560xf32>
      %select_n3A_2591 = arith.select %eq3A_2573, %get3A_34, %broadcast_in_dim3A_2590 : vector<4x8x2560xi1>, vector<4x8x2560xf32>
      %reduce_sum3A_2592 = arith.constant dense<0.000000e+00> : vector<4xf32>
      %reduce_sum3A_2593 = vector.multi_reduction <add>, %select_n3A_2591, %reduce_sum3A_2592 [1, 2] : vector<4x8x2560xf32> to vector<4xf32>
      %jit3A_2594 = arith.constant 0.000000e+00 : f32
      %broadcast_in_dim3A_2595 = vector.broadcast %jit3A_2594 : f32 to vector<4x8x2560xf32>
      %select_n3A_2596 = arith.select %eq3A_2573, %select_n3A_355, %broadcast_in_dim3A_2595 : vector<4x8x2560xi1>, vector<4x8x2560xf32>
      %reduce_sum3A_2597 = arith.constant dense<0.000000e+00> : vector<4xf32>
      %reduce_sum3A_2598 = vector.multi_reduction <add>, %select_n3A_2596, %reduce_sum3A_2597 [1, 2] : vector<4x8x2560xf32> to vector<4xf32>
      %select_n3A_2599 = arith.select %gt3A_2561, %reduce_max3A_2558, %reduce_max3A_432 : vector<4xi1>, vector<4xf32>
      %mul3A_2600 = arith.mulf %reduce_sum3A_2598, %add3A_417 : vector<4xf32>
      %add3A_2601 = arith.addf %reduce_sum3A_2578, %mul3A_2600 : vector<4xf32>
      %broadcast_in_dim3A_2602 = vector.shape_cast %add3A_2601 : vector<4xf32> to vector<4x1x1xf32>
      %max3A_2603 = vector.broadcast %broadcast_in_dim3A_2602 : vector<4x1x1xf32> to vector<4x8x2560xf32>
      %max3A_2604 = arith.maximumf %max3A_2603, %add3A_421 : vector<4x8x2560xf32>
      %add3A_2605 = arith.addf %reduce_sum3A_2583, %mul3A_2600 : vector<4xf32>
      %broadcast_in_dim3A_2606 = vector.shape_cast %add3A_2605 : vector<4xf32> to vector<4x1x1xf32>
      %max3A_2607 = vector.broadcast %broadcast_in_dim3A_2606 : vector<4x1x1xf32> to vector<4x8x2560xf32>
      %max3A_2608 = arith.maximumf %max3A_2607, %add3A_422 : vector<4x8x2560xf32>
      %add3A_2609 = arith.addf %reduce_sum3A_2588, %mul3A_2600 : vector<4xf32>
      %broadcast_in_dim3A_2610 = vector.shape_cast %add3A_2609 : vector<4xf32> to vector<4x1x1xf32>
      %min3A_2611 = vector.broadcast %broadcast_in_dim3A_2610 : vector<4x1x1xf32> to vector<4x8x2560xf32>
      %min3A_2612 = arith.minimumf %min3A_2611, %add3A_423 : vector<4x8x2560xf32>
      %add3A_2613 = arith.addf %reduce_sum3A_2593, %mul3A_2600 : vector<4xf32>
      %broadcast_in_dim3A_2614 = vector.shape_cast %add3A_2613 : vector<4xf32> to vector<4x1x1xf32>
      %min3A_2615 = vector.broadcast %broadcast_in_dim3A_2614 : vector<4x1x1xf32> to vector<4x8x2560xf32>
      %min3A_2616 = arith.minimumf %min3A_2615, %add3A_424 : vector<4x8x2560xf32>
      %sub3A_2617 = arith.subf %min3A_2612, %max3A_2604 : vector<4x8x2560xf32>
      %max3A_2618 = arith.constant 0.000000e+00 : f32
      %max3A_2619 = vector.broadcast %max3A_2618 : f32 to vector<4x8x2560xf32>
      %max3A_2620 = arith.maximumf %sub3A_2617, %max3A_2619 : vector<4x8x2560xf32>
      %sub3A_2621 = arith.subf %min3A_2616, %max3A_2608 : vector<4x8x2560xf32>
      %max3A_2622 = arith.constant 0.000000e+00 : f32
      %max3A_2623 = vector.broadcast %max3A_2622 : f32 to vector<4x8x2560xf32>
      %max3A_2624 = arith.maximumf %sub3A_2621, %max3A_2623 : vector<4x8x2560xf32>
      %mul3A_2625 = arith.mulf %max3A_2620, %max3A_2624 : vector<4x8x2560xf32>
      %sub3A_2626 = arith.subf %reduce_sum3A_2588, %reduce_sum3A_2578 : vector<4xf32>
      %sub3A_2627 = arith.subf %reduce_sum3A_2593, %reduce_sum3A_2583 : vector<4xf32>
      %mul3A_2628 = arith.mulf %sub3A_2626, %sub3A_2627 : vector<4xf32>
      %broadcast_in_dim3A_2629 = vector.shape_cast %mul3A_2628 : vector<4xf32> to vector<4x1x1xf32>
      %add3A_2630 = vector.broadcast %broadcast_in_dim3A_2629 : vector<4x1x1xf32> to vector<4x8x2560xf32>
      %add3A_2631 = arith.addf %add3A_2630, %mul3A_427 : vector<4x8x2560xf32>
      %sub3A_2632 = arith.subf %add3A_2631, %mul3A_2625 : vector<4x8x2560xf32>
      %add3A_2633 = arith.constant 9.99999971E-10 : f32
      %add3A_2634 = vector.broadcast %add3A_2633 : f32 to vector<4x8x2560xf32>
      %add3A_2635 = arith.addf %sub3A_2632, %add3A_2634 : vector<4x8x2560xf32>
      %div3A_2636 = arith.divf %mul3A_2625, %add3A_2635 : vector<4x8x2560xf32>
      %gt3A_2637 = arith.constant 7.500000e-01 : f32
      %gt3A_2638 = vector.broadcast %gt3A_2637 : f32 to vector<4x8x2560xf32>
      %gt3A_2639 = arith.cmpf ogt, %div3A_2636, %gt3A_2638 : vector<4x8x2560xf32>
      %or3A_2640 = arith.ori %gt3A_2639, %eq3A_2573 : vector<4x8x2560xi1>
      %broadcast_in_dim3A_2641 = vector.shape_cast %gt3A_2561 : vector<4xi1> to vector<4x1x1xi1>
      %and3A_2642 = vector.broadcast %broadcast_in_dim3A_2641 : vector<4x1x1xi1> to vector<4x8x2560xi1>
      %and3A_2643 = arith.andi %or3A_2640, %and3A_2642 : vector<4x8x2560xi1>
      %jit3A_2644 = arith.constant 0xFF800000 : f32
      %broadcast_in_dim3A_2645 = vector.broadcast %jit3A_2644 : f32 to vector<4x8x2560xf32>
      %select_n3A_2646 = arith.select %and3A_2643, %broadcast_in_dim3A_2645, %select_n3A_2529 : vector<4x8x2560xi1>, vector<4x8x2560xf32>
      %eq3A_2647 = arith.constant 18 : i32
      %eq3A_2648 = vector.broadcast %eq3A_2647 : i32 to vector<4x64xi32>
      %eq3A_2649 = arith.cmpi eq, %iota3A_440, %eq3A_2648 : vector<4x64xi32>
      %broadcast_in_dim3A_2650 = vector.shape_cast %select_n3A_2570 : vector<4xi32> to vector<4x1xi32>
      %broadcast_in_dim3A_2651 = vector.shape_cast %broadcast_in_dim3A_2650 : vector<4x1xi32> to vector<4x1xi32>
      %broadcast_in_dim3A_2652 = vector.broadcast %broadcast_in_dim3A_2651 : vector<4x1xi32> to vector<4x64xi32>
      %select_n3A_2653 = arith.select %eq3A_2649, %broadcast_in_dim3A_2652, %select_n3A_2536 : vector<4x64xi1>, vector<4x64xi32>
      %broadcast_in_dim3A_2654 = vector.shape_cast %select_n3A_2599 : vector<4xf32> to vector<4x1xf32>
      %broadcast_in_dim3A_2655 = vector.shape_cast %broadcast_in_dim3A_2654 : vector<4x1xf32> to vector<4x1xf32>
      %broadcast_in_dim3A_2656 = vector.broadcast %broadcast_in_dim3A_2655 : vector<4x1xf32> to vector<4x64xf32>
      %select_n3A_2657 = arith.select %eq3A_2649, %broadcast_in_dim3A_2656, %select_n3A_2540 : vector<4x64xi1>, vector<4x64xf32>
      %broadcast_in_dim3A_2658 = vector.shape_cast %reduce_sum3A_2578 : vector<4xf32> to vector<4x1xf32>
      %broadcast_in_dim3A_2659 = vector.shape_cast %broadcast_in_dim3A_2658 : vector<4x1xf32> to vector<4x1xf32>
      %broadcast_in_dim3A_2660 = vector.broadcast %broadcast_in_dim3A_2659 : vector<4x1xf32> to vector<4x64xf32>
      %select_n3A_2661 = arith.select %eq3A_2649, %broadcast_in_dim3A_2660, %select_n3A_2544 : vector<4x64xi1>, vector<4x64xf32>
      %broadcast_in_dim3A_2662 = vector.shape_cast %reduce_sum3A_2583 : vector<4xf32> to vector<4x1xf32>
      %broadcast_in_dim3A_2663 = vector.shape_cast %broadcast_in_dim3A_2662 : vector<4x1xf32> to vector<4x1xf32>
      %broadcast_in_dim3A_2664 = vector.broadcast %broadcast_in_dim3A_2663 : vector<4x1xf32> to vector<4x64xf32>
      %select_n3A_2665 = arith.select %eq3A_2649, %broadcast_in_dim3A_2664, %select_n3A_2548 : vector<4x64xi1>, vector<4x64xf32>
      %broadcast_in_dim3A_2666 = vector.shape_cast %reduce_sum3A_2588 : vector<4xf32> to vector<4x1xf32>
      %broadcast_in_dim3A_2667 = vector.shape_cast %broadcast_in_dim3A_2666 : vector<4x1xf32> to vector<4x1xf32>
      %broadcast_in_dim3A_2668 = vector.broadcast %broadcast_in_dim3A_2667 : vector<4x1xf32> to vector<4x64xf32>
      %select_n3A_2669 = arith.select %eq3A_2649, %broadcast_in_dim3A_2668, %select_n3A_2552 : vector<4x64xi1>, vector<4x64xf32>
      %broadcast_in_dim3A_2670 = vector.shape_cast %reduce_sum3A_2593 : vector<4xf32> to vector<4x1xf32>
      %broadcast_in_dim3A_2671 = vector.shape_cast %broadcast_in_dim3A_2670 : vector<4x1xf32> to vector<4x1xf32>
      %broadcast_in_dim3A_2672 = vector.broadcast %broadcast_in_dim3A_2671 : vector<4x1xf32> to vector<4x64xf32>
      %select_n3A_2673 = arith.select %eq3A_2649, %broadcast_in_dim3A_2672, %select_n3A_2556 : vector<4x64xi1>, vector<4x64xf32>
      %reduce_max3A_2674 = arith.constant dense<0xFF800000> : vector<4xf32>
      %reduce_max3A_2675 = vector.multi_reduction <maximumf>, %select_n3A_2646, %reduce_max3A_2674 [1, 2] : vector<4x8x2560xf32> to vector<4xf32>
      %gt3A_2676 = arith.constant 0xFF800000 : f32
      %gt3A_2677 = vector.broadcast %gt3A_2676 : f32 to vector<4xf32>
      %gt3A_2678 = arith.cmpf ogt, %reduce_max3A_2675, %gt3A_2677 : vector<4xf32>
      %broadcast_in_dim3A_2679 = vector.shape_cast %reduce_max3A_2675 : vector<4xf32> to vector<4x1x1xf32>
      %eq3A_2680 = vector.broadcast %broadcast_in_dim3A_2679 : vector<4x1x1xf32> to vector<4x8x2560xf32>
      %eq3A_2681 = arith.cmpf oeq, %select_n3A_2646, %eq3A_2680 : vector<4x8x2560xf32>
      %jit3A_2682 = arith.constant 1073741824 : i32
      %broadcast_in_dim3A_2683 = vector.broadcast %jit3A_2682 : i32 to vector<4x8x2560xi32>
      %select_n3A_2684 = arith.select %eq3A_2681, %add3A, %broadcast_in_dim3A_2683 : vector<4x8x2560xi1>, vector<4x8x2560xi32>
      %reduce_min3A_2685 = arith.constant dense<2147483647> : vector<4xi32>
      %reduce_min3A_2686 = vector.multi_reduction <minsi>, %select_n3A_2684, %reduce_min3A_2685 [1, 2] : vector<4x8x2560xi32> to vector<4xi32>
      %select_n3A_2687 = arith.select %gt3A_2678, %reduce_min3A_2686, %reduce_min3A_439 : vector<4xi1>, vector<4xi32>
      %broadcast_in_dim3A_2688 = vector.shape_cast %select_n3A_2687 : vector<4xi32> to vector<4x1x1xi32>
      %eq3A_2689 = vector.broadcast %broadcast_in_dim3A_2688 : vector<4x1x1xi32> to vector<4x8x2560xi32>
      %eq3A_2690 = arith.cmpi eq, %add3A, %eq3A_2689 : vector<4x8x2560xi32>
      %jit3A_2691 = arith.constant 0.000000e+00 : f32
      %broadcast_in_dim3A_2692 = vector.broadcast %jit3A_2691 : f32 to vector<4x8x2560xf32>
      %select_n3A_2693 = arith.select %eq3A_2690, %get3A_16, %broadcast_in_dim3A_2692 : vector<4x8x2560xi1>, vector<4x8x2560xf32>
      %reduce_sum3A_2694 = arith.constant dense<0.000000e+00> : vector<4xf32>
      %reduce_sum3A_2695 = vector.multi_reduction <add>, %select_n3A_2693, %reduce_sum3A_2694 [1, 2] : vector<4x8x2560xf32> to vector<4xf32>
      %jit3A_2696 = arith.constant 0.000000e+00 : f32
      %broadcast_in_dim3A_2697 = vector.broadcast %jit3A_2696 : f32 to vector<4x8x2560xf32>
      %select_n3A_2698 = arith.select %eq3A_2690, %get3A_22, %broadcast_in_dim3A_2697 : vector<4x8x2560xi1>, vector<4x8x2560xf32>
      %reduce_sum3A_2699 = arith.constant dense<0.000000e+00> : vector<4xf32>
      %reduce_sum3A_2700 = vector.multi_reduction <add>, %select_n3A_2698, %reduce_sum3A_2699 [1, 2] : vector<4x8x2560xf32> to vector<4xf32>
      %jit3A_2701 = arith.constant 0.000000e+00 : f32
      %broadcast_in_dim3A_2702 = vector.broadcast %jit3A_2701 : f32 to vector<4x8x2560xf32>
      %select_n3A_2703 = arith.select %eq3A_2690, %get3A_28, %broadcast_in_dim3A_2702 : vector<4x8x2560xi1>, vector<4x8x2560xf32>
      %reduce_sum3A_2704 = arith.constant dense<0.000000e+00> : vector<4xf32>
      %reduce_sum3A_2705 = vector.multi_reduction <add>, %select_n3A_2703, %reduce_sum3A_2704 [1, 2] : vector<4x8x2560xf32> to vector<4xf32>
      %jit3A_2706 = arith.constant 0.000000e+00 : f32
      %broadcast_in_dim3A_2707 = vector.broadcast %jit3A_2706 : f32 to vector<4x8x2560xf32>
      %select_n3A_2708 = arith.select %eq3A_2690, %get3A_34, %broadcast_in_dim3A_2707 : vector<4x8x2560xi1>, vector<4x8x2560xf32>
      %reduce_sum3A_2709 = arith.constant dense<0.000000e+00> : vector<4xf32>
      %reduce_sum3A_2710 = vector.multi_reduction <add>, %select_n3A_2708, %reduce_sum3A_2709 [1, 2] : vector<4x8x2560xf32> to vector<4xf32>
      %jit3A_2711 = arith.constant 0.000000e+00 : f32
      %broadcast_in_dim3A_2712 = vector.broadcast %jit3A_2711 : f32 to vector<4x8x2560xf32>
      %select_n3A_2713 = arith.select %eq3A_2690, %select_n3A_355, %broadcast_in_dim3A_2712 : vector<4x8x2560xi1>, vector<4x8x2560xf32>
      %reduce_sum3A_2714 = arith.constant dense<0.000000e+00> : vector<4xf32>
      %reduce_sum3A_2715 = vector.multi_reduction <add>, %select_n3A_2713, %reduce_sum3A_2714 [1, 2] : vector<4x8x2560xf32> to vector<4xf32>
      %select_n3A_2716 = arith.select %gt3A_2678, %reduce_max3A_2675, %reduce_max3A_432 : vector<4xi1>, vector<4xf32>
      %mul3A_2717 = arith.mulf %reduce_sum3A_2715, %add3A_417 : vector<4xf32>
      %add3A_2718 = arith.addf %reduce_sum3A_2695, %mul3A_2717 : vector<4xf32>
      %broadcast_in_dim3A_2719 = vector.shape_cast %add3A_2718 : vector<4xf32> to vector<4x1x1xf32>
      %max3A_2720 = vector.broadcast %broadcast_in_dim3A_2719 : vector<4x1x1xf32> to vector<4x8x2560xf32>
      %max3A_2721 = arith.maximumf %max3A_2720, %add3A_421 : vector<4x8x2560xf32>
      %add3A_2722 = arith.addf %reduce_sum3A_2700, %mul3A_2717 : vector<4xf32>
      %broadcast_in_dim3A_2723 = vector.shape_cast %add3A_2722 : vector<4xf32> to vector<4x1x1xf32>
      %max3A_2724 = vector.broadcast %broadcast_in_dim3A_2723 : vector<4x1x1xf32> to vector<4x8x2560xf32>
      %max3A_2725 = arith.maximumf %max3A_2724, %add3A_422 : vector<4x8x2560xf32>
      %add3A_2726 = arith.addf %reduce_sum3A_2705, %mul3A_2717 : vector<4xf32>
      %broadcast_in_dim3A_2727 = vector.shape_cast %add3A_2726 : vector<4xf32> to vector<4x1x1xf32>
      %min3A_2728 = vector.broadcast %broadcast_in_dim3A_2727 : vector<4x1x1xf32> to vector<4x8x2560xf32>
      %min3A_2729 = arith.minimumf %min3A_2728, %add3A_423 : vector<4x8x2560xf32>
      %add3A_2730 = arith.addf %reduce_sum3A_2710, %mul3A_2717 : vector<4xf32>
      %broadcast_in_dim3A_2731 = vector.shape_cast %add3A_2730 : vector<4xf32> to vector<4x1x1xf32>
      %min3A_2732 = vector.broadcast %broadcast_in_dim3A_2731 : vector<4x1x1xf32> to vector<4x8x2560xf32>
      %min3A_2733 = arith.minimumf %min3A_2732, %add3A_424 : vector<4x8x2560xf32>
      %sub3A_2734 = arith.subf %min3A_2729, %max3A_2721 : vector<4x8x2560xf32>
      %max3A_2735 = arith.constant 0.000000e+00 : f32
      %max3A_2736 = vector.broadcast %max3A_2735 : f32 to vector<4x8x2560xf32>
      %max3A_2737 = arith.maximumf %sub3A_2734, %max3A_2736 : vector<4x8x2560xf32>
      %sub3A_2738 = arith.subf %min3A_2733, %max3A_2725 : vector<4x8x2560xf32>
      %max3A_2739 = arith.constant 0.000000e+00 : f32
      %max3A_2740 = vector.broadcast %max3A_2739 : f32 to vector<4x8x2560xf32>
      %max3A_2741 = arith.maximumf %sub3A_2738, %max3A_2740 : vector<4x8x2560xf32>
      %mul3A_2742 = arith.mulf %max3A_2737, %max3A_2741 : vector<4x8x2560xf32>
      %sub3A_2743 = arith.subf %reduce_sum3A_2705, %reduce_sum3A_2695 : vector<4xf32>
      %sub3A_2744 = arith.subf %reduce_sum3A_2710, %reduce_sum3A_2700 : vector<4xf32>
      %mul3A_2745 = arith.mulf %sub3A_2743, %sub3A_2744 : vector<4xf32>
      %broadcast_in_dim3A_2746 = vector.shape_cast %mul3A_2745 : vector<4xf32> to vector<4x1x1xf32>
      %add3A_2747 = vector.broadcast %broadcast_in_dim3A_2746 : vector<4x1x1xf32> to vector<4x8x2560xf32>
      %add3A_2748 = arith.addf %add3A_2747, %mul3A_427 : vector<4x8x2560xf32>
      %sub3A_2749 = arith.subf %add3A_2748, %mul3A_2742 : vector<4x8x2560xf32>
      %add3A_2750 = arith.constant 9.99999971E-10 : f32
      %add3A_2751 = vector.broadcast %add3A_2750 : f32 to vector<4x8x2560xf32>
      %add3A_2752 = arith.addf %sub3A_2749, %add3A_2751 : vector<4x8x2560xf32>
      %div3A_2753 = arith.divf %mul3A_2742, %add3A_2752 : vector<4x8x2560xf32>
      %gt3A_2754 = arith.constant 7.500000e-01 : f32
      %gt3A_2755 = vector.broadcast %gt3A_2754 : f32 to vector<4x8x2560xf32>
      %gt3A_2756 = arith.cmpf ogt, %div3A_2753, %gt3A_2755 : vector<4x8x2560xf32>
      %or3A_2757 = arith.ori %gt3A_2756, %eq3A_2690 : vector<4x8x2560xi1>
      %broadcast_in_dim3A_2758 = vector.shape_cast %gt3A_2678 : vector<4xi1> to vector<4x1x1xi1>
      %and3A_2759 = vector.broadcast %broadcast_in_dim3A_2758 : vector<4x1x1xi1> to vector<4x8x2560xi1>
      %and3A_2760 = arith.andi %or3A_2757, %and3A_2759 : vector<4x8x2560xi1>
      %jit3A_2761 = arith.constant 0xFF800000 : f32
      %broadcast_in_dim3A_2762 = vector.broadcast %jit3A_2761 : f32 to vector<4x8x2560xf32>
      %select_n3A_2763 = arith.select %and3A_2760, %broadcast_in_dim3A_2762, %select_n3A_2646 : vector<4x8x2560xi1>, vector<4x8x2560xf32>
      %eq3A_2764 = arith.constant 19 : i32
      %eq3A_2765 = vector.broadcast %eq3A_2764 : i32 to vector<4x64xi32>
      %eq3A_2766 = arith.cmpi eq, %iota3A_440, %eq3A_2765 : vector<4x64xi32>
      %broadcast_in_dim3A_2767 = vector.shape_cast %select_n3A_2687 : vector<4xi32> to vector<4x1xi32>
      %broadcast_in_dim3A_2768 = vector.shape_cast %broadcast_in_dim3A_2767 : vector<4x1xi32> to vector<4x1xi32>
      %broadcast_in_dim3A_2769 = vector.broadcast %broadcast_in_dim3A_2768 : vector<4x1xi32> to vector<4x64xi32>
      %select_n3A_2770 = arith.select %eq3A_2766, %broadcast_in_dim3A_2769, %select_n3A_2653 : vector<4x64xi1>, vector<4x64xi32>
      %broadcast_in_dim3A_2771 = vector.shape_cast %select_n3A_2716 : vector<4xf32> to vector<4x1xf32>
      %broadcast_in_dim3A_2772 = vector.shape_cast %broadcast_in_dim3A_2771 : vector<4x1xf32> to vector<4x1xf32>
      %broadcast_in_dim3A_2773 = vector.broadcast %broadcast_in_dim3A_2772 : vector<4x1xf32> to vector<4x64xf32>
      %select_n3A_2774 = arith.select %eq3A_2766, %broadcast_in_dim3A_2773, %select_n3A_2657 : vector<4x64xi1>, vector<4x64xf32>
      %broadcast_in_dim3A_2775 = vector.shape_cast %reduce_sum3A_2695 : vector<4xf32> to vector<4x1xf32>
      %broadcast_in_dim3A_2776 = vector.shape_cast %broadcast_in_dim3A_2775 : vector<4x1xf32> to vector<4x1xf32>
      %broadcast_in_dim3A_2777 = vector.broadcast %broadcast_in_dim3A_2776 : vector<4x1xf32> to vector<4x64xf32>
      %select_n3A_2778 = arith.select %eq3A_2766, %broadcast_in_dim3A_2777, %select_n3A_2661 : vector<4x64xi1>, vector<4x64xf32>
      %broadcast_in_dim3A_2779 = vector.shape_cast %reduce_sum3A_2700 : vector<4xf32> to vector<4x1xf32>
      %broadcast_in_dim3A_2780 = vector.shape_cast %broadcast_in_dim3A_2779 : vector<4x1xf32> to vector<4x1xf32>
      %broadcast_in_dim3A_2781 = vector.broadcast %broadcast_in_dim3A_2780 : vector<4x1xf32> to vector<4x64xf32>
      %select_n3A_2782 = arith.select %eq3A_2766, %broadcast_in_dim3A_2781, %select_n3A_2665 : vector<4x64xi1>, vector<4x64xf32>
      %broadcast_in_dim3A_2783 = vector.shape_cast %reduce_sum3A_2705 : vector<4xf32> to vector<4x1xf32>
      %broadcast_in_dim3A_2784 = vector.shape_cast %broadcast_in_dim3A_2783 : vector<4x1xf32> to vector<4x1xf32>
      %broadcast_in_dim3A_2785 = vector.broadcast %broadcast_in_dim3A_2784 : vector<4x1xf32> to vector<4x64xf32>
      %select_n3A_2786 = arith.select %eq3A_2766, %broadcast_in_dim3A_2785, %select_n3A_2669 : vector<4x64xi1>, vector<4x64xf32>
      %broadcast_in_dim3A_2787 = vector.shape_cast %reduce_sum3A_2710 : vector<4xf32> to vector<4x1xf32>
      %broadcast_in_dim3A_2788 = vector.shape_cast %broadcast_in_dim3A_2787 : vector<4x1xf32> to vector<4x1xf32>
      %broadcast_in_dim3A_2789 = vector.broadcast %broadcast_in_dim3A_2788 : vector<4x1xf32> to vector<4x64xf32>
      %select_n3A_2790 = arith.select %eq3A_2766, %broadcast_in_dim3A_2789, %select_n3A_2673 : vector<4x64xi1>, vector<4x64xf32>
      %reduce_max3A_2791 = arith.constant dense<0xFF800000> : vector<4xf32>
      %reduce_max3A_2792 = vector.multi_reduction <maximumf>, %select_n3A_2763, %reduce_max3A_2791 [1, 2] : vector<4x8x2560xf32> to vector<4xf32>
      %gt3A_2793 = arith.constant 0xFF800000 : f32
      %gt3A_2794 = vector.broadcast %gt3A_2793 : f32 to vector<4xf32>
      %gt3A_2795 = arith.cmpf ogt, %reduce_max3A_2792, %gt3A_2794 : vector<4xf32>
      %broadcast_in_dim3A_2796 = vector.shape_cast %reduce_max3A_2792 : vector<4xf32> to vector<4x1x1xf32>
      %eq3A_2797 = vector.broadcast %broadcast_in_dim3A_2796 : vector<4x1x1xf32> to vector<4x8x2560xf32>
      %eq3A_2798 = arith.cmpf oeq, %select_n3A_2763, %eq3A_2797 : vector<4x8x2560xf32>
      %jit3A_2799 = arith.constant 1073741824 : i32
      %broadcast_in_dim3A_2800 = vector.broadcast %jit3A_2799 : i32 to vector<4x8x2560xi32>
      %select_n3A_2801 = arith.select %eq3A_2798, %add3A, %broadcast_in_dim3A_2800 : vector<4x8x2560xi1>, vector<4x8x2560xi32>
      %reduce_min3A_2802 = arith.constant dense<2147483647> : vector<4xi32>
      %reduce_min3A_2803 = vector.multi_reduction <minsi>, %select_n3A_2801, %reduce_min3A_2802 [1, 2] : vector<4x8x2560xi32> to vector<4xi32>
      %select_n3A_2804 = arith.select %gt3A_2795, %reduce_min3A_2803, %reduce_min3A_439 : vector<4xi1>, vector<4xi32>
      %broadcast_in_dim3A_2805 = vector.shape_cast %select_n3A_2804 : vector<4xi32> to vector<4x1x1xi32>
      %eq3A_2806 = vector.broadcast %broadcast_in_dim3A_2805 : vector<4x1x1xi32> to vector<4x8x2560xi32>
      %eq3A_2807 = arith.cmpi eq, %add3A, %eq3A_2806 : vector<4x8x2560xi32>
      %jit3A_2808 = arith.constant 0.000000e+00 : f32
      %broadcast_in_dim3A_2809 = vector.broadcast %jit3A_2808 : f32 to vector<4x8x2560xf32>
      %select_n3A_2810 = arith.select %eq3A_2807, %get3A_16, %broadcast_in_dim3A_2809 : vector<4x8x2560xi1>, vector<4x8x2560xf32>
      %reduce_sum3A_2811 = arith.constant dense<0.000000e+00> : vector<4xf32>
      %reduce_sum3A_2812 = vector.multi_reduction <add>, %select_n3A_2810, %reduce_sum3A_2811 [1, 2] : vector<4x8x2560xf32> to vector<4xf32>
      %jit3A_2813 = arith.constant 0.000000e+00 : f32
      %broadcast_in_dim3A_2814 = vector.broadcast %jit3A_2813 : f32 to vector<4x8x2560xf32>
      %select_n3A_2815 = arith.select %eq3A_2807, %get3A_22, %broadcast_in_dim3A_2814 : vector<4x8x2560xi1>, vector<4x8x2560xf32>
      %reduce_sum3A_2816 = arith.constant dense<0.000000e+00> : vector<4xf32>
      %reduce_sum3A_2817 = vector.multi_reduction <add>, %select_n3A_2815, %reduce_sum3A_2816 [1, 2] : vector<4x8x2560xf32> to vector<4xf32>
      %jit3A_2818 = arith.constant 0.000000e+00 : f32
      %broadcast_in_dim3A_2819 = vector.broadcast %jit3A_2818 : f32 to vector<4x8x2560xf32>
      %select_n3A_2820 = arith.select %eq3A_2807, %get3A_28, %broadcast_in_dim3A_2819 : vector<4x8x2560xi1>, vector<4x8x2560xf32>
      %reduce_sum3A_2821 = arith.constant dense<0.000000e+00> : vector<4xf32>
      %reduce_sum3A_2822 = vector.multi_reduction <add>, %select_n3A_2820, %reduce_sum3A_2821 [1, 2] : vector<4x8x2560xf32> to vector<4xf32>
      %jit3A_2823 = arith.constant 0.000000e+00 : f32
      %broadcast_in_dim3A_2824 = vector.broadcast %jit3A_2823 : f32 to vector<4x8x2560xf32>
      %select_n3A_2825 = arith.select %eq3A_2807, %get3A_34, %broadcast_in_dim3A_2824 : vector<4x8x2560xi1>, vector<4x8x2560xf32>
      %reduce_sum3A_2826 = arith.constant dense<0.000000e+00> : vector<4xf32>
      %reduce_sum3A_2827 = vector.multi_reduction <add>, %select_n3A_2825, %reduce_sum3A_2826 [1, 2] : vector<4x8x2560xf32> to vector<4xf32>
      %jit3A_2828 = arith.constant 0.000000e+00 : f32
      %broadcast_in_dim3A_2829 = vector.broadcast %jit3A_2828 : f32 to vector<4x8x2560xf32>
      %select_n3A_2830 = arith.select %eq3A_2807, %select_n3A_355, %broadcast_in_dim3A_2829 : vector<4x8x2560xi1>, vector<4x8x2560xf32>
      %reduce_sum3A_2831 = arith.constant dense<0.000000e+00> : vector<4xf32>
      %reduce_sum3A_2832 = vector.multi_reduction <add>, %select_n3A_2830, %reduce_sum3A_2831 [1, 2] : vector<4x8x2560xf32> to vector<4xf32>
      %select_n3A_2833 = arith.select %gt3A_2795, %reduce_max3A_2792, %reduce_max3A_432 : vector<4xi1>, vector<4xf32>
      %mul3A_2834 = arith.mulf %reduce_sum3A_2832, %add3A_417 : vector<4xf32>
      %add3A_2835 = arith.addf %reduce_sum3A_2812, %mul3A_2834 : vector<4xf32>
      %broadcast_in_dim3A_2836 = vector.shape_cast %add3A_2835 : vector<4xf32> to vector<4x1x1xf32>
      %max3A_2837 = vector.broadcast %broadcast_in_dim3A_2836 : vector<4x1x1xf32> to vector<4x8x2560xf32>
      %max3A_2838 = arith.maximumf %max3A_2837, %add3A_421 : vector<4x8x2560xf32>
      %add3A_2839 = arith.addf %reduce_sum3A_2817, %mul3A_2834 : vector<4xf32>
      %broadcast_in_dim3A_2840 = vector.shape_cast %add3A_2839 : vector<4xf32> to vector<4x1x1xf32>
      %max3A_2841 = vector.broadcast %broadcast_in_dim3A_2840 : vector<4x1x1xf32> to vector<4x8x2560xf32>
      %max3A_2842 = arith.maximumf %max3A_2841, %add3A_422 : vector<4x8x2560xf32>
      %add3A_2843 = arith.addf %reduce_sum3A_2822, %mul3A_2834 : vector<4xf32>
      %broadcast_in_dim3A_2844 = vector.shape_cast %add3A_2843 : vector<4xf32> to vector<4x1x1xf32>
      %min3A_2845 = vector.broadcast %broadcast_in_dim3A_2844 : vector<4x1x1xf32> to vector<4x8x2560xf32>
      %min3A_2846 = arith.minimumf %min3A_2845, %add3A_423 : vector<4x8x2560xf32>
      %add3A_2847 = arith.addf %reduce_sum3A_2827, %mul3A_2834 : vector<4xf32>
      %broadcast_in_dim3A_2848 = vector.shape_cast %add3A_2847 : vector<4xf32> to vector<4x1x1xf32>
      %min3A_2849 = vector.broadcast %broadcast_in_dim3A_2848 : vector<4x1x1xf32> to vector<4x8x2560xf32>
      %min3A_2850 = arith.minimumf %min3A_2849, %add3A_424 : vector<4x8x2560xf32>
      %sub3A_2851 = arith.subf %min3A_2846, %max3A_2838 : vector<4x8x2560xf32>
      %max3A_2852 = arith.constant 0.000000e+00 : f32
      %max3A_2853 = vector.broadcast %max3A_2852 : f32 to vector<4x8x2560xf32>
      %max3A_2854 = arith.maximumf %sub3A_2851, %max3A_2853 : vector<4x8x2560xf32>
      %sub3A_2855 = arith.subf %min3A_2850, %max3A_2842 : vector<4x8x2560xf32>
      %max3A_2856 = arith.constant 0.000000e+00 : f32
      %max3A_2857 = vector.broadcast %max3A_2856 : f32 to vector<4x8x2560xf32>
      %max3A_2858 = arith.maximumf %sub3A_2855, %max3A_2857 : vector<4x8x2560xf32>
      %mul3A_2859 = arith.mulf %max3A_2854, %max3A_2858 : vector<4x8x2560xf32>
      %sub3A_2860 = arith.subf %reduce_sum3A_2822, %reduce_sum3A_2812 : vector<4xf32>
      %sub3A_2861 = arith.subf %reduce_sum3A_2827, %reduce_sum3A_2817 : vector<4xf32>
      %mul3A_2862 = arith.mulf %sub3A_2860, %sub3A_2861 : vector<4xf32>
      %broadcast_in_dim3A_2863 = vector.shape_cast %mul3A_2862 : vector<4xf32> to vector<4x1x1xf32>
      %add3A_2864 = vector.broadcast %broadcast_in_dim3A_2863 : vector<4x1x1xf32> to vector<4x8x2560xf32>
      %add3A_2865 = arith.addf %add3A_2864, %mul3A_427 : vector<4x8x2560xf32>
      %sub3A_2866 = arith.subf %add3A_2865, %mul3A_2859 : vector<4x8x2560xf32>
      %add3A_2867 = arith.constant 9.99999971E-10 : f32
      %add3A_2868 = vector.broadcast %add3A_2867 : f32 to vector<4x8x2560xf32>
      %add3A_2869 = arith.addf %sub3A_2866, %add3A_2868 : vector<4x8x2560xf32>
      %div3A_2870 = arith.divf %mul3A_2859, %add3A_2869 : vector<4x8x2560xf32>
      %gt3A_2871 = arith.constant 7.500000e-01 : f32
      %gt3A_2872 = vector.broadcast %gt3A_2871 : f32 to vector<4x8x2560xf32>
      %gt3A_2873 = arith.cmpf ogt, %div3A_2870, %gt3A_2872 : vector<4x8x2560xf32>
      %or3A_2874 = arith.ori %gt3A_2873, %eq3A_2807 : vector<4x8x2560xi1>
      %broadcast_in_dim3A_2875 = vector.shape_cast %gt3A_2795 : vector<4xi1> to vector<4x1x1xi1>
      %and3A_2876 = vector.broadcast %broadcast_in_dim3A_2875 : vector<4x1x1xi1> to vector<4x8x2560xi1>
      %and3A_2877 = arith.andi %or3A_2874, %and3A_2876 : vector<4x8x2560xi1>
      %jit3A_2878 = arith.constant 0xFF800000 : f32
      %broadcast_in_dim3A_2879 = vector.broadcast %jit3A_2878 : f32 to vector<4x8x2560xf32>
      %select_n3A_2880 = arith.select %and3A_2877, %broadcast_in_dim3A_2879, %select_n3A_2763 : vector<4x8x2560xi1>, vector<4x8x2560xf32>
      %eq3A_2881 = arith.constant 20 : i32
      %eq3A_2882 = vector.broadcast %eq3A_2881 : i32 to vector<4x64xi32>
      %eq3A_2883 = arith.cmpi eq, %iota3A_440, %eq3A_2882 : vector<4x64xi32>
      %broadcast_in_dim3A_2884 = vector.shape_cast %select_n3A_2804 : vector<4xi32> to vector<4x1xi32>
      %broadcast_in_dim3A_2885 = vector.shape_cast %broadcast_in_dim3A_2884 : vector<4x1xi32> to vector<4x1xi32>
      %broadcast_in_dim3A_2886 = vector.broadcast %broadcast_in_dim3A_2885 : vector<4x1xi32> to vector<4x64xi32>
      %select_n3A_2887 = arith.select %eq3A_2883, %broadcast_in_dim3A_2886, %select_n3A_2770 : vector<4x64xi1>, vector<4x64xi32>
      %broadcast_in_dim3A_2888 = vector.shape_cast %select_n3A_2833 : vector<4xf32> to vector<4x1xf32>
      %broadcast_in_dim3A_2889 = vector.shape_cast %broadcast_in_dim3A_2888 : vector<4x1xf32> to vector<4x1xf32>
      %broadcast_in_dim3A_2890 = vector.broadcast %broadcast_in_dim3A_2889 : vector<4x1xf32> to vector<4x64xf32>
      %select_n3A_2891 = arith.select %eq3A_2883, %broadcast_in_dim3A_2890, %select_n3A_2774 : vector<4x64xi1>, vector<4x64xf32>
      %broadcast_in_dim3A_2892 = vector.shape_cast %reduce_sum3A_2812 : vector<4xf32> to vector<4x1xf32>
      %broadcast_in_dim3A_2893 = vector.shape_cast %broadcast_in_dim3A_2892 : vector<4x1xf32> to vector<4x1xf32>
      %broadcast_in_dim3A_2894 = vector.broadcast %broadcast_in_dim3A_2893 : vector<4x1xf32> to vector<4x64xf32>
      %select_n3A_2895 = arith.select %eq3A_2883, %broadcast_in_dim3A_2894, %select_n3A_2778 : vector<4x64xi1>, vector<4x64xf32>
      %broadcast_in_dim3A_2896 = vector.shape_cast %reduce_sum3A_2817 : vector<4xf32> to vector<4x1xf32>
      %broadcast_in_dim3A_2897 = vector.shape_cast %broadcast_in_dim3A_2896 : vector<4x1xf32> to vector<4x1xf32>
      %broadcast_in_dim3A_2898 = vector.broadcast %broadcast_in_dim3A_2897 : vector<4x1xf32> to vector<4x64xf32>
      %select_n3A_2899 = arith.select %eq3A_2883, %broadcast_in_dim3A_2898, %select_n3A_2782 : vector<4x64xi1>, vector<4x64xf32>
      %broadcast_in_dim3A_2900 = vector.shape_cast %reduce_sum3A_2822 : vector<4xf32> to vector<4x1xf32>
      %broadcast_in_dim3A_2901 = vector.shape_cast %broadcast_in_dim3A_2900 : vector<4x1xf32> to vector<4x1xf32>
      %broadcast_in_dim3A_2902 = vector.broadcast %broadcast_in_dim3A_2901 : vector<4x1xf32> to vector<4x64xf32>
      %select_n3A_2903 = arith.select %eq3A_2883, %broadcast_in_dim3A_2902, %select_n3A_2786 : vector<4x64xi1>, vector<4x64xf32>
      %broadcast_in_dim3A_2904 = vector.shape_cast %reduce_sum3A_2827 : vector<4xf32> to vector<4x1xf32>
      %broadcast_in_dim3A_2905 = vector.shape_cast %broadcast_in_dim3A_2904 : vector<4x1xf32> to vector<4x1xf32>
      %broadcast_in_dim3A_2906 = vector.broadcast %broadcast_in_dim3A_2905 : vector<4x1xf32> to vector<4x64xf32>
      %select_n3A_2907 = arith.select %eq3A_2883, %broadcast_in_dim3A_2906, %select_n3A_2790 : vector<4x64xi1>, vector<4x64xf32>
      %reduce_max3A_2908 = arith.constant dense<0xFF800000> : vector<4xf32>
      %reduce_max3A_2909 = vector.multi_reduction <maximumf>, %select_n3A_2880, %reduce_max3A_2908 [1, 2] : vector<4x8x2560xf32> to vector<4xf32>
      %gt3A_2910 = arith.constant 0xFF800000 : f32
      %gt3A_2911 = vector.broadcast %gt3A_2910 : f32 to vector<4xf32>
      %gt3A_2912 = arith.cmpf ogt, %reduce_max3A_2909, %gt3A_2911 : vector<4xf32>
      %broadcast_in_dim3A_2913 = vector.shape_cast %reduce_max3A_2909 : vector<4xf32> to vector<4x1x1xf32>
      %eq3A_2914 = vector.broadcast %broadcast_in_dim3A_2913 : vector<4x1x1xf32> to vector<4x8x2560xf32>
      %eq3A_2915 = arith.cmpf oeq, %select_n3A_2880, %eq3A_2914 : vector<4x8x2560xf32>
      %jit3A_2916 = arith.constant 1073741824 : i32
      %broadcast_in_dim3A_2917 = vector.broadcast %jit3A_2916 : i32 to vector<4x8x2560xi32>
      %select_n3A_2918 = arith.select %eq3A_2915, %add3A, %broadcast_in_dim3A_2917 : vector<4x8x2560xi1>, vector<4x8x2560xi32>
      %reduce_min3A_2919 = arith.constant dense<2147483647> : vector<4xi32>
      %reduce_min3A_2920 = vector.multi_reduction <minsi>, %select_n3A_2918, %reduce_min3A_2919 [1, 2] : vector<4x8x2560xi32> to vector<4xi32>
      %select_n3A_2921 = arith.select %gt3A_2912, %reduce_min3A_2920, %reduce_min3A_439 : vector<4xi1>, vector<4xi32>
      %broadcast_in_dim3A_2922 = vector.shape_cast %select_n3A_2921 : vector<4xi32> to vector<4x1x1xi32>
      %eq3A_2923 = vector.broadcast %broadcast_in_dim3A_2922 : vector<4x1x1xi32> to vector<4x8x2560xi32>
      %eq3A_2924 = arith.cmpi eq, %add3A, %eq3A_2923 : vector<4x8x2560xi32>
      %jit3A_2925 = arith.constant 0.000000e+00 : f32
      %broadcast_in_dim3A_2926 = vector.broadcast %jit3A_2925 : f32 to vector<4x8x2560xf32>
      %select_n3A_2927 = arith.select %eq3A_2924, %get3A_16, %broadcast_in_dim3A_2926 : vector<4x8x2560xi1>, vector<4x8x2560xf32>
      %reduce_sum3A_2928 = arith.constant dense<0.000000e+00> : vector<4xf32>
      %reduce_sum3A_2929 = vector.multi_reduction <add>, %select_n3A_2927, %reduce_sum3A_2928 [1, 2] : vector<4x8x2560xf32> to vector<4xf32>
      %jit3A_2930 = arith.constant 0.000000e+00 : f32
      %broadcast_in_dim3A_2931 = vector.broadcast %jit3A_2930 : f32 to vector<4x8x2560xf32>
      %select_n3A_2932 = arith.select %eq3A_2924, %get3A_22, %broadcast_in_dim3A_2931 : vector<4x8x2560xi1>, vector<4x8x2560xf32>
      %reduce_sum3A_2933 = arith.constant dense<0.000000e+00> : vector<4xf32>
      %reduce_sum3A_2934 = vector.multi_reduction <add>, %select_n3A_2932, %reduce_sum3A_2933 [1, 2] : vector<4x8x2560xf32> to vector<4xf32>
      %jit3A_2935 = arith.constant 0.000000e+00 : f32
      %broadcast_in_dim3A_2936 = vector.broadcast %jit3A_2935 : f32 to vector<4x8x2560xf32>
      %select_n3A_2937 = arith.select %eq3A_2924, %get3A_28, %broadcast_in_dim3A_2936 : vector<4x8x2560xi1>, vector<4x8x2560xf32>
      %reduce_sum3A_2938 = arith.constant dense<0.000000e+00> : vector<4xf32>
      %reduce_sum3A_2939 = vector.multi_reduction <add>, %select_n3A_2937, %reduce_sum3A_2938 [1, 2] : vector<4x8x2560xf32> to vector<4xf32>
      %jit3A_2940 = arith.constant 0.000000e+00 : f32
      %broadcast_in_dim3A_2941 = vector.broadcast %jit3A_2940 : f32 to vector<4x8x2560xf32>
      %select_n3A_2942 = arith.select %eq3A_2924, %get3A_34, %broadcast_in_dim3A_2941 : vector<4x8x2560xi1>, vector<4x8x2560xf32>
      %reduce_sum3A_2943 = arith.constant dense<0.000000e+00> : vector<4xf32>
      %reduce_sum3A_2944 = vector.multi_reduction <add>, %select_n3A_2942, %reduce_sum3A_2943 [1, 2] : vector<4x8x2560xf32> to vector<4xf32>
      %jit3A_2945 = arith.constant 0.000000e+00 : f32
      %broadcast_in_dim3A_2946 = vector.broadcast %jit3A_2945 : f32 to vector<4x8x2560xf32>
      %select_n3A_2947 = arith.select %eq3A_2924, %select_n3A_355, %broadcast_in_dim3A_2946 : vector<4x8x2560xi1>, vector<4x8x2560xf32>
      %reduce_sum3A_2948 = arith.constant dense<0.000000e+00> : vector<4xf32>
      %reduce_sum3A_2949 = vector.multi_reduction <add>, %select_n3A_2947, %reduce_sum3A_2948 [1, 2] : vector<4x8x2560xf32> to vector<4xf32>
      %select_n3A_2950 = arith.select %gt3A_2912, %reduce_max3A_2909, %reduce_max3A_432 : vector<4xi1>, vector<4xf32>
      %mul3A_2951 = arith.mulf %reduce_sum3A_2949, %add3A_417 : vector<4xf32>
      %add3A_2952 = arith.addf %reduce_sum3A_2929, %mul3A_2951 : vector<4xf32>
      %broadcast_in_dim3A_2953 = vector.shape_cast %add3A_2952 : vector<4xf32> to vector<4x1x1xf32>
      %max3A_2954 = vector.broadcast %broadcast_in_dim3A_2953 : vector<4x1x1xf32> to vector<4x8x2560xf32>
      %max3A_2955 = arith.maximumf %max3A_2954, %add3A_421 : vector<4x8x2560xf32>
      %add3A_2956 = arith.addf %reduce_sum3A_2934, %mul3A_2951 : vector<4xf32>
      %broadcast_in_dim3A_2957 = vector.shape_cast %add3A_2956 : vector<4xf32> to vector<4x1x1xf32>
      %max3A_2958 = vector.broadcast %broadcast_in_dim3A_2957 : vector<4x1x1xf32> to vector<4x8x2560xf32>
      %max3A_2959 = arith.maximumf %max3A_2958, %add3A_422 : vector<4x8x2560xf32>
      %add3A_2960 = arith.addf %reduce_sum3A_2939, %mul3A_2951 : vector<4xf32>
      %broadcast_in_dim3A_2961 = vector.shape_cast %add3A_2960 : vector<4xf32> to vector<4x1x1xf32>
      %min3A_2962 = vector.broadcast %broadcast_in_dim3A_2961 : vector<4x1x1xf32> to vector<4x8x2560xf32>
      %min3A_2963 = arith.minimumf %min3A_2962, %add3A_423 : vector<4x8x2560xf32>
      %add3A_2964 = arith.addf %reduce_sum3A_2944, %mul3A_2951 : vector<4xf32>
      %broadcast_in_dim3A_2965 = vector.shape_cast %add3A_2964 : vector<4xf32> to vector<4x1x1xf32>
      %min3A_2966 = vector.broadcast %broadcast_in_dim3A_2965 : vector<4x1x1xf32> to vector<4x8x2560xf32>
      %min3A_2967 = arith.minimumf %min3A_2966, %add3A_424 : vector<4x8x2560xf32>
      %sub3A_2968 = arith.subf %min3A_2963, %max3A_2955 : vector<4x8x2560xf32>
      %max3A_2969 = arith.constant 0.000000e+00 : f32
      %max3A_2970 = vector.broadcast %max3A_2969 : f32 to vector<4x8x2560xf32>
      %max3A_2971 = arith.maximumf %sub3A_2968, %max3A_2970 : vector<4x8x2560xf32>
      %sub3A_2972 = arith.subf %min3A_2967, %max3A_2959 : vector<4x8x2560xf32>
      %max3A_2973 = arith.constant 0.000000e+00 : f32
      %max3A_2974 = vector.broadcast %max3A_2973 : f32 to vector<4x8x2560xf32>
      %max3A_2975 = arith.maximumf %sub3A_2972, %max3A_2974 : vector<4x8x2560xf32>
      %mul3A_2976 = arith.mulf %max3A_2971, %max3A_2975 : vector<4x8x2560xf32>
      %sub3A_2977 = arith.subf %reduce_sum3A_2939, %reduce_sum3A_2929 : vector<4xf32>
      %sub3A_2978 = arith.subf %reduce_sum3A_2944, %reduce_sum3A_2934 : vector<4xf32>
      %mul3A_2979 = arith.mulf %sub3A_2977, %sub3A_2978 : vector<4xf32>
      %broadcast_in_dim3A_2980 = vector.shape_cast %mul3A_2979 : vector<4xf32> to vector<4x1x1xf32>
      %add3A_2981 = vector.broadcast %broadcast_in_dim3A_2980 : vector<4x1x1xf32> to vector<4x8x2560xf32>
      %add3A_2982 = arith.addf %add3A_2981, %mul3A_427 : vector<4x8x2560xf32>
      %sub3A_2983 = arith.subf %add3A_2982, %mul3A_2976 : vector<4x8x2560xf32>
      %add3A_2984 = arith.constant 9.99999971E-10 : f32
      %add3A_2985 = vector.broadcast %add3A_2984 : f32 to vector<4x8x2560xf32>
      %add3A_2986 = arith.addf %sub3A_2983, %add3A_2985 : vector<4x8x2560xf32>
      %div3A_2987 = arith.divf %mul3A_2976, %add3A_2986 : vector<4x8x2560xf32>
      %gt3A_2988 = arith.constant 7.500000e-01 : f32
      %gt3A_2989 = vector.broadcast %gt3A_2988 : f32 to vector<4x8x2560xf32>
      %gt3A_2990 = arith.cmpf ogt, %div3A_2987, %gt3A_2989 : vector<4x8x2560xf32>
      %or3A_2991 = arith.ori %gt3A_2990, %eq3A_2924 : vector<4x8x2560xi1>
      %broadcast_in_dim3A_2992 = vector.shape_cast %gt3A_2912 : vector<4xi1> to vector<4x1x1xi1>
      %and3A_2993 = vector.broadcast %broadcast_in_dim3A_2992 : vector<4x1x1xi1> to vector<4x8x2560xi1>
      %and3A_2994 = arith.andi %or3A_2991, %and3A_2993 : vector<4x8x2560xi1>
      %jit3A_2995 = arith.constant 0xFF800000 : f32
      %broadcast_in_dim3A_2996 = vector.broadcast %jit3A_2995 : f32 to vector<4x8x2560xf32>
      %select_n3A_2997 = arith.select %and3A_2994, %broadcast_in_dim3A_2996, %select_n3A_2880 : vector<4x8x2560xi1>, vector<4x8x2560xf32>
      %eq3A_2998 = arith.constant 21 : i32
      %eq3A_2999 = vector.broadcast %eq3A_2998 : i32 to vector<4x64xi32>
      %eq3A_3000 = arith.cmpi eq, %iota3A_440, %eq3A_2999 : vector<4x64xi32>
      %broadcast_in_dim3A_3001 = vector.shape_cast %select_n3A_2921 : vector<4xi32> to vector<4x1xi32>
      %broadcast_in_dim3A_3002 = vector.shape_cast %broadcast_in_dim3A_3001 : vector<4x1xi32> to vector<4x1xi32>
      %broadcast_in_dim3A_3003 = vector.broadcast %broadcast_in_dim3A_3002 : vector<4x1xi32> to vector<4x64xi32>
      %select_n3A_3004 = arith.select %eq3A_3000, %broadcast_in_dim3A_3003, %select_n3A_2887 : vector<4x64xi1>, vector<4x64xi32>
      %broadcast_in_dim3A_3005 = vector.shape_cast %select_n3A_2950 : vector<4xf32> to vector<4x1xf32>
      %broadcast_in_dim3A_3006 = vector.shape_cast %broadcast_in_dim3A_3005 : vector<4x1xf32> to vector<4x1xf32>
      %broadcast_in_dim3A_3007 = vector.broadcast %broadcast_in_dim3A_3006 : vector<4x1xf32> to vector<4x64xf32>
      %select_n3A_3008 = arith.select %eq3A_3000, %broadcast_in_dim3A_3007, %select_n3A_2891 : vector<4x64xi1>, vector<4x64xf32>
      %broadcast_in_dim3A_3009 = vector.shape_cast %reduce_sum3A_2929 : vector<4xf32> to vector<4x1xf32>
      %broadcast_in_dim3A_3010 = vector.shape_cast %broadcast_in_dim3A_3009 : vector<4x1xf32> to vector<4x1xf32>
      %broadcast_in_dim3A_3011 = vector.broadcast %broadcast_in_dim3A_3010 : vector<4x1xf32> to vector<4x64xf32>
      %select_n3A_3012 = arith.select %eq3A_3000, %broadcast_in_dim3A_3011, %select_n3A_2895 : vector<4x64xi1>, vector<4x64xf32>
      %broadcast_in_dim3A_3013 = vector.shape_cast %reduce_sum3A_2934 : vector<4xf32> to vector<4x1xf32>
      %broadcast_in_dim3A_3014 = vector.shape_cast %broadcast_in_dim3A_3013 : vector<4x1xf32> to vector<4x1xf32>
      %broadcast_in_dim3A_3015 = vector.broadcast %broadcast_in_dim3A_3014 : vector<4x1xf32> to vector<4x64xf32>
      %select_n3A_3016 = arith.select %eq3A_3000, %broadcast_in_dim3A_3015, %select_n3A_2899 : vector<4x64xi1>, vector<4x64xf32>
      %broadcast_in_dim3A_3017 = vector.shape_cast %reduce_sum3A_2939 : vector<4xf32> to vector<4x1xf32>
      %broadcast_in_dim3A_3018 = vector.shape_cast %broadcast_in_dim3A_3017 : vector<4x1xf32> to vector<4x1xf32>
      %broadcast_in_dim3A_3019 = vector.broadcast %broadcast_in_dim3A_3018 : vector<4x1xf32> to vector<4x64xf32>
      %select_n3A_3020 = arith.select %eq3A_3000, %broadcast_in_dim3A_3019, %select_n3A_2903 : vector<4x64xi1>, vector<4x64xf32>
      %broadcast_in_dim3A_3021 = vector.shape_cast %reduce_sum3A_2944 : vector<4xf32> to vector<4x1xf32>
      %broadcast_in_dim3A_3022 = vector.shape_cast %broadcast_in_dim3A_3021 : vector<4x1xf32> to vector<4x1xf32>
      %broadcast_in_dim3A_3023 = vector.broadcast %broadcast_in_dim3A_3022 : vector<4x1xf32> to vector<4x64xf32>
      %select_n3A_3024 = arith.select %eq3A_3000, %broadcast_in_dim3A_3023, %select_n3A_2907 : vector<4x64xi1>, vector<4x64xf32>
      %reduce_max3A_3025 = arith.constant dense<0xFF800000> : vector<4xf32>
      %reduce_max3A_3026 = vector.multi_reduction <maximumf>, %select_n3A_2997, %reduce_max3A_3025 [1, 2] : vector<4x8x2560xf32> to vector<4xf32>
      %gt3A_3027 = arith.constant 0xFF800000 : f32
      %gt3A_3028 = vector.broadcast %gt3A_3027 : f32 to vector<4xf32>
      %gt3A_3029 = arith.cmpf ogt, %reduce_max3A_3026, %gt3A_3028 : vector<4xf32>
      %broadcast_in_dim3A_3030 = vector.shape_cast %reduce_max3A_3026 : vector<4xf32> to vector<4x1x1xf32>
      %eq3A_3031 = vector.broadcast %broadcast_in_dim3A_3030 : vector<4x1x1xf32> to vector<4x8x2560xf32>
      %eq3A_3032 = arith.cmpf oeq, %select_n3A_2997, %eq3A_3031 : vector<4x8x2560xf32>
      %jit3A_3033 = arith.constant 1073741824 : i32
      %broadcast_in_dim3A_3034 = vector.broadcast %jit3A_3033 : i32 to vector<4x8x2560xi32>
      %select_n3A_3035 = arith.select %eq3A_3032, %add3A, %broadcast_in_dim3A_3034 : vector<4x8x2560xi1>, vector<4x8x2560xi32>
      %reduce_min3A_3036 = arith.constant dense<2147483647> : vector<4xi32>
      %reduce_min3A_3037 = vector.multi_reduction <minsi>, %select_n3A_3035, %reduce_min3A_3036 [1, 2] : vector<4x8x2560xi32> to vector<4xi32>
      %select_n3A_3038 = arith.select %gt3A_3029, %reduce_min3A_3037, %reduce_min3A_439 : vector<4xi1>, vector<4xi32>
      %broadcast_in_dim3A_3039 = vector.shape_cast %select_n3A_3038 : vector<4xi32> to vector<4x1x1xi32>
      %eq3A_3040 = vector.broadcast %broadcast_in_dim3A_3039 : vector<4x1x1xi32> to vector<4x8x2560xi32>
      %eq3A_3041 = arith.cmpi eq, %add3A, %eq3A_3040 : vector<4x8x2560xi32>
      %jit3A_3042 = arith.constant 0.000000e+00 : f32
      %broadcast_in_dim3A_3043 = vector.broadcast %jit3A_3042 : f32 to vector<4x8x2560xf32>
      %select_n3A_3044 = arith.select %eq3A_3041, %get3A_16, %broadcast_in_dim3A_3043 : vector<4x8x2560xi1>, vector<4x8x2560xf32>
      %reduce_sum3A_3045 = arith.constant dense<0.000000e+00> : vector<4xf32>
      %reduce_sum3A_3046 = vector.multi_reduction <add>, %select_n3A_3044, %reduce_sum3A_3045 [1, 2] : vector<4x8x2560xf32> to vector<4xf32>
      %jit3A_3047 = arith.constant 0.000000e+00 : f32
      %broadcast_in_dim3A_3048 = vector.broadcast %jit3A_3047 : f32 to vector<4x8x2560xf32>
      %select_n3A_3049 = arith.select %eq3A_3041, %get3A_22, %broadcast_in_dim3A_3048 : vector<4x8x2560xi1>, vector<4x8x2560xf32>
      %reduce_sum3A_3050 = arith.constant dense<0.000000e+00> : vector<4xf32>
      %reduce_sum3A_3051 = vector.multi_reduction <add>, %select_n3A_3049, %reduce_sum3A_3050 [1, 2] : vector<4x8x2560xf32> to vector<4xf32>
      %jit3A_3052 = arith.constant 0.000000e+00 : f32
      %broadcast_in_dim3A_3053 = vector.broadcast %jit3A_3052 : f32 to vector<4x8x2560xf32>
      %select_n3A_3054 = arith.select %eq3A_3041, %get3A_28, %broadcast_in_dim3A_3053 : vector<4x8x2560xi1>, vector<4x8x2560xf32>
      %reduce_sum3A_3055 = arith.constant dense<0.000000e+00> : vector<4xf32>
      %reduce_sum3A_3056 = vector.multi_reduction <add>, %select_n3A_3054, %reduce_sum3A_3055 [1, 2] : vector<4x8x2560xf32> to vector<4xf32>
      %jit3A_3057 = arith.constant 0.000000e+00 : f32
      %broadcast_in_dim3A_3058 = vector.broadcast %jit3A_3057 : f32 to vector<4x8x2560xf32>
      %select_n3A_3059 = arith.select %eq3A_3041, %get3A_34, %broadcast_in_dim3A_3058 : vector<4x8x2560xi1>, vector<4x8x2560xf32>
      %reduce_sum3A_3060 = arith.constant dense<0.000000e+00> : vector<4xf32>
      %reduce_sum3A_3061 = vector.multi_reduction <add>, %select_n3A_3059, %reduce_sum3A_3060 [1, 2] : vector<4x8x2560xf32> to vector<4xf32>
      %jit3A_3062 = arith.constant 0.000000e+00 : f32
      %broadcast_in_dim3A_3063 = vector.broadcast %jit3A_3062 : f32 to vector<4x8x2560xf32>
      %select_n3A_3064 = arith.select %eq3A_3041, %select_n3A_355, %broadcast_in_dim3A_3063 : vector<4x8x2560xi1>, vector<4x8x2560xf32>
      %reduce_sum3A_3065 = arith.constant dense<0.000000e+00> : vector<4xf32>
      %reduce_sum3A_3066 = vector.multi_reduction <add>, %select_n3A_3064, %reduce_sum3A_3065 [1, 2] : vector<4x8x2560xf32> to vector<4xf32>
      %select_n3A_3067 = arith.select %gt3A_3029, %reduce_max3A_3026, %reduce_max3A_432 : vector<4xi1>, vector<4xf32>
      %mul3A_3068 = arith.mulf %reduce_sum3A_3066, %add3A_417 : vector<4xf32>
      %add3A_3069 = arith.addf %reduce_sum3A_3046, %mul3A_3068 : vector<4xf32>
      %broadcast_in_dim3A_3070 = vector.shape_cast %add3A_3069 : vector<4xf32> to vector<4x1x1xf32>
      %max3A_3071 = vector.broadcast %broadcast_in_dim3A_3070 : vector<4x1x1xf32> to vector<4x8x2560xf32>
      %max3A_3072 = arith.maximumf %max3A_3071, %add3A_421 : vector<4x8x2560xf32>
      %add3A_3073 = arith.addf %reduce_sum3A_3051, %mul3A_3068 : vector<4xf32>
      %broadcast_in_dim3A_3074 = vector.shape_cast %add3A_3073 : vector<4xf32> to vector<4x1x1xf32>
      %max3A_3075 = vector.broadcast %broadcast_in_dim3A_3074 : vector<4x1x1xf32> to vector<4x8x2560xf32>
      %max3A_3076 = arith.maximumf %max3A_3075, %add3A_422 : vector<4x8x2560xf32>
      %add3A_3077 = arith.addf %reduce_sum3A_3056, %mul3A_3068 : vector<4xf32>
      %broadcast_in_dim3A_3078 = vector.shape_cast %add3A_3077 : vector<4xf32> to vector<4x1x1xf32>
      %min3A_3079 = vector.broadcast %broadcast_in_dim3A_3078 : vector<4x1x1xf32> to vector<4x8x2560xf32>
      %min3A_3080 = arith.minimumf %min3A_3079, %add3A_423 : vector<4x8x2560xf32>
      %add3A_3081 = arith.addf %reduce_sum3A_3061, %mul3A_3068 : vector<4xf32>
      %broadcast_in_dim3A_3082 = vector.shape_cast %add3A_3081 : vector<4xf32> to vector<4x1x1xf32>
      %min3A_3083 = vector.broadcast %broadcast_in_dim3A_3082 : vector<4x1x1xf32> to vector<4x8x2560xf32>
      %min3A_3084 = arith.minimumf %min3A_3083, %add3A_424 : vector<4x8x2560xf32>
      %sub3A_3085 = arith.subf %min3A_3080, %max3A_3072 : vector<4x8x2560xf32>
      %max3A_3086 = arith.constant 0.000000e+00 : f32
      %max3A_3087 = vector.broadcast %max3A_3086 : f32 to vector<4x8x2560xf32>
      %max3A_3088 = arith.maximumf %sub3A_3085, %max3A_3087 : vector<4x8x2560xf32>
      %sub3A_3089 = arith.subf %min3A_3084, %max3A_3076 : vector<4x8x2560xf32>
      %max3A_3090 = arith.constant 0.000000e+00 : f32
      %max3A_3091 = vector.broadcast %max3A_3090 : f32 to vector<4x8x2560xf32>
      %max3A_3092 = arith.maximumf %sub3A_3089, %max3A_3091 : vector<4x8x2560xf32>
      %mul3A_3093 = arith.mulf %max3A_3088, %max3A_3092 : vector<4x8x2560xf32>
      %sub3A_3094 = arith.subf %reduce_sum3A_3056, %reduce_sum3A_3046 : vector<4xf32>
      %sub3A_3095 = arith.subf %reduce_sum3A_3061, %reduce_sum3A_3051 : vector<4xf32>
      %mul3A_3096 = arith.mulf %sub3A_3094, %sub3A_3095 : vector<4xf32>
      %broadcast_in_dim3A_3097 = vector.shape_cast %mul3A_3096 : vector<4xf32> to vector<4x1x1xf32>
      %add3A_3098 = vector.broadcast %broadcast_in_dim3A_3097 : vector<4x1x1xf32> to vector<4x8x2560xf32>
      %add3A_3099 = arith.addf %add3A_3098, %mul3A_427 : vector<4x8x2560xf32>
      %sub3A_3100 = arith.subf %add3A_3099, %mul3A_3093 : vector<4x8x2560xf32>
      %add3A_3101 = arith.constant 9.99999971E-10 : f32
      %add3A_3102 = vector.broadcast %add3A_3101 : f32 to vector<4x8x2560xf32>
      %add3A_3103 = arith.addf %sub3A_3100, %add3A_3102 : vector<4x8x2560xf32>
      %div3A_3104 = arith.divf %mul3A_3093, %add3A_3103 : vector<4x8x2560xf32>
      %gt3A_3105 = arith.constant 7.500000e-01 : f32
      %gt3A_3106 = vector.broadcast %gt3A_3105 : f32 to vector<4x8x2560xf32>
      %gt3A_3107 = arith.cmpf ogt, %div3A_3104, %gt3A_3106 : vector<4x8x2560xf32>
      %or3A_3108 = arith.ori %gt3A_3107, %eq3A_3041 : vector<4x8x2560xi1>
      %broadcast_in_dim3A_3109 = vector.shape_cast %gt3A_3029 : vector<4xi1> to vector<4x1x1xi1>
      %and3A_3110 = vector.broadcast %broadcast_in_dim3A_3109 : vector<4x1x1xi1> to vector<4x8x2560xi1>
      %and3A_3111 = arith.andi %or3A_3108, %and3A_3110 : vector<4x8x2560xi1>
      %jit3A_3112 = arith.constant 0xFF800000 : f32
      %broadcast_in_dim3A_3113 = vector.broadcast %jit3A_3112 : f32 to vector<4x8x2560xf32>
      %select_n3A_3114 = arith.select %and3A_3111, %broadcast_in_dim3A_3113, %select_n3A_2997 : vector<4x8x2560xi1>, vector<4x8x2560xf32>
      %eq3A_3115 = arith.constant 22 : i32
      %eq3A_3116 = vector.broadcast %eq3A_3115 : i32 to vector<4x64xi32>
      %eq3A_3117 = arith.cmpi eq, %iota3A_440, %eq3A_3116 : vector<4x64xi32>
      %broadcast_in_dim3A_3118 = vector.shape_cast %select_n3A_3038 : vector<4xi32> to vector<4x1xi32>
      %broadcast_in_dim3A_3119 = vector.shape_cast %broadcast_in_dim3A_3118 : vector<4x1xi32> to vector<4x1xi32>
      %broadcast_in_dim3A_3120 = vector.broadcast %broadcast_in_dim3A_3119 : vector<4x1xi32> to vector<4x64xi32>
      %select_n3A_3121 = arith.select %eq3A_3117, %broadcast_in_dim3A_3120, %select_n3A_3004 : vector<4x64xi1>, vector<4x64xi32>
      %broadcast_in_dim3A_3122 = vector.shape_cast %select_n3A_3067 : vector<4xf32> to vector<4x1xf32>
      %broadcast_in_dim3A_3123 = vector.shape_cast %broadcast_in_dim3A_3122 : vector<4x1xf32> to vector<4x1xf32>
      %broadcast_in_dim3A_3124 = vector.broadcast %broadcast_in_dim3A_3123 : vector<4x1xf32> to vector<4x64xf32>
      %select_n3A_3125 = arith.select %eq3A_3117, %broadcast_in_dim3A_3124, %select_n3A_3008 : vector<4x64xi1>, vector<4x64xf32>
      %broadcast_in_dim3A_3126 = vector.shape_cast %reduce_sum3A_3046 : vector<4xf32> to vector<4x1xf32>
      %broadcast_in_dim3A_3127 = vector.shape_cast %broadcast_in_dim3A_3126 : vector<4x1xf32> to vector<4x1xf32>
      %broadcast_in_dim3A_3128 = vector.broadcast %broadcast_in_dim3A_3127 : vector<4x1xf32> to vector<4x64xf32>
      %select_n3A_3129 = arith.select %eq3A_3117, %broadcast_in_dim3A_3128, %select_n3A_3012 : vector<4x64xi1>, vector<4x64xf32>
      %broadcast_in_dim3A_3130 = vector.shape_cast %reduce_sum3A_3051 : vector<4xf32> to vector<4x1xf32>
      %broadcast_in_dim3A_3131 = vector.shape_cast %broadcast_in_dim3A_3130 : vector<4x1xf32> to vector<4x1xf32>
      %broadcast_in_dim3A_3132 = vector.broadcast %broadcast_in_dim3A_3131 : vector<4x1xf32> to vector<4x64xf32>
      %select_n3A_3133 = arith.select %eq3A_3117, %broadcast_in_dim3A_3132, %select_n3A_3016 : vector<4x64xi1>, vector<4x64xf32>
      %broadcast_in_dim3A_3134 = vector.shape_cast %reduce_sum3A_3056 : vector<4xf32> to vector<4x1xf32>
      %broadcast_in_dim3A_3135 = vector.shape_cast %broadcast_in_dim3A_3134 : vector<4x1xf32> to vector<4x1xf32>
      %broadcast_in_dim3A_3136 = vector.broadcast %broadcast_in_dim3A_3135 : vector<4x1xf32> to vector<4x64xf32>
      %select_n3A_3137 = arith.select %eq3A_3117, %broadcast_in_dim3A_3136, %select_n3A_3020 : vector<4x64xi1>, vector<4x64xf32>
      %broadcast_in_dim3A_3138 = vector.shape_cast %reduce_sum3A_3061 : vector<4xf32> to vector<4x1xf32>
      %broadcast_in_dim3A_3139 = vector.shape_cast %broadcast_in_dim3A_3138 : vector<4x1xf32> to vector<4x1xf32>
      %broadcast_in_dim3A_3140 = vector.broadcast %broadcast_in_dim3A_3139 : vector<4x1xf32> to vector<4x64xf32>
      %select_n3A_3141 = arith.select %eq3A_3117, %broadcast_in_dim3A_3140, %select_n3A_3024 : vector<4x64xi1>, vector<4x64xf32>
      %reduce_max3A_3142 = arith.constant dense<0xFF800000> : vector<4xf32>
      %reduce_max3A_3143 = vector.multi_reduction <maximumf>, %select_n3A_3114, %reduce_max3A_3142 [1, 2] : vector<4x8x2560xf32> to vector<4xf32>
      %gt3A_3144 = arith.constant 0xFF800000 : f32
      %gt3A_3145 = vector.broadcast %gt3A_3144 : f32 to vector<4xf32>
      %gt3A_3146 = arith.cmpf ogt, %reduce_max3A_3143, %gt3A_3145 : vector<4xf32>
      %broadcast_in_dim3A_3147 = vector.shape_cast %reduce_max3A_3143 : vector<4xf32> to vector<4x1x1xf32>
      %eq3A_3148 = vector.broadcast %broadcast_in_dim3A_3147 : vector<4x1x1xf32> to vector<4x8x2560xf32>
      %eq3A_3149 = arith.cmpf oeq, %select_n3A_3114, %eq3A_3148 : vector<4x8x2560xf32>
      %jit3A_3150 = arith.constant 1073741824 : i32
      %broadcast_in_dim3A_3151 = vector.broadcast %jit3A_3150 : i32 to vector<4x8x2560xi32>
      %select_n3A_3152 = arith.select %eq3A_3149, %add3A, %broadcast_in_dim3A_3151 : vector<4x8x2560xi1>, vector<4x8x2560xi32>
      %reduce_min3A_3153 = arith.constant dense<2147483647> : vector<4xi32>
      %reduce_min3A_3154 = vector.multi_reduction <minsi>, %select_n3A_3152, %reduce_min3A_3153 [1, 2] : vector<4x8x2560xi32> to vector<4xi32>
      %select_n3A_3155 = arith.select %gt3A_3146, %reduce_min3A_3154, %reduce_min3A_439 : vector<4xi1>, vector<4xi32>
      %broadcast_in_dim3A_3156 = vector.shape_cast %select_n3A_3155 : vector<4xi32> to vector<4x1x1xi32>
      %eq3A_3157 = vector.broadcast %broadcast_in_dim3A_3156 : vector<4x1x1xi32> to vector<4x8x2560xi32>
      %eq3A_3158 = arith.cmpi eq, %add3A, %eq3A_3157 : vector<4x8x2560xi32>
      %jit3A_3159 = arith.constant 0.000000e+00 : f32
      %broadcast_in_dim3A_3160 = vector.broadcast %jit3A_3159 : f32 to vector<4x8x2560xf32>
      %select_n3A_3161 = arith.select %eq3A_3158, %get3A_16, %broadcast_in_dim3A_3160 : vector<4x8x2560xi1>, vector<4x8x2560xf32>
      %reduce_sum3A_3162 = arith.constant dense<0.000000e+00> : vector<4xf32>
      %reduce_sum3A_3163 = vector.multi_reduction <add>, %select_n3A_3161, %reduce_sum3A_3162 [1, 2] : vector<4x8x2560xf32> to vector<4xf32>
      %jit3A_3164 = arith.constant 0.000000e+00 : f32
      %broadcast_in_dim3A_3165 = vector.broadcast %jit3A_3164 : f32 to vector<4x8x2560xf32>
      %select_n3A_3166 = arith.select %eq3A_3158, %get3A_22, %broadcast_in_dim3A_3165 : vector<4x8x2560xi1>, vector<4x8x2560xf32>
      %reduce_sum3A_3167 = arith.constant dense<0.000000e+00> : vector<4xf32>
      %reduce_sum3A_3168 = vector.multi_reduction <add>, %select_n3A_3166, %reduce_sum3A_3167 [1, 2] : vector<4x8x2560xf32> to vector<4xf32>
      %jit3A_3169 = arith.constant 0.000000e+00 : f32
      %broadcast_in_dim3A_3170 = vector.broadcast %jit3A_3169 : f32 to vector<4x8x2560xf32>
      %select_n3A_3171 = arith.select %eq3A_3158, %get3A_28, %broadcast_in_dim3A_3170 : vector<4x8x2560xi1>, vector<4x8x2560xf32>
      %reduce_sum3A_3172 = arith.constant dense<0.000000e+00> : vector<4xf32>
      %reduce_sum3A_3173 = vector.multi_reduction <add>, %select_n3A_3171, %reduce_sum3A_3172 [1, 2] : vector<4x8x2560xf32> to vector<4xf32>
      %jit3A_3174 = arith.constant 0.000000e+00 : f32
      %broadcast_in_dim3A_3175 = vector.broadcast %jit3A_3174 : f32 to vector<4x8x2560xf32>
      %select_n3A_3176 = arith.select %eq3A_3158, %get3A_34, %broadcast_in_dim3A_3175 : vector<4x8x2560xi1>, vector<4x8x2560xf32>
      %reduce_sum3A_3177 = arith.constant dense<0.000000e+00> : vector<4xf32>
      %reduce_sum3A_3178 = vector.multi_reduction <add>, %select_n3A_3176, %reduce_sum3A_3177 [1, 2] : vector<4x8x2560xf32> to vector<4xf32>
      %jit3A_3179 = arith.constant 0.000000e+00 : f32
      %broadcast_in_dim3A_3180 = vector.broadcast %jit3A_3179 : f32 to vector<4x8x2560xf32>
      %select_n3A_3181 = arith.select %eq3A_3158, %select_n3A_355, %broadcast_in_dim3A_3180 : vector<4x8x2560xi1>, vector<4x8x2560xf32>
      %reduce_sum3A_3182 = arith.constant dense<0.000000e+00> : vector<4xf32>
      %reduce_sum3A_3183 = vector.multi_reduction <add>, %select_n3A_3181, %reduce_sum3A_3182 [1, 2] : vector<4x8x2560xf32> to vector<4xf32>
      %select_n3A_3184 = arith.select %gt3A_3146, %reduce_max3A_3143, %reduce_max3A_432 : vector<4xi1>, vector<4xf32>
      %mul3A_3185 = arith.mulf %reduce_sum3A_3183, %add3A_417 : vector<4xf32>
      %add3A_3186 = arith.addf %reduce_sum3A_3163, %mul3A_3185 : vector<4xf32>
      %broadcast_in_dim3A_3187 = vector.shape_cast %add3A_3186 : vector<4xf32> to vector<4x1x1xf32>
      %max3A_3188 = vector.broadcast %broadcast_in_dim3A_3187 : vector<4x1x1xf32> to vector<4x8x2560xf32>
      %max3A_3189 = arith.maximumf %max3A_3188, %add3A_421 : vector<4x8x2560xf32>
      %add3A_3190 = arith.addf %reduce_sum3A_3168, %mul3A_3185 : vector<4xf32>
      %broadcast_in_dim3A_3191 = vector.shape_cast %add3A_3190 : vector<4xf32> to vector<4x1x1xf32>
      %max3A_3192 = vector.broadcast %broadcast_in_dim3A_3191 : vector<4x1x1xf32> to vector<4x8x2560xf32>
      %max3A_3193 = arith.maximumf %max3A_3192, %add3A_422 : vector<4x8x2560xf32>
      %add3A_3194 = arith.addf %reduce_sum3A_3173, %mul3A_3185 : vector<4xf32>
      %broadcast_in_dim3A_3195 = vector.shape_cast %add3A_3194 : vector<4xf32> to vector<4x1x1xf32>
      %min3A_3196 = vector.broadcast %broadcast_in_dim3A_3195 : vector<4x1x1xf32> to vector<4x8x2560xf32>
      %min3A_3197 = arith.minimumf %min3A_3196, %add3A_423 : vector<4x8x2560xf32>
      %add3A_3198 = arith.addf %reduce_sum3A_3178, %mul3A_3185 : vector<4xf32>
      %broadcast_in_dim3A_3199 = vector.shape_cast %add3A_3198 : vector<4xf32> to vector<4x1x1xf32>
      %min3A_3200 = vector.broadcast %broadcast_in_dim3A_3199 : vector<4x1x1xf32> to vector<4x8x2560xf32>
      %min3A_3201 = arith.minimumf %min3A_3200, %add3A_424 : vector<4x8x2560xf32>
      %sub3A_3202 = arith.subf %min3A_3197, %max3A_3189 : vector<4x8x2560xf32>
      %max3A_3203 = arith.constant 0.000000e+00 : f32
      %max3A_3204 = vector.broadcast %max3A_3203 : f32 to vector<4x8x2560xf32>
      %max3A_3205 = arith.maximumf %sub3A_3202, %max3A_3204 : vector<4x8x2560xf32>
      %sub3A_3206 = arith.subf %min3A_3201, %max3A_3193 : vector<4x8x2560xf32>
      %max3A_3207 = arith.constant 0.000000e+00 : f32
      %max3A_3208 = vector.broadcast %max3A_3207 : f32 to vector<4x8x2560xf32>
      %max3A_3209 = arith.maximumf %sub3A_3206, %max3A_3208 : vector<4x8x2560xf32>
      %mul3A_3210 = arith.mulf %max3A_3205, %max3A_3209 : vector<4x8x2560xf32>
      %sub3A_3211 = arith.subf %reduce_sum3A_3173, %reduce_sum3A_3163 : vector<4xf32>
      %sub3A_3212 = arith.subf %reduce_sum3A_3178, %reduce_sum3A_3168 : vector<4xf32>
      %mul3A_3213 = arith.mulf %sub3A_3211, %sub3A_3212 : vector<4xf32>
      %broadcast_in_dim3A_3214 = vector.shape_cast %mul3A_3213 : vector<4xf32> to vector<4x1x1xf32>
      %add3A_3215 = vector.broadcast %broadcast_in_dim3A_3214 : vector<4x1x1xf32> to vector<4x8x2560xf32>
      %add3A_3216 = arith.addf %add3A_3215, %mul3A_427 : vector<4x8x2560xf32>
      %sub3A_3217 = arith.subf %add3A_3216, %mul3A_3210 : vector<4x8x2560xf32>
      %add3A_3218 = arith.constant 9.99999971E-10 : f32
      %add3A_3219 = vector.broadcast %add3A_3218 : f32 to vector<4x8x2560xf32>
      %add3A_3220 = arith.addf %sub3A_3217, %add3A_3219 : vector<4x8x2560xf32>
      %div3A_3221 = arith.divf %mul3A_3210, %add3A_3220 : vector<4x8x2560xf32>
      %gt3A_3222 = arith.constant 7.500000e-01 : f32
      %gt3A_3223 = vector.broadcast %gt3A_3222 : f32 to vector<4x8x2560xf32>
      %gt3A_3224 = arith.cmpf ogt, %div3A_3221, %gt3A_3223 : vector<4x8x2560xf32>
      %or3A_3225 = arith.ori %gt3A_3224, %eq3A_3158 : vector<4x8x2560xi1>
      %broadcast_in_dim3A_3226 = vector.shape_cast %gt3A_3146 : vector<4xi1> to vector<4x1x1xi1>
      %and3A_3227 = vector.broadcast %broadcast_in_dim3A_3226 : vector<4x1x1xi1> to vector<4x8x2560xi1>
      %and3A_3228 = arith.andi %or3A_3225, %and3A_3227 : vector<4x8x2560xi1>
      %jit3A_3229 = arith.constant 0xFF800000 : f32
      %broadcast_in_dim3A_3230 = vector.broadcast %jit3A_3229 : f32 to vector<4x8x2560xf32>
      %select_n3A_3231 = arith.select %and3A_3228, %broadcast_in_dim3A_3230, %select_n3A_3114 : vector<4x8x2560xi1>, vector<4x8x2560xf32>
      %eq3A_3232 = arith.constant 23 : i32
      %eq3A_3233 = vector.broadcast %eq3A_3232 : i32 to vector<4x64xi32>
      %eq3A_3234 = arith.cmpi eq, %iota3A_440, %eq3A_3233 : vector<4x64xi32>
      %broadcast_in_dim3A_3235 = vector.shape_cast %select_n3A_3155 : vector<4xi32> to vector<4x1xi32>
      %broadcast_in_dim3A_3236 = vector.shape_cast %broadcast_in_dim3A_3235 : vector<4x1xi32> to vector<4x1xi32>
      %broadcast_in_dim3A_3237 = vector.broadcast %broadcast_in_dim3A_3236 : vector<4x1xi32> to vector<4x64xi32>
      %select_n3A_3238 = arith.select %eq3A_3234, %broadcast_in_dim3A_3237, %select_n3A_3121 : vector<4x64xi1>, vector<4x64xi32>
      %broadcast_in_dim3A_3239 = vector.shape_cast %select_n3A_3184 : vector<4xf32> to vector<4x1xf32>
      %broadcast_in_dim3A_3240 = vector.shape_cast %broadcast_in_dim3A_3239 : vector<4x1xf32> to vector<4x1xf32>
      %broadcast_in_dim3A_3241 = vector.broadcast %broadcast_in_dim3A_3240 : vector<4x1xf32> to vector<4x64xf32>
      %select_n3A_3242 = arith.select %eq3A_3234, %broadcast_in_dim3A_3241, %select_n3A_3125 : vector<4x64xi1>, vector<4x64xf32>
      %broadcast_in_dim3A_3243 = vector.shape_cast %reduce_sum3A_3163 : vector<4xf32> to vector<4x1xf32>
      %broadcast_in_dim3A_3244 = vector.shape_cast %broadcast_in_dim3A_3243 : vector<4x1xf32> to vector<4x1xf32>
      %broadcast_in_dim3A_3245 = vector.broadcast %broadcast_in_dim3A_3244 : vector<4x1xf32> to vector<4x64xf32>
      %select_n3A_3246 = arith.select %eq3A_3234, %broadcast_in_dim3A_3245, %select_n3A_3129 : vector<4x64xi1>, vector<4x64xf32>
      %broadcast_in_dim3A_3247 = vector.shape_cast %reduce_sum3A_3168 : vector<4xf32> to vector<4x1xf32>
      %broadcast_in_dim3A_3248 = vector.shape_cast %broadcast_in_dim3A_3247 : vector<4x1xf32> to vector<4x1xf32>
      %broadcast_in_dim3A_3249 = vector.broadcast %broadcast_in_dim3A_3248 : vector<4x1xf32> to vector<4x64xf32>
      %select_n3A_3250 = arith.select %eq3A_3234, %broadcast_in_dim3A_3249, %select_n3A_3133 : vector<4x64xi1>, vector<4x64xf32>
      %broadcast_in_dim3A_3251 = vector.shape_cast %reduce_sum3A_3173 : vector<4xf32> to vector<4x1xf32>
      %broadcast_in_dim3A_3252 = vector.shape_cast %broadcast_in_dim3A_3251 : vector<4x1xf32> to vector<4x1xf32>
      %broadcast_in_dim3A_3253 = vector.broadcast %broadcast_in_dim3A_3252 : vector<4x1xf32> to vector<4x64xf32>
      %select_n3A_3254 = arith.select %eq3A_3234, %broadcast_in_dim3A_3253, %select_n3A_3137 : vector<4x64xi1>, vector<4x64xf32>
      %broadcast_in_dim3A_3255 = vector.shape_cast %reduce_sum3A_3178 : vector<4xf32> to vector<4x1xf32>
      %broadcast_in_dim3A_3256 = vector.shape_cast %broadcast_in_dim3A_3255 : vector<4x1xf32> to vector<4x1xf32>
      %broadcast_in_dim3A_3257 = vector.broadcast %broadcast_in_dim3A_3256 : vector<4x1xf32> to vector<4x64xf32>
      %select_n3A_3258 = arith.select %eq3A_3234, %broadcast_in_dim3A_3257, %select_n3A_3141 : vector<4x64xi1>, vector<4x64xf32>
      %reduce_max3A_3259 = arith.constant dense<0xFF800000> : vector<4xf32>
      %reduce_max3A_3260 = vector.multi_reduction <maximumf>, %select_n3A_3231, %reduce_max3A_3259 [1, 2] : vector<4x8x2560xf32> to vector<4xf32>
      %gt3A_3261 = arith.constant 0xFF800000 : f32
      %gt3A_3262 = vector.broadcast %gt3A_3261 : f32 to vector<4xf32>
      %gt3A_3263 = arith.cmpf ogt, %reduce_max3A_3260, %gt3A_3262 : vector<4xf32>
      %broadcast_in_dim3A_3264 = vector.shape_cast %reduce_max3A_3260 : vector<4xf32> to vector<4x1x1xf32>
      %eq3A_3265 = vector.broadcast %broadcast_in_dim3A_3264 : vector<4x1x1xf32> to vector<4x8x2560xf32>
      %eq3A_3266 = arith.cmpf oeq, %select_n3A_3231, %eq3A_3265 : vector<4x8x2560xf32>
      %jit3A_3267 = arith.constant 1073741824 : i32
      %broadcast_in_dim3A_3268 = vector.broadcast %jit3A_3267 : i32 to vector<4x8x2560xi32>
      %select_n3A_3269 = arith.select %eq3A_3266, %add3A, %broadcast_in_dim3A_3268 : vector<4x8x2560xi1>, vector<4x8x2560xi32>
      %reduce_min3A_3270 = arith.constant dense<2147483647> : vector<4xi32>
      %reduce_min3A_3271 = vector.multi_reduction <minsi>, %select_n3A_3269, %reduce_min3A_3270 [1, 2] : vector<4x8x2560xi32> to vector<4xi32>
      %select_n3A_3272 = arith.select %gt3A_3263, %reduce_min3A_3271, %reduce_min3A_439 : vector<4xi1>, vector<4xi32>
      %broadcast_in_dim3A_3273 = vector.shape_cast %select_n3A_3272 : vector<4xi32> to vector<4x1x1xi32>
      %eq3A_3274 = vector.broadcast %broadcast_in_dim3A_3273 : vector<4x1x1xi32> to vector<4x8x2560xi32>
      %eq3A_3275 = arith.cmpi eq, %add3A, %eq3A_3274 : vector<4x8x2560xi32>
      %jit3A_3276 = arith.constant 0.000000e+00 : f32
      %broadcast_in_dim3A_3277 = vector.broadcast %jit3A_3276 : f32 to vector<4x8x2560xf32>
      %select_n3A_3278 = arith.select %eq3A_3275, %get3A_16, %broadcast_in_dim3A_3277 : vector<4x8x2560xi1>, vector<4x8x2560xf32>
      %reduce_sum3A_3279 = arith.constant dense<0.000000e+00> : vector<4xf32>
      %reduce_sum3A_3280 = vector.multi_reduction <add>, %select_n3A_3278, %reduce_sum3A_3279 [1, 2] : vector<4x8x2560xf32> to vector<4xf32>
      %jit3A_3281 = arith.constant 0.000000e+00 : f32
      %broadcast_in_dim3A_3282 = vector.broadcast %jit3A_3281 : f32 to vector<4x8x2560xf32>
      %select_n3A_3283 = arith.select %eq3A_3275, %get3A_22, %broadcast_in_dim3A_3282 : vector<4x8x2560xi1>, vector<4x8x2560xf32>
      %reduce_sum3A_3284 = arith.constant dense<0.000000e+00> : vector<4xf32>
      %reduce_sum3A_3285 = vector.multi_reduction <add>, %select_n3A_3283, %reduce_sum3A_3284 [1, 2] : vector<4x8x2560xf32> to vector<4xf32>
      %jit3A_3286 = arith.constant 0.000000e+00 : f32
      %broadcast_in_dim3A_3287 = vector.broadcast %jit3A_3286 : f32 to vector<4x8x2560xf32>
      %select_n3A_3288 = arith.select %eq3A_3275, %get3A_28, %broadcast_in_dim3A_3287 : vector<4x8x2560xi1>, vector<4x8x2560xf32>
      %reduce_sum3A_3289 = arith.constant dense<0.000000e+00> : vector<4xf32>
      %reduce_sum3A_3290 = vector.multi_reduction <add>, %select_n3A_3288, %reduce_sum3A_3289 [1, 2] : vector<4x8x2560xf32> to vector<4xf32>
      %jit3A_3291 = arith.constant 0.000000e+00 : f32
      %broadcast_in_dim3A_3292 = vector.broadcast %jit3A_3291 : f32 to vector<4x8x2560xf32>
      %select_n3A_3293 = arith.select %eq3A_3275, %get3A_34, %broadcast_in_dim3A_3292 : vector<4x8x2560xi1>, vector<4x8x2560xf32>
      %reduce_sum3A_3294 = arith.constant dense<0.000000e+00> : vector<4xf32>
      %reduce_sum3A_3295 = vector.multi_reduction <add>, %select_n3A_3293, %reduce_sum3A_3294 [1, 2] : vector<4x8x2560xf32> to vector<4xf32>
      %jit3A_3296 = arith.constant 0.000000e+00 : f32
      %broadcast_in_dim3A_3297 = vector.broadcast %jit3A_3296 : f32 to vector<4x8x2560xf32>
      %select_n3A_3298 = arith.select %eq3A_3275, %select_n3A_355, %broadcast_in_dim3A_3297 : vector<4x8x2560xi1>, vector<4x8x2560xf32>
      %reduce_sum3A_3299 = arith.constant dense<0.000000e+00> : vector<4xf32>
      %reduce_sum3A_3300 = vector.multi_reduction <add>, %select_n3A_3298, %reduce_sum3A_3299 [1, 2] : vector<4x8x2560xf32> to vector<4xf32>
      %select_n3A_3301 = arith.select %gt3A_3263, %reduce_max3A_3260, %reduce_max3A_432 : vector<4xi1>, vector<4xf32>
      %mul3A_3302 = arith.mulf %reduce_sum3A_3300, %add3A_417 : vector<4xf32>
      %add3A_3303 = arith.addf %reduce_sum3A_3280, %mul3A_3302 : vector<4xf32>
      %broadcast_in_dim3A_3304 = vector.shape_cast %add3A_3303 : vector<4xf32> to vector<4x1x1xf32>
      %max3A_3305 = vector.broadcast %broadcast_in_dim3A_3304 : vector<4x1x1xf32> to vector<4x8x2560xf32>
      %max3A_3306 = arith.maximumf %max3A_3305, %add3A_421 : vector<4x8x2560xf32>
      %add3A_3307 = arith.addf %reduce_sum3A_3285, %mul3A_3302 : vector<4xf32>
      %broadcast_in_dim3A_3308 = vector.shape_cast %add3A_3307 : vector<4xf32> to vector<4x1x1xf32>
      %max3A_3309 = vector.broadcast %broadcast_in_dim3A_3308 : vector<4x1x1xf32> to vector<4x8x2560xf32>
      %max3A_3310 = arith.maximumf %max3A_3309, %add3A_422 : vector<4x8x2560xf32>
      %add3A_3311 = arith.addf %reduce_sum3A_3290, %mul3A_3302 : vector<4xf32>
      %broadcast_in_dim3A_3312 = vector.shape_cast %add3A_3311 : vector<4xf32> to vector<4x1x1xf32>
      %min3A_3313 = vector.broadcast %broadcast_in_dim3A_3312 : vector<4x1x1xf32> to vector<4x8x2560xf32>
      %min3A_3314 = arith.minimumf %min3A_3313, %add3A_423 : vector<4x8x2560xf32>
      %add3A_3315 = arith.addf %reduce_sum3A_3295, %mul3A_3302 : vector<4xf32>
      %broadcast_in_dim3A_3316 = vector.shape_cast %add3A_3315 : vector<4xf32> to vector<4x1x1xf32>
      %min3A_3317 = vector.broadcast %broadcast_in_dim3A_3316 : vector<4x1x1xf32> to vector<4x8x2560xf32>
      %min3A_3318 = arith.minimumf %min3A_3317, %add3A_424 : vector<4x8x2560xf32>
      %sub3A_3319 = arith.subf %min3A_3314, %max3A_3306 : vector<4x8x2560xf32>
      %max3A_3320 = arith.constant 0.000000e+00 : f32
      %max3A_3321 = vector.broadcast %max3A_3320 : f32 to vector<4x8x2560xf32>
      %max3A_3322 = arith.maximumf %sub3A_3319, %max3A_3321 : vector<4x8x2560xf32>
      %sub3A_3323 = arith.subf %min3A_3318, %max3A_3310 : vector<4x8x2560xf32>
      %max3A_3324 = arith.constant 0.000000e+00 : f32
      %max3A_3325 = vector.broadcast %max3A_3324 : f32 to vector<4x8x2560xf32>
      %max3A_3326 = arith.maximumf %sub3A_3323, %max3A_3325 : vector<4x8x2560xf32>
      %mul3A_3327 = arith.mulf %max3A_3322, %max3A_3326 : vector<4x8x2560xf32>
      %sub3A_3328 = arith.subf %reduce_sum3A_3290, %reduce_sum3A_3280 : vector<4xf32>
      %sub3A_3329 = arith.subf %reduce_sum3A_3295, %reduce_sum3A_3285 : vector<4xf32>
      %mul3A_3330 = arith.mulf %sub3A_3328, %sub3A_3329 : vector<4xf32>
      %broadcast_in_dim3A_3331 = vector.shape_cast %mul3A_3330 : vector<4xf32> to vector<4x1x1xf32>
      %add3A_3332 = vector.broadcast %broadcast_in_dim3A_3331 : vector<4x1x1xf32> to vector<4x8x2560xf32>
      %add3A_3333 = arith.addf %add3A_3332, %mul3A_427 : vector<4x8x2560xf32>
      %sub3A_3334 = arith.subf %add3A_3333, %mul3A_3327 : vector<4x8x2560xf32>
      %add3A_3335 = arith.constant 9.99999971E-10 : f32
      %add3A_3336 = vector.broadcast %add3A_3335 : f32 to vector<4x8x2560xf32>
      %add3A_3337 = arith.addf %sub3A_3334, %add3A_3336 : vector<4x8x2560xf32>
      %div3A_3338 = arith.divf %mul3A_3327, %add3A_3337 : vector<4x8x2560xf32>
      %gt3A_3339 = arith.constant 7.500000e-01 : f32
      %gt3A_3340 = vector.broadcast %gt3A_3339 : f32 to vector<4x8x2560xf32>
      %gt3A_3341 = arith.cmpf ogt, %div3A_3338, %gt3A_3340 : vector<4x8x2560xf32>
      %or3A_3342 = arith.ori %gt3A_3341, %eq3A_3275 : vector<4x8x2560xi1>
      %broadcast_in_dim3A_3343 = vector.shape_cast %gt3A_3263 : vector<4xi1> to vector<4x1x1xi1>
      %and3A_3344 = vector.broadcast %broadcast_in_dim3A_3343 : vector<4x1x1xi1> to vector<4x8x2560xi1>
      %and3A_3345 = arith.andi %or3A_3342, %and3A_3344 : vector<4x8x2560xi1>
      %jit3A_3346 = arith.constant 0xFF800000 : f32
      %broadcast_in_dim3A_3347 = vector.broadcast %jit3A_3346 : f32 to vector<4x8x2560xf32>
      %select_n3A_3348 = arith.select %and3A_3345, %broadcast_in_dim3A_3347, %select_n3A_3231 : vector<4x8x2560xi1>, vector<4x8x2560xf32>
      %eq3A_3349 = arith.constant 24 : i32
      %eq3A_3350 = vector.broadcast %eq3A_3349 : i32 to vector<4x64xi32>
      %eq3A_3351 = arith.cmpi eq, %iota3A_440, %eq3A_3350 : vector<4x64xi32>
      %broadcast_in_dim3A_3352 = vector.shape_cast %select_n3A_3272 : vector<4xi32> to vector<4x1xi32>
      %broadcast_in_dim3A_3353 = vector.shape_cast %broadcast_in_dim3A_3352 : vector<4x1xi32> to vector<4x1xi32>
      %broadcast_in_dim3A_3354 = vector.broadcast %broadcast_in_dim3A_3353 : vector<4x1xi32> to vector<4x64xi32>
      %select_n3A_3355 = arith.select %eq3A_3351, %broadcast_in_dim3A_3354, %select_n3A_3238 : vector<4x64xi1>, vector<4x64xi32>
      %broadcast_in_dim3A_3356 = vector.shape_cast %select_n3A_3301 : vector<4xf32> to vector<4x1xf32>
      %broadcast_in_dim3A_3357 = vector.shape_cast %broadcast_in_dim3A_3356 : vector<4x1xf32> to vector<4x1xf32>
      %broadcast_in_dim3A_3358 = vector.broadcast %broadcast_in_dim3A_3357 : vector<4x1xf32> to vector<4x64xf32>
      %select_n3A_3359 = arith.select %eq3A_3351, %broadcast_in_dim3A_3358, %select_n3A_3242 : vector<4x64xi1>, vector<4x64xf32>
      %broadcast_in_dim3A_3360 = vector.shape_cast %reduce_sum3A_3280 : vector<4xf32> to vector<4x1xf32>
      %broadcast_in_dim3A_3361 = vector.shape_cast %broadcast_in_dim3A_3360 : vector<4x1xf32> to vector<4x1xf32>
      %broadcast_in_dim3A_3362 = vector.broadcast %broadcast_in_dim3A_3361 : vector<4x1xf32> to vector<4x64xf32>
      %select_n3A_3363 = arith.select %eq3A_3351, %broadcast_in_dim3A_3362, %select_n3A_3246 : vector<4x64xi1>, vector<4x64xf32>
      %broadcast_in_dim3A_3364 = vector.shape_cast %reduce_sum3A_3285 : vector<4xf32> to vector<4x1xf32>
      %broadcast_in_dim3A_3365 = vector.shape_cast %broadcast_in_dim3A_3364 : vector<4x1xf32> to vector<4x1xf32>
      %broadcast_in_dim3A_3366 = vector.broadcast %broadcast_in_dim3A_3365 : vector<4x1xf32> to vector<4x64xf32>
      %select_n3A_3367 = arith.select %eq3A_3351, %broadcast_in_dim3A_3366, %select_n3A_3250 : vector<4x64xi1>, vector<4x64xf32>
      %broadcast_in_dim3A_3368 = vector.shape_cast %reduce_sum3A_3290 : vector<4xf32> to vector<4x1xf32>
      %broadcast_in_dim3A_3369 = vector.shape_cast %broadcast_in_dim3A_3368 : vector<4x1xf32> to vector<4x1xf32>
      %broadcast_in_dim3A_3370 = vector.broadcast %broadcast_in_dim3A_3369 : vector<4x1xf32> to vector<4x64xf32>
      %select_n3A_3371 = arith.select %eq3A_3351, %broadcast_in_dim3A_3370, %select_n3A_3254 : vector<4x64xi1>, vector<4x64xf32>
      %broadcast_in_dim3A_3372 = vector.shape_cast %reduce_sum3A_3295 : vector<4xf32> to vector<4x1xf32>
      %broadcast_in_dim3A_3373 = vector.shape_cast %broadcast_in_dim3A_3372 : vector<4x1xf32> to vector<4x1xf32>
      %broadcast_in_dim3A_3374 = vector.broadcast %broadcast_in_dim3A_3373 : vector<4x1xf32> to vector<4x64xf32>
      %select_n3A_3375 = arith.select %eq3A_3351, %broadcast_in_dim3A_3374, %select_n3A_3258 : vector<4x64xi1>, vector<4x64xf32>
      %reduce_max3A_3376 = arith.constant dense<0xFF800000> : vector<4xf32>
      %reduce_max3A_3377 = vector.multi_reduction <maximumf>, %select_n3A_3348, %reduce_max3A_3376 [1, 2] : vector<4x8x2560xf32> to vector<4xf32>
      %gt3A_3378 = arith.constant 0xFF800000 : f32
      %gt3A_3379 = vector.broadcast %gt3A_3378 : f32 to vector<4xf32>
      %gt3A_3380 = arith.cmpf ogt, %reduce_max3A_3377, %gt3A_3379 : vector<4xf32>
      %broadcast_in_dim3A_3381 = vector.shape_cast %reduce_max3A_3377 : vector<4xf32> to vector<4x1x1xf32>
      %eq3A_3382 = vector.broadcast %broadcast_in_dim3A_3381 : vector<4x1x1xf32> to vector<4x8x2560xf32>
      %eq3A_3383 = arith.cmpf oeq, %select_n3A_3348, %eq3A_3382 : vector<4x8x2560xf32>
      %jit3A_3384 = arith.constant 1073741824 : i32
      %broadcast_in_dim3A_3385 = vector.broadcast %jit3A_3384 : i32 to vector<4x8x2560xi32>
      %select_n3A_3386 = arith.select %eq3A_3383, %add3A, %broadcast_in_dim3A_3385 : vector<4x8x2560xi1>, vector<4x8x2560xi32>
      %reduce_min3A_3387 = arith.constant dense<2147483647> : vector<4xi32>
      %reduce_min3A_3388 = vector.multi_reduction <minsi>, %select_n3A_3386, %reduce_min3A_3387 [1, 2] : vector<4x8x2560xi32> to vector<4xi32>
      %select_n3A_3389 = arith.select %gt3A_3380, %reduce_min3A_3388, %reduce_min3A_439 : vector<4xi1>, vector<4xi32>
      %broadcast_in_dim3A_3390 = vector.shape_cast %select_n3A_3389 : vector<4xi32> to vector<4x1x1xi32>
      %eq3A_3391 = vector.broadcast %broadcast_in_dim3A_3390 : vector<4x1x1xi32> to vector<4x8x2560xi32>
      %eq3A_3392 = arith.cmpi eq, %add3A, %eq3A_3391 : vector<4x8x2560xi32>
      %jit3A_3393 = arith.constant 0.000000e+00 : f32
      %broadcast_in_dim3A_3394 = vector.broadcast %jit3A_3393 : f32 to vector<4x8x2560xf32>
      %select_n3A_3395 = arith.select %eq3A_3392, %get3A_16, %broadcast_in_dim3A_3394 : vector<4x8x2560xi1>, vector<4x8x2560xf32>
      %reduce_sum3A_3396 = arith.constant dense<0.000000e+00> : vector<4xf32>
      %reduce_sum3A_3397 = vector.multi_reduction <add>, %select_n3A_3395, %reduce_sum3A_3396 [1, 2] : vector<4x8x2560xf32> to vector<4xf32>
      %jit3A_3398 = arith.constant 0.000000e+00 : f32
      %broadcast_in_dim3A_3399 = vector.broadcast %jit3A_3398 : f32 to vector<4x8x2560xf32>
      %select_n3A_3400 = arith.select %eq3A_3392, %get3A_22, %broadcast_in_dim3A_3399 : vector<4x8x2560xi1>, vector<4x8x2560xf32>
      %reduce_sum3A_3401 = arith.constant dense<0.000000e+00> : vector<4xf32>
      %reduce_sum3A_3402 = vector.multi_reduction <add>, %select_n3A_3400, %reduce_sum3A_3401 [1, 2] : vector<4x8x2560xf32> to vector<4xf32>
      %jit3A_3403 = arith.constant 0.000000e+00 : f32
      %broadcast_in_dim3A_3404 = vector.broadcast %jit3A_3403 : f32 to vector<4x8x2560xf32>
      %select_n3A_3405 = arith.select %eq3A_3392, %get3A_28, %broadcast_in_dim3A_3404 : vector<4x8x2560xi1>, vector<4x8x2560xf32>
      %reduce_sum3A_3406 = arith.constant dense<0.000000e+00> : vector<4xf32>
      %reduce_sum3A_3407 = vector.multi_reduction <add>, %select_n3A_3405, %reduce_sum3A_3406 [1, 2] : vector<4x8x2560xf32> to vector<4xf32>
      %jit3A_3408 = arith.constant 0.000000e+00 : f32
      %broadcast_in_dim3A_3409 = vector.broadcast %jit3A_3408 : f32 to vector<4x8x2560xf32>
      %select_n3A_3410 = arith.select %eq3A_3392, %get3A_34, %broadcast_in_dim3A_3409 : vector<4x8x2560xi1>, vector<4x8x2560xf32>
      %reduce_sum3A_3411 = arith.constant dense<0.000000e+00> : vector<4xf32>
      %reduce_sum3A_3412 = vector.multi_reduction <add>, %select_n3A_3410, %reduce_sum3A_3411 [1, 2] : vector<4x8x2560xf32> to vector<4xf32>
      %jit3A_3413 = arith.constant 0.000000e+00 : f32
      %broadcast_in_dim3A_3414 = vector.broadcast %jit3A_3413 : f32 to vector<4x8x2560xf32>
      %select_n3A_3415 = arith.select %eq3A_3392, %select_n3A_355, %broadcast_in_dim3A_3414 : vector<4x8x2560xi1>, vector<4x8x2560xf32>
      %reduce_sum3A_3416 = arith.constant dense<0.000000e+00> : vector<4xf32>
      %reduce_sum3A_3417 = vector.multi_reduction <add>, %select_n3A_3415, %reduce_sum3A_3416 [1, 2] : vector<4x8x2560xf32> to vector<4xf32>
      %select_n3A_3418 = arith.select %gt3A_3380, %reduce_max3A_3377, %reduce_max3A_432 : vector<4xi1>, vector<4xf32>
      %mul3A_3419 = arith.mulf %reduce_sum3A_3417, %add3A_417 : vector<4xf32>
      %add3A_3420 = arith.addf %reduce_sum3A_3397, %mul3A_3419 : vector<4xf32>
      %broadcast_in_dim3A_3421 = vector.shape_cast %add3A_3420 : vector<4xf32> to vector<4x1x1xf32>
      %max3A_3422 = vector.broadcast %broadcast_in_dim3A_3421 : vector<4x1x1xf32> to vector<4x8x2560xf32>
      %max3A_3423 = arith.maximumf %max3A_3422, %add3A_421 : vector<4x8x2560xf32>
      %add3A_3424 = arith.addf %reduce_sum3A_3402, %mul3A_3419 : vector<4xf32>
      %broadcast_in_dim3A_3425 = vector.shape_cast %add3A_3424 : vector<4xf32> to vector<4x1x1xf32>
      %max3A_3426 = vector.broadcast %broadcast_in_dim3A_3425 : vector<4x1x1xf32> to vector<4x8x2560xf32>
      %max3A_3427 = arith.maximumf %max3A_3426, %add3A_422 : vector<4x8x2560xf32>
      %add3A_3428 = arith.addf %reduce_sum3A_3407, %mul3A_3419 : vector<4xf32>
      %broadcast_in_dim3A_3429 = vector.shape_cast %add3A_3428 : vector<4xf32> to vector<4x1x1xf32>
      %min3A_3430 = vector.broadcast %broadcast_in_dim3A_3429 : vector<4x1x1xf32> to vector<4x8x2560xf32>
      %min3A_3431 = arith.minimumf %min3A_3430, %add3A_423 : vector<4x8x2560xf32>
      %add3A_3432 = arith.addf %reduce_sum3A_3412, %mul3A_3419 : vector<4xf32>
      %broadcast_in_dim3A_3433 = vector.shape_cast %add3A_3432 : vector<4xf32> to vector<4x1x1xf32>
      %min3A_3434 = vector.broadcast %broadcast_in_dim3A_3433 : vector<4x1x1xf32> to vector<4x8x2560xf32>
      %min3A_3435 = arith.minimumf %min3A_3434, %add3A_424 : vector<4x8x2560xf32>
      %sub3A_3436 = arith.subf %min3A_3431, %max3A_3423 : vector<4x8x2560xf32>
      %max3A_3437 = arith.constant 0.000000e+00 : f32
      %max3A_3438 = vector.broadcast %max3A_3437 : f32 to vector<4x8x2560xf32>
      %max3A_3439 = arith.maximumf %sub3A_3436, %max3A_3438 : vector<4x8x2560xf32>
      %sub3A_3440 = arith.subf %min3A_3435, %max3A_3427 : vector<4x8x2560xf32>
      %max3A_3441 = arith.constant 0.000000e+00 : f32
      %max3A_3442 = vector.broadcast %max3A_3441 : f32 to vector<4x8x2560xf32>
      %max3A_3443 = arith.maximumf %sub3A_3440, %max3A_3442 : vector<4x8x2560xf32>
      %mul3A_3444 = arith.mulf %max3A_3439, %max3A_3443 : vector<4x8x2560xf32>
      %sub3A_3445 = arith.subf %reduce_sum3A_3407, %reduce_sum3A_3397 : vector<4xf32>
      %sub3A_3446 = arith.subf %reduce_sum3A_3412, %reduce_sum3A_3402 : vector<4xf32>
      %mul3A_3447 = arith.mulf %sub3A_3445, %sub3A_3446 : vector<4xf32>
      %broadcast_in_dim3A_3448 = vector.shape_cast %mul3A_3447 : vector<4xf32> to vector<4x1x1xf32>
      %add3A_3449 = vector.broadcast %broadcast_in_dim3A_3448 : vector<4x1x1xf32> to vector<4x8x2560xf32>
      %add3A_3450 = arith.addf %add3A_3449, %mul3A_427 : vector<4x8x2560xf32>
      %sub3A_3451 = arith.subf %add3A_3450, %mul3A_3444 : vector<4x8x2560xf32>
      %add3A_3452 = arith.constant 9.99999971E-10 : f32
      %add3A_3453 = vector.broadcast %add3A_3452 : f32 to vector<4x8x2560xf32>
      %add3A_3454 = arith.addf %sub3A_3451, %add3A_3453 : vector<4x8x2560xf32>
      %div3A_3455 = arith.divf %mul3A_3444, %add3A_3454 : vector<4x8x2560xf32>
      %gt3A_3456 = arith.constant 7.500000e-01 : f32
      %gt3A_3457 = vector.broadcast %gt3A_3456 : f32 to vector<4x8x2560xf32>
      %gt3A_3458 = arith.cmpf ogt, %div3A_3455, %gt3A_3457 : vector<4x8x2560xf32>
      %or3A_3459 = arith.ori %gt3A_3458, %eq3A_3392 : vector<4x8x2560xi1>
      %broadcast_in_dim3A_3460 = vector.shape_cast %gt3A_3380 : vector<4xi1> to vector<4x1x1xi1>
      %and3A_3461 = vector.broadcast %broadcast_in_dim3A_3460 : vector<4x1x1xi1> to vector<4x8x2560xi1>
      %and3A_3462 = arith.andi %or3A_3459, %and3A_3461 : vector<4x8x2560xi1>
      %jit3A_3463 = arith.constant 0xFF800000 : f32
      %broadcast_in_dim3A_3464 = vector.broadcast %jit3A_3463 : f32 to vector<4x8x2560xf32>
      %select_n3A_3465 = arith.select %and3A_3462, %broadcast_in_dim3A_3464, %select_n3A_3348 : vector<4x8x2560xi1>, vector<4x8x2560xf32>
      %eq3A_3466 = arith.constant 25 : i32
      %eq3A_3467 = vector.broadcast %eq3A_3466 : i32 to vector<4x64xi32>
      %eq3A_3468 = arith.cmpi eq, %iota3A_440, %eq3A_3467 : vector<4x64xi32>
      %broadcast_in_dim3A_3469 = vector.shape_cast %select_n3A_3389 : vector<4xi32> to vector<4x1xi32>
      %broadcast_in_dim3A_3470 = vector.shape_cast %broadcast_in_dim3A_3469 : vector<4x1xi32> to vector<4x1xi32>
      %broadcast_in_dim3A_3471 = vector.broadcast %broadcast_in_dim3A_3470 : vector<4x1xi32> to vector<4x64xi32>
      %select_n3A_3472 = arith.select %eq3A_3468, %broadcast_in_dim3A_3471, %select_n3A_3355 : vector<4x64xi1>, vector<4x64xi32>
      %broadcast_in_dim3A_3473 = vector.shape_cast %select_n3A_3418 : vector<4xf32> to vector<4x1xf32>
      %broadcast_in_dim3A_3474 = vector.shape_cast %broadcast_in_dim3A_3473 : vector<4x1xf32> to vector<4x1xf32>
      %broadcast_in_dim3A_3475 = vector.broadcast %broadcast_in_dim3A_3474 : vector<4x1xf32> to vector<4x64xf32>
      %select_n3A_3476 = arith.select %eq3A_3468, %broadcast_in_dim3A_3475, %select_n3A_3359 : vector<4x64xi1>, vector<4x64xf32>
      %broadcast_in_dim3A_3477 = vector.shape_cast %reduce_sum3A_3397 : vector<4xf32> to vector<4x1xf32>
      %broadcast_in_dim3A_3478 = vector.shape_cast %broadcast_in_dim3A_3477 : vector<4x1xf32> to vector<4x1xf32>
      %broadcast_in_dim3A_3479 = vector.broadcast %broadcast_in_dim3A_3478 : vector<4x1xf32> to vector<4x64xf32>
      %select_n3A_3480 = arith.select %eq3A_3468, %broadcast_in_dim3A_3479, %select_n3A_3363 : vector<4x64xi1>, vector<4x64xf32>
      %broadcast_in_dim3A_3481 = vector.shape_cast %reduce_sum3A_3402 : vector<4xf32> to vector<4x1xf32>
      %broadcast_in_dim3A_3482 = vector.shape_cast %broadcast_in_dim3A_3481 : vector<4x1xf32> to vector<4x1xf32>
      %broadcast_in_dim3A_3483 = vector.broadcast %broadcast_in_dim3A_3482 : vector<4x1xf32> to vector<4x64xf32>
      %select_n3A_3484 = arith.select %eq3A_3468, %broadcast_in_dim3A_3483, %select_n3A_3367 : vector<4x64xi1>, vector<4x64xf32>
      %broadcast_in_dim3A_3485 = vector.shape_cast %reduce_sum3A_3407 : vector<4xf32> to vector<4x1xf32>
      %broadcast_in_dim3A_3486 = vector.shape_cast %broadcast_in_dim3A_3485 : vector<4x1xf32> to vector<4x1xf32>
      %broadcast_in_dim3A_3487 = vector.broadcast %broadcast_in_dim3A_3486 : vector<4x1xf32> to vector<4x64xf32>
      %select_n3A_3488 = arith.select %eq3A_3468, %broadcast_in_dim3A_3487, %select_n3A_3371 : vector<4x64xi1>, vector<4x64xf32>
      %broadcast_in_dim3A_3489 = vector.shape_cast %reduce_sum3A_3412 : vector<4xf32> to vector<4x1xf32>
      %broadcast_in_dim3A_3490 = vector.shape_cast %broadcast_in_dim3A_3489 : vector<4x1xf32> to vector<4x1xf32>
      %broadcast_in_dim3A_3491 = vector.broadcast %broadcast_in_dim3A_3490 : vector<4x1xf32> to vector<4x64xf32>
      %select_n3A_3492 = arith.select %eq3A_3468, %broadcast_in_dim3A_3491, %select_n3A_3375 : vector<4x64xi1>, vector<4x64xf32>
      %reduce_max3A_3493 = arith.constant dense<0xFF800000> : vector<4xf32>
      %reduce_max3A_3494 = vector.multi_reduction <maximumf>, %select_n3A_3465, %reduce_max3A_3493 [1, 2] : vector<4x8x2560xf32> to vector<4xf32>
      %gt3A_3495 = arith.constant 0xFF800000 : f32
      %gt3A_3496 = vector.broadcast %gt3A_3495 : f32 to vector<4xf32>
      %gt3A_3497 = arith.cmpf ogt, %reduce_max3A_3494, %gt3A_3496 : vector<4xf32>
      %broadcast_in_dim3A_3498 = vector.shape_cast %reduce_max3A_3494 : vector<4xf32> to vector<4x1x1xf32>
      %eq3A_3499 = vector.broadcast %broadcast_in_dim3A_3498 : vector<4x1x1xf32> to vector<4x8x2560xf32>
      %eq3A_3500 = arith.cmpf oeq, %select_n3A_3465, %eq3A_3499 : vector<4x8x2560xf32>
      %jit3A_3501 = arith.constant 1073741824 : i32
      %broadcast_in_dim3A_3502 = vector.broadcast %jit3A_3501 : i32 to vector<4x8x2560xi32>
      %select_n3A_3503 = arith.select %eq3A_3500, %add3A, %broadcast_in_dim3A_3502 : vector<4x8x2560xi1>, vector<4x8x2560xi32>
      %reduce_min3A_3504 = arith.constant dense<2147483647> : vector<4xi32>
      %reduce_min3A_3505 = vector.multi_reduction <minsi>, %select_n3A_3503, %reduce_min3A_3504 [1, 2] : vector<4x8x2560xi32> to vector<4xi32>
      %select_n3A_3506 = arith.select %gt3A_3497, %reduce_min3A_3505, %reduce_min3A_439 : vector<4xi1>, vector<4xi32>
      %broadcast_in_dim3A_3507 = vector.shape_cast %select_n3A_3506 : vector<4xi32> to vector<4x1x1xi32>
      %eq3A_3508 = vector.broadcast %broadcast_in_dim3A_3507 : vector<4x1x1xi32> to vector<4x8x2560xi32>
      %eq3A_3509 = arith.cmpi eq, %add3A, %eq3A_3508 : vector<4x8x2560xi32>
      %jit3A_3510 = arith.constant 0.000000e+00 : f32
      %broadcast_in_dim3A_3511 = vector.broadcast %jit3A_3510 : f32 to vector<4x8x2560xf32>
      %select_n3A_3512 = arith.select %eq3A_3509, %get3A_16, %broadcast_in_dim3A_3511 : vector<4x8x2560xi1>, vector<4x8x2560xf32>
      %reduce_sum3A_3513 = arith.constant dense<0.000000e+00> : vector<4xf32>
      %reduce_sum3A_3514 = vector.multi_reduction <add>, %select_n3A_3512, %reduce_sum3A_3513 [1, 2] : vector<4x8x2560xf32> to vector<4xf32>
      %jit3A_3515 = arith.constant 0.000000e+00 : f32
      %broadcast_in_dim3A_3516 = vector.broadcast %jit3A_3515 : f32 to vector<4x8x2560xf32>
      %select_n3A_3517 = arith.select %eq3A_3509, %get3A_22, %broadcast_in_dim3A_3516 : vector<4x8x2560xi1>, vector<4x8x2560xf32>
      %reduce_sum3A_3518 = arith.constant dense<0.000000e+00> : vector<4xf32>
      %reduce_sum3A_3519 = vector.multi_reduction <add>, %select_n3A_3517, %reduce_sum3A_3518 [1, 2] : vector<4x8x2560xf32> to vector<4xf32>
      %jit3A_3520 = arith.constant 0.000000e+00 : f32
      %broadcast_in_dim3A_3521 = vector.broadcast %jit3A_3520 : f32 to vector<4x8x2560xf32>
      %select_n3A_3522 = arith.select %eq3A_3509, %get3A_28, %broadcast_in_dim3A_3521 : vector<4x8x2560xi1>, vector<4x8x2560xf32>
      %reduce_sum3A_3523 = arith.constant dense<0.000000e+00> : vector<4xf32>
      %reduce_sum3A_3524 = vector.multi_reduction <add>, %select_n3A_3522, %reduce_sum3A_3523 [1, 2] : vector<4x8x2560xf32> to vector<4xf32>
      %jit3A_3525 = arith.constant 0.000000e+00 : f32
      %broadcast_in_dim3A_3526 = vector.broadcast %jit3A_3525 : f32 to vector<4x8x2560xf32>
      %select_n3A_3527 = arith.select %eq3A_3509, %get3A_34, %broadcast_in_dim3A_3526 : vector<4x8x2560xi1>, vector<4x8x2560xf32>
      %reduce_sum3A_3528 = arith.constant dense<0.000000e+00> : vector<4xf32>
      %reduce_sum3A_3529 = vector.multi_reduction <add>, %select_n3A_3527, %reduce_sum3A_3528 [1, 2] : vector<4x8x2560xf32> to vector<4xf32>
      %jit3A_3530 = arith.constant 0.000000e+00 : f32
      %broadcast_in_dim3A_3531 = vector.broadcast %jit3A_3530 : f32 to vector<4x8x2560xf32>
      %select_n3A_3532 = arith.select %eq3A_3509, %select_n3A_355, %broadcast_in_dim3A_3531 : vector<4x8x2560xi1>, vector<4x8x2560xf32>
      %reduce_sum3A_3533 = arith.constant dense<0.000000e+00> : vector<4xf32>
      %reduce_sum3A_3534 = vector.multi_reduction <add>, %select_n3A_3532, %reduce_sum3A_3533 [1, 2] : vector<4x8x2560xf32> to vector<4xf32>
      %select_n3A_3535 = arith.select %gt3A_3497, %reduce_max3A_3494, %reduce_max3A_432 : vector<4xi1>, vector<4xf32>
      %mul3A_3536 = arith.mulf %reduce_sum3A_3534, %add3A_417 : vector<4xf32>
      %add3A_3537 = arith.addf %reduce_sum3A_3514, %mul3A_3536 : vector<4xf32>
      %broadcast_in_dim3A_3538 = vector.shape_cast %add3A_3537 : vector<4xf32> to vector<4x1x1xf32>
      %max3A_3539 = vector.broadcast %broadcast_in_dim3A_3538 : vector<4x1x1xf32> to vector<4x8x2560xf32>
      %max3A_3540 = arith.maximumf %max3A_3539, %add3A_421 : vector<4x8x2560xf32>
      %add3A_3541 = arith.addf %reduce_sum3A_3519, %mul3A_3536 : vector<4xf32>
      %broadcast_in_dim3A_3542 = vector.shape_cast %add3A_3541 : vector<4xf32> to vector<4x1x1xf32>
      %max3A_3543 = vector.broadcast %broadcast_in_dim3A_3542 : vector<4x1x1xf32> to vector<4x8x2560xf32>
      %max3A_3544 = arith.maximumf %max3A_3543, %add3A_422 : vector<4x8x2560xf32>
      %add3A_3545 = arith.addf %reduce_sum3A_3524, %mul3A_3536 : vector<4xf32>
      %broadcast_in_dim3A_3546 = vector.shape_cast %add3A_3545 : vector<4xf32> to vector<4x1x1xf32>
      %min3A_3547 = vector.broadcast %broadcast_in_dim3A_3546 : vector<4x1x1xf32> to vector<4x8x2560xf32>
      %min3A_3548 = arith.minimumf %min3A_3547, %add3A_423 : vector<4x8x2560xf32>
      %add3A_3549 = arith.addf %reduce_sum3A_3529, %mul3A_3536 : vector<4xf32>
      %broadcast_in_dim3A_3550 = vector.shape_cast %add3A_3549 : vector<4xf32> to vector<4x1x1xf32>
      %min3A_3551 = vector.broadcast %broadcast_in_dim3A_3550 : vector<4x1x1xf32> to vector<4x8x2560xf32>
      %min3A_3552 = arith.minimumf %min3A_3551, %add3A_424 : vector<4x8x2560xf32>
      %sub3A_3553 = arith.subf %min3A_3548, %max3A_3540 : vector<4x8x2560xf32>
      %max3A_3554 = arith.constant 0.000000e+00 : f32
      %max3A_3555 = vector.broadcast %max3A_3554 : f32 to vector<4x8x2560xf32>
      %max3A_3556 = arith.maximumf %sub3A_3553, %max3A_3555 : vector<4x8x2560xf32>
      %sub3A_3557 = arith.subf %min3A_3552, %max3A_3544 : vector<4x8x2560xf32>
      %max3A_3558 = arith.constant 0.000000e+00 : f32
      %max3A_3559 = vector.broadcast %max3A_3558 : f32 to vector<4x8x2560xf32>
      %max3A_3560 = arith.maximumf %sub3A_3557, %max3A_3559 : vector<4x8x2560xf32>
      %mul3A_3561 = arith.mulf %max3A_3556, %max3A_3560 : vector<4x8x2560xf32>
      %sub3A_3562 = arith.subf %reduce_sum3A_3524, %reduce_sum3A_3514 : vector<4xf32>
      %sub3A_3563 = arith.subf %reduce_sum3A_3529, %reduce_sum3A_3519 : vector<4xf32>
      %mul3A_3564 = arith.mulf %sub3A_3562, %sub3A_3563 : vector<4xf32>
      %broadcast_in_dim3A_3565 = vector.shape_cast %mul3A_3564 : vector<4xf32> to vector<4x1x1xf32>
      %add3A_3566 = vector.broadcast %broadcast_in_dim3A_3565 : vector<4x1x1xf32> to vector<4x8x2560xf32>
      %add3A_3567 = arith.addf %add3A_3566, %mul3A_427 : vector<4x8x2560xf32>
      %sub3A_3568 = arith.subf %add3A_3567, %mul3A_3561 : vector<4x8x2560xf32>
      %add3A_3569 = arith.constant 9.99999971E-10 : f32
      %add3A_3570 = vector.broadcast %add3A_3569 : f32 to vector<4x8x2560xf32>
      %add3A_3571 = arith.addf %sub3A_3568, %add3A_3570 : vector<4x8x2560xf32>
      %div3A_3572 = arith.divf %mul3A_3561, %add3A_3571 : vector<4x8x2560xf32>
      %gt3A_3573 = arith.constant 7.500000e-01 : f32
      %gt3A_3574 = vector.broadcast %gt3A_3573 : f32 to vector<4x8x2560xf32>
      %gt3A_3575 = arith.cmpf ogt, %div3A_3572, %gt3A_3574 : vector<4x8x2560xf32>
      %or3A_3576 = arith.ori %gt3A_3575, %eq3A_3509 : vector<4x8x2560xi1>
      %broadcast_in_dim3A_3577 = vector.shape_cast %gt3A_3497 : vector<4xi1> to vector<4x1x1xi1>
      %and3A_3578 = vector.broadcast %broadcast_in_dim3A_3577 : vector<4x1x1xi1> to vector<4x8x2560xi1>
      %and3A_3579 = arith.andi %or3A_3576, %and3A_3578 : vector<4x8x2560xi1>
      %jit3A_3580 = arith.constant 0xFF800000 : f32
      %broadcast_in_dim3A_3581 = vector.broadcast %jit3A_3580 : f32 to vector<4x8x2560xf32>
      %select_n3A_3582 = arith.select %and3A_3579, %broadcast_in_dim3A_3581, %select_n3A_3465 : vector<4x8x2560xi1>, vector<4x8x2560xf32>
      %eq3A_3583 = arith.constant 26 : i32
      %eq3A_3584 = vector.broadcast %eq3A_3583 : i32 to vector<4x64xi32>
      %eq3A_3585 = arith.cmpi eq, %iota3A_440, %eq3A_3584 : vector<4x64xi32>
      %broadcast_in_dim3A_3586 = vector.shape_cast %select_n3A_3506 : vector<4xi32> to vector<4x1xi32>
      %broadcast_in_dim3A_3587 = vector.shape_cast %broadcast_in_dim3A_3586 : vector<4x1xi32> to vector<4x1xi32>
      %broadcast_in_dim3A_3588 = vector.broadcast %broadcast_in_dim3A_3587 : vector<4x1xi32> to vector<4x64xi32>
      %select_n3A_3589 = arith.select %eq3A_3585, %broadcast_in_dim3A_3588, %select_n3A_3472 : vector<4x64xi1>, vector<4x64xi32>
      %broadcast_in_dim3A_3590 = vector.shape_cast %select_n3A_3535 : vector<4xf32> to vector<4x1xf32>
      %broadcast_in_dim3A_3591 = vector.shape_cast %broadcast_in_dim3A_3590 : vector<4x1xf32> to vector<4x1xf32>
      %broadcast_in_dim3A_3592 = vector.broadcast %broadcast_in_dim3A_3591 : vector<4x1xf32> to vector<4x64xf32>
      %select_n3A_3593 = arith.select %eq3A_3585, %broadcast_in_dim3A_3592, %select_n3A_3476 : vector<4x64xi1>, vector<4x64xf32>
      %broadcast_in_dim3A_3594 = vector.shape_cast %reduce_sum3A_3514 : vector<4xf32> to vector<4x1xf32>
      %broadcast_in_dim3A_3595 = vector.shape_cast %broadcast_in_dim3A_3594 : vector<4x1xf32> to vector<4x1xf32>
      %broadcast_in_dim3A_3596 = vector.broadcast %broadcast_in_dim3A_3595 : vector<4x1xf32> to vector<4x64xf32>
      %select_n3A_3597 = arith.select %eq3A_3585, %broadcast_in_dim3A_3596, %select_n3A_3480 : vector<4x64xi1>, vector<4x64xf32>
      %broadcast_in_dim3A_3598 = vector.shape_cast %reduce_sum3A_3519 : vector<4xf32> to vector<4x1xf32>
      %broadcast_in_dim3A_3599 = vector.shape_cast %broadcast_in_dim3A_3598 : vector<4x1xf32> to vector<4x1xf32>
      %broadcast_in_dim3A_3600 = vector.broadcast %broadcast_in_dim3A_3599 : vector<4x1xf32> to vector<4x64xf32>
      %select_n3A_3601 = arith.select %eq3A_3585, %broadcast_in_dim3A_3600, %select_n3A_3484 : vector<4x64xi1>, vector<4x64xf32>
      %broadcast_in_dim3A_3602 = vector.shape_cast %reduce_sum3A_3524 : vector<4xf32> to vector<4x1xf32>
      %broadcast_in_dim3A_3603 = vector.shape_cast %broadcast_in_dim3A_3602 : vector<4x1xf32> to vector<4x1xf32>
      %broadcast_in_dim3A_3604 = vector.broadcast %broadcast_in_dim3A_3603 : vector<4x1xf32> to vector<4x64xf32>
      %select_n3A_3605 = arith.select %eq3A_3585, %broadcast_in_dim3A_3604, %select_n3A_3488 : vector<4x64xi1>, vector<4x64xf32>
      %broadcast_in_dim3A_3606 = vector.shape_cast %reduce_sum3A_3529 : vector<4xf32> to vector<4x1xf32>
      %broadcast_in_dim3A_3607 = vector.shape_cast %broadcast_in_dim3A_3606 : vector<4x1xf32> to vector<4x1xf32>
      %broadcast_in_dim3A_3608 = vector.broadcast %broadcast_in_dim3A_3607 : vector<4x1xf32> to vector<4x64xf32>
      %select_n3A_3609 = arith.select %eq3A_3585, %broadcast_in_dim3A_3608, %select_n3A_3492 : vector<4x64xi1>, vector<4x64xf32>
      %reduce_max3A_3610 = arith.constant dense<0xFF800000> : vector<4xf32>
      %reduce_max3A_3611 = vector.multi_reduction <maximumf>, %select_n3A_3582, %reduce_max3A_3610 [1, 2] : vector<4x8x2560xf32> to vector<4xf32>
      %gt3A_3612 = arith.constant 0xFF800000 : f32
      %gt3A_3613 = vector.broadcast %gt3A_3612 : f32 to vector<4xf32>
      %gt3A_3614 = arith.cmpf ogt, %reduce_max3A_3611, %gt3A_3613 : vector<4xf32>
      %broadcast_in_dim3A_3615 = vector.shape_cast %reduce_max3A_3611 : vector<4xf32> to vector<4x1x1xf32>
      %eq3A_3616 = vector.broadcast %broadcast_in_dim3A_3615 : vector<4x1x1xf32> to vector<4x8x2560xf32>
      %eq3A_3617 = arith.cmpf oeq, %select_n3A_3582, %eq3A_3616 : vector<4x8x2560xf32>
      %jit3A_3618 = arith.constant 1073741824 : i32
      %broadcast_in_dim3A_3619 = vector.broadcast %jit3A_3618 : i32 to vector<4x8x2560xi32>
      %select_n3A_3620 = arith.select %eq3A_3617, %add3A, %broadcast_in_dim3A_3619 : vector<4x8x2560xi1>, vector<4x8x2560xi32>
      %reduce_min3A_3621 = arith.constant dense<2147483647> : vector<4xi32>
      %reduce_min3A_3622 = vector.multi_reduction <minsi>, %select_n3A_3620, %reduce_min3A_3621 [1, 2] : vector<4x8x2560xi32> to vector<4xi32>
      %select_n3A_3623 = arith.select %gt3A_3614, %reduce_min3A_3622, %reduce_min3A_439 : vector<4xi1>, vector<4xi32>
      %broadcast_in_dim3A_3624 = vector.shape_cast %select_n3A_3623 : vector<4xi32> to vector<4x1x1xi32>
      %eq3A_3625 = vector.broadcast %broadcast_in_dim3A_3624 : vector<4x1x1xi32> to vector<4x8x2560xi32>
      %eq3A_3626 = arith.cmpi eq, %add3A, %eq3A_3625 : vector<4x8x2560xi32>
      %jit3A_3627 = arith.constant 0.000000e+00 : f32
      %broadcast_in_dim3A_3628 = vector.broadcast %jit3A_3627 : f32 to vector<4x8x2560xf32>
      %select_n3A_3629 = arith.select %eq3A_3626, %get3A_16, %broadcast_in_dim3A_3628 : vector<4x8x2560xi1>, vector<4x8x2560xf32>
      %reduce_sum3A_3630 = arith.constant dense<0.000000e+00> : vector<4xf32>
      %reduce_sum3A_3631 = vector.multi_reduction <add>, %select_n3A_3629, %reduce_sum3A_3630 [1, 2] : vector<4x8x2560xf32> to vector<4xf32>
      %jit3A_3632 = arith.constant 0.000000e+00 : f32
      %broadcast_in_dim3A_3633 = vector.broadcast %jit3A_3632 : f32 to vector<4x8x2560xf32>
      %select_n3A_3634 = arith.select %eq3A_3626, %get3A_22, %broadcast_in_dim3A_3633 : vector<4x8x2560xi1>, vector<4x8x2560xf32>
      %reduce_sum3A_3635 = arith.constant dense<0.000000e+00> : vector<4xf32>
      %reduce_sum3A_3636 = vector.multi_reduction <add>, %select_n3A_3634, %reduce_sum3A_3635 [1, 2] : vector<4x8x2560xf32> to vector<4xf32>
      %jit3A_3637 = arith.constant 0.000000e+00 : f32
      %broadcast_in_dim3A_3638 = vector.broadcast %jit3A_3637 : f32 to vector<4x8x2560xf32>
      %select_n3A_3639 = arith.select %eq3A_3626, %get3A_28, %broadcast_in_dim3A_3638 : vector<4x8x2560xi1>, vector<4x8x2560xf32>
      %reduce_sum3A_3640 = arith.constant dense<0.000000e+00> : vector<4xf32>
      %reduce_sum3A_3641 = vector.multi_reduction <add>, %select_n3A_3639, %reduce_sum3A_3640 [1, 2] : vector<4x8x2560xf32> to vector<4xf32>
      %jit3A_3642 = arith.constant 0.000000e+00 : f32
      %broadcast_in_dim3A_3643 = vector.broadcast %jit3A_3642 : f32 to vector<4x8x2560xf32>
      %select_n3A_3644 = arith.select %eq3A_3626, %get3A_34, %broadcast_in_dim3A_3643 : vector<4x8x2560xi1>, vector<4x8x2560xf32>
      %reduce_sum3A_3645 = arith.constant dense<0.000000e+00> : vector<4xf32>
      %reduce_sum3A_3646 = vector.multi_reduction <add>, %select_n3A_3644, %reduce_sum3A_3645 [1, 2] : vector<4x8x2560xf32> to vector<4xf32>
      %jit3A_3647 = arith.constant 0.000000e+00 : f32
      %broadcast_in_dim3A_3648 = vector.broadcast %jit3A_3647 : f32 to vector<4x8x2560xf32>
      %select_n3A_3649 = arith.select %eq3A_3626, %select_n3A_355, %broadcast_in_dim3A_3648 : vector<4x8x2560xi1>, vector<4x8x2560xf32>
      %reduce_sum3A_3650 = arith.constant dense<0.000000e+00> : vector<4xf32>
      %reduce_sum3A_3651 = vector.multi_reduction <add>, %select_n3A_3649, %reduce_sum3A_3650 [1, 2] : vector<4x8x2560xf32> to vector<4xf32>
      %select_n3A_3652 = arith.select %gt3A_3614, %reduce_max3A_3611, %reduce_max3A_432 : vector<4xi1>, vector<4xf32>
      %mul3A_3653 = arith.mulf %reduce_sum3A_3651, %add3A_417 : vector<4xf32>
      %add3A_3654 = arith.addf %reduce_sum3A_3631, %mul3A_3653 : vector<4xf32>
      %broadcast_in_dim3A_3655 = vector.shape_cast %add3A_3654 : vector<4xf32> to vector<4x1x1xf32>
      %max3A_3656 = vector.broadcast %broadcast_in_dim3A_3655 : vector<4x1x1xf32> to vector<4x8x2560xf32>
      %max3A_3657 = arith.maximumf %max3A_3656, %add3A_421 : vector<4x8x2560xf32>
      %add3A_3658 = arith.addf %reduce_sum3A_3636, %mul3A_3653 : vector<4xf32>
      %broadcast_in_dim3A_3659 = vector.shape_cast %add3A_3658 : vector<4xf32> to vector<4x1x1xf32>
      %max3A_3660 = vector.broadcast %broadcast_in_dim3A_3659 : vector<4x1x1xf32> to vector<4x8x2560xf32>
      %max3A_3661 = arith.maximumf %max3A_3660, %add3A_422 : vector<4x8x2560xf32>
      %add3A_3662 = arith.addf %reduce_sum3A_3641, %mul3A_3653 : vector<4xf32>
      %broadcast_in_dim3A_3663 = vector.shape_cast %add3A_3662 : vector<4xf32> to vector<4x1x1xf32>
      %min3A_3664 = vector.broadcast %broadcast_in_dim3A_3663 : vector<4x1x1xf32> to vector<4x8x2560xf32>
      %min3A_3665 = arith.minimumf %min3A_3664, %add3A_423 : vector<4x8x2560xf32>
      %add3A_3666 = arith.addf %reduce_sum3A_3646, %mul3A_3653 : vector<4xf32>
      %broadcast_in_dim3A_3667 = vector.shape_cast %add3A_3666 : vector<4xf32> to vector<4x1x1xf32>
      %min3A_3668 = vector.broadcast %broadcast_in_dim3A_3667 : vector<4x1x1xf32> to vector<4x8x2560xf32>
      %min3A_3669 = arith.minimumf %min3A_3668, %add3A_424 : vector<4x8x2560xf32>
      %sub3A_3670 = arith.subf %min3A_3665, %max3A_3657 : vector<4x8x2560xf32>
      %max3A_3671 = arith.constant 0.000000e+00 : f32
      %max3A_3672 = vector.broadcast %max3A_3671 : f32 to vector<4x8x2560xf32>
      %max3A_3673 = arith.maximumf %sub3A_3670, %max3A_3672 : vector<4x8x2560xf32>
      %sub3A_3674 = arith.subf %min3A_3669, %max3A_3661 : vector<4x8x2560xf32>
      %max3A_3675 = arith.constant 0.000000e+00 : f32
      %max3A_3676 = vector.broadcast %max3A_3675 : f32 to vector<4x8x2560xf32>
      %max3A_3677 = arith.maximumf %sub3A_3674, %max3A_3676 : vector<4x8x2560xf32>
      %mul3A_3678 = arith.mulf %max3A_3673, %max3A_3677 : vector<4x8x2560xf32>
      %sub3A_3679 = arith.subf %reduce_sum3A_3641, %reduce_sum3A_3631 : vector<4xf32>
      %sub3A_3680 = arith.subf %reduce_sum3A_3646, %reduce_sum3A_3636 : vector<4xf32>
      %mul3A_3681 = arith.mulf %sub3A_3679, %sub3A_3680 : vector<4xf32>
      %broadcast_in_dim3A_3682 = vector.shape_cast %mul3A_3681 : vector<4xf32> to vector<4x1x1xf32>
      %add3A_3683 = vector.broadcast %broadcast_in_dim3A_3682 : vector<4x1x1xf32> to vector<4x8x2560xf32>
      %add3A_3684 = arith.addf %add3A_3683, %mul3A_427 : vector<4x8x2560xf32>
      %sub3A_3685 = arith.subf %add3A_3684, %mul3A_3678 : vector<4x8x2560xf32>
      %add3A_3686 = arith.constant 9.99999971E-10 : f32
      %add3A_3687 = vector.broadcast %add3A_3686 : f32 to vector<4x8x2560xf32>
      %add3A_3688 = arith.addf %sub3A_3685, %add3A_3687 : vector<4x8x2560xf32>
      %div3A_3689 = arith.divf %mul3A_3678, %add3A_3688 : vector<4x8x2560xf32>
      %gt3A_3690 = arith.constant 7.500000e-01 : f32
      %gt3A_3691 = vector.broadcast %gt3A_3690 : f32 to vector<4x8x2560xf32>
      %gt3A_3692 = arith.cmpf ogt, %div3A_3689, %gt3A_3691 : vector<4x8x2560xf32>
      %or3A_3693 = arith.ori %gt3A_3692, %eq3A_3626 : vector<4x8x2560xi1>
      %broadcast_in_dim3A_3694 = vector.shape_cast %gt3A_3614 : vector<4xi1> to vector<4x1x1xi1>
      %and3A_3695 = vector.broadcast %broadcast_in_dim3A_3694 : vector<4x1x1xi1> to vector<4x8x2560xi1>
      %and3A_3696 = arith.andi %or3A_3693, %and3A_3695 : vector<4x8x2560xi1>
      %jit3A_3697 = arith.constant 0xFF800000 : f32
      %broadcast_in_dim3A_3698 = vector.broadcast %jit3A_3697 : f32 to vector<4x8x2560xf32>
      %select_n3A_3699 = arith.select %and3A_3696, %broadcast_in_dim3A_3698, %select_n3A_3582 : vector<4x8x2560xi1>, vector<4x8x2560xf32>
      %eq3A_3700 = arith.constant 27 : i32
      %eq3A_3701 = vector.broadcast %eq3A_3700 : i32 to vector<4x64xi32>
      %eq3A_3702 = arith.cmpi eq, %iota3A_440, %eq3A_3701 : vector<4x64xi32>
      %broadcast_in_dim3A_3703 = vector.shape_cast %select_n3A_3623 : vector<4xi32> to vector<4x1xi32>
      %broadcast_in_dim3A_3704 = vector.shape_cast %broadcast_in_dim3A_3703 : vector<4x1xi32> to vector<4x1xi32>
      %broadcast_in_dim3A_3705 = vector.broadcast %broadcast_in_dim3A_3704 : vector<4x1xi32> to vector<4x64xi32>
      %select_n3A_3706 = arith.select %eq3A_3702, %broadcast_in_dim3A_3705, %select_n3A_3589 : vector<4x64xi1>, vector<4x64xi32>
      %broadcast_in_dim3A_3707 = vector.shape_cast %select_n3A_3652 : vector<4xf32> to vector<4x1xf32>
      %broadcast_in_dim3A_3708 = vector.shape_cast %broadcast_in_dim3A_3707 : vector<4x1xf32> to vector<4x1xf32>
      %broadcast_in_dim3A_3709 = vector.broadcast %broadcast_in_dim3A_3708 : vector<4x1xf32> to vector<4x64xf32>
      %select_n3A_3710 = arith.select %eq3A_3702, %broadcast_in_dim3A_3709, %select_n3A_3593 : vector<4x64xi1>, vector<4x64xf32>
      %broadcast_in_dim3A_3711 = vector.shape_cast %reduce_sum3A_3631 : vector<4xf32> to vector<4x1xf32>
      %broadcast_in_dim3A_3712 = vector.shape_cast %broadcast_in_dim3A_3711 : vector<4x1xf32> to vector<4x1xf32>
      %broadcast_in_dim3A_3713 = vector.broadcast %broadcast_in_dim3A_3712 : vector<4x1xf32> to vector<4x64xf32>
      %select_n3A_3714 = arith.select %eq3A_3702, %broadcast_in_dim3A_3713, %select_n3A_3597 : vector<4x64xi1>, vector<4x64xf32>
      %broadcast_in_dim3A_3715 = vector.shape_cast %reduce_sum3A_3636 : vector<4xf32> to vector<4x1xf32>
      %broadcast_in_dim3A_3716 = vector.shape_cast %broadcast_in_dim3A_3715 : vector<4x1xf32> to vector<4x1xf32>
      %broadcast_in_dim3A_3717 = vector.broadcast %broadcast_in_dim3A_3716 : vector<4x1xf32> to vector<4x64xf32>
      %select_n3A_3718 = arith.select %eq3A_3702, %broadcast_in_dim3A_3717, %select_n3A_3601 : vector<4x64xi1>, vector<4x64xf32>
      %broadcast_in_dim3A_3719 = vector.shape_cast %reduce_sum3A_3641 : vector<4xf32> to vector<4x1xf32>
      %broadcast_in_dim3A_3720 = vector.shape_cast %broadcast_in_dim3A_3719 : vector<4x1xf32> to vector<4x1xf32>
      %broadcast_in_dim3A_3721 = vector.broadcast %broadcast_in_dim3A_3720 : vector<4x1xf32> to vector<4x64xf32>
      %select_n3A_3722 = arith.select %eq3A_3702, %broadcast_in_dim3A_3721, %select_n3A_3605 : vector<4x64xi1>, vector<4x64xf32>
      %broadcast_in_dim3A_3723 = vector.shape_cast %reduce_sum3A_3646 : vector<4xf32> to vector<4x1xf32>
      %broadcast_in_dim3A_3724 = vector.shape_cast %broadcast_in_dim3A_3723 : vector<4x1xf32> to vector<4x1xf32>
      %broadcast_in_dim3A_3725 = vector.broadcast %broadcast_in_dim3A_3724 : vector<4x1xf32> to vector<4x64xf32>
      %select_n3A_3726 = arith.select %eq3A_3702, %broadcast_in_dim3A_3725, %select_n3A_3609 : vector<4x64xi1>, vector<4x64xf32>
      %reduce_max3A_3727 = arith.constant dense<0xFF800000> : vector<4xf32>
      %reduce_max3A_3728 = vector.multi_reduction <maximumf>, %select_n3A_3699, %reduce_max3A_3727 [1, 2] : vector<4x8x2560xf32> to vector<4xf32>
      %gt3A_3729 = arith.constant 0xFF800000 : f32
      %gt3A_3730 = vector.broadcast %gt3A_3729 : f32 to vector<4xf32>
      %gt3A_3731 = arith.cmpf ogt, %reduce_max3A_3728, %gt3A_3730 : vector<4xf32>
      %broadcast_in_dim3A_3732 = vector.shape_cast %reduce_max3A_3728 : vector<4xf32> to vector<4x1x1xf32>
      %eq3A_3733 = vector.broadcast %broadcast_in_dim3A_3732 : vector<4x1x1xf32> to vector<4x8x2560xf32>
      %eq3A_3734 = arith.cmpf oeq, %select_n3A_3699, %eq3A_3733 : vector<4x8x2560xf32>
      %jit3A_3735 = arith.constant 1073741824 : i32
      %broadcast_in_dim3A_3736 = vector.broadcast %jit3A_3735 : i32 to vector<4x8x2560xi32>
      %select_n3A_3737 = arith.select %eq3A_3734, %add3A, %broadcast_in_dim3A_3736 : vector<4x8x2560xi1>, vector<4x8x2560xi32>
      %reduce_min3A_3738 = arith.constant dense<2147483647> : vector<4xi32>
      %reduce_min3A_3739 = vector.multi_reduction <minsi>, %select_n3A_3737, %reduce_min3A_3738 [1, 2] : vector<4x8x2560xi32> to vector<4xi32>
      %select_n3A_3740 = arith.select %gt3A_3731, %reduce_min3A_3739, %reduce_min3A_439 : vector<4xi1>, vector<4xi32>
      %broadcast_in_dim3A_3741 = vector.shape_cast %select_n3A_3740 : vector<4xi32> to vector<4x1x1xi32>
      %eq3A_3742 = vector.broadcast %broadcast_in_dim3A_3741 : vector<4x1x1xi32> to vector<4x8x2560xi32>
      %eq3A_3743 = arith.cmpi eq, %add3A, %eq3A_3742 : vector<4x8x2560xi32>
      %jit3A_3744 = arith.constant 0.000000e+00 : f32
      %broadcast_in_dim3A_3745 = vector.broadcast %jit3A_3744 : f32 to vector<4x8x2560xf32>
      %select_n3A_3746 = arith.select %eq3A_3743, %get3A_16, %broadcast_in_dim3A_3745 : vector<4x8x2560xi1>, vector<4x8x2560xf32>
      %reduce_sum3A_3747 = arith.constant dense<0.000000e+00> : vector<4xf32>
      %reduce_sum3A_3748 = vector.multi_reduction <add>, %select_n3A_3746, %reduce_sum3A_3747 [1, 2] : vector<4x8x2560xf32> to vector<4xf32>
      %jit3A_3749 = arith.constant 0.000000e+00 : f32
      %broadcast_in_dim3A_3750 = vector.broadcast %jit3A_3749 : f32 to vector<4x8x2560xf32>
      %select_n3A_3751 = arith.select %eq3A_3743, %get3A_22, %broadcast_in_dim3A_3750 : vector<4x8x2560xi1>, vector<4x8x2560xf32>
      %reduce_sum3A_3752 = arith.constant dense<0.000000e+00> : vector<4xf32>
      %reduce_sum3A_3753 = vector.multi_reduction <add>, %select_n3A_3751, %reduce_sum3A_3752 [1, 2] : vector<4x8x2560xf32> to vector<4xf32>
      %jit3A_3754 = arith.constant 0.000000e+00 : f32
      %broadcast_in_dim3A_3755 = vector.broadcast %jit3A_3754 : f32 to vector<4x8x2560xf32>
      %select_n3A_3756 = arith.select %eq3A_3743, %get3A_28, %broadcast_in_dim3A_3755 : vector<4x8x2560xi1>, vector<4x8x2560xf32>
      %reduce_sum3A_3757 = arith.constant dense<0.000000e+00> : vector<4xf32>
      %reduce_sum3A_3758 = vector.multi_reduction <add>, %select_n3A_3756, %reduce_sum3A_3757 [1, 2] : vector<4x8x2560xf32> to vector<4xf32>
      %jit3A_3759 = arith.constant 0.000000e+00 : f32
      %broadcast_in_dim3A_3760 = vector.broadcast %jit3A_3759 : f32 to vector<4x8x2560xf32>
      %select_n3A_3761 = arith.select %eq3A_3743, %get3A_34, %broadcast_in_dim3A_3760 : vector<4x8x2560xi1>, vector<4x8x2560xf32>
      %reduce_sum3A_3762 = arith.constant dense<0.000000e+00> : vector<4xf32>
      %reduce_sum3A_3763 = vector.multi_reduction <add>, %select_n3A_3761, %reduce_sum3A_3762 [1, 2] : vector<4x8x2560xf32> to vector<4xf32>
      %jit3A_3764 = arith.constant 0.000000e+00 : f32
      %broadcast_in_dim3A_3765 = vector.broadcast %jit3A_3764 : f32 to vector<4x8x2560xf32>
      %select_n3A_3766 = arith.select %eq3A_3743, %select_n3A_355, %broadcast_in_dim3A_3765 : vector<4x8x2560xi1>, vector<4x8x2560xf32>
      %reduce_sum3A_3767 = arith.constant dense<0.000000e+00> : vector<4xf32>
      %reduce_sum3A_3768 = vector.multi_reduction <add>, %select_n3A_3766, %reduce_sum3A_3767 [1, 2] : vector<4x8x2560xf32> to vector<4xf32>
      %select_n3A_3769 = arith.select %gt3A_3731, %reduce_max3A_3728, %reduce_max3A_432 : vector<4xi1>, vector<4xf32>
      %mul3A_3770 = arith.mulf %reduce_sum3A_3768, %add3A_417 : vector<4xf32>
      %add3A_3771 = arith.addf %reduce_sum3A_3748, %mul3A_3770 : vector<4xf32>
      %broadcast_in_dim3A_3772 = vector.shape_cast %add3A_3771 : vector<4xf32> to vector<4x1x1xf32>
      %max3A_3773 = vector.broadcast %broadcast_in_dim3A_3772 : vector<4x1x1xf32> to vector<4x8x2560xf32>
      %max3A_3774 = arith.maximumf %max3A_3773, %add3A_421 : vector<4x8x2560xf32>
      %add3A_3775 = arith.addf %reduce_sum3A_3753, %mul3A_3770 : vector<4xf32>
      %broadcast_in_dim3A_3776 = vector.shape_cast %add3A_3775 : vector<4xf32> to vector<4x1x1xf32>
      %max3A_3777 = vector.broadcast %broadcast_in_dim3A_3776 : vector<4x1x1xf32> to vector<4x8x2560xf32>
      %max3A_3778 = arith.maximumf %max3A_3777, %add3A_422 : vector<4x8x2560xf32>
      %add3A_3779 = arith.addf %reduce_sum3A_3758, %mul3A_3770 : vector<4xf32>
      %broadcast_in_dim3A_3780 = vector.shape_cast %add3A_3779 : vector<4xf32> to vector<4x1x1xf32>
      %min3A_3781 = vector.broadcast %broadcast_in_dim3A_3780 : vector<4x1x1xf32> to vector<4x8x2560xf32>
      %min3A_3782 = arith.minimumf %min3A_3781, %add3A_423 : vector<4x8x2560xf32>
      %add3A_3783 = arith.addf %reduce_sum3A_3763, %mul3A_3770 : vector<4xf32>
      %broadcast_in_dim3A_3784 = vector.shape_cast %add3A_3783 : vector<4xf32> to vector<4x1x1xf32>
      %min3A_3785 = vector.broadcast %broadcast_in_dim3A_3784 : vector<4x1x1xf32> to vector<4x8x2560xf32>
      %min3A_3786 = arith.minimumf %min3A_3785, %add3A_424 : vector<4x8x2560xf32>
      %sub3A_3787 = arith.subf %min3A_3782, %max3A_3774 : vector<4x8x2560xf32>
      %max3A_3788 = arith.constant 0.000000e+00 : f32
      %max3A_3789 = vector.broadcast %max3A_3788 : f32 to vector<4x8x2560xf32>
      %max3A_3790 = arith.maximumf %sub3A_3787, %max3A_3789 : vector<4x8x2560xf32>
      %sub3A_3791 = arith.subf %min3A_3786, %max3A_3778 : vector<4x8x2560xf32>
      %max3A_3792 = arith.constant 0.000000e+00 : f32
      %max3A_3793 = vector.broadcast %max3A_3792 : f32 to vector<4x8x2560xf32>
      %max3A_3794 = arith.maximumf %sub3A_3791, %max3A_3793 : vector<4x8x2560xf32>
      %mul3A_3795 = arith.mulf %max3A_3790, %max3A_3794 : vector<4x8x2560xf32>
      %sub3A_3796 = arith.subf %reduce_sum3A_3758, %reduce_sum3A_3748 : vector<4xf32>
      %sub3A_3797 = arith.subf %reduce_sum3A_3763, %reduce_sum3A_3753 : vector<4xf32>
      %mul3A_3798 = arith.mulf %sub3A_3796, %sub3A_3797 : vector<4xf32>
      %broadcast_in_dim3A_3799 = vector.shape_cast %mul3A_3798 : vector<4xf32> to vector<4x1x1xf32>
      %add3A_3800 = vector.broadcast %broadcast_in_dim3A_3799 : vector<4x1x1xf32> to vector<4x8x2560xf32>
      %add3A_3801 = arith.addf %add3A_3800, %mul3A_427 : vector<4x8x2560xf32>
      %sub3A_3802 = arith.subf %add3A_3801, %mul3A_3795 : vector<4x8x2560xf32>
      %add3A_3803 = arith.constant 9.99999971E-10 : f32
      %add3A_3804 = vector.broadcast %add3A_3803 : f32 to vector<4x8x2560xf32>
      %add3A_3805 = arith.addf %sub3A_3802, %add3A_3804 : vector<4x8x2560xf32>
      %div3A_3806 = arith.divf %mul3A_3795, %add3A_3805 : vector<4x8x2560xf32>
      %gt3A_3807 = arith.constant 7.500000e-01 : f32
      %gt3A_3808 = vector.broadcast %gt3A_3807 : f32 to vector<4x8x2560xf32>
      %gt3A_3809 = arith.cmpf ogt, %div3A_3806, %gt3A_3808 : vector<4x8x2560xf32>
      %or3A_3810 = arith.ori %gt3A_3809, %eq3A_3743 : vector<4x8x2560xi1>
      %broadcast_in_dim3A_3811 = vector.shape_cast %gt3A_3731 : vector<4xi1> to vector<4x1x1xi1>
      %and3A_3812 = vector.broadcast %broadcast_in_dim3A_3811 : vector<4x1x1xi1> to vector<4x8x2560xi1>
      %and3A_3813 = arith.andi %or3A_3810, %and3A_3812 : vector<4x8x2560xi1>
      %jit3A_3814 = arith.constant 0xFF800000 : f32
      %broadcast_in_dim3A_3815 = vector.broadcast %jit3A_3814 : f32 to vector<4x8x2560xf32>
      %select_n3A_3816 = arith.select %and3A_3813, %broadcast_in_dim3A_3815, %select_n3A_3699 : vector<4x8x2560xi1>, vector<4x8x2560xf32>
      %eq3A_3817 = arith.constant 28 : i32
      %eq3A_3818 = vector.broadcast %eq3A_3817 : i32 to vector<4x64xi32>
      %eq3A_3819 = arith.cmpi eq, %iota3A_440, %eq3A_3818 : vector<4x64xi32>
      %broadcast_in_dim3A_3820 = vector.shape_cast %select_n3A_3740 : vector<4xi32> to vector<4x1xi32>
      %broadcast_in_dim3A_3821 = vector.shape_cast %broadcast_in_dim3A_3820 : vector<4x1xi32> to vector<4x1xi32>
      %broadcast_in_dim3A_3822 = vector.broadcast %broadcast_in_dim3A_3821 : vector<4x1xi32> to vector<4x64xi32>
      %select_n3A_3823 = arith.select %eq3A_3819, %broadcast_in_dim3A_3822, %select_n3A_3706 : vector<4x64xi1>, vector<4x64xi32>
      %broadcast_in_dim3A_3824 = vector.shape_cast %select_n3A_3769 : vector<4xf32> to vector<4x1xf32>
      %broadcast_in_dim3A_3825 = vector.shape_cast %broadcast_in_dim3A_3824 : vector<4x1xf32> to vector<4x1xf32>
      %broadcast_in_dim3A_3826 = vector.broadcast %broadcast_in_dim3A_3825 : vector<4x1xf32> to vector<4x64xf32>
      %select_n3A_3827 = arith.select %eq3A_3819, %broadcast_in_dim3A_3826, %select_n3A_3710 : vector<4x64xi1>, vector<4x64xf32>
      %broadcast_in_dim3A_3828 = vector.shape_cast %reduce_sum3A_3748 : vector<4xf32> to vector<4x1xf32>
      %broadcast_in_dim3A_3829 = vector.shape_cast %broadcast_in_dim3A_3828 : vector<4x1xf32> to vector<4x1xf32>
      %broadcast_in_dim3A_3830 = vector.broadcast %broadcast_in_dim3A_3829 : vector<4x1xf32> to vector<4x64xf32>
      %select_n3A_3831 = arith.select %eq3A_3819, %broadcast_in_dim3A_3830, %select_n3A_3714 : vector<4x64xi1>, vector<4x64xf32>
      %broadcast_in_dim3A_3832 = vector.shape_cast %reduce_sum3A_3753 : vector<4xf32> to vector<4x1xf32>
      %broadcast_in_dim3A_3833 = vector.shape_cast %broadcast_in_dim3A_3832 : vector<4x1xf32> to vector<4x1xf32>
      %broadcast_in_dim3A_3834 = vector.broadcast %broadcast_in_dim3A_3833 : vector<4x1xf32> to vector<4x64xf32>
      %select_n3A_3835 = arith.select %eq3A_3819, %broadcast_in_dim3A_3834, %select_n3A_3718 : vector<4x64xi1>, vector<4x64xf32>
      %broadcast_in_dim3A_3836 = vector.shape_cast %reduce_sum3A_3758 : vector<4xf32> to vector<4x1xf32>
      %broadcast_in_dim3A_3837 = vector.shape_cast %broadcast_in_dim3A_3836 : vector<4x1xf32> to vector<4x1xf32>
      %broadcast_in_dim3A_3838 = vector.broadcast %broadcast_in_dim3A_3837 : vector<4x1xf32> to vector<4x64xf32>
      %select_n3A_3839 = arith.select %eq3A_3819, %broadcast_in_dim3A_3838, %select_n3A_3722 : vector<4x64xi1>, vector<4x64xf32>
      %broadcast_in_dim3A_3840 = vector.shape_cast %reduce_sum3A_3763 : vector<4xf32> to vector<4x1xf32>
      %broadcast_in_dim3A_3841 = vector.shape_cast %broadcast_in_dim3A_3840 : vector<4x1xf32> to vector<4x1xf32>
      %broadcast_in_dim3A_3842 = vector.broadcast %broadcast_in_dim3A_3841 : vector<4x1xf32> to vector<4x64xf32>
      %select_n3A_3843 = arith.select %eq3A_3819, %broadcast_in_dim3A_3842, %select_n3A_3726 : vector<4x64xi1>, vector<4x64xf32>
      %reduce_max3A_3844 = arith.constant dense<0xFF800000> : vector<4xf32>
      %reduce_max3A_3845 = vector.multi_reduction <maximumf>, %select_n3A_3816, %reduce_max3A_3844 [1, 2] : vector<4x8x2560xf32> to vector<4xf32>
      %gt3A_3846 = arith.constant 0xFF800000 : f32
      %gt3A_3847 = vector.broadcast %gt3A_3846 : f32 to vector<4xf32>
      %gt3A_3848 = arith.cmpf ogt, %reduce_max3A_3845, %gt3A_3847 : vector<4xf32>
      %broadcast_in_dim3A_3849 = vector.shape_cast %reduce_max3A_3845 : vector<4xf32> to vector<4x1x1xf32>
      %eq3A_3850 = vector.broadcast %broadcast_in_dim3A_3849 : vector<4x1x1xf32> to vector<4x8x2560xf32>
      %eq3A_3851 = arith.cmpf oeq, %select_n3A_3816, %eq3A_3850 : vector<4x8x2560xf32>
      %jit3A_3852 = arith.constant 1073741824 : i32
      %broadcast_in_dim3A_3853 = vector.broadcast %jit3A_3852 : i32 to vector<4x8x2560xi32>
      %select_n3A_3854 = arith.select %eq3A_3851, %add3A, %broadcast_in_dim3A_3853 : vector<4x8x2560xi1>, vector<4x8x2560xi32>
      %reduce_min3A_3855 = arith.constant dense<2147483647> : vector<4xi32>
      %reduce_min3A_3856 = vector.multi_reduction <minsi>, %select_n3A_3854, %reduce_min3A_3855 [1, 2] : vector<4x8x2560xi32> to vector<4xi32>
      %select_n3A_3857 = arith.select %gt3A_3848, %reduce_min3A_3856, %reduce_min3A_439 : vector<4xi1>, vector<4xi32>
      %broadcast_in_dim3A_3858 = vector.shape_cast %select_n3A_3857 : vector<4xi32> to vector<4x1x1xi32>
      %eq3A_3859 = vector.broadcast %broadcast_in_dim3A_3858 : vector<4x1x1xi32> to vector<4x8x2560xi32>
      %eq3A_3860 = arith.cmpi eq, %add3A, %eq3A_3859 : vector<4x8x2560xi32>
      %jit3A_3861 = arith.constant 0.000000e+00 : f32
      %broadcast_in_dim3A_3862 = vector.broadcast %jit3A_3861 : f32 to vector<4x8x2560xf32>
      %select_n3A_3863 = arith.select %eq3A_3860, %get3A_16, %broadcast_in_dim3A_3862 : vector<4x8x2560xi1>, vector<4x8x2560xf32>
      %reduce_sum3A_3864 = arith.constant dense<0.000000e+00> : vector<4xf32>
      %reduce_sum3A_3865 = vector.multi_reduction <add>, %select_n3A_3863, %reduce_sum3A_3864 [1, 2] : vector<4x8x2560xf32> to vector<4xf32>
      %jit3A_3866 = arith.constant 0.000000e+00 : f32
      %broadcast_in_dim3A_3867 = vector.broadcast %jit3A_3866 : f32 to vector<4x8x2560xf32>
      %select_n3A_3868 = arith.select %eq3A_3860, %get3A_22, %broadcast_in_dim3A_3867 : vector<4x8x2560xi1>, vector<4x8x2560xf32>
      %reduce_sum3A_3869 = arith.constant dense<0.000000e+00> : vector<4xf32>
      %reduce_sum3A_3870 = vector.multi_reduction <add>, %select_n3A_3868, %reduce_sum3A_3869 [1, 2] : vector<4x8x2560xf32> to vector<4xf32>
      %jit3A_3871 = arith.constant 0.000000e+00 : f32
      %broadcast_in_dim3A_3872 = vector.broadcast %jit3A_3871 : f32 to vector<4x8x2560xf32>
      %select_n3A_3873 = arith.select %eq3A_3860, %get3A_28, %broadcast_in_dim3A_3872 : vector<4x8x2560xi1>, vector<4x8x2560xf32>
      %reduce_sum3A_3874 = arith.constant dense<0.000000e+00> : vector<4xf32>
      %reduce_sum3A_3875 = vector.multi_reduction <add>, %select_n3A_3873, %reduce_sum3A_3874 [1, 2] : vector<4x8x2560xf32> to vector<4xf32>
      %jit3A_3876 = arith.constant 0.000000e+00 : f32
      %broadcast_in_dim3A_3877 = vector.broadcast %jit3A_3876 : f32 to vector<4x8x2560xf32>
      %select_n3A_3878 = arith.select %eq3A_3860, %get3A_34, %broadcast_in_dim3A_3877 : vector<4x8x2560xi1>, vector<4x8x2560xf32>
      %reduce_sum3A_3879 = arith.constant dense<0.000000e+00> : vector<4xf32>
      %reduce_sum3A_3880 = vector.multi_reduction <add>, %select_n3A_3878, %reduce_sum3A_3879 [1, 2] : vector<4x8x2560xf32> to vector<4xf32>
      %select_n3A_3881 = arith.select %gt3A_3848, %reduce_max3A_3845, %reduce_max3A_432 : vector<4xi1>, vector<4xf32>
      %eq3A_3882 = arith.constant 29 : i32
      %eq3A_3883 = vector.broadcast %eq3A_3882 : i32 to vector<4x64xi32>
      %eq3A_3884 = arith.cmpi eq, %iota3A_440, %eq3A_3883 : vector<4x64xi32>
      %broadcast_in_dim3A_3885 = vector.shape_cast %select_n3A_3857 : vector<4xi32> to vector<4x1xi32>
      %broadcast_in_dim3A_3886 = vector.shape_cast %broadcast_in_dim3A_3885 : vector<4x1xi32> to vector<4x1xi32>
      %broadcast_in_dim3A_3887 = vector.broadcast %broadcast_in_dim3A_3886 : vector<4x1xi32> to vector<4x64xi32>
      %select_n3A_3888 = arith.select %eq3A_3884, %broadcast_in_dim3A_3887, %select_n3A_3823 : vector<4x64xi1>, vector<4x64xi32>
      %broadcast_in_dim3A_3889 = vector.shape_cast %select_n3A_3881 : vector<4xf32> to vector<4x1xf32>
      %broadcast_in_dim3A_3890 = vector.shape_cast %broadcast_in_dim3A_3889 : vector<4x1xf32> to vector<4x1xf32>
      %broadcast_in_dim3A_3891 = vector.broadcast %broadcast_in_dim3A_3890 : vector<4x1xf32> to vector<4x64xf32>
      %select_n3A_3892 = arith.select %eq3A_3884, %broadcast_in_dim3A_3891, %select_n3A_3827 : vector<4x64xi1>, vector<4x64xf32>
      %broadcast_in_dim3A_3893 = vector.shape_cast %reduce_sum3A_3865 : vector<4xf32> to vector<4x1xf32>
      %broadcast_in_dim3A_3894 = vector.shape_cast %broadcast_in_dim3A_3893 : vector<4x1xf32> to vector<4x1xf32>
      %broadcast_in_dim3A_3895 = vector.broadcast %broadcast_in_dim3A_3894 : vector<4x1xf32> to vector<4x64xf32>
      %select_n3A_3896 = arith.select %eq3A_3884, %broadcast_in_dim3A_3895, %select_n3A_3831 : vector<4x64xi1>, vector<4x64xf32>
      %broadcast_in_dim3A_3897 = vector.shape_cast %reduce_sum3A_3870 : vector<4xf32> to vector<4x1xf32>
      %broadcast_in_dim3A_3898 = vector.shape_cast %broadcast_in_dim3A_3897 : vector<4x1xf32> to vector<4x1xf32>
      %broadcast_in_dim3A_3899 = vector.broadcast %broadcast_in_dim3A_3898 : vector<4x1xf32> to vector<4x64xf32>
      %select_n3A_3900 = arith.select %eq3A_3884, %broadcast_in_dim3A_3899, %select_n3A_3835 : vector<4x64xi1>, vector<4x64xf32>
      %broadcast_in_dim3A_3901 = vector.shape_cast %reduce_sum3A_3875 : vector<4xf32> to vector<4x1xf32>
      %broadcast_in_dim3A_3902 = vector.shape_cast %broadcast_in_dim3A_3901 : vector<4x1xf32> to vector<4x1xf32>
      %broadcast_in_dim3A_3903 = vector.broadcast %broadcast_in_dim3A_3902 : vector<4x1xf32> to vector<4x64xf32>
      %select_n3A_3904 = arith.select %eq3A_3884, %broadcast_in_dim3A_3903, %select_n3A_3839 : vector<4x64xi1>, vector<4x64xf32>
      %broadcast_in_dim3A_3905 = vector.shape_cast %reduce_sum3A_3880 : vector<4xf32> to vector<4x1xf32>
      %broadcast_in_dim3A_3906 = vector.shape_cast %broadcast_in_dim3A_3905 : vector<4x1xf32> to vector<4x1xf32>
      %broadcast_in_dim3A_3907 = vector.broadcast %broadcast_in_dim3A_3906 : vector<4x1xf32> to vector<4x64xf32>
      %select_n3A_3908 = arith.select %eq3A_3884, %broadcast_in_dim3A_3907, %select_n3A_3843 : vector<4x64xi1>, vector<4x64xf32>
      %swap3A_3909 = arith.constant 0 : index
      %swap3A_3910 = arith.constant 0 : index
      %swap3A_3911 = vector.load %arg2[%swap3A_3909, %swap3A_3910] : memref<4x64xi32, #tpu.memory_space<vmem>>, vector<4x64xi32>
      tpu.vector_store %arg2[%swap3A_3909, %swap3A_3910], %select_n3A_3888 {strides = array<i32>} : memref<4x64xi32, #tpu.memory_space<vmem>>, vector<4x64xi32>,
      %swap3A_3912 = arith.constant 0 : index
      %swap3A_3913 = arith.constant 0 : index
      %swap3A_3914 = vector.load %arg4[%swap3A_3912, %swap3A_3913] : memref<4x64xf32, #tpu.memory_space<vmem>>, vector<4x64xf32>
      tpu.vector_store %arg4[%swap3A_3912, %swap3A_3913], %select_n3A_3892 {strides = array<i32>} : memref<4x64xf32, #tpu.memory_space<vmem>>, vector<4x64xf32>,
      %swap3A_3915 = arith.constant 0 : index
      %swap3A_3916 = arith.constant 0 : index
      %swap3A_3917 = arith.constant 0 : index
      %swap3A_3918 = vector.load %arg3[%swap3A_3915, %swap3A_3916, %swap3A_3917] : memref<4x4x64xf32, #tpu.memory_space<vmem>>, vector<4x1x64xf32>
      %swap3A_3919 = vector.shape_cast %swap3A_3918 : vector<4x1x64xf32> to vector<4x64xf32>
      %swap3A_3920 = vector.shape_cast %select_n3A_3896 : vector<4x64xf32> to vector<4x1x64xf32>
      tpu.vector_store %arg3[%swap3A_3915, %swap3A_3916, %swap3A_3917], %swap3A_3920 {strides = array<i32>} : memref<4x4x64xf32, #tpu.memory_space<vmem>>, vector<4x1x64xf32>,
      %swap3A_3921 = arith.constant 0 : index
      %swap3A_3922 = arith.constant 1 : index
      %swap3A_3923 = arith.constant 0 : index
      %swap3A_3924 = vector.load %arg3[%swap3A_3921, %swap3A_3922, %swap3A_3923] : memref<4x4x64xf32, #tpu.memory_space<vmem>>, vector<4x1x64xf32>
      %swap3A_3925 = vector.shape_cast %swap3A_3924 : vector<4x1x64xf32> to vector<4x64xf32>
      %swap3A_3926 = vector.shape_cast %select_n3A_3900 : vector<4x64xf32> to vector<4x1x64xf32>
      tpu.vector_store %arg3[%swap3A_3921, %swap3A_3922, %swap3A_3923], %swap3A_3926 {strides = array<i32>} : memref<4x4x64xf32, #tpu.memory_space<vmem>>, vector<4x1x64xf32>,
      %swap3A_3927 = arith.constant 0 : index
      %swap3A_3928 = arith.constant 2 : index
      %swap3A_3929 = arith.constant 0 : index
      %swap3A_3930 = vector.load %arg3[%swap3A_3927, %swap3A_3928, %swap3A_3929] : memref<4x4x64xf32, #tpu.memory_space<vmem>>, vector<4x1x64xf32>
      %swap3A_3931 = vector.shape_cast %swap3A_3930 : vector<4x1x64xf32> to vector<4x64xf32>
      %swap3A_3932 = vector.shape_cast %select_n3A_3904 : vector<4x64xf32> to vector<4x1x64xf32>
      tpu.vector_store %arg3[%swap3A_3927, %swap3A_3928, %swap3A_3929], %swap3A_3932 {strides = array<i32>} : memref<4x4x64xf32, #tpu.memory_space<vmem>>, vector<4x1x64xf32>,
      %swap3A_3933 = arith.constant 0 : index
      %swap3A_3934 = arith.constant 3 : index
      %swap3A_3935 = arith.constant 0 : index
      %swap3A_3936 = vector.load %arg3[%swap3A_3933, %swap3A_3934, %swap3A_3935] : memref<4x4x64xf32, #tpu.memory_space<vmem>>, vector<4x1x64xf32>
      %swap3A_3937 = vector.shape_cast %swap3A_3936 : vector<4x1x64xf32> to vector<4x64xf32>
      %swap3A_3938 = vector.shape_cast %select_n3A_3908 : vector<4x64xf32> to vector<4x1x64xf32>
      tpu.vector_store %arg3[%swap3A_3933, %swap3A_3934, %swap3A_3935], %swap3A_3938 {strides = array<i32>} : memref<4x4x64xf32, #tpu.memory_space<vmem>>, vector<4x1x64xf32>,
    } else {
    }
    return
  }
  func.func @transform_0(%arg0: i32) -> (i32, i32, i32) {
    %c0_i32 = arith.constant 0 : i32
    %c0_i32_0 = arith.constant 0 : i32
    %c0_i32_1 = arith.constant 0 : i32
    return %c0_i32, %c0_i32_0, %arg0 : i32, i32, i32
  }
  func.func @transform_1(%arg0: i32) -> (i32, i32) {
    %c0_i32 = arith.constant 0 : i32
    %c0_i32_0 = arith.constant 0 : i32
    %c0_i32_1 = arith.constant 0 : i32
    return %c0_i32, %c0_i32_0 : i32, i32
  }
  func.func @transform_2(%arg0: i32) -> (i32, i32, i32) {
    %c0_i32 = arith.constant 0 : i32
    %c0_i32_0 = arith.constant 0 : i32
    %c0_i32_1 = arith.constant 0 : i32
    %c0_i32_2 = arith.constant 0 : i32
    return %c0_i32, %c0_i32_0, %c0_i32_1 : i32, i32, i32
  }
  func.func @transform_3(%arg0: i32) -> (i32, i32) {
    %c0_i32 = arith.constant 0 : i32
    %c0_i32_0 = arith.constant 0 : i32
    %c0_i32_1 = arith.constant 0 : i32
    return %c0_i32, %c0_i32_0 : i32, i32
  }
}

</mosaic_0001>

<sc_bundles>
// kernel: kernel.4.cloned.1.call-start
scs
__scs_entry_jumppad:
0x0: {  	(pc) =	sbr.rel $0x88, $3  }
0x1: {  	(tag) =	ssettag $0x0;
	lr =	simm.s32 $0x1  }
0x2: {  	[smem:$0x3F9E] =	sst lr;
	_ =	strace $0xD0000000  }
0x3: {  	_ = 	snop  }
0x4: {  	_ = 	snop  }
0x5: {  	_ = 	snop  }
0x6: {  	_ = 	snop  }
0x7: {  	_ = 	snop  }
__scs_overlays_trampoline_lowered:
0x8: {  	[smem:$0x3FAD] =	sst s0  }
0x9: {  	[smem:$0x3FAE] =	sst s1  }
0xa: {  	[smem:$0x3FAF] =	sst s2  }
0xb: {  	[smem:$0x3FB0] =	sst s3  }
0xc: {  	[smem:$0x3FB1] =	sst s4  }
0xd: {  	[smem:$0x3FB2] =	sst s5  }
0xe: {  	[smem:$0x3FB3] =	sst s6  }
0xf: {  	[smem:$0x3FB4] =	sst s7  }
0x10: {  	[smem:$0x3FB5] =	sst s8  }
0x11: {  	[smem:$0x3FB6] =	sst s9;
	s0 =	simm.s32 @!p0 $0x0  }
0x12: {  	s1 =	sld [smem:$0x3F9C];
	s0 =	simm.s32 @p0 $0x1  }
0x13: {  	[smem:$0x3FB7] =	sst s0;
	s0 =	simm.s32 @!p1 $0x0  }
0x14: {  	s2 =	sld [smem:$0x3F9B];
	s0 =	simm.s32 @p1 $0x1  }
0x15: {  	[smem:$0x3FB8] =	sst s0;
	s0 =	simm.s32 @!p2 $0x0  }
0x16: {  	s3 =	sld [smem:$0x3FDB];
	s0 =	simm.s32 @p2 $0x1  }
0x17: {  	s4 =	simm.s32 $0x1BF5;
	[smem:$0x3FBA] =	sst s0  }
0x18: {  	s0 =	sld [smem:$0x3F9D];
	_ =	swait.ge [sflag:s4], $0x0  }
0x19: {  	s7 =	sld [smem:$0x3F9E]  }
0x1a: {  	s8 =	sadd.s32 $0xFFFFE003, lr  }
0x1b: {  	s9 =	sadd.s32 $0xFFFFFEF7, lr;
	s5 =	simm.s32 $0xFFFFFFFF;
	p2 =	slt.u32 s8, $0xFFFFF086  }
0x1c: {  	p1 =	slt.u32 s9, $0xF7A;
	s5 =	simm.s32 @!p2 $0x0  }
0x1d: {  	s5 =	simm.s32 @p1 $0x1;
	p0 =	seq.s32 s7, s2  }
0x1e: {  	s7 =	smul.u32 @!p0 $0xF7A, s2;
	p2 =	seq.s32 @!p0 s5, $0x0  }
0x1f: {  	s9 =	smul.u32 $0xF7A, s1;
	s8 =	simm.s32 @!p0 $0x1BF5;
	p2 =	por !p2, p0  }
0x20: {  	[sflag:s8] =	ssyncset.s32 @!p0 $0xFFFFF086;
	s6 =	sadd.s32 @!p0 s3, s7;
	s7 =	simm.s32 @!p0 $0x108  }
0x21: {  	s3 =	sadd.s32 s3, s9;
	s6 =	sadd.s32 @!p0 $0x88, s6;
	s7 =	simm.s32 @p2 $0x1082  }
0x22: {  	[simem:s7], [sflag:s8] =	dma.local @!p0 [hbm:s6], $0xF7A  }
0x23: {  	s9 =	sor.u32 $0xD0000000, s2;
	s6 =	simm.s32 $0x108;
	_ =	swait.ge @!p0 [sflag:s8], $0x0  }
0x24: {  	s3 =	sadd.s32 $0x88, s3;
	s6 =	simm.s32 @!p1 $0x1082;
	[sflag:s4] =	ssyncset.s32 $0xFFFFF086  }
0x25: {  	[simem:s6], [sflag:s4] =	dma.local [hbm:s3], $0xF7A  }
0x26: {  	[smem:$0x3F9E] =	sst s1;
	(tag) =	ssettag s2;
	_ =	strace s9  }
0x27: {  	s1 =	sld [smem:$0x3FAE]  }
0x28: {  	s2 =	sld [smem:$0x3FAF]  }
0x29: {  	s4 =	sld [smem:$0x3FB1]  }
0x2a: {  	p0 =	seq.s32 s5, $0x0;
	s5 =	sld [smem:$0x3FB2]  }
0x2b: {  	s6 =	sld [smem:$0x3FB3]  }
0x2c: {  	s7 =	sld [smem:$0x3FB4]  }
0x2d: {  	s3 =	simm.s32 $0x108;
	s8 =	sld [smem:$0x3FB5]  }
0x2e: {  	s3 =	simm.s32 @!p0 $0x1082;
	s9 =	sld [smem:$0x3FB6]  }
0x2f: {  	lr =	sadd.s32 s0, s3;
	s0 =	sld [smem:$0x3FAD]  }
0x30: {  	s3 =	sld [smem:$0x3FB0]  }
0x31: {  	[smem:$0x3FB9] =	sst s10  }
0x32: {  	s10 =	sld [smem:$0x3FB7];
	_ =	sdelay $0x3  }
0x33: {  	p0 =	seq.s32 s10, $0x1;
	s10 =	sld [smem:$0x3FB9];
	_ =	sdelay $0x3  }
0x34: {  	[smem:$0x3FB9] =	sst s10  }
0x35: {  	s10 =	sld [smem:$0x3FB8];
	_ =	sdelay $0x3  }
0x36: {  	p1 =	seq.s32 s10, $0x1;
	s10 =	sld [smem:$0x3FB9];
	_ =	sdelay $0x3  }
0x37: {  	[smem:$0x3FB9] =	sst s10  }
0x38: {  	s10 =	sld [smem:$0x3FBA]  }
0x39: {  	_ = 	snop;
	(pc) =	sbr.ind lr, $3  }
0x3a: {  	_ = 	snop  }
0x3b: {  	_ = 	snop  }
0x3c: {  	p2 =	seq.s32 s10, $0x1;
	s10 =	sld [smem:$0x3FB9]  }
0x3d: {  	_ =	shalt  }
0x3e: {  	_ =	shalt  }
0x3f: {  	_ =	shalt  }
0x40: {  	_ =	shalt  }
0x41: {  	_ =	shalt  }
0x42: {  	_ =	shalt  }
0x43: {  	_ =	shalt  }
0x44: {  	_ =	shalt  }
0x45: {  	_ =	shalt  }
0x46: {  	_ =	shalt  }
0x47: {  	_ =	shalt  }
0x48: {  	_ =	shalt  }
0x49: {  	_ =	shalt  }
0x4a: {  	_ =	shalt  }
0x4b: {  	_ =	shalt  }
0x4c: {  	_ =	shalt  }
0x4d: {  	_ =	shalt  }
0x4e: {  	_ =	shalt  }
0x4f: {  	_ =	shalt  }
0x50: {  	_ =	shalt  }
0x51: {  	_ =	shalt  }
0x52: {  	_ =	shalt  }
0x53: {  	_ =	shalt  }
0x54: {  	_ =	shalt  }
0x55: {  	_ =	shalt  }
0x56: {  	_ =	shalt  }
0x57: {  	_ =	shalt  }
0x58: {  	_ =	shalt  }
0x59: {  	_ =	shalt  }
0x5a: {  	_ =	shalt  }
0x5b: {  	_ =	shalt  }
0x5c: {  	_ =	shalt  }
0x5d: {  	_ =	shalt  }
0x5e: {  	_ =	shalt  }
0x5f: {  	_ =	shalt  }
0x60: {  	_ =	shalt  }
0x61: {  	_ =	shalt  }
0x62: {  	_ =	shalt  }
0x63: {  	_ =	shalt  }
0x64: {  	_ =	shalt  }
0x65: {  	_ =	shalt  }
0x66: {  	_ =	shalt  }
0x67: {  	_ =	shalt  }
0x68: {  	_ =	shalt  }
0x69: {  	_ =	shalt  }
0x6a: {  	_ =	shalt  }
0x6b: {  	_ =	shalt  }
0x6c: {  	_ =	shalt  }
0x6d: {  	_ =	shalt  }
0x6e: {  	_ =	shalt  }
0x6f: {  	_ =	shalt  }
0x70: {  	_ =	shalt  }
0x71: {  	_ =	shalt  }
0x72: {  	_ =	shalt  }
0x73: {  	_ =	shalt  }
0x74: {  	_ =	shalt  }
0x75: {  	_ =	shalt  }
0x76: {  	_ =	shalt  }
0x77: {  	_ =	shalt  }
0x78: {  	_ =	shalt  }
0x79: {  	_ =	shalt  }
0x7a: {  	_ =	shalt  }
0x7b: {  	_ =	shalt  }
0x7c: {  	_ =	shalt  }
0x7d: {  	_ =	shalt  }
0x7e: {  	_ =	shalt  }
0x7f: {  	_ =	shalt  }
0x80: {  	_ =	shalt  }
0x81: {  	_ =	shalt  }
0x82: {  	_ =	shalt  }
0x83: {  	_ =	shalt  }
0x84: {  	_ =	shalt  }
0x85: {  	_ =	shalt  }
0x86: {  	_ =	shalt  }
0x87: {  	_ =	shalt  }
.Lfunc_end0:
.L_simem_size_0:
called_computation_lowered:
.L_overlay_start_0:
0x88: {  	s2 =	sld [smem:$0x3FD9]  }
0x89: {  	s3 =	sld [smem:$0x3FFE];
	_ =	sdelay $0x1  }
0x8a: {  	s1 =	srdreg.scid  }
0x8b: {  	s0 =	sand.u32 $0x1, s1  }
0x8c: {  	s14 =	sshll.u32 s0, $0xA;
	s2 =	sadd.s32 s3, s2  }
0x8d: {  	s2 =	sadd.s32 s2, s14  }
0x8e: {  	[smem:$0x3FC5] =	sst s2  }
0x8f: {  	_ = 	snop  }
0x90: {  	s2 =	sld [smem:$0x3FD0];
	_ =	sdelay $0x1  }
0x91: {  	s15 =	sld [smem:$0x3FC8]  }
0x92: {  	s5 =	simm.s32 $0xA;
	s6 =	simm.s32 $0x10;
	s4 =	sld [smem:$0x3FC7]  }
0x93: {  	[smem:s6], [sflag:s5] =	dma.local [hbm:s2], $0x1  }
0x94: {  	_ =	swait.eq [sflag:s5], $0x1  }
0x95: {  	[sflag:s5] =	ssyncset.done $0x0  }
0x96: {  	[sflag:s5] =	ssyncadd.s32 $0xFFFFFFFF  }
0x97: {  	s16 =	sld [smem:$0x11];
	(tm) =	ssettm $0x1  }
0x98: {  	s17 =	sld [smem:$0x3FFB];
	_ =	sdelay $0x3  }
0x99: {  	_ =	strace s17  }
0x9a: {  	s5 =	sld [smem:$0x3FFC];
	_ =	sdelay $0x3  }
0x9b: {  	_ =	strace s5  }
0x9c: {  	s5 =	sld [smem:$0x3FFD];
	_ =	sdelay $0x3  }
0x9d: {  	_ =	strace s5  }
0x9e: {  	_ =	strace $0x8FFFFFFF  }
0x9f: {  	s18 =	sld [smem:$0x3FDB];
	_ =	sdelay $0x1  }
0xa0: {  	s19 =	simm.s32 $_scs_section_size  }
0xa1: {  	s7 =	simm.s32 $_size__tile_overlayer_lowered;
	s8 =	simm.s32 $_tile_overlayer_lowered  }
0xa2: {  	s22 =	simm.s32 $0x1BFF;
	s21 =	sshll.u32 s8, $0x1;
	s5 =	sadd.s32 s19, s18  }
0xa3: {  	s9 =	simm.s32 $0x0;
	s20 =	sshll.u32 s7, $0x1;
	s7 =	sadd.s32 s21, s5  }
0xa4: {  	[timem:s9], [sflag:s22] =	dma.local [hbm:s7], s20  }
0xa5: {  	_ =	swait.ge [sflag:s22], s20  }
0xa6: {  	s6 =	ssub.s32 $0x0, s20;
	[sflag:s22] =	ssyncset.done $0x0  }
0xa7: {  	[sflag:s22] =	ssyncadd.s32 s6;
	_ =	sdelay $0x1  }
0xa8: {  	s23 =	simm.s32 $0x1B8B  }
0xa9: {  	_ =	swait.ge [sflag:s23], $0x1  }
0xaa: {  	[sflag:s23] =	ssyncset.done $0x0  }
0xab: {  	s25 =	simm.s32 $0x1B8E;
	s24 =	sld [smem:$0x3FFE];
	[sflag:s23] =	ssyncadd.s32 $0xFFFFFFFF  }
0xac: {  	s26 =	simm.s32 $execute0_lowered;
	[smem:$0x3FD2] =	sst s25  }
0xad: {  	s7 =	sshll.u32 s26, $0x1;
	_ =	strace $0x80000046;
	[dreg:$0x1] =	wrdreg $0xFFFFFFFF  }
0xae: {  	s28 =	simm.s32 $_size_execute0_lowered;
	s5 =	sadd.s32 s5, s7;
	[dreg:$0x0] =	wrdreg $0x0  }
0xaf: {  	s7 =	sshll.u32 s28, $0x1;
	[dreg:$0x2] =	wrdreg s5  }
0xb0: {  	[dreg:$0x3] =	wrdreg s7  }
0xb1: {  	[dreg:$0x4] =	wrdreg $0xC0  }
0xb2: {  	_ =	task [dreg:s9], $0x5FFFF  }
0xb3: {  	[dreg:$0x1] =	wrdreg $0xFFFFFFFF  }
0xb4: {  	[dreg:$0x0] =	wrdreg $0x60  }
0xb5: {  	[dreg:$0x2] =	wrdreg s15  }
0xb6: {  	[dreg:$0x3] =	wrdreg s4  }
0xb7: {  	[dreg:$0x4] =	wrdreg s16  }
0xb8: {  	[dreg:$0x5] =	wrdreg s24  }
0xb9: {  	[dreg:$0x6] =	wrdreg $0x9  }
0xba: {  	_ =	task.clear_ibuf [dreg:s9], $0x7FFFF;
	_ =	strace $0x90000046  }
0xbb: {  	s29 =	simm.s32 $0x9;
	_ =	strace $0x80000048  }
0xbc: {  	_ =	swait.ge [sflag:s29], $0x1  }
0xbd: {  	[sflag:s29] =	ssyncadd.s32 $0xFFFFFFFF  }
0xbe: {  	_ =	strace $0x90000048  }
0xbf: {  	_ =	sfence  }
0xc0: {  	s30 =	sld [smem:$0x0];
	_ =	sdelay $0x2  }
0xc1: {  	s31 =	sshll.u32 s1, $0xD;
	s1 =	sshrl.u32 s1, $0x2  }
0xc2: {  	s3 =	sand.u32 $0x4000, s31;
	s1 =	sadd.s32 s1, s30  }
0xc3: {  	s0 =	sor.u32 s3, s0;
	s1 =	sshll.u32 s1, $0x11  }
0xc4: {  	s0 =	sor.u32 s1, s0  }
0xc5: {  	s0 =	sadd.s32 $0x8F2B, s0  }
0xc6: {  	[sflag:s0] =	ssyncadd.remote.s32 $0x1  }
0xc7: {  	_ =	sfence.sel $0xFFFF  }
0xc8: {  	[dreg:$0x0] =	wrdreg $0xFFFFFFFF;
	(pc) =	sbr.abs _section_cstart, $3  }
0xc9: {  	[dreg:$0x1] =	wrdreg $0xFFFFFFFF  }
0xca: {  	_ =	task.clear_ibuf [dreg:s9], $0x2FFFF;
	_ =	strace $0x9FFFFFFF  }
0xcb: {  	(tm) =	ssettm $0x7FFFFFFF  }
tec
execute0_lowered:
.L_overlay_start_1:
0x0: {  	(tag) =	ssettag $0x1  }
0x1: {  	s4 =	rddreg [dreg:$0x0]  }
0x2: {  	s5 =	rddreg [dreg:$0x1]  }
0x3: {  	s3 =	rddreg [dreg:$0x2]  }
0x4: {  	s6 =	rddreg [dreg:$0x3]  }
0x5: {  	s0 =	rddreg [dreg:$0x4];
	s7 =	srdreg.scid  }
0x6: {  	s2 =	simm.s32 $0x0;
	s1 =	stileid.u32;
	s12 =	simm.s32 $0x1  }
0x7: {  	s13 =	simm.s32 $0x2;
	s7 =	sand.u32 $0x1, s7;
	[smem:$0x7FF] =	sst s2  }
0x8: {  	s8 =	sshll.u32 s1, $0x4;
	s30 =	sshrl.u32 s1, $0x2;
	s9 =	sshll.u32 s7, $0x3  }
0x9: {  	_ =	strace $0x80000047;
	s7 =	ssub.s32 $0x2, s7;
	s8 =	sor.u32 s9, s8  }
0xa: {  	s9 =	smul.u32 $0x9C400, s30;
	s31 =	sshrl.u32 s7, $0x1;
	s10 =	sshll.u32 s8, $0x5  }
0xb: {  	s8 =	sshrl.u32 s8, $0x3;
	s11 =	ssub.s32 s7, s31;
	s10 =	sadd.s32 s10, s6  }
0xc: {  	v0 =	vlaneseq.u32;
	s3 =	sadd.s32 s3, s8;
	s4 =	sadd.s32 s4, s9;
	s5 =	sadd.s32 s5, s9  }
0xd: {  	v1 =	vshrl.u32 v0, $0x3;
	s8 =	smax.u32 s11, $0x1;
	s9 =	simm.s32 $0x3;
	s11 =	simm.s32 $0x880  }
0xe: {  	vm0 =	vmmov $0xffff;
	v0 =	vand.u32 $0x7, v0;
	v1 =	vmul.u32 $0x8, v1;
	s6 =	sadd.s32 $0xC00, s10;
	s7 =	sadd.s32 $0x2C00, s10;
	s10 =	simm.s32 $0x80  }
.LBB2_1:
0xf: {  	[tilespmem:s2], [sflag:$0x3] =	stream.linear.gather [hbm4b:s3+s2], $0x8, $0x38;
	[tilespmem:$0x1080] =	vst v63  }
0x10: {  	_ =	swait.ge [sflag:s9], $0x8  }
0x11: {  	[sflag:s9] =	ssyncset.done $0x0  }
0x12: {  	[sflag:s9] =	ssyncadd.s32 $0xFFFFFFF8  }
0x13: {  	v2 =	vld.msk [tilespmem:$0x0], $0xff;
	_ =	sdelay $0x4  }
0x14: {  	v3 =	vshll.u32 v2, $0x1  }
0x15: {  	v2 =	vand.u32 $0x7, v2;
	v3 =	vand.u32 $0xFFFFFFF0, v3  }
0x16: {  	v2 =	vor.u32 v2, v3  }
0x17: {  	v2 =	vperm.xlane v2, v0;
	_ =	sdelay $0x1  }
0x18: {  	v2 =	vadd.s32 v1, v2;
	_ =	sdelay $0x4  }
0x19: {  	[tilespmem:s10], [sflag:$0x1] =	stream.indirect_vreg.gather [hbm4b:s4+s2], $0x80, v2, vm0, $0xb8;
	[tilespmem:$0x1080] =	vst v63  }
0x1a: {  	v2 =	vld.msk [tilespmem:$0x0], $0xff;
	_ =	sdelay $0x4  }
0x1b: {  	v3 =	vshll.u32 v2, $0x1  }
0x1c: {  	v2 =	vand.u32 $0x7, v2;
	v3 =	vand.u32 $0xFFFFFFF0, v3  }
0x1d: {  	v2 =	vor.u32 v2, v3  }
0x1e: {  	v2 =	vperm.xlane v2, v0;
	_ =	sdelay $0x1  }
0x1f: {  	v2 =	vadd.s32 v1, v2;
	_ =	sdelay $0x4  }
0x20: {  	[tilespmem:s11], [sflag:$0x2] =	stream.indirect_vreg.gather [hbm4b:s5+s2], $0x80, v2, vm0, $0xb8;
	[tilespmem:$0x1080] =	vst v63  }
0x21: {  	_ =	swait.ge [sflag:s12], $0x800  }
0x22: {  	[sflag:s12] =	ssyncset.done $0x0  }
0x23: {  	[sflag:s12] =	ssyncadd.s32 $0xFFFFF800  }
0x24: {  	_ =	swait.ge [sflag:s13], $0x800  }
0x25: {  	[sflag:s13] =	ssyncset.done $0x0  }
0x26: {  	[sflag:s13] =	ssyncadd.s32 $0xFFFFF800  }
0x27: {  	[hbm4b:s6+s2] =	stream.linear.scatter [tilespmem:s10], [sflag:$0x3], $0x800, $0x38;
	[tilespmem:$0x1080] =	vst v63  }
0x28: {  	_ =	swait.ge [sflag:s9], $0x800  }
0x29: {  	p0 =	sne.s32 s8, $0x1;
	[sflag:s9] =	ssyncset.done $0x0  }
.Ltmp0:
0x2a: {  	[sflag:s9] =	ssyncadd.s32 $0xFFFFF800;
	(pc) =	sbr.rel @p0 .LBB2_1-.Ltmp0, $4  }
0x2b: {  	[hbm4b:s7+s2] =	stream.linear.scatter [tilespmem:s11], [sflag:$0x3], $0x800, $0x38;
	[tilespmem:$0x1080] =	vst v63  }
0x2c: {  	_ =	swait.ge [sflag:s9], $0x800  }
0x2d: {  	[sflag:s9] =	ssyncset.done $0x0  }
0x2e: {  	s8 =	sadd.s32 $0xFFFFFFFF, s8;
	[sflag:s9] =	ssyncadd.s32 $0xFFFFF800  }
0x2f: {  	_ =	sfence.sel $0x180000  }
0x30: {  	[bflag:$0x0] =	sbarrier.arrive $0xFFFF  }
0x31: {  	p0 =	sne.s32 s1, $0x0;
	_ =	strace $0x90000047  }
0x32: {  	s0 =	sadd.s32 @!p0 $0x100000, s0;
	[bflag:$0x2] =	sbarrier.arrive $0xFFFF  }
0x33: {  	[sflag:s0] =	ssyncadd.tile.s32 @!p0 $0x1;
	_ =	shalt  }
.Lfunc_end2:
_tile_overlayer_lowered:
.L_overlay_start_2:
0x34: {  	(tag) =	ssettag $0x2  }
0x35: {  	s0 =	rddreg [dreg:$0x0];
	s2 =	stileid.u32  }
0x36: {  	s1 =	rddreg [dreg:$0x1];
	p0 =	sne.s32 s2, $0x0  }
0x37: {  	s3 =	rddreg [dreg:$0x2];
	[bflag:$0x3] =	sbarrier.arrive $0xFFFF;
	s2 =	simm.s32 @!p0 $0x1C03  }
0x38: {  	[timem:s3], [sflag:s2] =	dma.local @!p0 [hbm:s0], s1  }
0x39: {  	s0 =	simm.s32 @!p0 $0x3  }
0x3a: {  	_ =	swait.ge @!p0 [sflag:s0], s1  }
0x3b: {  	s1 =	ssub.s32 @!p0 $0x0, s1;
	[sflag:s0] =	ssyncset.done @!p0 $0x0  }
0x3c: {  	[sflag:s0] =	ssyncadd.s32 @!p0 s1  }
0x3d: {  	[bflag:$0x3] =	sbarrier.arrive $0xFFFF  }
0x3e: {  	_ =	shalt  }

</sc_bundles>
